<compile_context>
chip_gen: v7x
topology: tpu7x:2x2x1
jax: 0.10.2.dev20260603
libtpu: 0.0.44.dev20260713+nightly
codegen_flags: <defaults>
</compile_context>

<pallas_src>
import functools

import jax
import jax.numpy as jnp
from jax import lax
from jax.experimental import pallas as pl
from jax.experimental.pallas import tpu as pltpu
from jax.experimental.pallas import tpu_sc as plsc

N_NODES = 10000
N_EDGES = 320000
CPAD = 10240
CROWS = 80
CCOLS = 128
NSUB = 16
EPT = N_EDGES // NSUB
NVEC = EPT // 16
RPS = CROWS // NSUB
IDX_SHIFT = 7
IDX_MASK = 127


def _dedup_scatter_add(priv, skey, cs, nxt):
    lane = lax.iota(jnp.int32, 16)
    is_last = (skey != nxt) | (lane == 15)
    hi = lax.shift_right_logical(skey, IDX_SHIFT)
    lo = lax.bitwise_and(skey, IDX_MASK)
    plsc.addupdate_scatter(priv, [hi, lo], cs, mask=is_last)
    m2 = is_last & (lane < 15)
    nhi = lax.shift_right_logical(nxt, IDX_SHIFT)
    nlo = lax.bitwise_and(nxt, IDX_MASK)
    plsc.addupdate_scatter(priv, [nhi, nlo], -cs, mask=m2)


def _shift_up(v):
    perm = jnp.minimum(lax.iota(jnp.int32, 16) + 1, 15)
    return v.at[perm].get(mode="promise_in_bounds")


def _table_map(tab, fn):
    def row(r, _):
        for kk in range(CCOLS // 16):
            tab[r, pl.ds(kk * 16, 16)] = fn(tab[r, pl.ds(kk * 16, 16)])
        return 0
    lax.fori_loop(0, CROWS, row, 0)


def _sc_edge_passes(edge_index):
    mesh = plsc.VectorSubcoreMesh(core_axis_name="c", subcore_axis_name="s",
                                  num_cores=1)

    @functools.partial(
        pl.kernel,
        mesh=mesh,
        compiler_params=pltpu.CompilerParams(needs_layout_passes=False),
        out_type=jax.ShapeDtypeStruct((8, CROWS, CCOLS), jnp.float32),
        scratch_types=[
            pltpu.VMEM((EPT,), jnp.int32),
            pltpu.VMEM((EPT,), jnp.int32),
            pltpu.VMEM((CROWS, CCOLS), jnp.float32),
            pltpu.VMEM((CROWS, CCOLS), jnp.float32),
            pltpu.VMEM((CROWS, CCOLS), jnp.float32),
            pltpu.VMEM((RPS, CCOLS), jnp.float32),
            pltpu.VMEM((RPS, CCOLS), jnp.float32),
            pltpu.SemaphoreType.DMA,
            pltpu.VMEM_SHARED((NSUB, CROWS, CCOLS), jnp.float32),
            pltpu.VMEM_SHARED((CROWS, CCOLS), jnp.float32),
        ],
    )
    def k(ei_hbm, wmat_hbm,
          src_v, dst_v, priv, fullA, fullB, sacc, stmp16, ssem,
          partials, comb):
        sid = lax.axis_index("s")
        is_writer = sid == 0
        r0 = sid * RPS

        src_cp = pltpu.async_copy(ei_hbm.at[pl.ds(sid * EPT, EPT)], src_v,
                                  ssem)
        pltpu.sync_copy(ei_hbm.at[pl.ds(N_EDGES + sid * EPT, EPT)], dst_v)

        def begin_pass():
            _table_map(priv, lambda v: jnp.zeros((16,), jnp.float32))

        def combine():
            pltpu.sync_copy(priv, partials.at[sid])
            plsc.subcore_barrier()
            for r in range(RPS):
                for kk in range(CCOLS // 16):
                    sacc[r, pl.ds(kk * 16, 16)] = jnp.zeros((16,), jnp.float32)

            def red_body(p, _):
                pltpu.sync_copy(partials.at[p, pl.ds(r0, RPS)], stmp16)
                for r in range(RPS):
                    for kk in range(CCOLS // 16):
                        s = pl.ds(kk * 16, 16)
                        sacc[r, s] = sacc[r, s] + stmp16[r, s]
                return 0

            lax.fori_loop(0, NSUB, red_body, 0)
            pltpu.sync_copy(sacc, comb.at[pl.ds(r0, RPS)])
            plsc.subcore_barrier()

        begin_pass()

        @pl.when(is_writer)
        def _():
            def ones_row(r, _):
                base = r * CCOLS
                for kk in range(CCOLS // 16):
                    gidx = lax.iota(jnp.int32, 16) + (base + kk * 16)
                    fullB[r, pl.ds(kk * 16, 16)] = jnp.where(
                        gidx < N_NODES, 1.0, 0.0).astype(jnp.float32)
                return 0

            lax.fori_loop(0, CROWS, ones_row, 0)
            pltpu.sync_copy(fullB, wmat_hbm.at[0])
            for rr in range(3, 8):
                pltpu.sync_copy(priv, wmat_hbm.at[rr])

        @plsc.parallel_loop(0, NVEC, unroll=4)
        def _(i):
            d16 = dst_v[pl.ds(i * 16, 16)]
            hi = lax.shift_right_logical(d16, IDX_SHIFT)
            lo = lax.bitwise_and(d16, IDX_MASK)
            plsc.addupdate_scatter(priv, [hi, lo],
                                   jnp.ones((16,), jnp.float32))
        combine()
        pltpu.sync_copy(comb, fullA)
        plsc.subcore_barrier()

        _table_map(fullA, lambda v: 1.0 / jnp.maximum(v, 1.0))

        begin_pass()

        def run_p23(gather_tab):
            @plsc.parallel_loop(0, NVEC, unroll=4)
            def _(i):
                d16 = dst_v[pl.ds(i * 16, 16)]
                s16 = src_v[pl.ds(i * 16, 16)]
                ghi = lax.shift_right_logical(d16, IDX_SHIFT)
                glo = lax.bitwise_and(d16, IDX_MASK)
                wv = plsc.load_gather(gather_tab, [ghi, glo])
                shi = lax.shift_right_logical(s16, IDX_SHIFT)
                slo = lax.bitwise_and(s16, IDX_MASK)
                plsc.addupdate_scatter(priv, [shi, slo], wv)

        src_cp.wait()
        run_p23(fullA)
        combine()
        pltpu.sync_copy(comb, fullB)

        @pl.when(is_writer)
        def _():
            pltpu.sync_copy(comb, wmat_hbm.at[1])

        plsc.subcore_barrier()

        def q_row(r, _):
            for kk in range(CCOLS // 16):
                s = pl.ds(kk * 16, 16)
                fullB[r, s] = fullB[r, s] * fullA[r, s]
            return 0

        lax.fori_loop(0, CROWS, q_row, 0)

        begin_pass()
        run_p23(fullB)
        combine()

        @pl.when(is_writer)
        def _():
            pltpu.sync_copy(comb, wmat_hbm.at[2])

        plsc.subcore_barrier()

    return k(edge_index)


def _tc_reduce_mlp(xp, wmat, W1_l, b1_l, W1_r, W2_l, b2_l, W2_r,
                   fc1_W, fc1_b, fc2_Wp, fc2_bp):

    def dgT(a, W):
        return lax.dot_general(a, W, (((1,), (1,)), ((), ())),
                               preferred_element_type=jnp.float32)

    def body(xb, wb, W1_l_r, b1_l_r, W1_r_r, W2_l_r, b2_l_r, W2_r_r,
             fc1_W_r, fc1_b_r, fc2_W_r, fc2_b_r, out_ref):
        acc = jnp.dot(wb[...], xb[...], preferred_element_type=jnp.float32)
        u2 = acc[0:1, :]
        v2 = acc[1:2, :]
        v1 = acc[2:3, :]
        sumw = jnp.sum(wb[1, :])
        n = jnp.float32(N_NODES)
        S1h = dgT(v2, W1_l_r[...]) + n * b1_l_r[...] + dgT(u2, W1_r_r[...])
        S2 = dgT(v1, W1_l_r[...]) + sumw * b1_l_r[...] + dgT(v2, W1_r_r[...])
        me = (dgT(S2, W2_l_r[...]) + n * b2_l_r[...]
              + dgT(S1h, W2_r_r[...])) * (1.0 / n)
        hid = jnp.maximum(dgT(me, fc1_W_r[...]) + fc1_b_r[...], 0.0)
        qp = dgT(hid, fc2_W_r[...]) + fc2_b_r[...]
        out_ref[...] = jnp.broadcast_to(qp, (8, 128))

    return pl.pallas_call(
        body,
        out_shape=jax.ShapeDtypeStruct((8, 128), jnp.float32),
    )(xp, wmat, W1_l, b1_l, W1_r, W2_l, b2_l, W2_r,
      fc1_W, fc1_b, fc2_Wp, fc2_bp)


def kernel(x, edge_index, W1_l, b1_l, W1_r, W2_l, b2_l, W2_r,
           fc1_W, fc1_b, fc2_W, fc2_b):
    ei_flat = edge_index.astype(jnp.int32).reshape(2 * N_EDGES)
    wmat = _sc_edge_passes(ei_flat).reshape(8, CPAD)[:, :N_NODES]

    fc2_Wp = jnp.pad(fc2_W, ((0, 128 - fc2_W.shape[0]), (0, 0)))
    fc2_bp = jnp.pad(fc2_b, (0, 128 - fc2_b.shape[0])).reshape(1, 128)

    out = _tc_reduce_mlp(
        x, wmat,
        W1_l, b1_l.reshape(1, 128), W1_r,
        W2_l, b2_l.reshape(1, 128), W2_r,
        fc1_W, fc1_b.reshape(1, 256), fc2_Wp, fc2_bp)
    return out[0, :100]

# --- scband reference (transcript-rebuilt; emitter-appended) ---
"""Pipeline reference for scband-graph-sage-dqn-15307263443567 (READ-ONLY COPY).

The authoritative reference and input builder live on the scoring server;
editing this copy changes nothing except your own understanding.
"""

import jax, jax.numpy as jnp
import numpy as np

N_NODES = 10000
N_EDGES = 320000
D_FEAT = 128
EMB = 128
HID = 256
ACTIONS = 100


def _sage_conv(x, src, dst, W_l, b_l, W_r, num_nodes):
    # PyG SAGEConv (mean aggregation): out = lin_l(mean_j x_j) + lin_r(x_i)
    msgs = x[src]
    agg = jax.ops.segment_sum(msgs, dst, num_segments=num_nodes)
    cnt = jax.ops.segment_sum(jnp.ones((src.shape[0],), dtype=x.dtype), dst, num_segments=num_nodes)
    mean = agg / jnp.clip(cnt, 1.0)[:, None]
    return mean @ W_l.T + b_l + x @ W_r.T


def setup_inputs(seed: int = 0) -> dict:
    key = jax.random.key(seed)
    ks = jax.random.split(key, 12)
    inp = {}
    inp["x"] = jax.random.normal(ks[0], (N_NODES, D_FEAT), dtype=jnp.float32)
    inp["edge_index"] = jax.random.randint(ks[1], (2, N_EDGES), 0, N_NODES)
    s1 = 1.0 / np.sqrt(D_FEAT)
    s2 = 1.0 / np.sqrt(EMB)
    s3 = 1.0 / np.sqrt(HID)
    inp["W1_l"] = jax.random.uniform(ks[2], (EMB, D_FEAT), jnp.float32, -s1, s1)
    inp["b1_l"] = jax.random.uniform(ks[3], (EMB,), jnp.float32, -s1, s1)
    inp["W1_r"] = jax.random.uniform(ks[4], (EMB, D_FEAT), jnp.float32, -s1, s1)
    inp["W2_l"] = jax.random.uniform(ks[5], (EMB, EMB), jnp.float32, -s2, s2)
    inp["b2_l"] = jax.random.uniform(ks[6], (EMB,), jnp.float32, -s2, s2)
    inp["W2_r"] = jax.random.uniform(ks[7], (EMB, EMB), jnp.float32, -s2, s2)
    inp["fc1_W"] = jax.random.uniform(ks[8], (HID, EMB), jnp.float32, -s2, s2)
    inp["fc1_b"] = jax.random.uniform(ks[9], (HID,), jnp.float32, -s2, s2)
    inp["fc2_W"] = jax.random.uniform(ks[10], (ACTIONS, HID), jnp.float32, -s3, s3)
    inp["fc2_b"] = jax.random.uniform(ks[11], (ACTIONS,), jnp.float32, -s3, s3)
    return inp


def reference(x, edge_index, W1_l, b1_l, W1_r, W2_l, b2_l, W2_r, fc1_W, fc1_b, fc2_W, fc2_b):
    src = edge_index[0]
    dst = edge_index[1]
    h = _sage_conv(x, src, dst, W1_l, b1_l, W1_r, N_NODES)
    h = _sage_conv(h, src, dst, W2_l, b2_l, W2_r, N_NODES)
    mean_emb = jnp.mean(h, axis=0)
    hid = jax.nn.relu(mean_emb @ fc1_W.T + fc1_b)
    q_values = hid @ fc2_W.T + fc2_b
    return q_values

if __name__ == "__main__":
    import jax
    _d = setup_inputs()
    print(jax.jit(kernel)(*tuple(_d.values())))

</pallas_src>

<mosaic_0001>
#map = affine_map<(d0, d1) -> (0)>
#map1 = affine_map<(d0, d1) -> (0, 0, 0)>
module attributes {stable_mosaic.version = 14 : i64} {
  func.func @k(%arg0: i32, %arg1: i32, %arg2: memref<640000xi32, #tpu.memory_space<hbm>>, %arg3: memref<8x80x128xf32, #tpu.memory_space<hbm>>, %arg4: memref<20000xi32, #tpu.memory_space<vmem>>, %arg5: memref<20000xi32, #tpu.memory_space<vmem>>, %arg6: memref<80x128xf32, #tpu.memory_space<vmem>>, %arg7: memref<80x128xf32, #tpu.memory_space<vmem>>, %arg8: memref<80x128xf32, #tpu.memory_space<vmem>>, %arg9: memref<5x128xf32, #tpu.memory_space<vmem>>, %arg10: memref<5x128xf32, #tpu.memory_space<vmem>>, %arg11: memref<!tpu.dma_semaphore, #tpu.memory_space<semaphore_mem>>, %arg12: memref<16x80x128xf32, #tpu.memory_space<vmem_shared>>, %arg13: memref<80x128xf32, #tpu.memory_space<vmem_shared>>) attributes {dimension_semantics = [#tpu.dimension_semantics<core_parallel>, #tpu.dimension_semantics<subcore_parallel>], iteration_bounds = array<i64: 1, 16>, scalar_prefetch = 0 : i64, scratch_operands = 10 : i64, tpu.core_type = #tpu.core_type<sc_vector_subcore>, window_params = [{transform_indices = #map}, {transform_indices = #map1}]} {
    %eq3A = arith.constant 0 : i32
    %eq3A_0 = arith.cmpi eq, %arg1, %eq3A : i32
    %mul3A = arith.constant 5 : i32
    %mul3A_1 = arith.muli %arg1, %mul3A : i32
    %mul3A_2 = arith.constant 20000 : i32
    %mul3A_3 = arith.muli %arg1, %mul3A_2 : i32
    %dma_start3A = tpu.memref_slice %arg2[%mul3A_3] : memref<640000xi32, #tpu.memory_space<hbm>> -> memref<20000xi32, #tpu.memory_space<hbm>>
    %dma_start3A_4 = tpu.memref_slice %arg2[%mul3A_3] : memref<640000xi32, #tpu.memory_space<hbm>> -> memref<20000xi32, #tpu.memory_space<hbm>>
    tpu.enqueue_dma source(%dma_start3A_4 : memref<20000xi32, #tpu.memory_space<hbm>>) target(%arg4 : memref<20000xi32, #tpu.memory_space<vmem>>) target_semaphore(%arg11 : memref<!tpu.dma_semaphore, #tpu.memory_space<semaphore_mem>>)
    %mul3A_5 = arith.constant 20000 : i32
    %mul3A_6 = arith.muli %arg1, %mul3A_5 : i32
    %add3A = arith.constant 320000 : i32
    %add3A_7 = arith.addi %add3A, %mul3A_6 : i32
    "tpu.region"() ({
      %run_scoped3A = tpu.sem_alloc : memref<!tpu.dma_semaphore, #tpu.memory_space<semaphore_mem>>
      %dma_start3A_805 = tpu.memref_slice %arg2[%add3A_7] : memref<640000xi32, #tpu.memory_space<hbm>> -> memref<20000xi32, #tpu.memory_space<hbm>>
      %dma_start3A_806 = tpu.memref_slice %arg2[%add3A_7] : memref<640000xi32, #tpu.memory_space<hbm>> -> memref<20000xi32, #tpu.memory_space<hbm>>
      tpu.enqueue_dma source(%dma_start3A_806 : memref<20000xi32, #tpu.memory_space<hbm>>) target(%arg5 : memref<20000xi32, #tpu.memory_space<vmem>>) target_semaphore(%run_scoped3A : memref<!tpu.dma_semaphore, #tpu.memory_space<semaphore_mem>>)
      %dma_wait3A_807 = tpu.memref_slice %arg2[%add3A_7] : memref<640000xi32, #tpu.memory_space<hbm>> -> memref<20000xi32, #tpu.memory_space<hbm>>
      %dma_wait3A_808 = tpu.memref_slice %arg2[%add3A_7] : memref<640000xi32, #tpu.memory_space<hbm>> -> memref<20000xi32, #tpu.memory_space<hbm>>
      tpu.wait_dma2 semaphore(%run_scoped3A : memref<!tpu.dma_semaphore, #tpu.memory_space<semaphore_mem>>) src(%dma_wait3A_808 : memref<20000xi32, #tpu.memory_space<hbm>>) dst(%arg5 : memref<20000xi32, #tpu.memory_space<vmem>>)
      tpu.yield
    }) : () -> ()
    %scan3A = arith.constant 0 : i32
    %scan3A_8 = arith.constant 0 : i32
    %scan3A_9 = arith.constant 80 : i32
    %scan3A_10 = arith.addi %scan3A_8, %scan3A_9 : i32
    %scan3A_11 = arith.constant 1 : i32
    %scan3A_12 = scf.for %scan3A_805 = %scan3A_8 to %scan3A_10 step %scan3A_11 iter_args(%scan3A_806 = %scan3A) -> (i32)  : i32 {
      %get3A = arith.index_cast %scan3A_805 : i32 to index
      %get3A_807 = arith.constant 0 : index
      %get3A_808 = tpu.vector_load %arg6[%get3A, %get3A_807] {strides = array<i32>} : memref<80x128xf32, #tpu.memory_space<vmem>>, vector<16xf32>,
      %broadcast_in_dim3A_809 = arith.constant 0.000000e+00 : f32
      %broadcast_in_dim3A_810 = vector.broadcast %broadcast_in_dim3A_809 : f32 to vector<16xf32>
      %swap3A_811 = arith.index_cast %scan3A_805 : i32 to index
      %swap3A_812 = arith.constant 0 : index
      %swap3A_813 = tpu.vector_load %arg6[%swap3A_811, %swap3A_812] {strides = array<i32>} : memref<80x128xf32, #tpu.memory_space<vmem>>, vector<16xf32>,
      tpu.vector_store %arg6[%swap3A_811, %swap3A_812], %broadcast_in_dim3A_810 {strides = array<i32>} : memref<80x128xf32, #tpu.memory_space<vmem>>, vector<16xf32>,
      %get3A_814 = arith.index_cast %scan3A_805 : i32 to index
      %get3A_815 = arith.constant 16 : index
      %get3A_816 = tpu.vector_load %arg6[%get3A_814, %get3A_815] {strides = array<i32>} : memref<80x128xf32, #tpu.memory_space<vmem>>, vector<16xf32>,
      %broadcast_in_dim3A_817 = arith.constant 0.000000e+00 : f32
      %broadcast_in_dim3A_818 = vector.broadcast %broadcast_in_dim3A_817 : f32 to vector<16xf32>
      %swap3A_819 = arith.index_cast %scan3A_805 : i32 to index
      %swap3A_820 = arith.constant 16 : index
      %swap3A_821 = tpu.vector_load %arg6[%swap3A_819, %swap3A_820] {strides = array<i32>} : memref<80x128xf32, #tpu.memory_space<vmem>>, vector<16xf32>,
      tpu.vector_store %arg6[%swap3A_819, %swap3A_820], %broadcast_in_dim3A_818 {strides = array<i32>} : memref<80x128xf32, #tpu.memory_space<vmem>>, vector<16xf32>,
      %get3A_822 = arith.index_cast %scan3A_805 : i32 to index
      %get3A_823 = arith.constant 32 : index
      %get3A_824 = tpu.vector_load %arg6[%get3A_822, %get3A_823] {strides = array<i32>} : memref<80x128xf32, #tpu.memory_space<vmem>>, vector<16xf32>,
      %broadcast_in_dim3A_825 = arith.constant 0.000000e+00 : f32
      %broadcast_in_dim3A_826 = vector.broadcast %broadcast_in_dim3A_825 : f32 to vector<16xf32>
      %swap3A_827 = arith.index_cast %scan3A_805 : i32 to index
      %swap3A_828 = arith.constant 32 : index
      %swap3A_829 = tpu.vector_load %arg6[%swap3A_827, %swap3A_828] {strides = array<i32>} : memref<80x128xf32, #tpu.memory_space<vmem>>, vector<16xf32>,
      tpu.vector_store %arg6[%swap3A_827, %swap3A_828], %broadcast_in_dim3A_826 {strides = array<i32>} : memref<80x128xf32, #tpu.memory_space<vmem>>, vector<16xf32>,
      %get3A_830 = arith.index_cast %scan3A_805 : i32 to index
      %get3A_831 = arith.constant 48 : index
      %get3A_832 = tpu.vector_load %arg6[%get3A_830, %get3A_831] {strides = array<i32>} : memref<80x128xf32, #tpu.memory_space<vmem>>, vector<16xf32>,
      %broadcast_in_dim3A_833 = arith.constant 0.000000e+00 : f32
      %broadcast_in_dim3A_834 = vector.broadcast %broadcast_in_dim3A_833 : f32 to vector<16xf32>
      %swap3A_835 = arith.index_cast %scan3A_805 : i32 to index
      %swap3A_836 = arith.constant 48 : index
      %swap3A_837 = tpu.vector_load %arg6[%swap3A_835, %swap3A_836] {strides = array<i32>} : memref<80x128xf32, #tpu.memory_space<vmem>>, vector<16xf32>,
      tpu.vector_store %arg6[%swap3A_835, %swap3A_836], %broadcast_in_dim3A_834 {strides = array<i32>} : memref<80x128xf32, #tpu.memory_space<vmem>>, vector<16xf32>,
      %get3A_838 = arith.index_cast %scan3A_805 : i32 to index
      %get3A_839 = arith.constant 64 : index
      %get3A_840 = tpu.vector_load %arg6[%get3A_838, %get3A_839] {strides = array<i32>} : memref<80x128xf32, #tpu.memory_space<vmem>>, vector<16xf32>,
      %broadcast_in_dim3A_841 = arith.constant 0.000000e+00 : f32
      %broadcast_in_dim3A_842 = vector.broadcast %broadcast_in_dim3A_841 : f32 to vector<16xf32>
      %swap3A_843 = arith.index_cast %scan3A_805 : i32 to index
      %swap3A_844 = arith.constant 64 : index
      %swap3A_845 = tpu.vector_load %arg6[%swap3A_843, %swap3A_844] {strides = array<i32>} : memref<80x128xf32, #tpu.memory_space<vmem>>, vector<16xf32>,
      tpu.vector_store %arg6[%swap3A_843, %swap3A_844], %broadcast_in_dim3A_842 {strides = array<i32>} : memref<80x128xf32, #tpu.memory_space<vmem>>, vector<16xf32>,
      %get3A_846 = arith.index_cast %scan3A_805 : i32 to index
      %get3A_847 = arith.constant 80 : index
      %get3A_848 = tpu.vector_load %arg6[%get3A_846, %get3A_847] {strides = array<i32>} : memref<80x128xf32, #tpu.memory_space<vmem>>, vector<16xf32>,
      %broadcast_in_dim3A_849 = arith.constant 0.000000e+00 : f32
      %broadcast_in_dim3A_850 = vector.broadcast %broadcast_in_dim3A_849 : f32 to vector<16xf32>
      %swap3A_851 = arith.index_cast %scan3A_805 : i32 to index
      %swap3A_852 = arith.constant 80 : index
      %swap3A_853 = tpu.vector_load %arg6[%swap3A_851, %swap3A_852] {strides = array<i32>} : memref<80x128xf32, #tpu.memory_space<vmem>>, vector<16xf32>,
      tpu.vector_store %arg6[%swap3A_851, %swap3A_852], %broadcast_in_dim3A_850 {strides = array<i32>} : memref<80x128xf32, #tpu.memory_space<vmem>>, vector<16xf32>,
      %get3A_854 = arith.index_cast %scan3A_805 : i32 to index
      %get3A_855 = arith.constant 96 : index
      %get3A_856 = tpu.vector_load %arg6[%get3A_854, %get3A_855] {strides = array<i32>} : memref<80x128xf32, #tpu.memory_space<vmem>>, vector<16xf32>,
      %broadcast_in_dim3A_857 = arith.constant 0.000000e+00 : f32
      %broadcast_in_dim3A_858 = vector.broadcast %broadcast_in_dim3A_857 : f32 to vector<16xf32>
      %swap3A_859 = arith.index_cast %scan3A_805 : i32 to index
      %swap3A_860 = arith.constant 96 : index
      %swap3A_861 = tpu.vector_load %arg6[%swap3A_859, %swap3A_860] {strides = array<i32>} : memref<80x128xf32, #tpu.memory_space<vmem>>, vector<16xf32>,
      tpu.vector_store %arg6[%swap3A_859, %swap3A_860], %broadcast_in_dim3A_858 {strides = array<i32>} : memref<80x128xf32, #tpu.memory_space<vmem>>, vector<16xf32>,
      %get3A_862 = arith.index_cast %scan3A_805 : i32 to index
      %get3A_863 = arith.constant 112 : index
      %get3A_864 = tpu.vector_load %arg6[%get3A_862, %get3A_863] {strides = array<i32>} : memref<80x128xf32, #tpu.memory_space<vmem>>, vector<16xf32>,
      %broadcast_in_dim3A_865 = arith.constant 0.000000e+00 : f32
      %broadcast_in_dim3A_866 = vector.broadcast %broadcast_in_dim3A_865 : f32 to vector<16xf32>
      %swap3A_867 = arith.index_cast %scan3A_805 : i32 to index
      %swap3A_868 = arith.constant 112 : index
      %swap3A_869 = tpu.vector_load %arg6[%swap3A_867, %swap3A_868] {strides = array<i32>} : memref<80x128xf32, #tpu.memory_space<vmem>>, vector<16xf32>,
      tpu.vector_store %arg6[%swap3A_867, %swap3A_868], %broadcast_in_dim3A_866 {strides = array<i32>} : memref<80x128xf32, #tpu.memory_space<vmem>>, vector<16xf32>,
      %scan3A_870 = arith.constant 0 : i32
      scf.yield %scan3A_870 : i32
    }
    %scan3A_13 = arith.constant 80 : i32
    %convert_element_type3A = arith.extui %eq3A_0 : i1 to i32
    %cond3A = arith.constant 0 : i32
    %cond3A_14 = arith.cmpi ne, %convert_element_type3A, %cond3A : i32
    scf.if %cond3A_14 {
      %scan3A_805 = arith.constant 0 : i32
      %scan3A_806 = arith.constant 0 : i32
      %scan3A_807 = arith.constant 80 : i32
      %scan3A_808 = arith.addi %scan3A_806, %scan3A_807 : i32
      %scan3A_809 = arith.constant 1 : i32
      %scan3A_810 = scf.for %scan3A_817 = %scan3A_806 to %scan3A_808 step %scan3A_809 iter_args(%scan3A_818 = %scan3A_805) -> (i32)  : i32 {
        %mul3A_819 = arith.constant 128 : i32
        %mul3A_820 = arith.muli %scan3A_817, %mul3A_819 : i32
        %iota3A = tpu.iota {dimensions = array<i32: 0>} : vector<16xi32>
        %add3A_821 = arith.constant 0 : i32
        %add3A_822 = arith.addi %mul3A_820, %add3A_821 : i32
        %add3A_823 = vector.broadcast %add3A_822 : i32 to vector<16xi32>
        %add3A_824 = arith.addi %iota3A, %add3A_823 : vector<16xi32>
        %lt3A = arith.constant 10000 : i32
        %lt3A_825 = vector.broadcast %lt3A : i32 to vector<16xi32>
        %lt3A_826 = arith.cmpi slt, %add3A_824, %lt3A_825 : vector<16xi32>
        %jit3A = arith.constant 1.000000e+00 : f32
        %jit3A_827 = arith.constant 0.000000e+00 : f32
        %broadcast_in_dim3A_828 = vector.broadcast %jit3A : f32 to vector<16xf32>
        %broadcast_in_dim3A_829 = vector.broadcast %jit3A_827 : f32 to vector<16xf32>
        %select_n3A = arith.select %lt3A_826, %broadcast_in_dim3A_828, %broadcast_in_dim3A_829 : vector<16xi1>, vector<16xf32>
        %swap3A_830 = arith.index_cast %scan3A_817 : i32 to index
        %swap3A_831 = arith.constant 0 : index
        %swap3A_832 = tpu.vector_load %arg8[%swap3A_830, %swap3A_831] {strides = array<i32>} : memref<80x128xf32, #tpu.memory_space<vmem>>, vector<16xf32>,
        tpu.vector_store %arg8[%swap3A_830, %swap3A_831], %select_n3A {strides = array<i32>} : memref<80x128xf32, #tpu.memory_space<vmem>>, vector<16xf32>,
        %iota3A_833 = tpu.iota {dimensions = array<i32: 0>} : vector<16xi32>
        %add3A_834 = arith.constant 16 : i32
        %add3A_835 = arith.addi %mul3A_820, %add3A_834 : i32
        %add3A_836 = vector.broadcast %add3A_835 : i32 to vector<16xi32>
        %add3A_837 = arith.addi %iota3A_833, %add3A_836 : vector<16xi32>
        %lt3A_838 = arith.constant 10000 : i32
        %lt3A_839 = vector.broadcast %lt3A_838 : i32 to vector<16xi32>
        %lt3A_840 = arith.cmpi slt, %add3A_837, %lt3A_839 : vector<16xi32>
        %jit3A_841 = arith.constant 1.000000e+00 : f32
        %jit3A_842 = arith.constant 0.000000e+00 : f32
        %broadcast_in_dim3A_843 = vector.broadcast %jit3A_841 : f32 to vector<16xf32>
        %broadcast_in_dim3A_844 = vector.broadcast %jit3A_842 : f32 to vector<16xf32>
        %select_n3A_845 = arith.select %lt3A_840, %broadcast_in_dim3A_843, %broadcast_in_dim3A_844 : vector<16xi1>, vector<16xf32>
        %swap3A_846 = arith.index_cast %scan3A_817 : i32 to index
        %swap3A_847 = arith.constant 16 : index
        %swap3A_848 = tpu.vector_load %arg8[%swap3A_846, %swap3A_847] {strides = array<i32>} : memref<80x128xf32, #tpu.memory_space<vmem>>, vector<16xf32>,
        tpu.vector_store %arg8[%swap3A_846, %swap3A_847], %select_n3A_845 {strides = array<i32>} : memref<80x128xf32, #tpu.memory_space<vmem>>, vector<16xf32>,
        %iota3A_849 = tpu.iota {dimensions = array<i32: 0>} : vector<16xi32>
        %add3A_850 = arith.constant 32 : i32
        %add3A_851 = arith.addi %mul3A_820, %add3A_850 : i32
        %add3A_852 = vector.broadcast %add3A_851 : i32 to vector<16xi32>
        %add3A_853 = arith.addi %iota3A_849, %add3A_852 : vector<16xi32>
        %lt3A_854 = arith.constant 10000 : i32
        %lt3A_855 = vector.broadcast %lt3A_854 : i32 to vector<16xi32>
        %lt3A_856 = arith.cmpi slt, %add3A_853, %lt3A_855 : vector<16xi32>
        %jit3A_857 = arith.constant 1.000000e+00 : f32
        %jit3A_858 = arith.constant 0.000000e+00 : f32
        %broadcast_in_dim3A_859 = vector.broadcast %jit3A_857 : f32 to vector<16xf32>
        %broadcast_in_dim3A_860 = vector.broadcast %jit3A_858 : f32 to vector<16xf32>
        %select_n3A_861 = arith.select %lt3A_856, %broadcast_in_dim3A_859, %broadcast_in_dim3A_860 : vector<16xi1>, vector<16xf32>
        %swap3A_862 = arith.index_cast %scan3A_817 : i32 to index
        %swap3A_863 = arith.constant 32 : index
        %swap3A_864 = tpu.vector_load %arg8[%swap3A_862, %swap3A_863] {strides = array<i32>} : memref<80x128xf32, #tpu.memory_space<vmem>>, vector<16xf32>,
        tpu.vector_store %arg8[%swap3A_862, %swap3A_863], %select_n3A_861 {strides = array<i32>} : memref<80x128xf32, #tpu.memory_space<vmem>>, vector<16xf32>,
        %iota3A_865 = tpu.iota {dimensions = array<i32: 0>} : vector<16xi32>
        %add3A_866 = arith.constant 48 : i32
        %add3A_867 = arith.addi %mul3A_820, %add3A_866 : i32
        %add3A_868 = vector.broadcast %add3A_867 : i32 to vector<16xi32>
        %add3A_869 = arith.addi %iota3A_865, %add3A_868 : vector<16xi32>
        %lt3A_870 = arith.constant 10000 : i32
        %lt3A_871 = vector.broadcast %lt3A_870 : i32 to vector<16xi32>
        %lt3A_872 = arith.cmpi slt, %add3A_869, %lt3A_871 : vector<16xi32>
        %jit3A_873 = arith.constant 1.000000e+00 : f32
        %jit3A_874 = arith.constant 0.000000e+00 : f32
        %broadcast_in_dim3A_875 = vector.broadcast %jit3A_873 : f32 to vector<16xf32>
        %broadcast_in_dim3A_876 = vector.broadcast %jit3A_874 : f32 to vector<16xf32>
        %select_n3A_877 = arith.select %lt3A_872, %broadcast_in_dim3A_875, %broadcast_in_dim3A_876 : vector<16xi1>, vector<16xf32>
        %swap3A_878 = arith.index_cast %scan3A_817 : i32 to index
        %swap3A_879 = arith.constant 48 : index
        %swap3A_880 = tpu.vector_load %arg8[%swap3A_878, %swap3A_879] {strides = array<i32>} : memref<80x128xf32, #tpu.memory_space<vmem>>, vector<16xf32>,
        tpu.vector_store %arg8[%swap3A_878, %swap3A_879], %select_n3A_877 {strides = array<i32>} : memref<80x128xf32, #tpu.memory_space<vmem>>, vector<16xf32>,
        %iota3A_881 = tpu.iota {dimensions = array<i32: 0>} : vector<16xi32>
        %add3A_882 = arith.constant 64 : i32
        %add3A_883 = arith.addi %mul3A_820, %add3A_882 : i32
        %add3A_884 = vector.broadcast %add3A_883 : i32 to vector<16xi32>
        %add3A_885 = arith.addi %iota3A_881, %add3A_884 : vector<16xi32>
        %lt3A_886 = arith.constant 10000 : i32
        %lt3A_887 = vector.broadcast %lt3A_886 : i32 to vector<16xi32>
        %lt3A_888 = arith.cmpi slt, %add3A_885, %lt3A_887 : vector<16xi32>
        %jit3A_889 = arith.constant 1.000000e+00 : f32
        %jit3A_890 = arith.constant 0.000000e+00 : f32
        %broadcast_in_dim3A_891 = vector.broadcast %jit3A_889 : f32 to vector<16xf32>
        %broadcast_in_dim3A_892 = vector.broadcast %jit3A_890 : f32 to vector<16xf32>
        %select_n3A_893 = arith.select %lt3A_888, %broadcast_in_dim3A_891, %broadcast_in_dim3A_892 : vector<16xi1>, vector<16xf32>
        %swap3A_894 = arith.index_cast %scan3A_817 : i32 to index
        %swap3A_895 = arith.constant 64 : index
        %swap3A_896 = tpu.vector_load %arg8[%swap3A_894, %swap3A_895] {strides = array<i32>} : memref<80x128xf32, #tpu.memory_space<vmem>>, vector<16xf32>,
        tpu.vector_store %arg8[%swap3A_894, %swap3A_895], %select_n3A_893 {strides = array<i32>} : memref<80x128xf32, #tpu.memory_space<vmem>>, vector<16xf32>,
        %iota3A_897 = tpu.iota {dimensions = array<i32: 0>} : vector<16xi32>
        %add3A_898 = arith.constant 80 : i32
        %add3A_899 = arith.addi %mul3A_820, %add3A_898 : i32
        %add3A_900 = vector.broadcast %add3A_899 : i32 to vector<16xi32>
        %add3A_901 = arith.addi %iota3A_897, %add3A_900 : vector<16xi32>
        %lt3A_902 = arith.constant 10000 : i32
        %lt3A_903 = vector.broadcast %lt3A_902 : i32 to vector<16xi32>
        %lt3A_904 = arith.cmpi slt, %add3A_901, %lt3A_903 : vector<16xi32>
        %jit3A_905 = arith.constant 1.000000e+00 : f32
        %jit3A_906 = arith.constant 0.000000e+00 : f32
        %broadcast_in_dim3A_907 = vector.broadcast %jit3A_905 : f32 to vector<16xf32>
        %broadcast_in_dim3A_908 = vector.broadcast %jit3A_906 : f32 to vector<16xf32>
        %select_n3A_909 = arith.select %lt3A_904, %broadcast_in_dim3A_907, %broadcast_in_dim3A_908 : vector<16xi1>, vector<16xf32>
        %swap3A_910 = arith.index_cast %scan3A_817 : i32 to index
        %swap3A_911 = arith.constant 80 : index
        %swap3A_912 = tpu.vector_load %arg8[%swap3A_910, %swap3A_911] {strides = array<i32>} : memref<80x128xf32, #tpu.memory_space<vmem>>, vector<16xf32>,
        tpu.vector_store %arg8[%swap3A_910, %swap3A_911], %select_n3A_909 {strides = array<i32>} : memref<80x128xf32, #tpu.memory_space<vmem>>, vector<16xf32>,
        %iota3A_913 = tpu.iota {dimensions = array<i32: 0>} : vector<16xi32>
        %add3A_914 = arith.constant 96 : i32
        %add3A_915 = arith.addi %mul3A_820, %add3A_914 : i32
        %add3A_916 = vector.broadcast %add3A_915 : i32 to vector<16xi32>
        %add3A_917 = arith.addi %iota3A_913, %add3A_916 : vector<16xi32>
        %lt3A_918 = arith.constant 10000 : i32
        %lt3A_919 = vector.broadcast %lt3A_918 : i32 to vector<16xi32>
        %lt3A_920 = arith.cmpi slt, %add3A_917, %lt3A_919 : vector<16xi32>
        %jit3A_921 = arith.constant 1.000000e+00 : f32
        %jit3A_922 = arith.constant 0.000000e+00 : f32
        %broadcast_in_dim3A_923 = vector.broadcast %jit3A_921 : f32 to vector<16xf32>
        %broadcast_in_dim3A_924 = vector.broadcast %jit3A_922 : f32 to vector<16xf32>
        %select_n3A_925 = arith.select %lt3A_920, %broadcast_in_dim3A_923, %broadcast_in_dim3A_924 : vector<16xi1>, vector<16xf32>
        %swap3A_926 = arith.index_cast %scan3A_817 : i32 to index
        %swap3A_927 = arith.constant 96 : index
        %swap3A_928 = tpu.vector_load %arg8[%swap3A_926, %swap3A_927] {strides = array<i32>} : memref<80x128xf32, #tpu.memory_space<vmem>>, vector<16xf32>,
        tpu.vector_store %arg8[%swap3A_926, %swap3A_927], %select_n3A_925 {strides = array<i32>} : memref<80x128xf32, #tpu.memory_space<vmem>>, vector<16xf32>,
        %iota3A_929 = tpu.iota {dimensions = array<i32: 0>} : vector<16xi32>
        %add3A_930 = arith.constant 112 : i32
        %add3A_931 = arith.addi %mul3A_820, %add3A_930 : i32
        %add3A_932 = vector.broadcast %add3A_931 : i32 to vector<16xi32>
        %add3A_933 = arith.addi %iota3A_929, %add3A_932 : vector<16xi32>
        %lt3A_934 = arith.constant 10000 : i32
        %lt3A_935 = vector.broadcast %lt3A_934 : i32 to vector<16xi32>
        %lt3A_936 = arith.cmpi slt, %add3A_933, %lt3A_935 : vector<16xi32>
        %jit3A_937 = arith.constant 1.000000e+00 : f32
        %jit3A_938 = arith.constant 0.000000e+00 : f32
        %broadcast_in_dim3A_939 = vector.broadcast %jit3A_937 : f32 to vector<16xf32>
        %broadcast_in_dim3A_940 = vector.broadcast %jit3A_938 : f32 to vector<16xf32>
        %select_n3A_941 = arith.select %lt3A_936, %broadcast_in_dim3A_939, %broadcast_in_dim3A_940 : vector<16xi1>, vector<16xf32>
        %swap3A_942 = arith.index_cast %scan3A_817 : i32 to index
        %swap3A_943 = arith.constant 112 : index
        %swap3A_944 = tpu.vector_load %arg8[%swap3A_942, %swap3A_943] {strides = array<i32>} : memref<80x128xf32, #tpu.memory_space<vmem>>, vector<16xf32>,
        tpu.vector_store %arg8[%swap3A_942, %swap3A_943], %select_n3A_941 {strides = array<i32>} : memref<80x128xf32, #tpu.memory_space<vmem>>, vector<16xf32>,
        %scan3A_945 = arith.constant 0 : i32
        scf.yield %scan3A_945 : i32
      }
      %scan3A_811 = arith.constant 80 : i32
      %run_scoped3A = arith.constant 0 : i32
      "tpu.region"() ({
        %run_scoped3A_817 = tpu.sem_alloc : memref<!tpu.dma_semaphore, #tpu.memory_space<semaphore_mem>>
        %dma_start3A_818 = arith.constant 0 : i32
        %dma_start3A_819 = arith.constant 0 : i32
        %dma_start3A_820 = tpu.memref_slice %arg3[%run_scoped3A, %dma_start3A_818, %dma_start3A_819] : memref<8x80x128xf32, #tpu.memory_space<hbm>> -> memref<1x80x128xf32, #tpu.memory_space<hbm>>
        %dma_start3A_821 = tpu.memref_squeeze %dma_start3A_820 : memref<1x80x128xf32, #tpu.memory_space<hbm>> -> memref<80x128xf32, #tpu.memory_space<hbm>>
        %dma_start3A_822 = arith.constant 0 : i32
        %dma_start3A_823 = arith.constant 0 : i32
        %dma_start3A_824 = tpu.memref_slice %arg3[%run_scoped3A, %dma_start3A_822, %dma_start3A_823] : memref<8x80x128xf32, #tpu.memory_space<hbm>> -> memref<1x80x128xf32, #tpu.memory_space<hbm>>
        %dma_start3A_825 = tpu.memref_squeeze %dma_start3A_824 : memref<1x80x128xf32, #tpu.memory_space<hbm>> -> memref<80x128xf32, #tpu.memory_space<hbm>>
        tpu.enqueue_dma source(%arg8 : memref<80x128xf32, #tpu.memory_space<vmem>>) target(%dma_start3A_825 : memref<80x128xf32, #tpu.memory_space<hbm>>) target_semaphore(%run_scoped3A_817 : memref<!tpu.dma_semaphore, #tpu.memory_space<semaphore_mem>>)
        %dma_wait3A_826 = arith.constant 0 : i32
        %dma_wait3A_827 = arith.constant 0 : i32
        %dma_wait3A_828 = tpu.memref_slice %arg3[%run_scoped3A, %dma_wait3A_826, %dma_wait3A_827] : memref<8x80x128xf32, #tpu.memory_space<hbm>> -> memref<1x80x128xf32, #tpu.memory_space<hbm>>
        %dma_wait3A_829 = tpu.memref_squeeze %dma_wait3A_828 : memref<1x80x128xf32, #tpu.memory_space<hbm>> -> memref<80x128xf32, #tpu.memory_space<hbm>>
        %dma_wait3A_830 = arith.constant 0 : i32
        %dma_wait3A_831 = arith.constant 0 : i32
        %dma_wait3A_832 = tpu.memref_slice %arg3[%run_scoped3A, %dma_wait3A_830, %dma_wait3A_831] : memref<8x80x128xf32, #tpu.memory_space<hbm>> -> memref<1x80x128xf32, #tpu.memory_space<hbm>>
        %dma_wait3A_833 = tpu.memref_squeeze %dma_wait3A_832 : memref<1x80x128xf32, #tpu.memory_space<hbm>> -> memref<80x128xf32, #tpu.memory_space<hbm>>
        tpu.wait_dma2 semaphore(%run_scoped3A_817 : memref<!tpu.dma_semaphore, #tpu.memory_space<semaphore_mem>>) src(%arg8 : memref<80x128xf32, #tpu.memory_space<vmem>>) dst(%dma_wait3A_833 : memref<80x128xf32, #tpu.memory_space<hbm>>)
        tpu.yield
      }) : () -> ()
      %run_scoped3A_812 = arith.constant 3 : i32
      "tpu.region"() ({
        %run_scoped3A_817 = tpu.sem_alloc : memref<!tpu.dma_semaphore, #tpu.memory_space<semaphore_mem>>
        %dma_start3A_818 = arith.constant 0 : i32
        %dma_start3A_819 = arith.constant 0 : i32
        %dma_start3A_820 = tpu.memref_slice %arg3[%run_scoped3A_812, %dma_start3A_818, %dma_start3A_819] : memref<8x80x128xf32, #tpu.memory_space<hbm>> -> memref<1x80x128xf32, #tpu.memory_space<hbm>>
        %dma_start3A_821 = tpu.memref_squeeze %dma_start3A_820 : memref<1x80x128xf32, #tpu.memory_space<hbm>> -> memref<80x128xf32, #tpu.memory_space<hbm>>
        %dma_start3A_822 = arith.constant 0 : i32
        %dma_start3A_823 = arith.constant 0 : i32
        %dma_start3A_824 = tpu.memref_slice %arg3[%run_scoped3A_812, %dma_start3A_822, %dma_start3A_823] : memref<8x80x128xf32, #tpu.memory_space<hbm>> -> memref<1x80x128xf32, #tpu.memory_space<hbm>>
        %dma_start3A_825 = tpu.memref_squeeze %dma_start3A_824 : memref<1x80x128xf32, #tpu.memory_space<hbm>> -> memref<80x128xf32, #tpu.memory_space<hbm>>
        tpu.enqueue_dma source(%arg6 : memref<80x128xf32, #tpu.memory_space<vmem>>) target(%dma_start3A_825 : memref<80x128xf32, #tpu.memory_space<hbm>>) target_semaphore(%run_scoped3A_817 : memref<!tpu.dma_semaphore, #tpu.memory_space<semaphore_mem>>)
        %dma_wait3A_826 = arith.constant 0 : i32
        %dma_wait3A_827 = arith.constant 0 : i32
        %dma_wait3A_828 = tpu.memref_slice %arg3[%run_scoped3A_812, %dma_wait3A_826, %dma_wait3A_827] : memref<8x80x128xf32, #tpu.memory_space<hbm>> -> memref<1x80x128xf32, #tpu.memory_space<hbm>>
        %dma_wait3A_829 = tpu.memref_squeeze %dma_wait3A_828 : memref<1x80x128xf32, #tpu.memory_space<hbm>> -> memref<80x128xf32, #tpu.memory_space<hbm>>
        %dma_wait3A_830 = arith.constant 0 : i32
        %dma_wait3A_831 = arith.constant 0 : i32
        %dma_wait3A_832 = tpu.memref_slice %arg3[%run_scoped3A_812, %dma_wait3A_830, %dma_wait3A_831] : memref<8x80x128xf32, #tpu.memory_space<hbm>> -> memref<1x80x128xf32, #tpu.memory_space<hbm>>
        %dma_wait3A_833 = tpu.memref_squeeze %dma_wait3A_832 : memref<1x80x128xf32, #tpu.memory_space<hbm>> -> memref<80x128xf32, #tpu.memory_space<hbm>>
        tpu.wait_dma2 semaphore(%run_scoped3A_817 : memref<!tpu.dma_semaphore, #tpu.memory_space<semaphore_mem>>) src(%arg6 : memref<80x128xf32, #tpu.memory_space<vmem>>) dst(%dma_wait3A_833 : memref<80x128xf32, #tpu.memory_space<hbm>>)
        tpu.yield
      }) : () -> ()
      %run_scoped3A_813 = arith.constant 4 : i32
      "tpu.region"() ({
        %run_scoped3A_817 = tpu.sem_alloc : memref<!tpu.dma_semaphore, #tpu.memory_space<semaphore_mem>>
        %dma_start3A_818 = arith.constant 0 : i32
        %dma_start3A_819 = arith.constant 0 : i32
        %dma_start3A_820 = tpu.memref_slice %arg3[%run_scoped3A_813, %dma_start3A_818, %dma_start3A_819] : memref<8x80x128xf32, #tpu.memory_space<hbm>> -> memref<1x80x128xf32, #tpu.memory_space<hbm>>
        %dma_start3A_821 = tpu.memref_squeeze %dma_start3A_820 : memref<1x80x128xf32, #tpu.memory_space<hbm>> -> memref<80x128xf32, #tpu.memory_space<hbm>>
        %dma_start3A_822 = arith.constant 0 : i32
        %dma_start3A_823 = arith.constant 0 : i32
        %dma_start3A_824 = tpu.memref_slice %arg3[%run_scoped3A_813, %dma_start3A_822, %dma_start3A_823] : memref<8x80x128xf32, #tpu.memory_space<hbm>> -> memref<1x80x128xf32, #tpu.memory_space<hbm>>
        %dma_start3A_825 = tpu.memref_squeeze %dma_start3A_824 : memref<1x80x128xf32, #tpu.memory_space<hbm>> -> memref<80x128xf32, #tpu.memory_space<hbm>>
        tpu.enqueue_dma source(%arg6 : memref<80x128xf32, #tpu.memory_space<vmem>>) target(%dma_start3A_825 : memref<80x128xf32, #tpu.memory_space<hbm>>) target_semaphore(%run_scoped3A_817 : memref<!tpu.dma_semaphore, #tpu.memory_space<semaphore_mem>>)
        %dma_wait3A_826 = arith.constant 0 : i32
        %dma_wait3A_827 = arith.constant 0 : i32
        %dma_wait3A_828 = tpu.memref_slice %arg3[%run_scoped3A_813, %dma_wait3A_826, %dma_wait3A_827] : memref<8x80x128xf32, #tpu.memory_space<hbm>> -> memref<1x80x128xf32, #tpu.memory_space<hbm>>
        %dma_wait3A_829 = tpu.memref_squeeze %dma_wait3A_828 : memref<1x80x128xf32, #tpu.memory_space<hbm>> -> memref<80x128xf32, #tpu.memory_space<hbm>>
        %dma_wait3A_830 = arith.constant 0 : i32
        %dma_wait3A_831 = arith.constant 0 : i32
        %dma_wait3A_832 = tpu.memref_slice %arg3[%run_scoped3A_813, %dma_wait3A_830, %dma_wait3A_831] : memref<8x80x128xf32, #tpu.memory_space<hbm>> -> memref<1x80x128xf32, #tpu.memory_space<hbm>>
        %dma_wait3A_833 = tpu.memref_squeeze %dma_wait3A_832 : memref<1x80x128xf32, #tpu.memory_space<hbm>> -> memref<80x128xf32, #tpu.memory_space<hbm>>
        tpu.wait_dma2 semaphore(%run_scoped3A_817 : memref<!tpu.dma_semaphore, #tpu.memory_space<semaphore_mem>>) src(%arg6 : memref<80x128xf32, #tpu.memory_space<vmem>>) dst(%dma_wait3A_833 : memref<80x128xf32, #tpu.memory_space<hbm>>)
        tpu.yield
      }) : () -> ()
      %run_scoped3A_814 = arith.constant 5 : i32
      "tpu.region"() ({
        %run_scoped3A_817 = tpu.sem_alloc : memref<!tpu.dma_semaphore, #tpu.memory_space<semaphore_mem>>
        %dma_start3A_818 = arith.constant 0 : i32
        %dma_start3A_819 = arith.constant 0 : i32
        %dma_start3A_820 = tpu.memref_slice %arg3[%run_scoped3A_814, %dma_start3A_818, %dma_start3A_819] : memref<8x80x128xf32, #tpu.memory_space<hbm>> -> memref<1x80x128xf32, #tpu.memory_space<hbm>>
        %dma_start3A_821 = tpu.memref_squeeze %dma_start3A_820 : memref<1x80x128xf32, #tpu.memory_space<hbm>> -> memref<80x128xf32, #tpu.memory_space<hbm>>
        %dma_start3A_822 = arith.constant 0 : i32
        %dma_start3A_823 = arith.constant 0 : i32
        %dma_start3A_824 = tpu.memref_slice %arg3[%run_scoped3A_814, %dma_start3A_822, %dma_start3A_823] : memref<8x80x128xf32, #tpu.memory_space<hbm>> -> memref<1x80x128xf32, #tpu.memory_space<hbm>>
        %dma_start3A_825 = tpu.memref_squeeze %dma_start3A_824 : memref<1x80x128xf32, #tpu.memory_space<hbm>> -> memref<80x128xf32, #tpu.memory_space<hbm>>
        tpu.enqueue_dma source(%arg6 : memref<80x128xf32, #tpu.memory_space<vmem>>) target(%dma_start3A_825 : memref<80x128xf32, #tpu.memory_space<hbm>>) target_semaphore(%run_scoped3A_817 : memref<!tpu.dma_semaphore, #tpu.memory_space<semaphore_mem>>)
        %dma_wait3A_826 = arith.constant 0 : i32
        %dma_wait3A_827 = arith.constant 0 : i32
        %dma_wait3A_828 = tpu.memref_slice %arg3[%run_scoped3A_814, %dma_wait3A_826, %dma_wait3A_827] : memref<8x80x128xf32, #tpu.memory_space<hbm>> -> memref<1x80x128xf32, #tpu.memory_space<hbm>>
        %dma_wait3A_829 = tpu.memref_squeeze %dma_wait3A_828 : memref<1x80x128xf32, #tpu.memory_space<hbm>> -> memref<80x128xf32, #tpu.memory_space<hbm>>
        %dma_wait3A_830 = arith.constant 0 : i32
        %dma_wait3A_831 = arith.constant 0 : i32
        %dma_wait3A_832 = tpu.memref_slice %arg3[%run_scoped3A_814, %dma_wait3A_830, %dma_wait3A_831] : memref<8x80x128xf32, #tpu.memory_space<hbm>> -> memref<1x80x128xf32, #tpu.memory_space<hbm>>
        %dma_wait3A_833 = tpu.memref_squeeze %dma_wait3A_832 : memref<1x80x128xf32, #tpu.memory_space<hbm>> -> memref<80x128xf32, #tpu.memory_space<hbm>>
        tpu.wait_dma2 semaphore(%run_scoped3A_817 : memref<!tpu.dma_semaphore, #tpu.memory_space<semaphore_mem>>) src(%arg6 : memref<80x128xf32, #tpu.memory_space<vmem>>) dst(%dma_wait3A_833 : memref<80x128xf32, #tpu.memory_space<hbm>>)
        tpu.yield
      }) : () -> ()
      %run_scoped3A_815 = arith.constant 6 : i32
      "tpu.region"() ({
        %run_scoped3A_817 = tpu.sem_alloc : memref<!tpu.dma_semaphore, #tpu.memory_space<semaphore_mem>>
        %dma_start3A_818 = arith.constant 0 : i32
        %dma_start3A_819 = arith.constant 0 : i32
        %dma_start3A_820 = tpu.memref_slice %arg3[%run_scoped3A_815, %dma_start3A_818, %dma_start3A_819] : memref<8x80x128xf32, #tpu.memory_space<hbm>> -> memref<1x80x128xf32, #tpu.memory_space<hbm>>
        %dma_start3A_821 = tpu.memref_squeeze %dma_start3A_820 : memref<1x80x128xf32, #tpu.memory_space<hbm>> -> memref<80x128xf32, #tpu.memory_space<hbm>>
        %dma_start3A_822 = arith.constant 0 : i32
        %dma_start3A_823 = arith.constant 0 : i32
        %dma_start3A_824 = tpu.memref_slice %arg3[%run_scoped3A_815, %dma_start3A_822, %dma_start3A_823] : memref<8x80x128xf32, #tpu.memory_space<hbm>> -> memref<1x80x128xf32, #tpu.memory_space<hbm>>
        %dma_start3A_825 = tpu.memref_squeeze %dma_start3A_824 : memref<1x80x128xf32, #tpu.memory_space<hbm>> -> memref<80x128xf32, #tpu.memory_space<hbm>>
        tpu.enqueue_dma source(%arg6 : memref<80x128xf32, #tpu.memory_space<vmem>>) target(%dma_start3A_825 : memref<80x128xf32, #tpu.memory_space<hbm>>) target_semaphore(%run_scoped3A_817 : memref<!tpu.dma_semaphore, #tpu.memory_space<semaphore_mem>>)
        %dma_wait3A_826 = arith.constant 0 : i32
        %dma_wait3A_827 = arith.constant 0 : i32
        %dma_wait3A_828 = tpu.memref_slice %arg3[%run_scoped3A_815, %dma_wait3A_826, %dma_wait3A_827] : memref<8x80x128xf32, #tpu.memory_space<hbm>> -> memref<1x80x128xf32, #tpu.memory_space<hbm>>
        %dma_wait3A_829 = tpu.memref_squeeze %dma_wait3A_828 : memref<1x80x128xf32, #tpu.memory_space<hbm>> -> memref<80x128xf32, #tpu.memory_space<hbm>>
        %dma_wait3A_830 = arith.constant 0 : i32
        %dma_wait3A_831 = arith.constant 0 : i32
        %dma_wait3A_832 = tpu.memref_slice %arg3[%run_scoped3A_815, %dma_wait3A_830, %dma_wait3A_831] : memref<8x80x128xf32, #tpu.memory_space<hbm>> -> memref<1x80x128xf32, #tpu.memory_space<hbm>>
        %dma_wait3A_833 = tpu.memref_squeeze %dma_wait3A_832 : memref<1x80x128xf32, #tpu.memory_space<hbm>> -> memref<80x128xf32, #tpu.memory_space<hbm>>
        tpu.wait_dma2 semaphore(%run_scoped3A_817 : memref<!tpu.dma_semaphore, #tpu.memory_space<semaphore_mem>>) src(%arg6 : memref<80x128xf32, #tpu.memory_space<vmem>>) dst(%dma_wait3A_833 : memref<80x128xf32, #tpu.memory_space<hbm>>)
        tpu.yield
      }) : () -> ()
      %run_scoped3A_816 = arith.constant 7 : i32
      "tpu.region"() ({
        %run_scoped3A_817 = tpu.sem_alloc : memref<!tpu.dma_semaphore, #tpu.memory_space<semaphore_mem>>
        %dma_start3A_818 = arith.constant 0 : i32
        %dma_start3A_819 = arith.constant 0 : i32
        %dma_start3A_820 = tpu.memref_slice %arg3[%run_scoped3A_816, %dma_start3A_818, %dma_start3A_819] : memref<8x80x128xf32, #tpu.memory_space<hbm>> -> memref<1x80x128xf32, #tpu.memory_space<hbm>>
        %dma_start3A_821 = tpu.memref_squeeze %dma_start3A_820 : memref<1x80x128xf32, #tpu.memory_space<hbm>> -> memref<80x128xf32, #tpu.memory_space<hbm>>
        %dma_start3A_822 = arith.constant 0 : i32
        %dma_start3A_823 = arith.constant 0 : i32
        %dma_start3A_824 = tpu.memref_slice %arg3[%run_scoped3A_816, %dma_start3A_822, %dma_start3A_823] : memref<8x80x128xf32, #tpu.memory_space<hbm>> -> memref<1x80x128xf32, #tpu.memory_space<hbm>>
        %dma_start3A_825 = tpu.memref_squeeze %dma_start3A_824 : memref<1x80x128xf32, #tpu.memory_space<hbm>> -> memref<80x128xf32, #tpu.memory_space<hbm>>
        tpu.enqueue_dma source(%arg6 : memref<80x128xf32, #tpu.memory_space<vmem>>) target(%dma_start3A_825 : memref<80x128xf32, #tpu.memory_space<hbm>>) target_semaphore(%run_scoped3A_817 : memref<!tpu.dma_semaphore, #tpu.memory_space<semaphore_mem>>)
        %dma_wait3A_826 = arith.constant 0 : i32
        %dma_wait3A_827 = arith.constant 0 : i32
        %dma_wait3A_828 = tpu.memref_slice %arg3[%run_scoped3A_816, %dma_wait3A_826, %dma_wait3A_827] : memref<8x80x128xf32, #tpu.memory_space<hbm>> -> memref<1x80x128xf32, #tpu.memory_space<hbm>>
        %dma_wait3A_829 = tpu.memref_squeeze %dma_wait3A_828 : memref<1x80x128xf32, #tpu.memory_space<hbm>> -> memref<80x128xf32, #tpu.memory_space<hbm>>
        %dma_wait3A_830 = arith.constant 0 : i32
        %dma_wait3A_831 = arith.constant 0 : i32
        %dma_wait3A_832 = tpu.memref_slice %arg3[%run_scoped3A_816, %dma_wait3A_830, %dma_wait3A_831] : memref<8x80x128xf32, #tpu.memory_space<hbm>> -> memref<1x80x128xf32, #tpu.memory_space<hbm>>
        %dma_wait3A_833 = tpu.memref_squeeze %dma_wait3A_832 : memref<1x80x128xf32, #tpu.memory_space<hbm>> -> memref<80x128xf32, #tpu.memory_space<hbm>>
        tpu.wait_dma2 semaphore(%run_scoped3A_817 : memref<!tpu.dma_semaphore, #tpu.memory_space<semaphore_mem>>) src(%arg6 : memref<80x128xf32, #tpu.memory_space<vmem>>) dst(%dma_wait3A_833 : memref<80x128xf32, #tpu.memory_space<hbm>>)
        tpu.yield
      }) : () -> ()
    } else {
    }
    %parallel_loop3A = arith.constant 0 : i32
    %parallel_loop3A_15 = arith.constant 1250 : i32
    %parallel_loop3A_16 = arith.constant 1 : i32
    scf.for %parallel_loop3A_805 = %parallel_loop3A to %parallel_loop3A_15 step %parallel_loop3A_16  : i32 {
      %parallel_loop3A_806 = arith.constant 16 : i32
      %parallel_loop3A_807 = arith.muli %parallel_loop3A_805, %parallel_loop3A_806 : i32
      %parallel_loop3A_808 = arith.index_cast %parallel_loop3A_807 : i32 to index
      %parallel_loop3A_809 = tpu.vector_load %arg5[%parallel_loop3A_808] {strides = array<i32>} : memref<20000xi32, #tpu.memory_space<vmem>>, vector<16xi32>,
      %parallel_loop3A_810 = arith.constant 7 : i32
      %parallel_loop3A_811 = vector.broadcast %parallel_loop3A_810 : i32 to vector<16xi32>
      %parallel_loop3A_812 = arith.shrui %parallel_loop3A_809, %parallel_loop3A_811 : vector<16xi32>
      %parallel_loop3A_813 = arith.constant 127 : i32
      %parallel_loop3A_814 = vector.broadcast %parallel_loop3A_813 : i32 to vector<16xi32>
      %parallel_loop3A_815 = arith.andi %parallel_loop3A_809, %parallel_loop3A_814 : vector<16xi32>
      %parallel_loop3A_816 = arith.constant 1.000000e+00 : f32
      %parallel_loop3A_817 = vector.broadcast %parallel_loop3A_816 : f32 to vector<16xf32>
      tpu.vector_store_idx %arg6[%parallel_loop3A_812, %parallel_loop3A_815], %parallel_loop3A_817 {add = true} : memref<80x128xf32, #tpu.memory_space<vmem>>[vector<16xi32>, vector<16xi32>], vector<16xf32>,
    } {sc.loop_unroll_factor = 4 : i64, sc.parallel_access}
    "tpu.region"() ({
      %run_scoped3A = tpu.sem_alloc : memref<!tpu.dma_semaphore, #tpu.memory_space<semaphore_mem>>
      %dma_start3A_805 = arith.constant 0 : i32
      %dma_start3A_806 = arith.constant 0 : i32
      %dma_start3A_807 = tpu.memref_slice %arg12[%arg1, %dma_start3A_805, %dma_start3A_806] : memref<16x80x128xf32, #tpu.memory_space<vmem_shared>> -> memref<1x80x128xf32, #tpu.memory_space<vmem_shared>>
      %dma_start3A_808 = tpu.memref_squeeze %dma_start3A_807 : memref<1x80x128xf32, #tpu.memory_space<vmem_shared>> -> memref<80x128xf32, #tpu.memory_space<vmem_shared>>
      %dma_start3A_809 = arith.constant 0 : i32
      %dma_start3A_810 = arith.constant 0 : i32
      %dma_start3A_811 = tpu.memref_slice %arg12[%arg1, %dma_start3A_809, %dma_start3A_810] : memref<16x80x128xf32, #tpu.memory_space<vmem_shared>> -> memref<1x80x128xf32, #tpu.memory_space<vmem_shared>>
      %dma_start3A_812 = tpu.memref_squeeze %dma_start3A_811 : memref<1x80x128xf32, #tpu.memory_space<vmem_shared>> -> memref<80x128xf32, #tpu.memory_space<vmem_shared>>
      tpu.enqueue_dma source(%arg6 : memref<80x128xf32, #tpu.memory_space<vmem>>) target(%dma_start3A_812 : memref<80x128xf32, #tpu.memory_space<vmem_shared>>) target_semaphore(%run_scoped3A : memref<!tpu.dma_semaphore, #tpu.memory_space<semaphore_mem>>)
      %dma_wait3A_813 = arith.constant 0 : i32
      %dma_wait3A_814 = arith.constant 0 : i32
      %dma_wait3A_815 = tpu.memref_slice %arg12[%arg1, %dma_wait3A_813, %dma_wait3A_814] : memref<16x80x128xf32, #tpu.memory_space<vmem_shared>> -> memref<1x80x128xf32, #tpu.memory_space<vmem_shared>>
      %dma_wait3A_816 = tpu.memref_squeeze %dma_wait3A_815 : memref<1x80x128xf32, #tpu.memory_space<vmem_shared>> -> memref<80x128xf32, #tpu.memory_space<vmem_shared>>
      %dma_wait3A_817 = arith.constant 0 : i32
      %dma_wait3A_818 = arith.constant 0 : i32
      %dma_wait3A_819 = tpu.memref_slice %arg12[%arg1, %dma_wait3A_817, %dma_wait3A_818] : memref<16x80x128xf32, #tpu.memory_space<vmem_shared>> -> memref<1x80x128xf32, #tpu.memory_space<vmem_shared>>
      %dma_wait3A_820 = tpu.memref_squeeze %dma_wait3A_819 : memref<1x80x128xf32, #tpu.memory_space<vmem_shared>> -> memref<80x128xf32, #tpu.memory_space<vmem_shared>>
      tpu.wait_dma2 semaphore(%run_scoped3A : memref<!tpu.dma_semaphore, #tpu.memory_space<semaphore_mem>>) src(%arg6 : memref<80x128xf32, #tpu.memory_space<vmem>>) dst(%dma_wait3A_820 : memref<80x128xf32, #tpu.memory_space<vmem_shared>>)
      tpu.yield
    }) : () -> ()
    %barrier3A = arith.constant 0 : index
    tpu.barrier barrier_id(%barrier3A)
    %broadcast_in_dim3A = arith.constant 0.000000e+00 : f32
    %broadcast_in_dim3A_17 = vector.broadcast %broadcast_in_dim3A : f32 to vector<16xf32>
    %swap3A = arith.constant 0 : i32
    %swap3A_18 = arith.index_cast %swap3A : i32 to index
    %swap3A_19 = arith.constant 0 : index
    %swap3A_20 = tpu.vector_load %arg9[%swap3A_18, %swap3A_19] {strides = array<i32>} : memref<5x128xf32, #tpu.memory_space<vmem>>, vector<16xf32>,
    tpu.vector_store %arg9[%swap3A_18, %swap3A_19], %broadcast_in_dim3A_17 {strides = array<i32>} : memref<5x128xf32, #tpu.memory_space<vmem>>, vector<16xf32>,
    %broadcast_in_dim3A_21 = arith.constant 0.000000e+00 : f32
    %broadcast_in_dim3A_22 = vector.broadcast %broadcast_in_dim3A_21 : f32 to vector<16xf32>
    %swap3A_23 = arith.constant 0 : i32
    %swap3A_24 = arith.index_cast %swap3A_23 : i32 to index
    %swap3A_25 = arith.constant 16 : index
    %swap3A_26 = tpu.vector_load %arg9[%swap3A_24, %swap3A_25] {strides = array<i32>} : memref<5x128xf32, #tpu.memory_space<vmem>>, vector<16xf32>,
    tpu.vector_store %arg9[%swap3A_24, %swap3A_25], %broadcast_in_dim3A_22 {strides = array<i32>} : memref<5x128xf32, #tpu.memory_space<vmem>>, vector<16xf32>,
    %broadcast_in_dim3A_27 = arith.constant 0.000000e+00 : f32
    %broadcast_in_dim3A_28 = vector.broadcast %broadcast_in_dim3A_27 : f32 to vector<16xf32>
    %swap3A_29 = arith.constant 0 : i32
    %swap3A_30 = arith.index_cast %swap3A_29 : i32 to index
    %swap3A_31 = arith.constant 32 : index
    %swap3A_32 = tpu.vector_load %arg9[%swap3A_30, %swap3A_31] {strides = array<i32>} : memref<5x128xf32, #tpu.memory_space<vmem>>, vector<16xf32>,
    tpu.vector_store %arg9[%swap3A_30, %swap3A_31], %broadcast_in_dim3A_28 {strides = array<i32>} : memref<5x128xf32, #tpu.memory_space<vmem>>, vector<16xf32>,
    %broadcast_in_dim3A_33 = arith.constant 0.000000e+00 : f32
    %broadcast_in_dim3A_34 = vector.broadcast %broadcast_in_dim3A_33 : f32 to vector<16xf32>
    %swap3A_35 = arith.constant 0 : i32
    %swap3A_36 = arith.index_cast %swap3A_35 : i32 to index
    %swap3A_37 = arith.constant 48 : index
    %swap3A_38 = tpu.vector_load %arg9[%swap3A_36, %swap3A_37] {strides = array<i32>} : memref<5x128xf32, #tpu.memory_space<vmem>>, vector<16xf32>,
    tpu.vector_store %arg9[%swap3A_36, %swap3A_37], %broadcast_in_dim3A_34 {strides = array<i32>} : memref<5x128xf32, #tpu.memory_space<vmem>>, vector<16xf32>,
    %broadcast_in_dim3A_39 = arith.constant 0.000000e+00 : f32
    %broadcast_in_dim3A_40 = vector.broadcast %broadcast_in_dim3A_39 : f32 to vector<16xf32>
    %swap3A_41 = arith.constant 0 : i32
    %swap3A_42 = arith.index_cast %swap3A_41 : i32 to index
    %swap3A_43 = arith.constant 64 : index
    %swap3A_44 = tpu.vector_load %arg9[%swap3A_42, %swap3A_43] {strides = array<i32>} : memref<5x128xf32, #tpu.memory_space<vmem>>, vector<16xf32>,
    tpu.vector_store %arg9[%swap3A_42, %swap3A_43], %broadcast_in_dim3A_40 {strides = array<i32>} : memref<5x128xf32, #tpu.memory_space<vmem>>, vector<16xf32>,
    %broadcast_in_dim3A_45 = arith.constant 0.000000e+00 : f32
    %broadcast_in_dim3A_46 = vector.broadcast %broadcast_in_dim3A_45 : f32 to vector<16xf32>
    %swap3A_47 = arith.constant 0 : i32
    %swap3A_48 = arith.index_cast %swap3A_47 : i32 to index
    %swap3A_49 = arith.constant 80 : index
    %swap3A_50 = tpu.vector_load %arg9[%swap3A_48, %swap3A_49] {strides = array<i32>} : memref<5x128xf32, #tpu.memory_space<vmem>>, vector<16xf32>,
    tpu.vector_store %arg9[%swap3A_48, %swap3A_49], %broadcast_in_dim3A_46 {strides = array<i32>} : memref<5x128xf32, #tpu.memory_space<vmem>>, vector<16xf32>,
    %broadcast_in_dim3A_51 = arith.constant 0.000000e+00 : f32
    %broadcast_in_dim3A_52 = vector.broadcast %broadcast_in_dim3A_51 : f32 to vector<16xf32>
    %swap3A_53 = arith.constant 0 : i32
    %swap3A_54 = arith.index_cast %swap3A_53 : i32 to index
    %swap3A_55 = arith.constant 96 : index
    %swap3A_56 = tpu.vector_load %arg9[%swap3A_54, %swap3A_55] {strides = array<i32>} : memref<5x128xf32, #tpu.memory_space<vmem>>, vector<16xf32>,
    tpu.vector_store %arg9[%swap3A_54, %swap3A_55], %broadcast_in_dim3A_52 {strides = array<i32>} : memref<5x128xf32, #tpu.memory_space<vmem>>, vector<16xf32>,
    %broadcast_in_dim3A_57 = arith.constant 0.000000e+00 : f32
    %broadcast_in_dim3A_58 = vector.broadcast %broadcast_in_dim3A_57 : f32 to vector<16xf32>
    %swap3A_59 = arith.constant 0 : i32
    %swap3A_60 = arith.index_cast %swap3A_59 : i32 to index
    %swap3A_61 = arith.constant 112 : index
    %swap3A_62 = tpu.vector_load %arg9[%swap3A_60, %swap3A_61] {strides = array<i32>} : memref<5x128xf32, #tpu.memory_space<vmem>>, vector<16xf32>,
    tpu.vector_store %arg9[%swap3A_60, %swap3A_61], %broadcast_in_dim3A_58 {strides = array<i32>} : memref<5x128xf32, #tpu.memory_space<vmem>>, vector<16xf32>,
    %broadcast_in_dim3A_63 = arith.constant 0.000000e+00 : f32
    %broadcast_in_dim3A_64 = vector.broadcast %broadcast_in_dim3A_63 : f32 to vector<16xf32>
    %swap3A_65 = arith.constant 1 : i32
    %swap3A_66 = arith.index_cast %swap3A_65 : i32 to index
    %swap3A_67 = arith.constant 0 : index
    %swap3A_68 = tpu.vector_load %arg9[%swap3A_66, %swap3A_67] {strides = array<i32>} : memref<5x128xf32, #tpu.memory_space<vmem>>, vector<16xf32>,
    tpu.vector_store %arg9[%swap3A_66, %swap3A_67], %broadcast_in_dim3A_64 {strides = array<i32>} : memref<5x128xf32, #tpu.memory_space<vmem>>, vector<16xf32>,
    %broadcast_in_dim3A_69 = arith.constant 0.000000e+00 : f32
    %broadcast_in_dim3A_70 = vector.broadcast %broadcast_in_dim3A_69 : f32 to vector<16xf32>
    %swap3A_71 = arith.constant 1 : i32
    %swap3A_72 = arith.index_cast %swap3A_71 : i32 to index
    %swap3A_73 = arith.constant 16 : index
    %swap3A_74 = tpu.vector_load %arg9[%swap3A_72, %swap3A_73] {strides = array<i32>} : memref<5x128xf32, #tpu.memory_space<vmem>>, vector<16xf32>,
    tpu.vector_store %arg9[%swap3A_72, %swap3A_73], %broadcast_in_dim3A_70 {strides = array<i32>} : memref<5x128xf32, #tpu.memory_space<vmem>>, vector<16xf32>,
    %broadcast_in_dim3A_75 = arith.constant 0.000000e+00 : f32
    %broadcast_in_dim3A_76 = vector.broadcast %broadcast_in_dim3A_75 : f32 to vector<16xf32>
    %swap3A_77 = arith.constant 1 : i32
    %swap3A_78 = arith.index_cast %swap3A_77 : i32 to index
    %swap3A_79 = arith.constant 32 : index
    %swap3A_80 = tpu.vector_load %arg9[%swap3A_78, %swap3A_79] {strides = array<i32>} : memref<5x128xf32, #tpu.memory_space<vmem>>, vector<16xf32>,
    tpu.vector_store %arg9[%swap3A_78, %swap3A_79], %broadcast_in_dim3A_76 {strides = array<i32>} : memref<5x128xf32, #tpu.memory_space<vmem>>, vector<16xf32>,
    %broadcast_in_dim3A_81 = arith.constant 0.000000e+00 : f32
    %broadcast_in_dim3A_82 = vector.broadcast %broadcast_in_dim3A_81 : f32 to vector<16xf32>
    %swap3A_83 = arith.constant 1 : i32
    %swap3A_84 = arith.index_cast %swap3A_83 : i32 to index
    %swap3A_85 = arith.constant 48 : index
    %swap3A_86 = tpu.vector_load %arg9[%swap3A_84, %swap3A_85] {strides = array<i32>} : memref<5x128xf32, #tpu.memory_space<vmem>>, vector<16xf32>,
    tpu.vector_store %arg9[%swap3A_84, %swap3A_85], %broadcast_in_dim3A_82 {strides = array<i32>} : memref<5x128xf32, #tpu.memory_space<vmem>>, vector<16xf32>,
    %broadcast_in_dim3A_87 = arith.constant 0.000000e+00 : f32
    %broadcast_in_dim3A_88 = vector.broadcast %broadcast_in_dim3A_87 : f32 to vector<16xf32>
    %swap3A_89 = arith.constant 1 : i32
    %swap3A_90 = arith.index_cast %swap3A_89 : i32 to index
    %swap3A_91 = arith.constant 64 : index
    %swap3A_92 = tpu.vector_load %arg9[%swap3A_90, %swap3A_91] {strides = array<i32>} : memref<5x128xf32, #tpu.memory_space<vmem>>, vector<16xf32>,
    tpu.vector_store %arg9[%swap3A_90, %swap3A_91], %broadcast_in_dim3A_88 {strides = array<i32>} : memref<5x128xf32, #tpu.memory_space<vmem>>, vector<16xf32>,
    %broadcast_in_dim3A_93 = arith.constant 0.000000e+00 : f32
    %broadcast_in_dim3A_94 = vector.broadcast %broadcast_in_dim3A_93 : f32 to vector<16xf32>
    %swap3A_95 = arith.constant 1 : i32
    %swap3A_96 = arith.index_cast %swap3A_95 : i32 to index
    %swap3A_97 = arith.constant 80 : index
    %swap3A_98 = tpu.vector_load %arg9[%swap3A_96, %swap3A_97] {strides = array<i32>} : memref<5x128xf32, #tpu.memory_space<vmem>>, vector<16xf32>,
    tpu.vector_store %arg9[%swap3A_96, %swap3A_97], %broadcast_in_dim3A_94 {strides = array<i32>} : memref<5x128xf32, #tpu.memory_space<vmem>>, vector<16xf32>,
    %broadcast_in_dim3A_99 = arith.constant 0.000000e+00 : f32
    %broadcast_in_dim3A_100 = vector.broadcast %broadcast_in_dim3A_99 : f32 to vector<16xf32>
    %swap3A_101 = arith.constant 1 : i32
    %swap3A_102 = arith.index_cast %swap3A_101 : i32 to index
    %swap3A_103 = arith.constant 96 : index
    %swap3A_104 = tpu.vector_load %arg9[%swap3A_102, %swap3A_103] {strides = array<i32>} : memref<5x128xf32, #tpu.memory_space<vmem>>, vector<16xf32>,
    tpu.vector_store %arg9[%swap3A_102, %swap3A_103], %broadcast_in_dim3A_100 {strides = array<i32>} : memref<5x128xf32, #tpu.memory_space<vmem>>, vector<16xf32>,
    %broadcast_in_dim3A_105 = arith.constant 0.000000e+00 : f32
    %broadcast_in_dim3A_106 = vector.broadcast %broadcast_in_dim3A_105 : f32 to vector<16xf32>
    %swap3A_107 = arith.constant 1 : i32
    %swap3A_108 = arith.index_cast %swap3A_107 : i32 to index
    %swap3A_109 = arith.constant 112 : index
    %swap3A_110 = tpu.vector_load %arg9[%swap3A_108, %swap3A_109] {strides = array<i32>} : memref<5x128xf32, #tpu.memory_space<vmem>>, vector<16xf32>,
    tpu.vector_store %arg9[%swap3A_108, %swap3A_109], %broadcast_in_dim3A_106 {strides = array<i32>} : memref<5x128xf32, #tpu.memory_space<vmem>>, vector<16xf32>,
    %broadcast_in_dim3A_111 = arith.constant 0.000000e+00 : f32
    %broadcast_in_dim3A_112 = vector.broadcast %broadcast_in_dim3A_111 : f32 to vector<16xf32>
    %swap3A_113 = arith.constant 2 : i32
    %swap3A_114 = arith.index_cast %swap3A_113 : i32 to index
    %swap3A_115 = arith.constant 0 : index
    %swap3A_116 = tpu.vector_load %arg9[%swap3A_114, %swap3A_115] {strides = array<i32>} : memref<5x128xf32, #tpu.memory_space<vmem>>, vector<16xf32>,
    tpu.vector_store %arg9[%swap3A_114, %swap3A_115], %broadcast_in_dim3A_112 {strides = array<i32>} : memref<5x128xf32, #tpu.memory_space<vmem>>, vector<16xf32>,
    %broadcast_in_dim3A_117 = arith.constant 0.000000e+00 : f32
    %broadcast_in_dim3A_118 = vector.broadcast %broadcast_in_dim3A_117 : f32 to vector<16xf32>
    %swap3A_119 = arith.constant 2 : i32
    %swap3A_120 = arith.index_cast %swap3A_119 : i32 to index
    %swap3A_121 = arith.constant 16 : index
    %swap3A_122 = tpu.vector_load %arg9[%swap3A_120, %swap3A_121] {strides = array<i32>} : memref<5x128xf32, #tpu.memory_space<vmem>>, vector<16xf32>,
    tpu.vector_store %arg9[%swap3A_120, %swap3A_121], %broadcast_in_dim3A_118 {strides = array<i32>} : memref<5x128xf32, #tpu.memory_space<vmem>>, vector<16xf32>,
    %broadcast_in_dim3A_123 = arith.constant 0.000000e+00 : f32
    %broadcast_in_dim3A_124 = vector.broadcast %broadcast_in_dim3A_123 : f32 to vector<16xf32>
    %swap3A_125 = arith.constant 2 : i32
    %swap3A_126 = arith.index_cast %swap3A_125 : i32 to index
    %swap3A_127 = arith.constant 32 : index
    %swap3A_128 = tpu.vector_load %arg9[%swap3A_126, %swap3A_127] {strides = array<i32>} : memref<5x128xf32, #tpu.memory_space<vmem>>, vector<16xf32>,
    tpu.vector_store %arg9[%swap3A_126, %swap3A_127], %broadcast_in_dim3A_124 {strides = array<i32>} : memref<5x128xf32, #tpu.memory_space<vmem>>, vector<16xf32>,
    %broadcast_in_dim3A_129 = arith.constant 0.000000e+00 : f32
    %broadcast_in_dim3A_130 = vector.broadcast %broadcast_in_dim3A_129 : f32 to vector<16xf32>
    %swap3A_131 = arith.constant 2 : i32
    %swap3A_132 = arith.index_cast %swap3A_131 : i32 to index
    %swap3A_133 = arith.constant 48 : index
    %swap3A_134 = tpu.vector_load %arg9[%swap3A_132, %swap3A_133] {strides = array<i32>} : memref<5x128xf32, #tpu.memory_space<vmem>>, vector<16xf32>,
    tpu.vector_store %arg9[%swap3A_132, %swap3A_133], %broadcast_in_dim3A_130 {strides = array<i32>} : memref<5x128xf32, #tpu.memory_space<vmem>>, vector<16xf32>,
    %broadcast_in_dim3A_135 = arith.constant 0.000000e+00 : f32
    %broadcast_in_dim3A_136 = vector.broadcast %broadcast_in_dim3A_135 : f32 to vector<16xf32>
    %swap3A_137 = arith.constant 2 : i32
    %swap3A_138 = arith.index_cast %swap3A_137 : i32 to index
    %swap3A_139 = arith.constant 64 : index
    %swap3A_140 = tpu.vector_load %arg9[%swap3A_138, %swap3A_139] {strides = array<i32>} : memref<5x128xf32, #tpu.memory_space<vmem>>, vector<16xf32>,
    tpu.vector_store %arg9[%swap3A_138, %swap3A_139], %broadcast_in_dim3A_136 {strides = array<i32>} : memref<5x128xf32, #tpu.memory_space<vmem>>, vector<16xf32>,
    %broadcast_in_dim3A_141 = arith.constant 0.000000e+00 : f32
    %broadcast_in_dim3A_142 = vector.broadcast %broadcast_in_dim3A_141 : f32 to vector<16xf32>
    %swap3A_143 = arith.constant 2 : i32
    %swap3A_144 = arith.index_cast %swap3A_143 : i32 to index
    %swap3A_145 = arith.constant 80 : index
    %swap3A_146 = tpu.vector_load %arg9[%swap3A_144, %swap3A_145] {strides = array<i32>} : memref<5x128xf32, #tpu.memory_space<vmem>>, vector<16xf32>,
    tpu.vector_store %arg9[%swap3A_144, %swap3A_145], %broadcast_in_dim3A_142 {strides = array<i32>} : memref<5x128xf32, #tpu.memory_space<vmem>>, vector<16xf32>,
    %broadcast_in_dim3A_147 = arith.constant 0.000000e+00 : f32
    %broadcast_in_dim3A_148 = vector.broadcast %broadcast_in_dim3A_147 : f32 to vector<16xf32>
    %swap3A_149 = arith.constant 2 : i32
    %swap3A_150 = arith.index_cast %swap3A_149 : i32 to index
    %swap3A_151 = arith.constant 96 : index
    %swap3A_152 = tpu.vector_load %arg9[%swap3A_150, %swap3A_151] {strides = array<i32>} : memref<5x128xf32, #tpu.memory_space<vmem>>, vector<16xf32>,
    tpu.vector_store %arg9[%swap3A_150, %swap3A_151], %broadcast_in_dim3A_148 {strides = array<i32>} : memref<5x128xf32, #tpu.memory_space<vmem>>, vector<16xf32>,
    %broadcast_in_dim3A_153 = arith.constant 0.000000e+00 : f32
    %broadcast_in_dim3A_154 = vector.broadcast %broadcast_in_dim3A_153 : f32 to vector<16xf32>
    %swap3A_155 = arith.constant 2 : i32
    %swap3A_156 = arith.index_cast %swap3A_155 : i32 to index
    %swap3A_157 = arith.constant 112 : index
    %swap3A_158 = tpu.vector_load %arg9[%swap3A_156, %swap3A_157] {strides = array<i32>} : memref<5x128xf32, #tpu.memory_space<vmem>>, vector<16xf32>,
    tpu.vector_store %arg9[%swap3A_156, %swap3A_157], %broadcast_in_dim3A_154 {strides = array<i32>} : memref<5x128xf32, #tpu.memory_space<vmem>>, vector<16xf32>,
    %broadcast_in_dim3A_159 = arith.constant 0.000000e+00 : f32
    %broadcast_in_dim3A_160 = vector.broadcast %broadcast_in_dim3A_159 : f32 to vector<16xf32>
    %swap3A_161 = arith.constant 3 : i32
    %swap3A_162 = arith.index_cast %swap3A_161 : i32 to index
    %swap3A_163 = arith.constant 0 : index
    %swap3A_164 = tpu.vector_load %arg9[%swap3A_162, %swap3A_163] {strides = array<i32>} : memref<5x128xf32, #tpu.memory_space<vmem>>, vector<16xf32>,
    tpu.vector_store %arg9[%swap3A_162, %swap3A_163], %broadcast_in_dim3A_160 {strides = array<i32>} : memref<5x128xf32, #tpu.memory_space<vmem>>, vector<16xf32>,
    %broadcast_in_dim3A_165 = arith.constant 0.000000e+00 : f32
    %broadcast_in_dim3A_166 = vector.broadcast %broadcast_in_dim3A_165 : f32 to vector<16xf32>
    %swap3A_167 = arith.constant 3 : i32
    %swap3A_168 = arith.index_cast %swap3A_167 : i32 to index
    %swap3A_169 = arith.constant 16 : index
    %swap3A_170 = tpu.vector_load %arg9[%swap3A_168, %swap3A_169] {strides = array<i32>} : memref<5x128xf32, #tpu.memory_space<vmem>>, vector<16xf32>,
    tpu.vector_store %arg9[%swap3A_168, %swap3A_169], %broadcast_in_dim3A_166 {strides = array<i32>} : memref<5x128xf32, #tpu.memory_space<vmem>>, vector<16xf32>,
    %broadcast_in_dim3A_171 = arith.constant 0.000000e+00 : f32
    %broadcast_in_dim3A_172 = vector.broadcast %broadcast_in_dim3A_171 : f32 to vector<16xf32>
    %swap3A_173 = arith.constant 3 : i32
    %swap3A_174 = arith.index_cast %swap3A_173 : i32 to index
    %swap3A_175 = arith.constant 32 : index
    %swap3A_176 = tpu.vector_load %arg9[%swap3A_174, %swap3A_175] {strides = array<i32>} : memref<5x128xf32, #tpu.memory_space<vmem>>, vector<16xf32>,
    tpu.vector_store %arg9[%swap3A_174, %swap3A_175], %broadcast_in_dim3A_172 {strides = array<i32>} : memref<5x128xf32, #tpu.memory_space<vmem>>, vector<16xf32>,
    %broadcast_in_dim3A_177 = arith.constant 0.000000e+00 : f32
    %broadcast_in_dim3A_178 = vector.broadcast %broadcast_in_dim3A_177 : f32 to vector<16xf32>
    %swap3A_179 = arith.constant 3 : i32
    %swap3A_180 = arith.index_cast %swap3A_179 : i32 to index
    %swap3A_181 = arith.constant 48 : index
    %swap3A_182 = tpu.vector_load %arg9[%swap3A_180, %swap3A_181] {strides = array<i32>} : memref<5x128xf32, #tpu.memory_space<vmem>>, vector<16xf32>,
    tpu.vector_store %arg9[%swap3A_180, %swap3A_181], %broadcast_in_dim3A_178 {strides = array<i32>} : memref<5x128xf32, #tpu.memory_space<vmem>>, vector<16xf32>,
    %broadcast_in_dim3A_183 = arith.constant 0.000000e+00 : f32
    %broadcast_in_dim3A_184 = vector.broadcast %broadcast_in_dim3A_183 : f32 to vector<16xf32>
    %swap3A_185 = arith.constant 3 : i32
    %swap3A_186 = arith.index_cast %swap3A_185 : i32 to index
    %swap3A_187 = arith.constant 64 : index
    %swap3A_188 = tpu.vector_load %arg9[%swap3A_186, %swap3A_187] {strides = array<i32>} : memref<5x128xf32, #tpu.memory_space<vmem>>, vector<16xf32>,
    tpu.vector_store %arg9[%swap3A_186, %swap3A_187], %broadcast_in_dim3A_184 {strides = array<i32>} : memref<5x128xf32, #tpu.memory_space<vmem>>, vector<16xf32>,
    %broadcast_in_dim3A_189 = arith.constant 0.000000e+00 : f32
    %broadcast_in_dim3A_190 = vector.broadcast %broadcast_in_dim3A_189 : f32 to vector<16xf32>
    %swap3A_191 = arith.constant 3 : i32
    %swap3A_192 = arith.index_cast %swap3A_191 : i32 to index
    %swap3A_193 = arith.constant 80 : index
    %swap3A_194 = tpu.vector_load %arg9[%swap3A_192, %swap3A_193] {strides = array<i32>} : memref<5x128xf32, #tpu.memory_space<vmem>>, vector<16xf32>,
    tpu.vector_store %arg9[%swap3A_192, %swap3A_193], %broadcast_in_dim3A_190 {strides = array<i32>} : memref<5x128xf32, #tpu.memory_space<vmem>>, vector<16xf32>,
    %broadcast_in_dim3A_195 = arith.constant 0.000000e+00 : f32
    %broadcast_in_dim3A_196 = vector.broadcast %broadcast_in_dim3A_195 : f32 to vector<16xf32>
    %swap3A_197 = arith.constant 3 : i32
    %swap3A_198 = arith.index_cast %swap3A_197 : i32 to index
    %swap3A_199 = arith.constant 96 : index
    %swap3A_200 = tpu.vector_load %arg9[%swap3A_198, %swap3A_199] {strides = array<i32>} : memref<5x128xf32, #tpu.memory_space<vmem>>, vector<16xf32>,
    tpu.vector_store %arg9[%swap3A_198, %swap3A_199], %broadcast_in_dim3A_196 {strides = array<i32>} : memref<5x128xf32, #tpu.memory_space<vmem>>, vector<16xf32>,
    %broadcast_in_dim3A_201 = arith.constant 0.000000e+00 : f32
    %broadcast_in_dim3A_202 = vector.broadcast %broadcast_in_dim3A_201 : f32 to vector<16xf32>
    %swap3A_203 = arith.constant 3 : i32
    %swap3A_204 = arith.index_cast %swap3A_203 : i32 to index
    %swap3A_205 = arith.constant 112 : index
    %swap3A_206 = tpu.vector_load %arg9[%swap3A_204, %swap3A_205] {strides = array<i32>} : memref<5x128xf32, #tpu.memory_space<vmem>>, vector<16xf32>,
    tpu.vector_store %arg9[%swap3A_204, %swap3A_205], %broadcast_in_dim3A_202 {strides = array<i32>} : memref<5x128xf32, #tpu.memory_space<vmem>>, vector<16xf32>,
    %broadcast_in_dim3A_207 = arith.constant 0.000000e+00 : f32
    %broadcast_in_dim3A_208 = vector.broadcast %broadcast_in_dim3A_207 : f32 to vector<16xf32>
    %swap3A_209 = arith.constant 4 : i32
    %swap3A_210 = arith.index_cast %swap3A_209 : i32 to index
    %swap3A_211 = arith.constant 0 : index
    %swap3A_212 = tpu.vector_load %arg9[%swap3A_210, %swap3A_211] {strides = array<i32>} : memref<5x128xf32, #tpu.memory_space<vmem>>, vector<16xf32>,
    tpu.vector_store %arg9[%swap3A_210, %swap3A_211], %broadcast_in_dim3A_208 {strides = array<i32>} : memref<5x128xf32, #tpu.memory_space<vmem>>, vector<16xf32>,
    %broadcast_in_dim3A_213 = arith.constant 0.000000e+00 : f32
    %broadcast_in_dim3A_214 = vector.broadcast %broadcast_in_dim3A_213 : f32 to vector<16xf32>
    %swap3A_215 = arith.constant 4 : i32
    %swap3A_216 = arith.index_cast %swap3A_215 : i32 to index
    %swap3A_217 = arith.constant 16 : index
    %swap3A_218 = tpu.vector_load %arg9[%swap3A_216, %swap3A_217] {strides = array<i32>} : memref<5x128xf32, #tpu.memory_space<vmem>>, vector<16xf32>,
    tpu.vector_store %arg9[%swap3A_216, %swap3A_217], %broadcast_in_dim3A_214 {strides = array<i32>} : memref<5x128xf32, #tpu.memory_space<vmem>>, vector<16xf32>,
    %broadcast_in_dim3A_219 = arith.constant 0.000000e+00 : f32
    %broadcast_in_dim3A_220 = vector.broadcast %broadcast_in_dim3A_219 : f32 to vector<16xf32>
    %swap3A_221 = arith.constant 4 : i32
    %swap3A_222 = arith.index_cast %swap3A_221 : i32 to index
    %swap3A_223 = arith.constant 32 : index
    %swap3A_224 = tpu.vector_load %arg9[%swap3A_222, %swap3A_223] {strides = array<i32>} : memref<5x128xf32, #tpu.memory_space<vmem>>, vector<16xf32>,
    tpu.vector_store %arg9[%swap3A_222, %swap3A_223], %broadcast_in_dim3A_220 {strides = array<i32>} : memref<5x128xf32, #tpu.memory_space<vmem>>, vector<16xf32>,
    %broadcast_in_dim3A_225 = arith.constant 0.000000e+00 : f32
    %broadcast_in_dim3A_226 = vector.broadcast %broadcast_in_dim3A_225 : f32 to vector<16xf32>
    %swap3A_227 = arith.constant 4 : i32
    %swap3A_228 = arith.index_cast %swap3A_227 : i32 to index
    %swap3A_229 = arith.constant 48 : index
    %swap3A_230 = tpu.vector_load %arg9[%swap3A_228, %swap3A_229] {strides = array<i32>} : memref<5x128xf32, #tpu.memory_space<vmem>>, vector<16xf32>,
    tpu.vector_store %arg9[%swap3A_228, %swap3A_229], %broadcast_in_dim3A_226 {strides = array<i32>} : memref<5x128xf32, #tpu.memory_space<vmem>>, vector<16xf32>,
    %broadcast_in_dim3A_231 = arith.constant 0.000000e+00 : f32
    %broadcast_in_dim3A_232 = vector.broadcast %broadcast_in_dim3A_231 : f32 to vector<16xf32>
    %swap3A_233 = arith.constant 4 : i32
    %swap3A_234 = arith.index_cast %swap3A_233 : i32 to index
    %swap3A_235 = arith.constant 64 : index
    %swap3A_236 = tpu.vector_load %arg9[%swap3A_234, %swap3A_235] {strides = array<i32>} : memref<5x128xf32, #tpu.memory_space<vmem>>, vector<16xf32>,
    tpu.vector_store %arg9[%swap3A_234, %swap3A_235], %broadcast_in_dim3A_232 {strides = array<i32>} : memref<5x128xf32, #tpu.memory_space<vmem>>, vector<16xf32>,
    %broadcast_in_dim3A_237 = arith.constant 0.000000e+00 : f32
    %broadcast_in_dim3A_238 = vector.broadcast %broadcast_in_dim3A_237 : f32 to vector<16xf32>
    %swap3A_239 = arith.constant 4 : i32
    %swap3A_240 = arith.index_cast %swap3A_239 : i32 to index
    %swap3A_241 = arith.constant 80 : index
    %swap3A_242 = tpu.vector_load %arg9[%swap3A_240, %swap3A_241] {strides = array<i32>} : memref<5x128xf32, #tpu.memory_space<vmem>>, vector<16xf32>,
    tpu.vector_store %arg9[%swap3A_240, %swap3A_241], %broadcast_in_dim3A_238 {strides = array<i32>} : memref<5x128xf32, #tpu.memory_space<vmem>>, vector<16xf32>,
    %broadcast_in_dim3A_243 = arith.constant 0.000000e+00 : f32
    %broadcast_in_dim3A_244 = vector.broadcast %broadcast_in_dim3A_243 : f32 to vector<16xf32>
    %swap3A_245 = arith.constant 4 : i32
    %swap3A_246 = arith.index_cast %swap3A_245 : i32 to index
    %swap3A_247 = arith.constant 96 : index
    %swap3A_248 = tpu.vector_load %arg9[%swap3A_246, %swap3A_247] {strides = array<i32>} : memref<5x128xf32, #tpu.memory_space<vmem>>, vector<16xf32>,
    tpu.vector_store %arg9[%swap3A_246, %swap3A_247], %broadcast_in_dim3A_244 {strides = array<i32>} : memref<5x128xf32, #tpu.memory_space<vmem>>, vector<16xf32>,
    %broadcast_in_dim3A_249 = arith.constant 0.000000e+00 : f32
    %broadcast_in_dim3A_250 = vector.broadcast %broadcast_in_dim3A_249 : f32 to vector<16xf32>
    %swap3A_251 = arith.constant 4 : i32
    %swap3A_252 = arith.index_cast %swap3A_251 : i32 to index
    %swap3A_253 = arith.constant 112 : index
    %swap3A_254 = tpu.vector_load %arg9[%swap3A_252, %swap3A_253] {strides = array<i32>} : memref<5x128xf32, #tpu.memory_space<vmem>>, vector<16xf32>,
    tpu.vector_store %arg9[%swap3A_252, %swap3A_253], %broadcast_in_dim3A_250 {strides = array<i32>} : memref<5x128xf32, #tpu.memory_space<vmem>>, vector<16xf32>,
    %scan3A_255 = arith.constant 0 : i32
    %scan3A_256 = arith.constant 0 : i32
    %scan3A_257 = arith.constant 16 : i32
    %scan3A_258 = arith.addi %scan3A_256, %scan3A_257 : i32
    %scan3A_259 = arith.constant 1 : i32
    %scan3A_260 = scf.for %scan3A_805 = %scan3A_256 to %scan3A_258 step %scan3A_259 iter_args(%scan3A_806 = %scan3A_255) -> (i32)  : i32 {
      "tpu.region"() ({
        %run_scoped3A = tpu.sem_alloc : memref<!tpu.dma_semaphore, #tpu.memory_space<semaphore_mem>>
        %dma_start3A_1327 = arith.constant 0 : i32
        %dma_start3A_1328 = tpu.memref_slice %arg12[%scan3A_805, %mul3A_1, %dma_start3A_1327] : memref<16x80x128xf32, #tpu.memory_space<vmem_shared>> -> memref<1x5x128xf32, #tpu.memory_space<vmem_shared>>
        %dma_start3A_1329 = tpu.memref_squeeze %dma_start3A_1328 : memref<1x5x128xf32, #tpu.memory_space<vmem_shared>> -> memref<5x128xf32, #tpu.memory_space<vmem_shared>>
        %dma_start3A_1330 = arith.constant 0 : i32
        %dma_start3A_1331 = tpu.memref_slice %arg12[%scan3A_805, %mul3A_1, %dma_start3A_1330] : memref<16x80x128xf32, #tpu.memory_space<vmem_shared>> -> memref<1x5x128xf32, #tpu.memory_space<vmem_shared>>
        %dma_start3A_1332 = tpu.memref_squeeze %dma_start3A_1331 : memref<1x5x128xf32, #tpu.memory_space<vmem_shared>> -> memref<5x128xf32, #tpu.memory_space<vmem_shared>>
        tpu.enqueue_dma source(%dma_start3A_1332 : memref<5x128xf32, #tpu.memory_space<vmem_shared>>) target(%arg10 : memref<5x128xf32, #tpu.memory_space<vmem>>) target_semaphore(%run_scoped3A : memref<!tpu.dma_semaphore, #tpu.memory_space<semaphore_mem>>)
        %dma_wait3A_1333 = arith.constant 0 : i32
        %dma_wait3A_1334 = tpu.memref_slice %arg12[%scan3A_805, %mul3A_1, %dma_wait3A_1333] : memref<16x80x128xf32, #tpu.memory_space<vmem_shared>> -> memref<1x5x128xf32, #tpu.memory_space<vmem_shared>>
        %dma_wait3A_1335 = tpu.memref_squeeze %dma_wait3A_1334 : memref<1x5x128xf32, #tpu.memory_space<vmem_shared>> -> memref<5x128xf32, #tpu.memory_space<vmem_shared>>
        %dma_wait3A_1336 = arith.constant 0 : i32
        %dma_wait3A_1337 = tpu.memref_slice %arg12[%scan3A_805, %mul3A_1, %dma_wait3A_1336] : memref<16x80x128xf32, #tpu.memory_space<vmem_shared>> -> memref<1x5x128xf32, #tpu.memory_space<vmem_shared>>
        %dma_wait3A_1338 = tpu.memref_squeeze %dma_wait3A_1337 : memref<1x5x128xf32, #tpu.memory_space<vmem_shared>> -> memref<5x128xf32, #tpu.memory_space<vmem_shared>>
        tpu.wait_dma2 semaphore(%run_scoped3A : memref<!tpu.dma_semaphore, #tpu.memory_space<semaphore_mem>>) src(%dma_wait3A_1338 : memref<5x128xf32, #tpu.memory_space<vmem_shared>>) dst(%arg10 : memref<5x128xf32, #tpu.memory_space<vmem>>)
        tpu.yield
      }) : () -> ()
      %get3A = arith.constant 0 : i32
      %get3A_807 = arith.index_cast %get3A : i32 to index
      %get3A_808 = arith.constant 0 : index
      %get3A_809 = tpu.vector_load %arg9[%get3A_807, %get3A_808] {strides = array<i32>} : memref<5x128xf32, #tpu.memory_space<vmem>>, vector<16xf32>,
      %get3A_810 = arith.constant 0 : i32
      %get3A_811 = arith.index_cast %get3A_810 : i32 to index
      %get3A_812 = arith.constant 0 : index
      %get3A_813 = tpu.vector_load %arg10[%get3A_811, %get3A_812] {strides = array<i32>} : memref<5x128xf32, #tpu.memory_space<vmem>>, vector<16xf32>,
      %add3A_814 = arith.addf %get3A_809, %get3A_813 : vector<16xf32>
      %swap3A_815 = arith.constant 0 : i32
      %swap3A_816 = arith.index_cast %swap3A_815 : i32 to index
      %swap3A_817 = arith.constant 0 : index
      %swap3A_818 = tpu.vector_load %arg9[%swap3A_816, %swap3A_817] {strides = array<i32>} : memref<5x128xf32, #tpu.memory_space<vmem>>, vector<16xf32>,
      tpu.vector_store %arg9[%swap3A_816, %swap3A_817], %add3A_814 {strides = array<i32>} : memref<5x128xf32, #tpu.memory_space<vmem>>, vector<16xf32>,
      %get3A_819 = arith.constant 0 : i32
      %get3A_820 = arith.index_cast %get3A_819 : i32 to index
      %get3A_821 = arith.constant 16 : index
      %get3A_822 = tpu.vector_load %arg9[%get3A_820, %get3A_821] {strides = array<i32>} : memref<5x128xf32, #tpu.memory_space<vmem>>, vector<16xf32>,
      %get3A_823 = arith.constant 0 : i32
      %get3A_824 = arith.index_cast %get3A_823 : i32 to index
      %get3A_825 = arith.constant 16 : index
      %get3A_826 = tpu.vector_load %arg10[%get3A_824, %get3A_825] {strides = array<i32>} : memref<5x128xf32, #tpu.memory_space<vmem>>, vector<16xf32>,
      %add3A_827 = arith.addf %get3A_822, %get3A_826 : vector<16xf32>
      %swap3A_828 = arith.constant 0 : i32
      %swap3A_829 = arith.index_cast %swap3A_828 : i32 to index
      %swap3A_830 = arith.constant 16 : index
      %swap3A_831 = tpu.vector_load %arg9[%swap3A_829, %swap3A_830] {strides = array<i32>} : memref<5x128xf32, #tpu.memory_space<vmem>>, vector<16xf32>,
      tpu.vector_store %arg9[%swap3A_829, %swap3A_830], %add3A_827 {strides = array<i32>} : memref<5x128xf32, #tpu.memory_space<vmem>>, vector<16xf32>,
      %get3A_832 = arith.constant 0 : i32
      %get3A_833 = arith.index_cast %get3A_832 : i32 to index
      %get3A_834 = arith.constant 32 : index
      %get3A_835 = tpu.vector_load %arg9[%get3A_833, %get3A_834] {strides = array<i32>} : memref<5x128xf32, #tpu.memory_space<vmem>>, vector<16xf32>,
      %get3A_836 = arith.constant 0 : i32
      %get3A_837 = arith.index_cast %get3A_836 : i32 to index
      %get3A_838 = arith.constant 32 : index
      %get3A_839 = tpu.vector_load %arg10[%get3A_837, %get3A_838] {strides = array<i32>} : memref<5x128xf32, #tpu.memory_space<vmem>>, vector<16xf32>,
      %add3A_840 = arith.addf %get3A_835, %get3A_839 : vector<16xf32>
      %swap3A_841 = arith.constant 0 : i32
      %swap3A_842 = arith.index_cast %swap3A_841 : i32 to index
      %swap3A_843 = arith.constant 32 : index
      %swap3A_844 = tpu.vector_load %arg9[%swap3A_842, %swap3A_843] {strides = array<i32>} : memref<5x128xf32, #tpu.memory_space<vmem>>, vector<16xf32>,
      tpu.vector_store %arg9[%swap3A_842, %swap3A_843], %add3A_840 {strides = array<i32>} : memref<5x128xf32, #tpu.memory_space<vmem>>, vector<16xf32>,
      %get3A_845 = arith.constant 0 : i32
      %get3A_846 = arith.index_cast %get3A_845 : i32 to index
      %get3A_847 = arith.constant 48 : index
      %get3A_848 = tpu.vector_load %arg9[%get3A_846, %get3A_847] {strides = array<i32>} : memref<5x128xf32, #tpu.memory_space<vmem>>, vector<16xf32>,
      %get3A_849 = arith.constant 0 : i32
      %get3A_850 = arith.index_cast %get3A_849 : i32 to index
      %get3A_851 = arith.constant 48 : index
      %get3A_852 = tpu.vector_load %arg10[%get3A_850, %get3A_851] {strides = array<i32>} : memref<5x128xf32, #tpu.memory_space<vmem>>, vector<16xf32>,
      %add3A_853 = arith.addf %get3A_848, %get3A_852 : vector<16xf32>
      %swap3A_854 = arith.constant 0 : i32
      %swap3A_855 = arith.index_cast %swap3A_854 : i32 to index
      %swap3A_856 = arith.constant 48 : index
      %swap3A_857 = tpu.vector_load %arg9[%swap3A_855, %swap3A_856] {strides = array<i32>} : memref<5x128xf32, #tpu.memory_space<vmem>>, vector<16xf32>,
      tpu.vector_store %arg9[%swap3A_855, %swap3A_856], %add3A_853 {strides = array<i32>} : memref<5x128xf32, #tpu.memory_space<vmem>>, vector<16xf32>,
      %get3A_858 = arith.constant 0 : i32
      %get3A_859 = arith.index_cast %get3A_858 : i32 to index
      %get3A_860 = arith.constant 64 : index
      %get3A_861 = tpu.vector_load %arg9[%get3A_859, %get3A_860] {strides = array<i32>} : memref<5x128xf32, #tpu.memory_space<vmem>>, vector<16xf32>,
      %get3A_862 = arith.constant 0 : i32
      %get3A_863 = arith.index_cast %get3A_862 : i32 to index
      %get3A_864 = arith.constant 64 : index
      %get3A_865 = tpu.vector_load %arg10[%get3A_863, %get3A_864] {strides = array<i32>} : memref<5x128xf32, #tpu.memory_space<vmem>>, vector<16xf32>,
      %add3A_866 = arith.addf %get3A_861, %get3A_865 : vector<16xf32>
      %swap3A_867 = arith.constant 0 : i32
      %swap3A_868 = arith.index_cast %swap3A_867 : i32 to index
      %swap3A_869 = arith.constant 64 : index
      %swap3A_870 = tpu.vector_load %arg9[%swap3A_868, %swap3A_869] {strides = array<i32>} : memref<5x128xf32, #tpu.memory_space<vmem>>, vector<16xf32>,
      tpu.vector_store %arg9[%swap3A_868, %swap3A_869], %add3A_866 {strides = array<i32>} : memref<5x128xf32, #tpu.memory_space<vmem>>, vector<16xf32>,
      %get3A_871 = arith.constant 0 : i32
      %get3A_872 = arith.index_cast %get3A_871 : i32 to index
      %get3A_873 = arith.constant 80 : index
      %get3A_874 = tpu.vector_load %arg9[%get3A_872, %get3A_873] {strides = array<i32>} : memref<5x128xf32, #tpu.memory_space<vmem>>, vector<16xf32>,
      %get3A_875 = arith.constant 0 : i32
      %get3A_876 = arith.index_cast %get3A_875 : i32 to index
      %get3A_877 = arith.constant 80 : index
      %get3A_878 = tpu.vector_load %arg10[%get3A_876, %get3A_877] {strides = array<i32>} : memref<5x128xf32, #tpu.memory_space<vmem>>, vector<16xf32>,
      %add3A_879 = arith.addf %get3A_874, %get3A_878 : vector<16xf32>
      %swap3A_880 = arith.constant 0 : i32
      %swap3A_881 = arith.index_cast %swap3A_880 : i32 to index
      %swap3A_882 = arith.constant 80 : index
      %swap3A_883 = tpu.vector_load %arg9[%swap3A_881, %swap3A_882] {strides = array<i32>} : memref<5x128xf32, #tpu.memory_space<vmem>>, vector<16xf32>,
      tpu.vector_store %arg9[%swap3A_881, %swap3A_882], %add3A_879 {strides = array<i32>} : memref<5x128xf32, #tpu.memory_space<vmem>>, vector<16xf32>,
      %get3A_884 = arith.constant 0 : i32
      %get3A_885 = arith.index_cast %get3A_884 : i32 to index
      %get3A_886 = arith.constant 96 : index
      %get3A_887 = tpu.vector_load %arg9[%get3A_885, %get3A_886] {strides = array<i32>} : memref<5x128xf32, #tpu.memory_space<vmem>>, vector<16xf32>,
      %get3A_888 = arith.constant 0 : i32
      %get3A_889 = arith.index_cast %get3A_888 : i32 to index
      %get3A_890 = arith.constant 96 : index
      %get3A_891 = tpu.vector_load %arg10[%get3A_889, %get3A_890] {strides = array<i32>} : memref<5x128xf32, #tpu.memory_space<vmem>>, vector<16xf32>,
      %add3A_892 = arith.addf %get3A_887, %get3A_891 : vector<16xf32>
      %swap3A_893 = arith.constant 0 : i32
      %swap3A_894 = arith.index_cast %swap3A_893 : i32 to index
      %swap3A_895 = arith.constant 96 : index
      %swap3A_896 = tpu.vector_load %arg9[%swap3A_894, %swap3A_895] {strides = array<i32>} : memref<5x128xf32, #tpu.memory_space<vmem>>, vector<16xf32>,
      tpu.vector_store %arg9[%swap3A_894, %swap3A_895], %add3A_892 {strides = array<i32>} : memref<5x128xf32, #tpu.memory_space<vmem>>, vector<16xf32>,
      %get3A_897 = arith.constant 0 : i32
      %get3A_898 = arith.index_cast %get3A_897 : i32 to index
      %get3A_899 = arith.constant 112 : index
      %get3A_900 = tpu.vector_load %arg9[%get3A_898, %get3A_899] {strides = array<i32>} : memref<5x128xf32, #tpu.memory_space<vmem>>, vector<16xf32>,
      %get3A_901 = arith.constant 0 : i32
      %get3A_902 = arith.index_cast %get3A_901 : i32 to index
      %get3A_903 = arith.constant 112 : index
      %get3A_904 = tpu.vector_load %arg10[%get3A_902, %get3A_903] {strides = array<i32>} : memref<5x128xf32, #tpu.memory_space<vmem>>, vector<16xf32>,
      %add3A_905 = arith.addf %get3A_900, %get3A_904 : vector<16xf32>
      %swap3A_906 = arith.constant 0 : i32
      %swap3A_907 = arith.index_cast %swap3A_906 : i32 to index
      %swap3A_908 = arith.constant 112 : index
      %swap3A_909 = tpu.vector_load %arg9[%swap3A_907, %swap3A_908] {strides = array<i32>} : memref<5x128xf32, #tpu.memory_space<vmem>>, vector<16xf32>,
      tpu.vector_store %arg9[%swap3A_907, %swap3A_908], %add3A_905 {strides = array<i32>} : memref<5x128xf32, #tpu.memory_space<vmem>>, vector<16xf32>,
      %get3A_910 = arith.constant 1 : i32
      %get3A_911 = arith.index_cast %get3A_910 : i32 to index
      %get3A_912 = arith.constant 0 : index
      %get3A_913 = tpu.vector_load %arg9[%get3A_911, %get3A_912] {strides = array<i32>} : memref<5x128xf32, #tpu.memory_space<vmem>>, vector<16xf32>,
      %get3A_914 = arith.constant 1 : i32
      %get3A_915 = arith.index_cast %get3A_914 : i32 to index
      %get3A_916 = arith.constant 0 : index
      %get3A_917 = tpu.vector_load %arg10[%get3A_915, %get3A_916] {strides = array<i32>} : memref<5x128xf32, #tpu.memory_space<vmem>>, vector<16xf32>,
      %add3A_918 = arith.addf %get3A_913, %get3A_917 : vector<16xf32>
      %swap3A_919 = arith.constant 1 : i32
      %swap3A_920 = arith.index_cast %swap3A_919 : i32 to index
      %swap3A_921 = arith.constant 0 : index
      %swap3A_922 = tpu.vector_load %arg9[%swap3A_920, %swap3A_921] {strides = array<i32>} : memref<5x128xf32, #tpu.memory_space<vmem>>, vector<16xf32>,
      tpu.vector_store %arg9[%swap3A_920, %swap3A_921], %add3A_918 {strides = array<i32>} : memref<5x128xf32, #tpu.memory_space<vmem>>, vector<16xf32>,
      %get3A_923 = arith.constant 1 : i32
      %get3A_924 = arith.index_cast %get3A_923 : i32 to index
      %get3A_925 = arith.constant 16 : index
      %get3A_926 = tpu.vector_load %arg9[%get3A_924, %get3A_925] {strides = array<i32>} : memref<5x128xf32, #tpu.memory_space<vmem>>, vector<16xf32>,
      %get3A_927 = arith.constant 1 : i32
      %get3A_928 = arith.index_cast %get3A_927 : i32 to index
      %get3A_929 = arith.constant 16 : index
      %get3A_930 = tpu.vector_load %arg10[%get3A_928, %get3A_929] {strides = array<i32>} : memref<5x128xf32, #tpu.memory_space<vmem>>, vector<16xf32>,
      %add3A_931 = arith.addf %get3A_926, %get3A_930 : vector<16xf32>
      %swap3A_932 = arith.constant 1 : i32
      %swap3A_933 = arith.index_cast %swap3A_932 : i32 to index
      %swap3A_934 = arith.constant 16 : index
      %swap3A_935 = tpu.vector_load %arg9[%swap3A_933, %swap3A_934] {strides = array<i32>} : memref<5x128xf32, #tpu.memory_space<vmem>>, vector<16xf32>,
      tpu.vector_store %arg9[%swap3A_933, %swap3A_934], %add3A_931 {strides = array<i32>} : memref<5x128xf32, #tpu.memory_space<vmem>>, vector<16xf32>,
      %get3A_936 = arith.constant 1 : i32
      %get3A_937 = arith.index_cast %get3A_936 : i32 to index
      %get3A_938 = arith.constant 32 : index
      %get3A_939 = tpu.vector_load %arg9[%get3A_937, %get3A_938] {strides = array<i32>} : memref<5x128xf32, #tpu.memory_space<vmem>>, vector<16xf32>,
      %get3A_940 = arith.constant 1 : i32
      %get3A_941 = arith.index_cast %get3A_940 : i32 to index
      %get3A_942 = arith.constant 32 : index
      %get3A_943 = tpu.vector_load %arg10[%get3A_941, %get3A_942] {strides = array<i32>} : memref<5x128xf32, #tpu.memory_space<vmem>>, vector<16xf32>,
      %add3A_944 = arith.addf %get3A_939, %get3A_943 : vector<16xf32>
      %swap3A_945 = arith.constant 1 : i32
      %swap3A_946 = arith.index_cast %swap3A_945 : i32 to index
      %swap3A_947 = arith.constant 32 : index
      %swap3A_948 = tpu.vector_load %arg9[%swap3A_946, %swap3A_947] {strides = array<i32>} : memref<5x128xf32, #tpu.memory_space<vmem>>, vector<16xf32>,
      tpu.vector_store %arg9[%swap3A_946, %swap3A_947], %add3A_944 {strides = array<i32>} : memref<5x128xf32, #tpu.memory_space<vmem>>, vector<16xf32>,
      %get3A_949 = arith.constant 1 : i32
      %get3A_950 = arith.index_cast %get3A_949 : i32 to index
      %get3A_951 = arith.constant 48 : index
      %get3A_952 = tpu.vector_load %arg9[%get3A_950, %get3A_951] {strides = array<i32>} : memref<5x128xf32, #tpu.memory_space<vmem>>, vector<16xf32>,
      %get3A_953 = arith.constant 1 : i32
      %get3A_954 = arith.index_cast %get3A_953 : i32 to index
      %get3A_955 = arith.constant 48 : index
      %get3A_956 = tpu.vector_load %arg10[%get3A_954, %get3A_955] {strides = array<i32>} : memref<5x128xf32, #tpu.memory_space<vmem>>, vector<16xf32>,
      %add3A_957 = arith.addf %get3A_952, %get3A_956 : vector<16xf32>
      %swap3A_958 = arith.constant 1 : i32
      %swap3A_959 = arith.index_cast %swap3A_958 : i32 to index
      %swap3A_960 = arith.constant 48 : index
      %swap3A_961 = tpu.vector_load %arg9[%swap3A_959, %swap3A_960] {strides = array<i32>} : memref<5x128xf32, #tpu.memory_space<vmem>>, vector<16xf32>,
      tpu.vector_store %arg9[%swap3A_959, %swap3A_960], %add3A_957 {strides = array<i32>} : memref<5x128xf32, #tpu.memory_space<vmem>>, vector<16xf32>,
      %get3A_962 = arith.constant 1 : i32
      %get3A_963 = arith.index_cast %get3A_962 : i32 to index
      %get3A_964 = arith.constant 64 : index
      %get3A_965 = tpu.vector_load %arg9[%get3A_963, %get3A_964] {strides = array<i32>} : memref<5x128xf32, #tpu.memory_space<vmem>>, vector<16xf32>,
      %get3A_966 = arith.constant 1 : i32
      %get3A_967 = arith.index_cast %get3A_966 : i32 to index
      %get3A_968 = arith.constant 64 : index
      %get3A_969 = tpu.vector_load %arg10[%get3A_967, %get3A_968] {strides = array<i32>} : memref<5x128xf32, #tpu.memory_space<vmem>>, vector<16xf32>,
      %add3A_970 = arith.addf %get3A_965, %get3A_969 : vector<16xf32>
      %swap3A_971 = arith.constant 1 : i32
      %swap3A_972 = arith.index_cast %swap3A_971 : i32 to index
      %swap3A_973 = arith.constant 64 : index
      %swap3A_974 = tpu.vector_load %arg9[%swap3A_972, %swap3A_973] {strides = array<i32>} : memref<5x128xf32, #tpu.memory_space<vmem>>, vector<16xf32>,
      tpu.vector_store %arg9[%swap3A_972, %swap3A_973], %add3A_970 {strides = array<i32>} : memref<5x128xf32, #tpu.memory_space<vmem>>, vector<16xf32>,
      %get3A_975 = arith.constant 1 : i32
      %get3A_976 = arith.index_cast %get3A_975 : i32 to index
      %get3A_977 = arith.constant 80 : index
      %get3A_978 = tpu.vector_load %arg9[%get3A_976, %get3A_977] {strides = array<i32>} : memref<5x128xf32, #tpu.memory_space<vmem>>, vector<16xf32>,
      %get3A_979 = arith.constant 1 : i32
      %get3A_980 = arith.index_cast %get3A_979 : i32 to index
      %get3A_981 = arith.constant 80 : index
      %get3A_982 = tpu.vector_load %arg10[%get3A_980, %get3A_981] {strides = array<i32>} : memref<5x128xf32, #tpu.memory_space<vmem>>, vector<16xf32>,
      %add3A_983 = arith.addf %get3A_978, %get3A_982 : vector<16xf32>
      %swap3A_984 = arith.constant 1 : i32
      %swap3A_985 = arith.index_cast %swap3A_984 : i32 to index
      %swap3A_986 = arith.constant 80 : index
      %swap3A_987 = tpu.vector_load %arg9[%swap3A_985, %swap3A_986] {strides = array<i32>} : memref<5x128xf32, #tpu.memory_space<vmem>>, vector<16xf32>,
      tpu.vector_store %arg9[%swap3A_985, %swap3A_986], %add3A_983 {strides = array<i32>} : memref<5x128xf32, #tpu.memory_space<vmem>>, vector<16xf32>,
      %get3A_988 = arith.constant 1 : i32
      %get3A_989 = arith.index_cast %get3A_988 : i32 to index
      %get3A_990 = arith.constant 96 : index
      %get3A_991 = tpu.vector_load %arg9[%get3A_989, %get3A_990] {strides = array<i32>} : memref<5x128xf32, #tpu.memory_space<vmem>>, vector<16xf32>,
      %get3A_992 = arith.constant 1 : i32
      %get3A_993 = arith.index_cast %get3A_992 : i32 to index
      %get3A_994 = arith.constant 96 : index
      %get3A_995 = tpu.vector_load %arg10[%get3A_993, %get3A_994] {strides = array<i32>} : memref<5x128xf32, #tpu.memory_space<vmem>>, vector<16xf32>,
      %add3A_996 = arith.addf %get3A_991, %get3A_995 : vector<16xf32>
      %swap3A_997 = arith.constant 1 : i32
      %swap3A_998 = arith.index_cast %swap3A_997 : i32 to index
      %swap3A_999 = arith.constant 96 : index
      %swap3A_1000 = tpu.vector_load %arg9[%swap3A_998, %swap3A_999] {strides = array<i32>} : memref<5x128xf32, #tpu.memory_space<vmem>>, vector<16xf32>,
      tpu.vector_store %arg9[%swap3A_998, %swap3A_999], %add3A_996 {strides = array<i32>} : memref<5x128xf32, #tpu.memory_space<vmem>>, vector<16xf32>,
      %get3A_1001 = arith.constant 1 : i32
      %get3A_1002 = arith.index_cast %get3A_1001 : i32 to index
      %get3A_1003 = arith.constant 112 : index
      %get3A_1004 = tpu.vector_load %arg9[%get3A_1002, %get3A_1003] {strides = array<i32>} : memref<5x128xf32, #tpu.memory_space<vmem>>, vector<16xf32>,
      %get3A_1005 = arith.constant 1 : i32
      %get3A_1006 = arith.index_cast %get3A_1005 : i32 to index
      %get3A_1007 = arith.constant 112 : index
      %get3A_1008 = tpu.vector_load %arg10[%get3A_1006, %get3A_1007] {strides = array<i32>} : memref<5x128xf32, #tpu.memory_space<vmem>>, vector<16xf32>,
      %add3A_1009 = arith.addf %get3A_1004, %get3A_1008 : vector<16xf32>
      %swap3A_1010 = arith.constant 1 : i32
      %swap3A_1011 = arith.index_cast %swap3A_1010 : i32 to index
      %swap3A_1012 = arith.constant 112 : index
      %swap3A_1013 = tpu.vector_load %arg9[%swap3A_1011, %swap3A_1012] {strides = array<i32>} : memref<5x128xf32, #tpu.memory_space<vmem>>, vector<16xf32>,
      tpu.vector_store %arg9[%swap3A_1011, %swap3A_1012], %add3A_1009 {strides = array<i32>} : memref<5x128xf32, #tpu.memory_space<vmem>>, vector<16xf32>,
      %get3A_1014 = arith.constant 2 : i32
      %get3A_1015 = arith.index_cast %get3A_1014 : i32 to index
      %get3A_1016 = arith.constant 0 : index
      %get3A_1017 = tpu.vector_load %arg9[%get3A_1015, %get3A_1016] {strides = array<i32>} : memref<5x128xf32, #tpu.memory_space<vmem>>, vector<16xf32>,
      %get3A_1018 = arith.constant 2 : i32
      %get3A_1019 = arith.index_cast %get3A_1018 : i32 to index
      %get3A_1020 = arith.constant 0 : index
      %get3A_1021 = tpu.vector_load %arg10[%get3A_1019, %get3A_1020] {strides = array<i32>} : memref<5x128xf32, #tpu.memory_space<vmem>>, vector<16xf32>,
      %add3A_1022 = arith.addf %get3A_1017, %get3A_1021 : vector<16xf32>
      %swap3A_1023 = arith.constant 2 : i32
      %swap3A_1024 = arith.index_cast %swap3A_1023 : i32 to index
      %swap3A_1025 = arith.constant 0 : index
      %swap3A_1026 = tpu.vector_load %arg9[%swap3A_1024, %swap3A_1025] {strides = array<i32>} : memref<5x128xf32, #tpu.memory_space<vmem>>, vector<16xf32>,
      tpu.vector_store %arg9[%swap3A_1024, %swap3A_1025], %add3A_1022 {strides = array<i32>} : memref<5x128xf32, #tpu.memory_space<vmem>>, vector<16xf32>,
      %get3A_1027 = arith.constant 2 : i32
      %get3A_1028 = arith.index_cast %get3A_1027 : i32 to index
      %get3A_1029 = arith.constant 16 : index
      %get3A_1030 = tpu.vector_load %arg9[%get3A_1028, %get3A_1029] {strides = array<i32>} : memref<5x128xf32, #tpu.memory_space<vmem>>, vector<16xf32>,
      %get3A_1031 = arith.constant 2 : i32
      %get3A_1032 = arith.index_cast %get3A_1031 : i32 to index
      %get3A_1033 = arith.constant 16 : index
      %get3A_1034 = tpu.vector_load %arg10[%get3A_1032, %get3A_1033] {strides = array<i32>} : memref<5x128xf32, #tpu.memory_space<vmem>>, vector<16xf32>,
      %add3A_1035 = arith.addf %get3A_1030, %get3A_1034 : vector<16xf32>
      %swap3A_1036 = arith.constant 2 : i32
      %swap3A_1037 = arith.index_cast %swap3A_1036 : i32 to index
      %swap3A_1038 = arith.constant 16 : index
      %swap3A_1039 = tpu.vector_load %arg9[%swap3A_1037, %swap3A_1038] {strides = array<i32>} : memref<5x128xf32, #tpu.memory_space<vmem>>, vector<16xf32>,
      tpu.vector_store %arg9[%swap3A_1037, %swap3A_1038], %add3A_1035 {strides = array<i32>} : memref<5x128xf32, #tpu.memory_space<vmem>>, vector<16xf32>,
      %get3A_1040 = arith.constant 2 : i32
      %get3A_1041 = arith.index_cast %get3A_1040 : i32 to index
      %get3A_1042 = arith.constant 32 : index
      %get3A_1043 = tpu.vector_load %arg9[%get3A_1041, %get3A_1042] {strides = array<i32>} : memref<5x128xf32, #tpu.memory_space<vmem>>, vector<16xf32>,
      %get3A_1044 = arith.constant 2 : i32
      %get3A_1045 = arith.index_cast %get3A_1044 : i32 to index
      %get3A_1046 = arith.constant 32 : index
      %get3A_1047 = tpu.vector_load %arg10[%get3A_1045, %get3A_1046] {strides = array<i32>} : memref<5x128xf32, #tpu.memory_space<vmem>>, vector<16xf32>,
      %add3A_1048 = arith.addf %get3A_1043, %get3A_1047 : vector<16xf32>
      %swap3A_1049 = arith.constant 2 : i32
      %swap3A_1050 = arith.index_cast %swap3A_1049 : i32 to index
      %swap3A_1051 = arith.constant 32 : index
      %swap3A_1052 = tpu.vector_load %arg9[%swap3A_1050, %swap3A_1051] {strides = array<i32>} : memref<5x128xf32, #tpu.memory_space<vmem>>, vector<16xf32>,
      tpu.vector_store %arg9[%swap3A_1050, %swap3A_1051], %add3A_1048 {strides = array<i32>} : memref<5x128xf32, #tpu.memory_space<vmem>>, vector<16xf32>,
      %get3A_1053 = arith.constant 2 : i32
      %get3A_1054 = arith.index_cast %get3A_1053 : i32 to index
      %get3A_1055 = arith.constant 48 : index
      %get3A_1056 = tpu.vector_load %arg9[%get3A_1054, %get3A_1055] {strides = array<i32>} : memref<5x128xf32, #tpu.memory_space<vmem>>, vector<16xf32>,
      %get3A_1057 = arith.constant 2 : i32
      %get3A_1058 = arith.index_cast %get3A_1057 : i32 to index
      %get3A_1059 = arith.constant 48 : index
      %get3A_1060 = tpu.vector_load %arg10[%get3A_1058, %get3A_1059] {strides = array<i32>} : memref<5x128xf32, #tpu.memory_space<vmem>>, vector<16xf32>,
      %add3A_1061 = arith.addf %get3A_1056, %get3A_1060 : vector<16xf32>
      %swap3A_1062 = arith.constant 2 : i32
      %swap3A_1063 = arith.index_cast %swap3A_1062 : i32 to index
      %swap3A_1064 = arith.constant 48 : index
      %swap3A_1065 = tpu.vector_load %arg9[%swap3A_1063, %swap3A_1064] {strides = array<i32>} : memref<5x128xf32, #tpu.memory_space<vmem>>, vector<16xf32>,
      tpu.vector_store %arg9[%swap3A_1063, %swap3A_1064], %add3A_1061 {strides = array<i32>} : memref<5x128xf32, #tpu.memory_space<vmem>>, vector<16xf32>,
      %get3A_1066 = arith.constant 2 : i32
      %get3A_1067 = arith.index_cast %get3A_1066 : i32 to index
      %get3A_1068 = arith.constant 64 : index
      %get3A_1069 = tpu.vector_load %arg9[%get3A_1067, %get3A_1068] {strides = array<i32>} : memref<5x128xf32, #tpu.memory_space<vmem>>, vector<16xf32>,
      %get3A_1070 = arith.constant 2 : i32
      %get3A_1071 = arith.index_cast %get3A_1070 : i32 to index
      %get3A_1072 = arith.constant 64 : index
      %get3A_1073 = tpu.vector_load %arg10[%get3A_1071, %get3A_1072] {strides = array<i32>} : memref<5x128xf32, #tpu.memory_space<vmem>>, vector<16xf32>,
      %add3A_1074 = arith.addf %get3A_1069, %get3A_1073 : vector<16xf32>
      %swap3A_1075 = arith.constant 2 : i32
      %swap3A_1076 = arith.index_cast %swap3A_1075 : i32 to index
      %swap3A_1077 = arith.constant 64 : index
      %swap3A_1078 = tpu.vector_load %arg9[%swap3A_1076, %swap3A_1077] {strides = array<i32>} : memref<5x128xf32, #tpu.memory_space<vmem>>, vector<16xf32>,
      tpu.vector_store %arg9[%swap3A_1076, %swap3A_1077], %add3A_1074 {strides = array<i32>} : memref<5x128xf32, #tpu.memory_space<vmem>>, vector<16xf32>,
      %get3A_1079 = arith.constant 2 : i32
      %get3A_1080 = arith.index_cast %get3A_1079 : i32 to index
      %get3A_1081 = arith.constant 80 : index
      %get3A_1082 = tpu.vector_load %arg9[%get3A_1080, %get3A_1081] {strides = array<i32>} : memref<5x128xf32, #tpu.memory_space<vmem>>, vector<16xf32>,
      %get3A_1083 = arith.constant 2 : i32
      %get3A_1084 = arith.index_cast %get3A_1083 : i32 to index
      %get3A_1085 = arith.constant 80 : index
      %get3A_1086 = tpu.vector_load %arg10[%get3A_1084, %get3A_1085] {strides = array<i32>} : memref<5x128xf32, #tpu.memory_space<vmem>>, vector<16xf32>,
      %add3A_1087 = arith.addf %get3A_1082, %get3A_1086 : vector<16xf32>
      %swap3A_1088 = arith.constant 2 : i32
      %swap3A_1089 = arith.index_cast %swap3A_1088 : i32 to index
      %swap3A_1090 = arith.constant 80 : index
      %swap3A_1091 = tpu.vector_load %arg9[%swap3A_1089, %swap3A_1090] {strides = array<i32>} : memref<5x128xf32, #tpu.memory_space<vmem>>, vector<16xf32>,
      tpu.vector_store %arg9[%swap3A_1089, %swap3A_1090], %add3A_1087 {strides = array<i32>} : memref<5x128xf32, #tpu.memory_space<vmem>>, vector<16xf32>,
      %get3A_1092 = arith.constant 2 : i32
      %get3A_1093 = arith.index_cast %get3A_1092 : i32 to index
      %get3A_1094 = arith.constant 96 : index
      %get3A_1095 = tpu.vector_load %arg9[%get3A_1093, %get3A_1094] {strides = array<i32>} : memref<5x128xf32, #tpu.memory_space<vmem>>, vector<16xf32>,
      %get3A_1096 = arith.constant 2 : i32
      %get3A_1097 = arith.index_cast %get3A_1096 : i32 to index
      %get3A_1098 = arith.constant 96 : index
      %get3A_1099 = tpu.vector_load %arg10[%get3A_1097, %get3A_1098] {strides = array<i32>} : memref<5x128xf32, #tpu.memory_space<vmem>>, vector<16xf32>,
      %add3A_1100 = arith.addf %get3A_1095, %get3A_1099 : vector<16xf32>
      %swap3A_1101 = arith.constant 2 : i32
      %swap3A_1102 = arith.index_cast %swap3A_1101 : i32 to index
      %swap3A_1103 = arith.constant 96 : index
      %swap3A_1104 = tpu.vector_load %arg9[%swap3A_1102, %swap3A_1103] {strides = array<i32>} : memref<5x128xf32, #tpu.memory_space<vmem>>, vector<16xf32>,
      tpu.vector_store %arg9[%swap3A_1102, %swap3A_1103], %add3A_1100 {strides = array<i32>} : memref<5x128xf32, #tpu.memory_space<vmem>>, vector<16xf32>,
      %get3A_1105 = arith.constant 2 : i32
      %get3A_1106 = arith.index_cast %get3A_1105 : i32 to index
      %get3A_1107 = arith.constant 112 : index
      %get3A_1108 = tpu.vector_load %arg9[%get3A_1106, %get3A_1107] {strides = array<i32>} : memref<5x128xf32, #tpu.memory_space<vmem>>, vector<16xf32>,
      %get3A_1109 = arith.constant 2 : i32
      %get3A_1110 = arith.index_cast %get3A_1109 : i32 to index
      %get3A_1111 = arith.constant 112 : index
      %get3A_1112 = tpu.vector_load %arg10[%get3A_1110, %get3A_1111] {strides = array<i32>} : memref<5x128xf32, #tpu.memory_space<vmem>>, vector<16xf32>,
      %add3A_1113 = arith.addf %get3A_1108, %get3A_1112 : vector<16xf32>
      %swap3A_1114 = arith.constant 2 : i32
      %swap3A_1115 = arith.index_cast %swap3A_1114 : i32 to index
      %swap3A_1116 = arith.constant 112 : index
      %swap3A_1117 = tpu.vector_load %arg9[%swap3A_1115, %swap3A_1116] {strides = array<i32>} : memref<5x128xf32, #tpu.memory_space<vmem>>, vector<16xf32>,
      tpu.vector_store %arg9[%swap3A_1115, %swap3A_1116], %add3A_1113 {strides = array<i32>} : memref<5x128xf32, #tpu.memory_space<vmem>>, vector<16xf32>,
      %get3A_1118 = arith.constant 3 : i32
      %get3A_1119 = arith.index_cast %get3A_1118 : i32 to index
      %get3A_1120 = arith.constant 0 : index
      %get3A_1121 = tpu.vector_load %arg9[%get3A_1119, %get3A_1120] {strides = array<i32>} : memref<5x128xf32, #tpu.memory_space<vmem>>, vector<16xf32>,
      %get3A_1122 = arith.constant 3 : i32
      %get3A_1123 = arith.index_cast %get3A_1122 : i32 to index
      %get3A_1124 = arith.constant 0 : index
      %get3A_1125 = tpu.vector_load %arg10[%get3A_1123, %get3A_1124] {strides = array<i32>} : memref<5x128xf32, #tpu.memory_space<vmem>>, vector<16xf32>,
      %add3A_1126 = arith.addf %get3A_1121, %get3A_1125 : vector<16xf32>
      %swap3A_1127 = arith.constant 3 : i32
      %swap3A_1128 = arith.index_cast %swap3A_1127 : i32 to index
      %swap3A_1129 = arith.constant 0 : index
      %swap3A_1130 = tpu.vector_load %arg9[%swap3A_1128, %swap3A_1129] {strides = array<i32>} : memref<5x128xf32, #tpu.memory_space<vmem>>, vector<16xf32>,
      tpu.vector_store %arg9[%swap3A_1128, %swap3A_1129], %add3A_1126 {strides = array<i32>} : memref<5x128xf32, #tpu.memory_space<vmem>>, vector<16xf32>,
      %get3A_1131 = arith.constant 3 : i32
      %get3A_1132 = arith.index_cast %get3A_1131 : i32 to index
      %get3A_1133 = arith.constant 16 : index
      %get3A_1134 = tpu.vector_load %arg9[%get3A_1132, %get3A_1133] {strides = array<i32>} : memref<5x128xf32, #tpu.memory_space<vmem>>, vector<16xf32>,
      %get3A_1135 = arith.constant 3 : i32
      %get3A_1136 = arith.index_cast %get3A_1135 : i32 to index
      %get3A_1137 = arith.constant 16 : index
      %get3A_1138 = tpu.vector_load %arg10[%get3A_1136, %get3A_1137] {strides = array<i32>} : memref<5x128xf32, #tpu.memory_space<vmem>>, vector<16xf32>,
      %add3A_1139 = arith.addf %get3A_1134, %get3A_1138 : vector<16xf32>
      %swap3A_1140 = arith.constant 3 : i32
      %swap3A_1141 = arith.index_cast %swap3A_1140 : i32 to index
      %swap3A_1142 = arith.constant 16 : index
      %swap3A_1143 = tpu.vector_load %arg9[%swap3A_1141, %swap3A_1142] {strides = array<i32>} : memref<5x128xf32, #tpu.memory_space<vmem>>, vector<16xf32>,
      tpu.vector_store %arg9[%swap3A_1141, %swap3A_1142], %add3A_1139 {strides = array<i32>} : memref<5x128xf32, #tpu.memory_space<vmem>>, vector<16xf32>,
      %get3A_1144 = arith.constant 3 : i32
      %get3A_1145 = arith.index_cast %get3A_1144 : i32 to index
      %get3A_1146 = arith.constant 32 : index
      %get3A_1147 = tpu.vector_load %arg9[%get3A_1145, %get3A_1146] {strides = array<i32>} : memref<5x128xf32, #tpu.memory_space<vmem>>, vector<16xf32>,
      %get3A_1148 = arith.constant 3 : i32
      %get3A_1149 = arith.index_cast %get3A_1148 : i32 to index
      %get3A_1150 = arith.constant 32 : index
      %get3A_1151 = tpu.vector_load %arg10[%get3A_1149, %get3A_1150] {strides = array<i32>} : memref<5x128xf32, #tpu.memory_space<vmem>>, vector<16xf32>,
      %add3A_1152 = arith.addf %get3A_1147, %get3A_1151 : vector<16xf32>
      %swap3A_1153 = arith.constant 3 : i32
      %swap3A_1154 = arith.index_cast %swap3A_1153 : i32 to index
      %swap3A_1155 = arith.constant 32 : index
      %swap3A_1156 = tpu.vector_load %arg9[%swap3A_1154, %swap3A_1155] {strides = array<i32>} : memref<5x128xf32, #tpu.memory_space<vmem>>, vector<16xf32>,
      tpu.vector_store %arg9[%swap3A_1154, %swap3A_1155], %add3A_1152 {strides = array<i32>} : memref<5x128xf32, #tpu.memory_space<vmem>>, vector<16xf32>,
      %get3A_1157 = arith.constant 3 : i32
      %get3A_1158 = arith.index_cast %get3A_1157 : i32 to index
      %get3A_1159 = arith.constant 48 : index
      %get3A_1160 = tpu.vector_load %arg9[%get3A_1158, %get3A_1159] {strides = array<i32>} : memref<5x128xf32, #tpu.memory_space<vmem>>, vector<16xf32>,
      %get3A_1161 = arith.constant 3 : i32
      %get3A_1162 = arith.index_cast %get3A_1161 : i32 to index
      %get3A_1163 = arith.constant 48 : index
      %get3A_1164 = tpu.vector_load %arg10[%get3A_1162, %get3A_1163] {strides = array<i32>} : memref<5x128xf32, #tpu.memory_space<vmem>>, vector<16xf32>,
      %add3A_1165 = arith.addf %get3A_1160, %get3A_1164 : vector<16xf32>
      %swap3A_1166 = arith.constant 3 : i32
      %swap3A_1167 = arith.index_cast %swap3A_1166 : i32 to index
      %swap3A_1168 = arith.constant 48 : index
      %swap3A_1169 = tpu.vector_load %arg9[%swap3A_1167, %swap3A_1168] {strides = array<i32>} : memref<5x128xf32, #tpu.memory_space<vmem>>, vector<16xf32>,
      tpu.vector_store %arg9[%swap3A_1167, %swap3A_1168], %add3A_1165 {strides = array<i32>} : memref<5x128xf32, #tpu.memory_space<vmem>>, vector<16xf32>,
      %get3A_1170 = arith.constant 3 : i32
      %get3A_1171 = arith.index_cast %get3A_1170 : i32 to index
      %get3A_1172 = arith.constant 64 : index
      %get3A_1173 = tpu.vector_load %arg9[%get3A_1171, %get3A_1172] {strides = array<i32>} : memref<5x128xf32, #tpu.memory_space<vmem>>, vector<16xf32>,
      %get3A_1174 = arith.constant 3 : i32
      %get3A_1175 = arith.index_cast %get3A_1174 : i32 to index
      %get3A_1176 = arith.constant 64 : index
      %get3A_1177 = tpu.vector_load %arg10[%get3A_1175, %get3A_1176] {strides = array<i32>} : memref<5x128xf32, #tpu.memory_space<vmem>>, vector<16xf32>,
      %add3A_1178 = arith.addf %get3A_1173, %get3A_1177 : vector<16xf32>
      %swap3A_1179 = arith.constant 3 : i32
      %swap3A_1180 = arith.index_cast %swap3A_1179 : i32 to index
      %swap3A_1181 = arith.constant 64 : index
      %swap3A_1182 = tpu.vector_load %arg9[%swap3A_1180, %swap3A_1181] {strides = array<i32>} : memref<5x128xf32, #tpu.memory_space<vmem>>, vector<16xf32>,
      tpu.vector_store %arg9[%swap3A_1180, %swap3A_1181], %add3A_1178 {strides = array<i32>} : memref<5x128xf32, #tpu.memory_space<vmem>>, vector<16xf32>,
      %get3A_1183 = arith.constant 3 : i32
      %get3A_1184 = arith.index_cast %get3A_1183 : i32 to index
      %get3A_1185 = arith.constant 80 : index
      %get3A_1186 = tpu.vector_load %arg9[%get3A_1184, %get3A_1185] {strides = array<i32>} : memref<5x128xf32, #tpu.memory_space<vmem>>, vector<16xf32>,
      %get3A_1187 = arith.constant 3 : i32
      %get3A_1188 = arith.index_cast %get3A_1187 : i32 to index
      %get3A_1189 = arith.constant 80 : index
      %get3A_1190 = tpu.vector_load %arg10[%get3A_1188, %get3A_1189] {strides = array<i32>} : memref<5x128xf32, #tpu.memory_space<vmem>>, vector<16xf32>,
      %add3A_1191 = arith.addf %get3A_1186, %get3A_1190 : vector<16xf32>
      %swap3A_1192 = arith.constant 3 : i32
      %swap3A_1193 = arith.index_cast %swap3A_1192 : i32 to index
      %swap3A_1194 = arith.constant 80 : index
      %swap3A_1195 = tpu.vector_load %arg9[%swap3A_1193, %swap3A_1194] {strides = array<i32>} : memref<5x128xf32, #tpu.memory_space<vmem>>, vector<16xf32>,
      tpu.vector_store %arg9[%swap3A_1193, %swap3A_1194], %add3A_1191 {strides = array<i32>} : memref<5x128xf32, #tpu.memory_space<vmem>>, vector<16xf32>,
      %get3A_1196 = arith.constant 3 : i32
      %get3A_1197 = arith.index_cast %get3A_1196 : i32 to index
      %get3A_1198 = arith.constant 96 : index
      %get3A_1199 = tpu.vector_load %arg9[%get3A_1197, %get3A_1198] {strides = array<i32>} : memref<5x128xf32, #tpu.memory_space<vmem>>, vector<16xf32>,
      %get3A_1200 = arith.constant 3 : i32
      %get3A_1201 = arith.index_cast %get3A_1200 : i32 to index
      %get3A_1202 = arith.constant 96 : index
      %get3A_1203 = tpu.vector_load %arg10[%get3A_1201, %get3A_1202] {strides = array<i32>} : memref<5x128xf32, #tpu.memory_space<vmem>>, vector<16xf32>,
      %add3A_1204 = arith.addf %get3A_1199, %get3A_1203 : vector<16xf32>
      %swap3A_1205 = arith.constant 3 : i32
      %swap3A_1206 = arith.index_cast %swap3A_1205 : i32 to index
      %swap3A_1207 = arith.constant 96 : index
      %swap3A_1208 = tpu.vector_load %arg9[%swap3A_1206, %swap3A_1207] {strides = array<i32>} : memref<5x128xf32, #tpu.memory_space<vmem>>, vector<16xf32>,
      tpu.vector_store %arg9[%swap3A_1206, %swap3A_1207], %add3A_1204 {strides = array<i32>} : memref<5x128xf32, #tpu.memory_space<vmem>>, vector<16xf32>,
      %get3A_1209 = arith.constant 3 : i32
      %get3A_1210 = arith.index_cast %get3A_1209 : i32 to index
      %get3A_1211 = arith.constant 112 : index
      %get3A_1212 = tpu.vector_load %arg9[%get3A_1210, %get3A_1211] {strides = array<i32>} : memref<5x128xf32, #tpu.memory_space<vmem>>, vector<16xf32>,
      %get3A_1213 = arith.constant 3 : i32
      %get3A_1214 = arith.index_cast %get3A_1213 : i32 to index
      %get3A_1215 = arith.constant 112 : index
      %get3A_1216 = tpu.vector_load %arg10[%get3A_1214, %get3A_1215] {strides = array<i32>} : memref<5x128xf32, #tpu.memory_space<vmem>>, vector<16xf32>,
      %add3A_1217 = arith.addf %get3A_1212, %get3A_1216 : vector<16xf32>
      %swap3A_1218 = arith.constant 3 : i32
      %swap3A_1219 = arith.index_cast %swap3A_1218 : i32 to index
      %swap3A_1220 = arith.constant 112 : index
      %swap3A_1221 = tpu.vector_load %arg9[%swap3A_1219, %swap3A_1220] {strides = array<i32>} : memref<5x128xf32, #tpu.memory_space<vmem>>, vector<16xf32>,
      tpu.vector_store %arg9[%swap3A_1219, %swap3A_1220], %add3A_1217 {strides = array<i32>} : memref<5x128xf32, #tpu.memory_space<vmem>>, vector<16xf32>,
      %get3A_1222 = arith.constant 4 : i32
      %get3A_1223 = arith.index_cast %get3A_1222 : i32 to index
      %get3A_1224 = arith.constant 0 : index
      %get3A_1225 = tpu.vector_load %arg9[%get3A_1223, %get3A_1224] {strides = array<i32>} : memref<5x128xf32, #tpu.memory_space<vmem>>, vector<16xf32>,
      %get3A_1226 = arith.constant 4 : i32
      %get3A_1227 = arith.index_cast %get3A_1226 : i32 to index
      %get3A_1228 = arith.constant 0 : index
      %get3A_1229 = tpu.vector_load %arg10[%get3A_1227, %get3A_1228] {strides = array<i32>} : memref<5x128xf32, #tpu.memory_space<vmem>>, vector<16xf32>,
      %add3A_1230 = arith.addf %get3A_1225, %get3A_1229 : vector<16xf32>
      %swap3A_1231 = arith.constant 4 : i32
      %swap3A_1232 = arith.index_cast %swap3A_1231 : i32 to index
      %swap3A_1233 = arith.constant 0 : index
      %swap3A_1234 = tpu.vector_load %arg9[%swap3A_1232, %swap3A_1233] {strides = array<i32>} : memref<5x128xf32, #tpu.memory_space<vmem>>, vector<16xf32>,
      tpu.vector_store %arg9[%swap3A_1232, %swap3A_1233], %add3A_1230 {strides = array<i32>} : memref<5x128xf32, #tpu.memory_space<vmem>>, vector<16xf32>,
      %get3A_1235 = arith.constant 4 : i32
      %get3A_1236 = arith.index_cast %get3A_1235 : i32 to index
      %get3A_1237 = arith.constant 16 : index
      %get3A_1238 = tpu.vector_load %arg9[%get3A_1236, %get3A_1237] {strides = array<i32>} : memref<5x128xf32, #tpu.memory_space<vmem>>, vector<16xf32>,
      %get3A_1239 = arith.constant 4 : i32
      %get3A_1240 = arith.index_cast %get3A_1239 : i32 to index
      %get3A_1241 = arith.constant 16 : index
      %get3A_1242 = tpu.vector_load %arg10[%get3A_1240, %get3A_1241] {strides = array<i32>} : memref<5x128xf32, #tpu.memory_space<vmem>>, vector<16xf32>,
      %add3A_1243 = arith.addf %get3A_1238, %get3A_1242 : vector<16xf32>
      %swap3A_1244 = arith.constant 4 : i32
      %swap3A_1245 = arith.index_cast %swap3A_1244 : i32 to index
      %swap3A_1246 = arith.constant 16 : index
      %swap3A_1247 = tpu.vector_load %arg9[%swap3A_1245, %swap3A_1246] {strides = array<i32>} : memref<5x128xf32, #tpu.memory_space<vmem>>, vector<16xf32>,
      tpu.vector_store %arg9[%swap3A_1245, %swap3A_1246], %add3A_1243 {strides = array<i32>} : memref<5x128xf32, #tpu.memory_space<vmem>>, vector<16xf32>,
      %get3A_1248 = arith.constant 4 : i32
      %get3A_1249 = arith.index_cast %get3A_1248 : i32 to index
      %get3A_1250 = arith.constant 32 : index
      %get3A_1251 = tpu.vector_load %arg9[%get3A_1249, %get3A_1250] {strides = array<i32>} : memref<5x128xf32, #tpu.memory_space<vmem>>, vector<16xf32>,
      %get3A_1252 = arith.constant 4 : i32
      %get3A_1253 = arith.index_cast %get3A_1252 : i32 to index
      %get3A_1254 = arith.constant 32 : index
      %get3A_1255 = tpu.vector_load %arg10[%get3A_1253, %get3A_1254] {strides = array<i32>} : memref<5x128xf32, #tpu.memory_space<vmem>>, vector<16xf32>,
      %add3A_1256 = arith.addf %get3A_1251, %get3A_1255 : vector<16xf32>
      %swap3A_1257 = arith.constant 4 : i32
      %swap3A_1258 = arith.index_cast %swap3A_1257 : i32 to index
      %swap3A_1259 = arith.constant 32 : index
      %swap3A_1260 = tpu.vector_load %arg9[%swap3A_1258, %swap3A_1259] {strides = array<i32>} : memref<5x128xf32, #tpu.memory_space<vmem>>, vector<16xf32>,
      tpu.vector_store %arg9[%swap3A_1258, %swap3A_1259], %add3A_1256 {strides = array<i32>} : memref<5x128xf32, #tpu.memory_space<vmem>>, vector<16xf32>,
      %get3A_1261 = arith.constant 4 : i32
      %get3A_1262 = arith.index_cast %get3A_1261 : i32 to index
      %get3A_1263 = arith.constant 48 : index
      %get3A_1264 = tpu.vector_load %arg9[%get3A_1262, %get3A_1263] {strides = array<i32>} : memref<5x128xf32, #tpu.memory_space<vmem>>, vector<16xf32>,
      %get3A_1265 = arith.constant 4 : i32
      %get3A_1266 = arith.index_cast %get3A_1265 : i32 to index
      %get3A_1267 = arith.constant 48 : index
      %get3A_1268 = tpu.vector_load %arg10[%get3A_1266, %get3A_1267] {strides = array<i32>} : memref<5x128xf32, #tpu.memory_space<vmem>>, vector<16xf32>,
      %add3A_1269 = arith.addf %get3A_1264, %get3A_1268 : vector<16xf32>
      %swap3A_1270 = arith.constant 4 : i32
      %swap3A_1271 = arith.index_cast %swap3A_1270 : i32 to index
      %swap3A_1272 = arith.constant 48 : index
      %swap3A_1273 = tpu.vector_load %arg9[%swap3A_1271, %swap3A_1272] {strides = array<i32>} : memref<5x128xf32, #tpu.memory_space<vmem>>, vector<16xf32>,
      tpu.vector_store %arg9[%swap3A_1271, %swap3A_1272], %add3A_1269 {strides = array<i32>} : memref<5x128xf32, #tpu.memory_space<vmem>>, vector<16xf32>,
      %get3A_1274 = arith.constant 4 : i32
      %get3A_1275 = arith.index_cast %get3A_1274 : i32 to index
      %get3A_1276 = arith.constant 64 : index
      %get3A_1277 = tpu.vector_load %arg9[%get3A_1275, %get3A_1276] {strides = array<i32>} : memref<5x128xf32, #tpu.memory_space<vmem>>, vector<16xf32>,
      %get3A_1278 = arith.constant 4 : i32
      %get3A_1279 = arith.index_cast %get3A_1278 : i32 to index
      %get3A_1280 = arith.constant 64 : index
      %get3A_1281 = tpu.vector_load %arg10[%get3A_1279, %get3A_1280] {strides = array<i32>} : memref<5x128xf32, #tpu.memory_space<vmem>>, vector<16xf32>,
      %add3A_1282 = arith.addf %get3A_1277, %get3A_1281 : vector<16xf32>
      %swap3A_1283 = arith.constant 4 : i32
      %swap3A_1284 = arith.index_cast %swap3A_1283 : i32 to index
      %swap3A_1285 = arith.constant 64 : index
      %swap3A_1286 = tpu.vector_load %arg9[%swap3A_1284, %swap3A_1285] {strides = array<i32>} : memref<5x128xf32, #tpu.memory_space<vmem>>, vector<16xf32>,
      tpu.vector_store %arg9[%swap3A_1284, %swap3A_1285], %add3A_1282 {strides = array<i32>} : memref<5x128xf32, #tpu.memory_space<vmem>>, vector<16xf32>,
      %get3A_1287 = arith.constant 4 : i32
      %get3A_1288 = arith.index_cast %get3A_1287 : i32 to index
      %get3A_1289 = arith.constant 80 : index
      %get3A_1290 = tpu.vector_load %arg9[%get3A_1288, %get3A_1289] {strides = array<i32>} : memref<5x128xf32, #tpu.memory_space<vmem>>, vector<16xf32>,
      %get3A_1291 = arith.constant 4 : i32
      %get3A_1292 = arith.index_cast %get3A_1291 : i32 to index
      %get3A_1293 = arith.constant 80 : index
      %get3A_1294 = tpu.vector_load %arg10[%get3A_1292, %get3A_1293] {strides = array<i32>} : memref<5x128xf32, #tpu.memory_space<vmem>>, vector<16xf32>,
      %add3A_1295 = arith.addf %get3A_1290, %get3A_1294 : vector<16xf32>
      %swap3A_1296 = arith.constant 4 : i32
      %swap3A_1297 = arith.index_cast %swap3A_1296 : i32 to index
      %swap3A_1298 = arith.constant 80 : index
      %swap3A_1299 = tpu.vector_load %arg9[%swap3A_1297, %swap3A_1298] {strides = array<i32>} : memref<5x128xf32, #tpu.memory_space<vmem>>, vector<16xf32>,
      tpu.vector_store %arg9[%swap3A_1297, %swap3A_1298], %add3A_1295 {strides = array<i32>} : memref<5x128xf32, #tpu.memory_space<vmem>>, vector<16xf32>,
      %get3A_1300 = arith.constant 4 : i32
      %get3A_1301 = arith.index_cast %get3A_1300 : i32 to index
      %get3A_1302 = arith.constant 96 : index
      %get3A_1303 = tpu.vector_load %arg9[%get3A_1301, %get3A_1302] {strides = array<i32>} : memref<5x128xf32, #tpu.memory_space<vmem>>, vector<16xf32>,
      %get3A_1304 = arith.constant 4 : i32
      %get3A_1305 = arith.index_cast %get3A_1304 : i32 to index
      %get3A_1306 = arith.constant 96 : index
      %get3A_1307 = tpu.vector_load %arg10[%get3A_1305, %get3A_1306] {strides = array<i32>} : memref<5x128xf32, #tpu.memory_space<vmem>>, vector<16xf32>,
      %add3A_1308 = arith.addf %get3A_1303, %get3A_1307 : vector<16xf32>
      %swap3A_1309 = arith.constant 4 : i32
      %swap3A_1310 = arith.index_cast %swap3A_1309 : i32 to index
      %swap3A_1311 = arith.constant 96 : index
      %swap3A_1312 = tpu.vector_load %arg9[%swap3A_1310, %swap3A_1311] {strides = array<i32>} : memref<5x128xf32, #tpu.memory_space<vmem>>, vector<16xf32>,
      tpu.vector_store %arg9[%swap3A_1310, %swap3A_1311], %add3A_1308 {strides = array<i32>} : memref<5x128xf32, #tpu.memory_space<vmem>>, vector<16xf32>,
      %get3A_1313 = arith.constant 4 : i32
      %get3A_1314 = arith.index_cast %get3A_1313 : i32 to index
      %get3A_1315 = arith.constant 112 : index
      %get3A_1316 = tpu.vector_load %arg9[%get3A_1314, %get3A_1315] {strides = array<i32>} : memref<5x128xf32, #tpu.memory_space<vmem>>, vector<16xf32>,
      %get3A_1317 = arith.constant 4 : i32
      %get3A_1318 = arith.index_cast %get3A_1317 : i32 to index
      %get3A_1319 = arith.constant 112 : index
      %get3A_1320 = tpu.vector_load %arg10[%get3A_1318, %get3A_1319] {strides = array<i32>} : memref<5x128xf32, #tpu.memory_space<vmem>>, vector<16xf32>,
      %add3A_1321 = arith.addf %get3A_1316, %get3A_1320 : vector<16xf32>
      %swap3A_1322 = arith.constant 4 : i32
      %swap3A_1323 = arith.index_cast %swap3A_1322 : i32 to index
      %swap3A_1324 = arith.constant 112 : index
      %swap3A_1325 = tpu.vector_load %arg9[%swap3A_1323, %swap3A_1324] {strides = array<i32>} : memref<5x128xf32, #tpu.memory_space<vmem>>, vector<16xf32>,
      tpu.vector_store %arg9[%swap3A_1323, %swap3A_1324], %add3A_1321 {strides = array<i32>} : memref<5x128xf32, #tpu.memory_space<vmem>>, vector<16xf32>,
      %scan3A_1326 = arith.constant 0 : i32
      scf.yield %scan3A_1326 : i32
    }
    %scan3A_261 = arith.constant 16 : i32
    "tpu.region"() ({
      %run_scoped3A = tpu.sem_alloc : memref<!tpu.dma_semaphore, #tpu.memory_space<semaphore_mem>>
      %dma_start3A_805 = arith.constant 0 : i32
      %dma_start3A_806 = tpu.memref_slice %arg13[%mul3A_1, %dma_start3A_805] : memref<80x128xf32, #tpu.memory_space<vmem_shared>> -> memref<5x128xf32, #tpu.memory_space<vmem_shared>>
      %dma_start3A_807 = arith.constant 0 : i32
      %dma_start3A_808 = tpu.memref_slice %arg13[%mul3A_1, %dma_start3A_807] : memref<80x128xf32, #tpu.memory_space<vmem_shared>> -> memref<5x128xf32, #tpu.memory_space<vmem_shared>>
      tpu.enqueue_dma source(%arg9 : memref<5x128xf32, #tpu.memory_space<vmem>>) target(%dma_start3A_808 : memref<5x128xf32, #tpu.memory_space<vmem_shared>>) target_semaphore(%run_scoped3A : memref<!tpu.dma_semaphore, #tpu.memory_space<semaphore_mem>>)
      %dma_wait3A_809 = arith.constant 0 : i32
      %dma_wait3A_810 = tpu.memref_slice %arg13[%mul3A_1, %dma_wait3A_809] : memref<80x128xf32, #tpu.memory_space<vmem_shared>> -> memref<5x128xf32, #tpu.memory_space<vmem_shared>>
      %dma_wait3A_811 = arith.constant 0 : i32
      %dma_wait3A_812 = tpu.memref_slice %arg13[%mul3A_1, %dma_wait3A_811] : memref<80x128xf32, #tpu.memory_space<vmem_shared>> -> memref<5x128xf32, #tpu.memory_space<vmem_shared>>
      tpu.wait_dma2 semaphore(%run_scoped3A : memref<!tpu.dma_semaphore, #tpu.memory_space<semaphore_mem>>) src(%arg9 : memref<5x128xf32, #tpu.memory_space<vmem>>) dst(%dma_wait3A_812 : memref<5x128xf32, #tpu.memory_space<vmem_shared>>)
      tpu.yield
    }) : () -> ()
    %barrier3A_262 = arith.constant 0 : index
    tpu.barrier barrier_id(%barrier3A_262)
    "tpu.region"() ({
      %run_scoped3A = tpu.sem_alloc : memref<!tpu.dma_semaphore, #tpu.memory_space<semaphore_mem>>
      tpu.enqueue_dma source(%arg13 : memref<80x128xf32, #tpu.memory_space<vmem_shared>>) target(%arg7 : memref<80x128xf32, #tpu.memory_space<vmem>>) target_semaphore(%run_scoped3A : memref<!tpu.dma_semaphore, #tpu.memory_space<semaphore_mem>>)
      tpu.wait_dma2 semaphore(%run_scoped3A : memref<!tpu.dma_semaphore, #tpu.memory_space<semaphore_mem>>) src(%arg13 : memref<80x128xf32, #tpu.memory_space<vmem_shared>>) dst(%arg7 : memref<80x128xf32, #tpu.memory_space<vmem>>)
      tpu.yield
    }) : () -> ()
    %barrier3A_263 = arith.constant 0 : index
    tpu.barrier barrier_id(%barrier3A_263)
    %scan3A_264 = arith.constant 0 : i32
    %scan3A_265 = arith.constant 0 : i32
    %scan3A_266 = arith.constant 80 : i32
    %scan3A_267 = arith.addi %scan3A_265, %scan3A_266 : i32
    %scan3A_268 = arith.constant 1 : i32
    %scan3A_269 = scf.for %scan3A_805 = %scan3A_265 to %scan3A_267 step %scan3A_268 iter_args(%scan3A_806 = %scan3A_264) -> (i32)  : i32 {
      %get3A = arith.index_cast %scan3A_805 : i32 to index
      %get3A_807 = arith.constant 0 : index
      %get3A_808 = tpu.vector_load %arg7[%get3A, %get3A_807] {strides = array<i32>} : memref<80x128xf32, #tpu.memory_space<vmem>>, vector<16xf32>,
      %max3A = arith.constant 1.000000e+00 : f32
      %max3A_809 = vector.broadcast %max3A : f32 to vector<16xf32>
      %max3A_810 = arith.maximumf %get3A_808, %max3A_809 : vector<16xf32>
      %div3A = arith.constant 1.000000e+00 : f32
      %div3A_811 = vector.broadcast %div3A : f32 to vector<16xf32>
      %div3A_812 = arith.divf %div3A_811, %max3A_810 : vector<16xf32>
      %swap3A_813 = arith.index_cast %scan3A_805 : i32 to index
      %swap3A_814 = arith.constant 0 : index
      %swap3A_815 = tpu.vector_load %arg7[%swap3A_813, %swap3A_814] {strides = array<i32>} : memref<80x128xf32, #tpu.memory_space<vmem>>, vector<16xf32>,
      tpu.vector_store %arg7[%swap3A_813, %swap3A_814], %div3A_812 {strides = array<i32>} : memref<80x128xf32, #tpu.memory_space<vmem>>, vector<16xf32>,
      %get3A_816 = arith.index_cast %scan3A_805 : i32 to index
      %get3A_817 = arith.constant 16 : index
      %get3A_818 = tpu.vector_load %arg7[%get3A_816, %get3A_817] {strides = array<i32>} : memref<80x128xf32, #tpu.memory_space<vmem>>, vector<16xf32>,
      %max3A_819 = arith.constant 1.000000e+00 : f32
      %max3A_820 = vector.broadcast %max3A_819 : f32 to vector<16xf32>
      %max3A_821 = arith.maximumf %get3A_818, %max3A_820 : vector<16xf32>
      %div3A_822 = arith.constant 1.000000e+00 : f32
      %div3A_823 = vector.broadcast %div3A_822 : f32 to vector<16xf32>
      %div3A_824 = arith.divf %div3A_823, %max3A_821 : vector<16xf32>
      %swap3A_825 = arith.index_cast %scan3A_805 : i32 to index
      %swap3A_826 = arith.constant 16 : index
      %swap3A_827 = tpu.vector_load %arg7[%swap3A_825, %swap3A_826] {strides = array<i32>} : memref<80x128xf32, #tpu.memory_space<vmem>>, vector<16xf32>,
      tpu.vector_store %arg7[%swap3A_825, %swap3A_826], %div3A_824 {strides = array<i32>} : memref<80x128xf32, #tpu.memory_space<vmem>>, vector<16xf32>,
      %get3A_828 = arith.index_cast %scan3A_805 : i32 to index
      %get3A_829 = arith.constant 32 : index
      %get3A_830 = tpu.vector_load %arg7[%get3A_828, %get3A_829] {strides = array<i32>} : memref<80x128xf32, #tpu.memory_space<vmem>>, vector<16xf32>,
      %max3A_831 = arith.constant 1.000000e+00 : f32
      %max3A_832 = vector.broadcast %max3A_831 : f32 to vector<16xf32>
      %max3A_833 = arith.maximumf %get3A_830, %max3A_832 : vector<16xf32>
      %div3A_834 = arith.constant 1.000000e+00 : f32
      %div3A_835 = vector.broadcast %div3A_834 : f32 to vector<16xf32>
      %div3A_836 = arith.divf %div3A_835, %max3A_833 : vector<16xf32>
      %swap3A_837 = arith.index_cast %scan3A_805 : i32 to index
      %swap3A_838 = arith.constant 32 : index
      %swap3A_839 = tpu.vector_load %arg7[%swap3A_837, %swap3A_838] {strides = array<i32>} : memref<80x128xf32, #tpu.memory_space<vmem>>, vector<16xf32>,
      tpu.vector_store %arg7[%swap3A_837, %swap3A_838], %div3A_836 {strides = array<i32>} : memref<80x128xf32, #tpu.memory_space<vmem>>, vector<16xf32>,
      %get3A_840 = arith.index_cast %scan3A_805 : i32 to index
      %get3A_841 = arith.constant 48 : index
      %get3A_842 = tpu.vector_load %arg7[%get3A_840, %get3A_841] {strides = array<i32>} : memref<80x128xf32, #tpu.memory_space<vmem>>, vector<16xf32>,
      %max3A_843 = arith.constant 1.000000e+00 : f32
      %max3A_844 = vector.broadcast %max3A_843 : f32 to vector<16xf32>
      %max3A_845 = arith.maximumf %get3A_842, %max3A_844 : vector<16xf32>
      %div3A_846 = arith.constant 1.000000e+00 : f32
      %div3A_847 = vector.broadcast %div3A_846 : f32 to vector<16xf32>
      %div3A_848 = arith.divf %div3A_847, %max3A_845 : vector<16xf32>
      %swap3A_849 = arith.index_cast %scan3A_805 : i32 to index
      %swap3A_850 = arith.constant 48 : index
      %swap3A_851 = tpu.vector_load %arg7[%swap3A_849, %swap3A_850] {strides = array<i32>} : memref<80x128xf32, #tpu.memory_space<vmem>>, vector<16xf32>,
      tpu.vector_store %arg7[%swap3A_849, %swap3A_850], %div3A_848 {strides = array<i32>} : memref<80x128xf32, #tpu.memory_space<vmem>>, vector<16xf32>,
      %get3A_852 = arith.index_cast %scan3A_805 : i32 to index
      %get3A_853 = arith.constant 64 : index
      %get3A_854 = tpu.vector_load %arg7[%get3A_852, %get3A_853] {strides = array<i32>} : memref<80x128xf32, #tpu.memory_space<vmem>>, vector<16xf32>,
      %max3A_855 = arith.constant 1.000000e+00 : f32
      %max3A_856 = vector.broadcast %max3A_855 : f32 to vector<16xf32>
      %max3A_857 = arith.maximumf %get3A_854, %max3A_856 : vector<16xf32>
      %div3A_858 = arith.constant 1.000000e+00 : f32
      %div3A_859 = vector.broadcast %div3A_858 : f32 to vector<16xf32>
      %div3A_860 = arith.divf %div3A_859, %max3A_857 : vector<16xf32>
      %swap3A_861 = arith.index_cast %scan3A_805 : i32 to index
      %swap3A_862 = arith.constant 64 : index
      %swap3A_863 = tpu.vector_load %arg7[%swap3A_861, %swap3A_862] {strides = array<i32>} : memref<80x128xf32, #tpu.memory_space<vmem>>, vector<16xf32>,
      tpu.vector_store %arg7[%swap3A_861, %swap3A_862], %div3A_860 {strides = array<i32>} : memref<80x128xf32, #tpu.memory_space<vmem>>, vector<16xf32>,
      %get3A_864 = arith.index_cast %scan3A_805 : i32 to index
      %get3A_865 = arith.constant 80 : index
      %get3A_866 = tpu.vector_load %arg7[%get3A_864, %get3A_865] {strides = array<i32>} : memref<80x128xf32, #tpu.memory_space<vmem>>, vector<16xf32>,
      %max3A_867 = arith.constant 1.000000e+00 : f32
      %max3A_868 = vector.broadcast %max3A_867 : f32 to vector<16xf32>
      %max3A_869 = arith.maximumf %get3A_866, %max3A_868 : vector<16xf32>
      %div3A_870 = arith.constant 1.000000e+00 : f32
      %div3A_871 = vector.broadcast %div3A_870 : f32 to vector<16xf32>
      %div3A_872 = arith.divf %div3A_871, %max3A_869 : vector<16xf32>
      %swap3A_873 = arith.index_cast %scan3A_805 : i32 to index
      %swap3A_874 = arith.constant 80 : index
      %swap3A_875 = tpu.vector_load %arg7[%swap3A_873, %swap3A_874] {strides = array<i32>} : memref<80x128xf32, #tpu.memory_space<vmem>>, vector<16xf32>,
      tpu.vector_store %arg7[%swap3A_873, %swap3A_874], %div3A_872 {strides = array<i32>} : memref<80x128xf32, #tpu.memory_space<vmem>>, vector<16xf32>,
      %get3A_876 = arith.index_cast %scan3A_805 : i32 to index
      %get3A_877 = arith.constant 96 : index
      %get3A_878 = tpu.vector_load %arg7[%get3A_876, %get3A_877] {strides = array<i32>} : memref<80x128xf32, #tpu.memory_space<vmem>>, vector<16xf32>,
      %max3A_879 = arith.constant 1.000000e+00 : f32
      %max3A_880 = vector.broadcast %max3A_879 : f32 to vector<16xf32>
      %max3A_881 = arith.maximumf %get3A_878, %max3A_880 : vector<16xf32>
      %div3A_882 = arith.constant 1.000000e+00 : f32
      %div3A_883 = vector.broadcast %div3A_882 : f32 to vector<16xf32>
      %div3A_884 = arith.divf %div3A_883, %max3A_881 : vector<16xf32>
      %swap3A_885 = arith.index_cast %scan3A_805 : i32 to index
      %swap3A_886 = arith.constant 96 : index
      %swap3A_887 = tpu.vector_load %arg7[%swap3A_885, %swap3A_886] {strides = array<i32>} : memref<80x128xf32, #tpu.memory_space<vmem>>, vector<16xf32>,
      tpu.vector_store %arg7[%swap3A_885, %swap3A_886], %div3A_884 {strides = array<i32>} : memref<80x128xf32, #tpu.memory_space<vmem>>, vector<16xf32>,
      %get3A_888 = arith.index_cast %scan3A_805 : i32 to index
      %get3A_889 = arith.constant 112 : index
      %get3A_890 = tpu.vector_load %arg7[%get3A_888, %get3A_889] {strides = array<i32>} : memref<80x128xf32, #tpu.memory_space<vmem>>, vector<16xf32>,
      %max3A_891 = arith.constant 1.000000e+00 : f32
      %max3A_892 = vector.broadcast %max3A_891 : f32 to vector<16xf32>
      %max3A_893 = arith.maximumf %get3A_890, %max3A_892 : vector<16xf32>
      %div3A_894 = arith.constant 1.000000e+00 : f32
      %div3A_895 = vector.broadcast %div3A_894 : f32 to vector<16xf32>
      %div3A_896 = arith.divf %div3A_895, %max3A_893 : vector<16xf32>
      %swap3A_897 = arith.index_cast %scan3A_805 : i32 to index
      %swap3A_898 = arith.constant 112 : index
      %swap3A_899 = tpu.vector_load %arg7[%swap3A_897, %swap3A_898] {strides = array<i32>} : memref<80x128xf32, #tpu.memory_space<vmem>>, vector<16xf32>,
      tpu.vector_store %arg7[%swap3A_897, %swap3A_898], %div3A_896 {strides = array<i32>} : memref<80x128xf32, #tpu.memory_space<vmem>>, vector<16xf32>,
      %scan3A_900 = arith.constant 0 : i32
      scf.yield %scan3A_900 : i32
    }
    %scan3A_270 = arith.constant 80 : i32
    %scan3A_271 = arith.constant 0 : i32
    %scan3A_272 = arith.constant 0 : i32
    %scan3A_273 = arith.constant 80 : i32
    %scan3A_274 = arith.addi %scan3A_272, %scan3A_273 : i32
    %scan3A_275 = arith.constant 1 : i32
    %scan3A_276 = scf.for %scan3A_805 = %scan3A_272 to %scan3A_274 step %scan3A_275 iter_args(%scan3A_806 = %scan3A_271) -> (i32)  : i32 {
      %get3A = arith.index_cast %scan3A_805 : i32 to index
      %get3A_807 = arith.constant 0 : index
      %get3A_808 = tpu.vector_load %arg6[%get3A, %get3A_807] {strides = array<i32>} : memref<80x128xf32, #tpu.memory_space<vmem>>, vector<16xf32>,
      %broadcast_in_dim3A_809 = arith.constant 0.000000e+00 : f32
      %broadcast_in_dim3A_810 = vector.broadcast %broadcast_in_dim3A_809 : f32 to vector<16xf32>
      %swap3A_811 = arith.index_cast %scan3A_805 : i32 to index
      %swap3A_812 = arith.constant 0 : index
      %swap3A_813 = tpu.vector_load %arg6[%swap3A_811, %swap3A_812] {strides = array<i32>} : memref<80x128xf32, #tpu.memory_space<vmem>>, vector<16xf32>,
      tpu.vector_store %arg6[%swap3A_811, %swap3A_812], %broadcast_in_dim3A_810 {strides = array<i32>} : memref<80x128xf32, #tpu.memory_space<vmem>>, vector<16xf32>,
      %get3A_814 = arith.index_cast %scan3A_805 : i32 to index
      %get3A_815 = arith.constant 16 : index
      %get3A_816 = tpu.vector_load %arg6[%get3A_814, %get3A_815] {strides = array<i32>} : memref<80x128xf32, #tpu.memory_space<vmem>>, vector<16xf32>,
      %broadcast_in_dim3A_817 = arith.constant 0.000000e+00 : f32
      %broadcast_in_dim3A_818 = vector.broadcast %broadcast_in_dim3A_817 : f32 to vector<16xf32>
      %swap3A_819 = arith.index_cast %scan3A_805 : i32 to index
      %swap3A_820 = arith.constant 16 : index
      %swap3A_821 = tpu.vector_load %arg6[%swap3A_819, %swap3A_820] {strides = array<i32>} : memref<80x128xf32, #tpu.memory_space<vmem>>, vector<16xf32>,
      tpu.vector_store %arg6[%swap3A_819, %swap3A_820], %broadcast_in_dim3A_818 {strides = array<i32>} : memref<80x128xf32, #tpu.memory_space<vmem>>, vector<16xf32>,
      %get3A_822 = arith.index_cast %scan3A_805 : i32 to index
      %get3A_823 = arith.constant 32 : index
      %get3A_824 = tpu.vector_load %arg6[%get3A_822, %get3A_823] {strides = array<i32>} : memref<80x128xf32, #tpu.memory_space<vmem>>, vector<16xf32>,
      %broadcast_in_dim3A_825 = arith.constant 0.000000e+00 : f32
      %broadcast_in_dim3A_826 = vector.broadcast %broadcast_in_dim3A_825 : f32 to vector<16xf32>
      %swap3A_827 = arith.index_cast %scan3A_805 : i32 to index
      %swap3A_828 = arith.constant 32 : index
      %swap3A_829 = tpu.vector_load %arg6[%swap3A_827, %swap3A_828] {strides = array<i32>} : memref<80x128xf32, #tpu.memory_space<vmem>>, vector<16xf32>,
      tpu.vector_store %arg6[%swap3A_827, %swap3A_828], %broadcast_in_dim3A_826 {strides = array<i32>} : memref<80x128xf32, #tpu.memory_space<vmem>>, vector<16xf32>,
      %get3A_830 = arith.index_cast %scan3A_805 : i32 to index
      %get3A_831 = arith.constant 48 : index
      %get3A_832 = tpu.vector_load %arg6[%get3A_830, %get3A_831] {strides = array<i32>} : memref<80x128xf32, #tpu.memory_space<vmem>>, vector<16xf32>,
      %broadcast_in_dim3A_833 = arith.constant 0.000000e+00 : f32
      %broadcast_in_dim3A_834 = vector.broadcast %broadcast_in_dim3A_833 : f32 to vector<16xf32>
      %swap3A_835 = arith.index_cast %scan3A_805 : i32 to index
      %swap3A_836 = arith.constant 48 : index
      %swap3A_837 = tpu.vector_load %arg6[%swap3A_835, %swap3A_836] {strides = array<i32>} : memref<80x128xf32, #tpu.memory_space<vmem>>, vector<16xf32>,
      tpu.vector_store %arg6[%swap3A_835, %swap3A_836], %broadcast_in_dim3A_834 {strides = array<i32>} : memref<80x128xf32, #tpu.memory_space<vmem>>, vector<16xf32>,
      %get3A_838 = arith.index_cast %scan3A_805 : i32 to index
      %get3A_839 = arith.constant 64 : index
      %get3A_840 = tpu.vector_load %arg6[%get3A_838, %get3A_839] {strides = array<i32>} : memref<80x128xf32, #tpu.memory_space<vmem>>, vector<16xf32>,
      %broadcast_in_dim3A_841 = arith.constant 0.000000e+00 : f32
      %broadcast_in_dim3A_842 = vector.broadcast %broadcast_in_dim3A_841 : f32 to vector<16xf32>
      %swap3A_843 = arith.index_cast %scan3A_805 : i32 to index
      %swap3A_844 = arith.constant 64 : index
      %swap3A_845 = tpu.vector_load %arg6[%swap3A_843, %swap3A_844] {strides = array<i32>} : memref<80x128xf32, #tpu.memory_space<vmem>>, vector<16xf32>,
      tpu.vector_store %arg6[%swap3A_843, %swap3A_844], %broadcast_in_dim3A_842 {strides = array<i32>} : memref<80x128xf32, #tpu.memory_space<vmem>>, vector<16xf32>,
      %get3A_846 = arith.index_cast %scan3A_805 : i32 to index
      %get3A_847 = arith.constant 80 : index
      %get3A_848 = tpu.vector_load %arg6[%get3A_846, %get3A_847] {strides = array<i32>} : memref<80x128xf32, #tpu.memory_space<vmem>>, vector<16xf32>,
      %broadcast_in_dim3A_849 = arith.constant 0.000000e+00 : f32
      %broadcast_in_dim3A_850 = vector.broadcast %broadcast_in_dim3A_849 : f32 to vector<16xf32>
      %swap3A_851 = arith.index_cast %scan3A_805 : i32 to index
      %swap3A_852 = arith.constant 80 : index
      %swap3A_853 = tpu.vector_load %arg6[%swap3A_851, %swap3A_852] {strides = array<i32>} : memref<80x128xf32, #tpu.memory_space<vmem>>, vector<16xf32>,
      tpu.vector_store %arg6[%swap3A_851, %swap3A_852], %broadcast_in_dim3A_850 {strides = array<i32>} : memref<80x128xf32, #tpu.memory_space<vmem>>, vector<16xf32>,
      %get3A_854 = arith.index_cast %scan3A_805 : i32 to index
      %get3A_855 = arith.constant 96 : index
      %get3A_856 = tpu.vector_load %arg6[%get3A_854, %get3A_855] {strides = array<i32>} : memref<80x128xf32, #tpu.memory_space<vmem>>, vector<16xf32>,
      %broadcast_in_dim3A_857 = arith.constant 0.000000e+00 : f32
      %broadcast_in_dim3A_858 = vector.broadcast %broadcast_in_dim3A_857 : f32 to vector<16xf32>
      %swap3A_859 = arith.index_cast %scan3A_805 : i32 to index
      %swap3A_860 = arith.constant 96 : index
      %swap3A_861 = tpu.vector_load %arg6[%swap3A_859, %swap3A_860] {strides = array<i32>} : memref<80x128xf32, #tpu.memory_space<vmem>>, vector<16xf32>,
      tpu.vector_store %arg6[%swap3A_859, %swap3A_860], %broadcast_in_dim3A_858 {strides = array<i32>} : memref<80x128xf32, #tpu.memory_space<vmem>>, vector<16xf32>,
      %get3A_862 = arith.index_cast %scan3A_805 : i32 to index
      %get3A_863 = arith.constant 112 : index
      %get3A_864 = tpu.vector_load %arg6[%get3A_862, %get3A_863] {strides = array<i32>} : memref<80x128xf32, #tpu.memory_space<vmem>>, vector<16xf32>,
      %broadcast_in_dim3A_865 = arith.constant 0.000000e+00 : f32
      %broadcast_in_dim3A_866 = vector.broadcast %broadcast_in_dim3A_865 : f32 to vector<16xf32>
      %swap3A_867 = arith.index_cast %scan3A_805 : i32 to index
      %swap3A_868 = arith.constant 112 : index
      %swap3A_869 = tpu.vector_load %arg6[%swap3A_867, %swap3A_868] {strides = array<i32>} : memref<80x128xf32, #tpu.memory_space<vmem>>, vector<16xf32>,
      tpu.vector_store %arg6[%swap3A_867, %swap3A_868], %broadcast_in_dim3A_866 {strides = array<i32>} : memref<80x128xf32, #tpu.memory_space<vmem>>, vector<16xf32>,
      %scan3A_870 = arith.constant 0 : i32
      scf.yield %scan3A_870 : i32
    }
    %scan3A_277 = arith.constant 80 : i32
    %dma_wait3A = tpu.memref_slice %arg2[%mul3A_3] : memref<640000xi32, #tpu.memory_space<hbm>> -> memref<20000xi32, #tpu.memory_space<hbm>>
    %dma_wait3A_278 = tpu.memref_slice %arg2[%mul3A_3] : memref<640000xi32, #tpu.memory_space<hbm>> -> memref<20000xi32, #tpu.memory_space<hbm>>
    tpu.wait_dma2 semaphore(%arg11 : memref<!tpu.dma_semaphore, #tpu.memory_space<semaphore_mem>>) src(%dma_wait3A_278 : memref<20000xi32, #tpu.memory_space<hbm>>) dst(%arg4 : memref<20000xi32, #tpu.memory_space<vmem>>)
    %parallel_loop3A_279 = arith.constant 0 : i32
    %parallel_loop3A_280 = arith.constant 1250 : i32
    %parallel_loop3A_281 = arith.constant 1 : i32
    scf.for %parallel_loop3A_805 = %parallel_loop3A_279 to %parallel_loop3A_280 step %parallel_loop3A_281  : i32 {
      %parallel_loop3A_806 = arith.constant 16 : i32
      %parallel_loop3A_807 = arith.muli %parallel_loop3A_805, %parallel_loop3A_806 : i32
      %parallel_loop3A_808 = arith.index_cast %parallel_loop3A_807 : i32 to index
      %parallel_loop3A_809 = tpu.vector_load %arg5[%parallel_loop3A_808] {strides = array<i32>} : memref<20000xi32, #tpu.memory_space<vmem>>, vector<16xi32>,
      %parallel_loop3A_810 = arith.constant 16 : i32
      %parallel_loop3A_811 = arith.muli %parallel_loop3A_805, %parallel_loop3A_810 : i32
      %parallel_loop3A_812 = arith.index_cast %parallel_loop3A_811 : i32 to index
      %parallel_loop3A_813 = tpu.vector_load %arg4[%parallel_loop3A_812] {strides = array<i32>} : memref<20000xi32, #tpu.memory_space<vmem>>, vector<16xi32>,
      %parallel_loop3A_814 = arith.constant 7 : i32
      %parallel_loop3A_815 = vector.broadcast %parallel_loop3A_814 : i32 to vector<16xi32>
      %parallel_loop3A_816 = arith.shrui %parallel_loop3A_809, %parallel_loop3A_815 : vector<16xi32>
      %parallel_loop3A_817 = arith.constant 127 : i32
      %parallel_loop3A_818 = vector.broadcast %parallel_loop3A_817 : i32 to vector<16xi32>
      %parallel_loop3A_819 = arith.andi %parallel_loop3A_809, %parallel_loop3A_818 : vector<16xi32>
      %parallel_loop3A_820 = tpu.vector_load_idx %arg7[%parallel_loop3A_816, %parallel_loop3A_819] : memref<80x128xf32, #tpu.memory_space<vmem>>[vector<16xi32>, vector<16xi32>], vector<16xf32>,
      %parallel_loop3A_821 = arith.constant 7 : i32
      %parallel_loop3A_822 = vector.broadcast %parallel_loop3A_821 : i32 to vector<16xi32>
      %parallel_loop3A_823 = arith.shrui %parallel_loop3A_813, %parallel_loop3A_822 : vector<16xi32>
      %parallel_loop3A_824 = arith.constant 127 : i32
      %parallel_loop3A_825 = vector.broadcast %parallel_loop3A_824 : i32 to vector<16xi32>
      %parallel_loop3A_826 = arith.andi %parallel_loop3A_813, %parallel_loop3A_825 : vector<16xi32>
      tpu.vector_store_idx %arg6[%parallel_loop3A_823, %parallel_loop3A_826], %parallel_loop3A_820 {add = true} : memref<80x128xf32, #tpu.memory_space<vmem>>[vector<16xi32>, vector<16xi32>], vector<16xf32>,
    } {sc.loop_unroll_factor = 4 : i64, sc.parallel_access}
    "tpu.region"() ({
      %run_scoped3A = tpu.sem_alloc : memref<!tpu.dma_semaphore, #tpu.memory_space<semaphore_mem>>
      %dma_start3A_805 = arith.constant 0 : i32
      %dma_start3A_806 = arith.constant 0 : i32
      %dma_start3A_807 = tpu.memref_slice %arg12[%arg1, %dma_start3A_805, %dma_start3A_806] : memref<16x80x128xf32, #tpu.memory_space<vmem_shared>> -> memref<1x80x128xf32, #tpu.memory_space<vmem_shared>>
      %dma_start3A_808 = tpu.memref_squeeze %dma_start3A_807 : memref<1x80x128xf32, #tpu.memory_space<vmem_shared>> -> memref<80x128xf32, #tpu.memory_space<vmem_shared>>
      %dma_start3A_809 = arith.constant 0 : i32
      %dma_start3A_810 = arith.constant 0 : i32
      %dma_start3A_811 = tpu.memref_slice %arg12[%arg1, %dma_start3A_809, %dma_start3A_810] : memref<16x80x128xf32, #tpu.memory_space<vmem_shared>> -> memref<1x80x128xf32, #tpu.memory_space<vmem_shared>>
      %dma_start3A_812 = tpu.memref_squeeze %dma_start3A_811 : memref<1x80x128xf32, #tpu.memory_space<vmem_shared>> -> memref<80x128xf32, #tpu.memory_space<vmem_shared>>
      tpu.enqueue_dma source(%arg6 : memref<80x128xf32, #tpu.memory_space<vmem>>) target(%dma_start3A_812 : memref<80x128xf32, #tpu.memory_space<vmem_shared>>) target_semaphore(%run_scoped3A : memref<!tpu.dma_semaphore, #tpu.memory_space<semaphore_mem>>)
      %dma_wait3A_813 = arith.constant 0 : i32
      %dma_wait3A_814 = arith.constant 0 : i32
      %dma_wait3A_815 = tpu.memref_slice %arg12[%arg1, %dma_wait3A_813, %dma_wait3A_814] : memref<16x80x128xf32, #tpu.memory_space<vmem_shared>> -> memref<1x80x128xf32, #tpu.memory_space<vmem_shared>>
      %dma_wait3A_816 = tpu.memref_squeeze %dma_wait3A_815 : memref<1x80x128xf32, #tpu.memory_space<vmem_shared>> -> memref<80x128xf32, #tpu.memory_space<vmem_shared>>
      %dma_wait3A_817 = arith.constant 0 : i32
      %dma_wait3A_818 = arith.constant 0 : i32
      %dma_wait3A_819 = tpu.memref_slice %arg12[%arg1, %dma_wait3A_817, %dma_wait3A_818] : memref<16x80x128xf32, #tpu.memory_space<vmem_shared>> -> memref<1x80x128xf32, #tpu.memory_space<vmem_shared>>
      %dma_wait3A_820 = tpu.memref_squeeze %dma_wait3A_819 : memref<1x80x128xf32, #tpu.memory_space<vmem_shared>> -> memref<80x128xf32, #tpu.memory_space<vmem_shared>>
      tpu.wait_dma2 semaphore(%run_scoped3A : memref<!tpu.dma_semaphore, #tpu.memory_space<semaphore_mem>>) src(%arg6 : memref<80x128xf32, #tpu.memory_space<vmem>>) dst(%dma_wait3A_820 : memref<80x128xf32, #tpu.memory_space<vmem_shared>>)
      tpu.yield
    }) : () -> ()
    %barrier3A_282 = arith.constant 0 : index
    tpu.barrier barrier_id(%barrier3A_282)
    %broadcast_in_dim3A_283 = arith.constant 0.000000e+00 : f32
    %broadcast_in_dim3A_284 = vector.broadcast %broadcast_in_dim3A_283 : f32 to vector<16xf32>
    %swap3A_285 = arith.constant 0 : i32
    %swap3A_286 = arith.index_cast %swap3A_285 : i32 to index
    %swap3A_287 = arith.constant 0 : index
    %swap3A_288 = tpu.vector_load %arg9[%swap3A_286, %swap3A_287] {strides = array<i32>} : memref<5x128xf32, #tpu.memory_space<vmem>>, vector<16xf32>,
    tpu.vector_store %arg9[%swap3A_286, %swap3A_287], %broadcast_in_dim3A_284 {strides = array<i32>} : memref<5x128xf32, #tpu.memory_space<vmem>>, vector<16xf32>,
    %broadcast_in_dim3A_289 = arith.constant 0.000000e+00 : f32
    %broadcast_in_dim3A_290 = vector.broadcast %broadcast_in_dim3A_289 : f32 to vector<16xf32>
    %swap3A_291 = arith.constant 0 : i32
    %swap3A_292 = arith.index_cast %swap3A_291 : i32 to index
    %swap3A_293 = arith.constant 16 : index
    %swap3A_294 = tpu.vector_load %arg9[%swap3A_292, %swap3A_293] {strides = array<i32>} : memref<5x128xf32, #tpu.memory_space<vmem>>, vector<16xf32>,
    tpu.vector_store %arg9[%swap3A_292, %swap3A_293], %broadcast_in_dim3A_290 {strides = array<i32>} : memref<5x128xf32, #tpu.memory_space<vmem>>, vector<16xf32>,
    %broadcast_in_dim3A_295 = arith.constant 0.000000e+00 : f32
    %broadcast_in_dim3A_296 = vector.broadcast %broadcast_in_dim3A_295 : f32 to vector<16xf32>
    %swap3A_297 = arith.constant 0 : i32
    %swap3A_298 = arith.index_cast %swap3A_297 : i32 to index
    %swap3A_299 = arith.constant 32 : index
    %swap3A_300 = tpu.vector_load %arg9[%swap3A_298, %swap3A_299] {strides = array<i32>} : memref<5x128xf32, #tpu.memory_space<vmem>>, vector<16xf32>,
    tpu.vector_store %arg9[%swap3A_298, %swap3A_299], %broadcast_in_dim3A_296 {strides = array<i32>} : memref<5x128xf32, #tpu.memory_space<vmem>>, vector<16xf32>,
    %broadcast_in_dim3A_301 = arith.constant 0.000000e+00 : f32
    %broadcast_in_dim3A_302 = vector.broadcast %broadcast_in_dim3A_301 : f32 to vector<16xf32>
    %swap3A_303 = arith.constant 0 : i32
    %swap3A_304 = arith.index_cast %swap3A_303 : i32 to index
    %swap3A_305 = arith.constant 48 : index
    %swap3A_306 = tpu.vector_load %arg9[%swap3A_304, %swap3A_305] {strides = array<i32>} : memref<5x128xf32, #tpu.memory_space<vmem>>, vector<16xf32>,
    tpu.vector_store %arg9[%swap3A_304, %swap3A_305], %broadcast_in_dim3A_302 {strides = array<i32>} : memref<5x128xf32, #tpu.memory_space<vmem>>, vector<16xf32>,
    %broadcast_in_dim3A_307 = arith.constant 0.000000e+00 : f32
    %broadcast_in_dim3A_308 = vector.broadcast %broadcast_in_dim3A_307 : f32 to vector<16xf32>
    %swap3A_309 = arith.constant 0 : i32
    %swap3A_310 = arith.index_cast %swap3A_309 : i32 to index
    %swap3A_311 = arith.constant 64 : index
    %swap3A_312 = tpu.vector_load %arg9[%swap3A_310, %swap3A_311] {strides = array<i32>} : memref<5x128xf32, #tpu.memory_space<vmem>>, vector<16xf32>,
    tpu.vector_store %arg9[%swap3A_310, %swap3A_311], %broadcast_in_dim3A_308 {strides = array<i32>} : memref<5x128xf32, #tpu.memory_space<vmem>>, vector<16xf32>,
    %broadcast_in_dim3A_313 = arith.constant 0.000000e+00 : f32
    %broadcast_in_dim3A_314 = vector.broadcast %broadcast_in_dim3A_313 : f32 to vector<16xf32>
    %swap3A_315 = arith.constant 0 : i32
    %swap3A_316 = arith.index_cast %swap3A_315 : i32 to index
    %swap3A_317 = arith.constant 80 : index
    %swap3A_318 = tpu.vector_load %arg9[%swap3A_316, %swap3A_317] {strides = array<i32>} : memref<5x128xf32, #tpu.memory_space<vmem>>, vector<16xf32>,
    tpu.vector_store %arg9[%swap3A_316, %swap3A_317], %broadcast_in_dim3A_314 {strides = array<i32>} : memref<5x128xf32, #tpu.memory_space<vmem>>, vector<16xf32>,
    %broadcast_in_dim3A_319 = arith.constant 0.000000e+00 : f32
    %broadcast_in_dim3A_320 = vector.broadcast %broadcast_in_dim3A_319 : f32 to vector<16xf32>
    %swap3A_321 = arith.constant 0 : i32
    %swap3A_322 = arith.index_cast %swap3A_321 : i32 to index
    %swap3A_323 = arith.constant 96 : index
    %swap3A_324 = tpu.vector_load %arg9[%swap3A_322, %swap3A_323] {strides = array<i32>} : memref<5x128xf32, #tpu.memory_space<vmem>>, vector<16xf32>,
    tpu.vector_store %arg9[%swap3A_322, %swap3A_323], %broadcast_in_dim3A_320 {strides = array<i32>} : memref<5x128xf32, #tpu.memory_space<vmem>>, vector<16xf32>,
    %broadcast_in_dim3A_325 = arith.constant 0.000000e+00 : f32
    %broadcast_in_dim3A_326 = vector.broadcast %broadcast_in_dim3A_325 : f32 to vector<16xf32>
    %swap3A_327 = arith.constant 0 : i32
    %swap3A_328 = arith.index_cast %swap3A_327 : i32 to index
    %swap3A_329 = arith.constant 112 : index
    %swap3A_330 = tpu.vector_load %arg9[%swap3A_328, %swap3A_329] {strides = array<i32>} : memref<5x128xf32, #tpu.memory_space<vmem>>, vector<16xf32>,
    tpu.vector_store %arg9[%swap3A_328, %swap3A_329], %broadcast_in_dim3A_326 {strides = array<i32>} : memref<5x128xf32, #tpu.memory_space<vmem>>, vector<16xf32>,
    %broadcast_in_dim3A_331 = arith.constant 0.000000e+00 : f32
    %broadcast_in_dim3A_332 = vector.broadcast %broadcast_in_dim3A_331 : f32 to vector<16xf32>
    %swap3A_333 = arith.constant 1 : i32
    %swap3A_334 = arith.index_cast %swap3A_333 : i32 to index
    %swap3A_335 = arith.constant 0 : index
    %swap3A_336 = tpu.vector_load %arg9[%swap3A_334, %swap3A_335] {strides = array<i32>} : memref<5x128xf32, #tpu.memory_space<vmem>>, vector<16xf32>,
    tpu.vector_store %arg9[%swap3A_334, %swap3A_335], %broadcast_in_dim3A_332 {strides = array<i32>} : memref<5x128xf32, #tpu.memory_space<vmem>>, vector<16xf32>,
    %broadcast_in_dim3A_337 = arith.constant 0.000000e+00 : f32
    %broadcast_in_dim3A_338 = vector.broadcast %broadcast_in_dim3A_337 : f32 to vector<16xf32>
    %swap3A_339 = arith.constant 1 : i32
    %swap3A_340 = arith.index_cast %swap3A_339 : i32 to index
    %swap3A_341 = arith.constant 16 : index
    %swap3A_342 = tpu.vector_load %arg9[%swap3A_340, %swap3A_341] {strides = array<i32>} : memref<5x128xf32, #tpu.memory_space<vmem>>, vector<16xf32>,
    tpu.vector_store %arg9[%swap3A_340, %swap3A_341], %broadcast_in_dim3A_338 {strides = array<i32>} : memref<5x128xf32, #tpu.memory_space<vmem>>, vector<16xf32>,
    %broadcast_in_dim3A_343 = arith.constant 0.000000e+00 : f32
    %broadcast_in_dim3A_344 = vector.broadcast %broadcast_in_dim3A_343 : f32 to vector<16xf32>
    %swap3A_345 = arith.constant 1 : i32
    %swap3A_346 = arith.index_cast %swap3A_345 : i32 to index
    %swap3A_347 = arith.constant 32 : index
    %swap3A_348 = tpu.vector_load %arg9[%swap3A_346, %swap3A_347] {strides = array<i32>} : memref<5x128xf32, #tpu.memory_space<vmem>>, vector<16xf32>,
    tpu.vector_store %arg9[%swap3A_346, %swap3A_347], %broadcast_in_dim3A_344 {strides = array<i32>} : memref<5x128xf32, #tpu.memory_space<vmem>>, vector<16xf32>,
    %broadcast_in_dim3A_349 = arith.constant 0.000000e+00 : f32
    %broadcast_in_dim3A_350 = vector.broadcast %broadcast_in_dim3A_349 : f32 to vector<16xf32>
    %swap3A_351 = arith.constant 1 : i32
    %swap3A_352 = arith.index_cast %swap3A_351 : i32 to index
    %swap3A_353 = arith.constant 48 : index
    %swap3A_354 = tpu.vector_load %arg9[%swap3A_352, %swap3A_353] {strides = array<i32>} : memref<5x128xf32, #tpu.memory_space<vmem>>, vector<16xf32>,
    tpu.vector_store %arg9[%swap3A_352, %swap3A_353], %broadcast_in_dim3A_350 {strides = array<i32>} : memref<5x128xf32, #tpu.memory_space<vmem>>, vector<16xf32>,
    %broadcast_in_dim3A_355 = arith.constant 0.000000e+00 : f32
    %broadcast_in_dim3A_356 = vector.broadcast %broadcast_in_dim3A_355 : f32 to vector<16xf32>
    %swap3A_357 = arith.constant 1 : i32
    %swap3A_358 = arith.index_cast %swap3A_357 : i32 to index
    %swap3A_359 = arith.constant 64 : index
    %swap3A_360 = tpu.vector_load %arg9[%swap3A_358, %swap3A_359] {strides = array<i32>} : memref<5x128xf32, #tpu.memory_space<vmem>>, vector<16xf32>,
    tpu.vector_store %arg9[%swap3A_358, %swap3A_359], %broadcast_in_dim3A_356 {strides = array<i32>} : memref<5x128xf32, #tpu.memory_space<vmem>>, vector<16xf32>,
    %broadcast_in_dim3A_361 = arith.constant 0.000000e+00 : f32
    %broadcast_in_dim3A_362 = vector.broadcast %broadcast_in_dim3A_361 : f32 to vector<16xf32>
    %swap3A_363 = arith.constant 1 : i32
    %swap3A_364 = arith.index_cast %swap3A_363 : i32 to index
    %swap3A_365 = arith.constant 80 : index
    %swap3A_366 = tpu.vector_load %arg9[%swap3A_364, %swap3A_365] {strides = array<i32>} : memref<5x128xf32, #tpu.memory_space<vmem>>, vector<16xf32>,
    tpu.vector_store %arg9[%swap3A_364, %swap3A_365], %broadcast_in_dim3A_362 {strides = array<i32>} : memref<5x128xf32, #tpu.memory_space<vmem>>, vector<16xf32>,
    %broadcast_in_dim3A_367 = arith.constant 0.000000e+00 : f32
    %broadcast_in_dim3A_368 = vector.broadcast %broadcast_in_dim3A_367 : f32 to vector<16xf32>
    %swap3A_369 = arith.constant 1 : i32
    %swap3A_370 = arith.index_cast %swap3A_369 : i32 to index
    %swap3A_371 = arith.constant 96 : index
    %swap3A_372 = tpu.vector_load %arg9[%swap3A_370, %swap3A_371] {strides = array<i32>} : memref<5x128xf32, #tpu.memory_space<vmem>>, vector<16xf32>,
    tpu.vector_store %arg9[%swap3A_370, %swap3A_371], %broadcast_in_dim3A_368 {strides = array<i32>} : memref<5x128xf32, #tpu.memory_space<vmem>>, vector<16xf32>,
    %broadcast_in_dim3A_373 = arith.constant 0.000000e+00 : f32
    %broadcast_in_dim3A_374 = vector.broadcast %broadcast_in_dim3A_373 : f32 to vector<16xf32>
    %swap3A_375 = arith.constant 1 : i32
    %swap3A_376 = arith.index_cast %swap3A_375 : i32 to index
    %swap3A_377 = arith.constant 112 : index
    %swap3A_378 = tpu.vector_load %arg9[%swap3A_376, %swap3A_377] {strides = array<i32>} : memref<5x128xf32, #tpu.memory_space<vmem>>, vector<16xf32>,
    tpu.vector_store %arg9[%swap3A_376, %swap3A_377], %broadcast_in_dim3A_374 {strides = array<i32>} : memref<5x128xf32, #tpu.memory_space<vmem>>, vector<16xf32>,
    %broadcast_in_dim3A_379 = arith.constant 0.000000e+00 : f32
    %broadcast_in_dim3A_380 = vector.broadcast %broadcast_in_dim3A_379 : f32 to vector<16xf32>
    %swap3A_381 = arith.constant 2 : i32
    %swap3A_382 = arith.index_cast %swap3A_381 : i32 to index
    %swap3A_383 = arith.constant 0 : index
    %swap3A_384 = tpu.vector_load %arg9[%swap3A_382, %swap3A_383] {strides = array<i32>} : memref<5x128xf32, #tpu.memory_space<vmem>>, vector<16xf32>,
    tpu.vector_store %arg9[%swap3A_382, %swap3A_383], %broadcast_in_dim3A_380 {strides = array<i32>} : memref<5x128xf32, #tpu.memory_space<vmem>>, vector<16xf32>,
    %broadcast_in_dim3A_385 = arith.constant 0.000000e+00 : f32
    %broadcast_in_dim3A_386 = vector.broadcast %broadcast_in_dim3A_385 : f32 to vector<16xf32>
    %swap3A_387 = arith.constant 2 : i32
    %swap3A_388 = arith.index_cast %swap3A_387 : i32 to index
    %swap3A_389 = arith.constant 16 : index
    %swap3A_390 = tpu.vector_load %arg9[%swap3A_388, %swap3A_389] {strides = array<i32>} : memref<5x128xf32, #tpu.memory_space<vmem>>, vector<16xf32>,
    tpu.vector_store %arg9[%swap3A_388, %swap3A_389], %broadcast_in_dim3A_386 {strides = array<i32>} : memref<5x128xf32, #tpu.memory_space<vmem>>, vector<16xf32>,
    %broadcast_in_dim3A_391 = arith.constant 0.000000e+00 : f32
    %broadcast_in_dim3A_392 = vector.broadcast %broadcast_in_dim3A_391 : f32 to vector<16xf32>
    %swap3A_393 = arith.constant 2 : i32
    %swap3A_394 = arith.index_cast %swap3A_393 : i32 to index
    %swap3A_395 = arith.constant 32 : index
    %swap3A_396 = tpu.vector_load %arg9[%swap3A_394, %swap3A_395] {strides = array<i32>} : memref<5x128xf32, #tpu.memory_space<vmem>>, vector<16xf32>,
    tpu.vector_store %arg9[%swap3A_394, %swap3A_395], %broadcast_in_dim3A_392 {strides = array<i32>} : memref<5x128xf32, #tpu.memory_space<vmem>>, vector<16xf32>,
    %broadcast_in_dim3A_397 = arith.constant 0.000000e+00 : f32
    %broadcast_in_dim3A_398 = vector.broadcast %broadcast_in_dim3A_397 : f32 to vector<16xf32>
    %swap3A_399 = arith.constant 2 : i32
    %swap3A_400 = arith.index_cast %swap3A_399 : i32 to index
    %swap3A_401 = arith.constant 48 : index
    %swap3A_402 = tpu.vector_load %arg9[%swap3A_400, %swap3A_401] {strides = array<i32>} : memref<5x128xf32, #tpu.memory_space<vmem>>, vector<16xf32>,
    tpu.vector_store %arg9[%swap3A_400, %swap3A_401], %broadcast_in_dim3A_398 {strides = array<i32>} : memref<5x128xf32, #tpu.memory_space<vmem>>, vector<16xf32>,
    %broadcast_in_dim3A_403 = arith.constant 0.000000e+00 : f32
    %broadcast_in_dim3A_404 = vector.broadcast %broadcast_in_dim3A_403 : f32 to vector<16xf32>
    %swap3A_405 = arith.constant 2 : i32
    %swap3A_406 = arith.index_cast %swap3A_405 : i32 to index
    %swap3A_407 = arith.constant 64 : index
    %swap3A_408 = tpu.vector_load %arg9[%swap3A_406, %swap3A_407] {strides = array<i32>} : memref<5x128xf32, #tpu.memory_space<vmem>>, vector<16xf32>,
    tpu.vector_store %arg9[%swap3A_406, %swap3A_407], %broadcast_in_dim3A_404 {strides = array<i32>} : memref<5x128xf32, #tpu.memory_space<vmem>>, vector<16xf32>,
    %broadcast_in_dim3A_409 = arith.constant 0.000000e+00 : f32
    %broadcast_in_dim3A_410 = vector.broadcast %broadcast_in_dim3A_409 : f32 to vector<16xf32>
    %swap3A_411 = arith.constant 2 : i32
    %swap3A_412 = arith.index_cast %swap3A_411 : i32 to index
    %swap3A_413 = arith.constant 80 : index
    %swap3A_414 = tpu.vector_load %arg9[%swap3A_412, %swap3A_413] {strides = array<i32>} : memref<5x128xf32, #tpu.memory_space<vmem>>, vector<16xf32>,
    tpu.vector_store %arg9[%swap3A_412, %swap3A_413], %broadcast_in_dim3A_410 {strides = array<i32>} : memref<5x128xf32, #tpu.memory_space<vmem>>, vector<16xf32>,
    %broadcast_in_dim3A_415 = arith.constant 0.000000e+00 : f32
    %broadcast_in_dim3A_416 = vector.broadcast %broadcast_in_dim3A_415 : f32 to vector<16xf32>
    %swap3A_417 = arith.constant 2 : i32
    %swap3A_418 = arith.index_cast %swap3A_417 : i32 to index
    %swap3A_419 = arith.constant 96 : index
    %swap3A_420 = tpu.vector_load %arg9[%swap3A_418, %swap3A_419] {strides = array<i32>} : memref<5x128xf32, #tpu.memory_space<vmem>>, vector<16xf32>,
    tpu.vector_store %arg9[%swap3A_418, %swap3A_419], %broadcast_in_dim3A_416 {strides = array<i32>} : memref<5x128xf32, #tpu.memory_space<vmem>>, vector<16xf32>,
    %broadcast_in_dim3A_421 = arith.constant 0.000000e+00 : f32
    %broadcast_in_dim3A_422 = vector.broadcast %broadcast_in_dim3A_421 : f32 to vector<16xf32>
    %swap3A_423 = arith.constant 2 : i32
    %swap3A_424 = arith.index_cast %swap3A_423 : i32 to index
    %swap3A_425 = arith.constant 112 : index
    %swap3A_426 = tpu.vector_load %arg9[%swap3A_424, %swap3A_425] {strides = array<i32>} : memref<5x128xf32, #tpu.memory_space<vmem>>, vector<16xf32>,
    tpu.vector_store %arg9[%swap3A_424, %swap3A_425], %broadcast_in_dim3A_422 {strides = array<i32>} : memref<5x128xf32, #tpu.memory_space<vmem>>, vector<16xf32>,
    %broadcast_in_dim3A_427 = arith.constant 0.000000e+00 : f32
    %broadcast_in_dim3A_428 = vector.broadcast %broadcast_in_dim3A_427 : f32 to vector<16xf32>
    %swap3A_429 = arith.constant 3 : i32
    %swap3A_430 = arith.index_cast %swap3A_429 : i32 to index
    %swap3A_431 = arith.constant 0 : index
    %swap3A_432 = tpu.vector_load %arg9[%swap3A_430, %swap3A_431] {strides = array<i32>} : memref<5x128xf32, #tpu.memory_space<vmem>>, vector<16xf32>,
    tpu.vector_store %arg9[%swap3A_430, %swap3A_431], %broadcast_in_dim3A_428 {strides = array<i32>} : memref<5x128xf32, #tpu.memory_space<vmem>>, vector<16xf32>,
    %broadcast_in_dim3A_433 = arith.constant 0.000000e+00 : f32
    %broadcast_in_dim3A_434 = vector.broadcast %broadcast_in_dim3A_433 : f32 to vector<16xf32>
    %swap3A_435 = arith.constant 3 : i32
    %swap3A_436 = arith.index_cast %swap3A_435 : i32 to index
    %swap3A_437 = arith.constant 16 : index
    %swap3A_438 = tpu.vector_load %arg9[%swap3A_436, %swap3A_437] {strides = array<i32>} : memref<5x128xf32, #tpu.memory_space<vmem>>, vector<16xf32>,
    tpu.vector_store %arg9[%swap3A_436, %swap3A_437], %broadcast_in_dim3A_434 {strides = array<i32>} : memref<5x128xf32, #tpu.memory_space<vmem>>, vector<16xf32>,
    %broadcast_in_dim3A_439 = arith.constant 0.000000e+00 : f32
    %broadcast_in_dim3A_440 = vector.broadcast %broadcast_in_dim3A_439 : f32 to vector<16xf32>
    %swap3A_441 = arith.constant 3 : i32
    %swap3A_442 = arith.index_cast %swap3A_441 : i32 to index
    %swap3A_443 = arith.constant 32 : index
    %swap3A_444 = tpu.vector_load %arg9[%swap3A_442, %swap3A_443] {strides = array<i32>} : memref<5x128xf32, #tpu.memory_space<vmem>>, vector<16xf32>,
    tpu.vector_store %arg9[%swap3A_442, %swap3A_443], %broadcast_in_dim3A_440 {strides = array<i32>} : memref<5x128xf32, #tpu.memory_space<vmem>>, vector<16xf32>,
    %broadcast_in_dim3A_445 = arith.constant 0.000000e+00 : f32
    %broadcast_in_dim3A_446 = vector.broadcast %broadcast_in_dim3A_445 : f32 to vector<16xf32>
    %swap3A_447 = arith.constant 3 : i32
    %swap3A_448 = arith.index_cast %swap3A_447 : i32 to index
    %swap3A_449 = arith.constant 48 : index
    %swap3A_450 = tpu.vector_load %arg9[%swap3A_448, %swap3A_449] {strides = array<i32>} : memref<5x128xf32, #tpu.memory_space<vmem>>, vector<16xf32>,
    tpu.vector_store %arg9[%swap3A_448, %swap3A_449], %broadcast_in_dim3A_446 {strides = array<i32>} : memref<5x128xf32, #tpu.memory_space<vmem>>, vector<16xf32>,
    %broadcast_in_dim3A_451 = arith.constant 0.000000e+00 : f32
    %broadcast_in_dim3A_452 = vector.broadcast %broadcast_in_dim3A_451 : f32 to vector<16xf32>
    %swap3A_453 = arith.constant 3 : i32
    %swap3A_454 = arith.index_cast %swap3A_453 : i32 to index
    %swap3A_455 = arith.constant 64 : index
    %swap3A_456 = tpu.vector_load %arg9[%swap3A_454, %swap3A_455] {strides = array<i32>} : memref<5x128xf32, #tpu.memory_space<vmem>>, vector<16xf32>,
    tpu.vector_store %arg9[%swap3A_454, %swap3A_455], %broadcast_in_dim3A_452 {strides = array<i32>} : memref<5x128xf32, #tpu.memory_space<vmem>>, vector<16xf32>,
    %broadcast_in_dim3A_457 = arith.constant 0.000000e+00 : f32
    %broadcast_in_dim3A_458 = vector.broadcast %broadcast_in_dim3A_457 : f32 to vector<16xf32>
    %swap3A_459 = arith.constant 3 : i32
    %swap3A_460 = arith.index_cast %swap3A_459 : i32 to index
    %swap3A_461 = arith.constant 80 : index
    %swap3A_462 = tpu.vector_load %arg9[%swap3A_460, %swap3A_461] {strides = array<i32>} : memref<5x128xf32, #tpu.memory_space<vmem>>, vector<16xf32>,
    tpu.vector_store %arg9[%swap3A_460, %swap3A_461], %broadcast_in_dim3A_458 {strides = array<i32>} : memref<5x128xf32, #tpu.memory_space<vmem>>, vector<16xf32>,
    %broadcast_in_dim3A_463 = arith.constant 0.000000e+00 : f32
    %broadcast_in_dim3A_464 = vector.broadcast %broadcast_in_dim3A_463 : f32 to vector<16xf32>
    %swap3A_465 = arith.constant 3 : i32
    %swap3A_466 = arith.index_cast %swap3A_465 : i32 to index
    %swap3A_467 = arith.constant 96 : index
    %swap3A_468 = tpu.vector_load %arg9[%swap3A_466, %swap3A_467] {strides = array<i32>} : memref<5x128xf32, #tpu.memory_space<vmem>>, vector<16xf32>,
    tpu.vector_store %arg9[%swap3A_466, %swap3A_467], %broadcast_in_dim3A_464 {strides = array<i32>} : memref<5x128xf32, #tpu.memory_space<vmem>>, vector<16xf32>,
    %broadcast_in_dim3A_469 = arith.constant 0.000000e+00 : f32
    %broadcast_in_dim3A_470 = vector.broadcast %broadcast_in_dim3A_469 : f32 to vector<16xf32>
    %swap3A_471 = arith.constant 3 : i32
    %swap3A_472 = arith.index_cast %swap3A_471 : i32 to index
    %swap3A_473 = arith.constant 112 : index
    %swap3A_474 = tpu.vector_load %arg9[%swap3A_472, %swap3A_473] {strides = array<i32>} : memref<5x128xf32, #tpu.memory_space<vmem>>, vector<16xf32>,
    tpu.vector_store %arg9[%swap3A_472, %swap3A_473], %broadcast_in_dim3A_470 {strides = array<i32>} : memref<5x128xf32, #tpu.memory_space<vmem>>, vector<16xf32>,
    %broadcast_in_dim3A_475 = arith.constant 0.000000e+00 : f32
    %broadcast_in_dim3A_476 = vector.broadcast %broadcast_in_dim3A_475 : f32 to vector<16xf32>
    %swap3A_477 = arith.constant 4 : i32
    %swap3A_478 = arith.index_cast %swap3A_477 : i32 to index
    %swap3A_479 = arith.constant 0 : index
    %swap3A_480 = tpu.vector_load %arg9[%swap3A_478, %swap3A_479] {strides = array<i32>} : memref<5x128xf32, #tpu.memory_space<vmem>>, vector<16xf32>,
    tpu.vector_store %arg9[%swap3A_478, %swap3A_479], %broadcast_in_dim3A_476 {strides = array<i32>} : memref<5x128xf32, #tpu.memory_space<vmem>>, vector<16xf32>,
    %broadcast_in_dim3A_481 = arith.constant 0.000000e+00 : f32
    %broadcast_in_dim3A_482 = vector.broadcast %broadcast_in_dim3A_481 : f32 to vector<16xf32>
    %swap3A_483 = arith.constant 4 : i32
    %swap3A_484 = arith.index_cast %swap3A_483 : i32 to index
    %swap3A_485 = arith.constant 16 : index
    %swap3A_486 = tpu.vector_load %arg9[%swap3A_484, %swap3A_485] {strides = array<i32>} : memref<5x128xf32, #tpu.memory_space<vmem>>, vector<16xf32>,
    tpu.vector_store %arg9[%swap3A_484, %swap3A_485], %broadcast_in_dim3A_482 {strides = array<i32>} : memref<5x128xf32, #tpu.memory_space<vmem>>, vector<16xf32>,
    %broadcast_in_dim3A_487 = arith.constant 0.000000e+00 : f32
    %broadcast_in_dim3A_488 = vector.broadcast %broadcast_in_dim3A_487 : f32 to vector<16xf32>
    %swap3A_489 = arith.constant 4 : i32
    %swap3A_490 = arith.index_cast %swap3A_489 : i32 to index
    %swap3A_491 = arith.constant 32 : index
    %swap3A_492 = tpu.vector_load %arg9[%swap3A_490, %swap3A_491] {strides = array<i32>} : memref<5x128xf32, #tpu.memory_space<vmem>>, vector<16xf32>,
    tpu.vector_store %arg9[%swap3A_490, %swap3A_491], %broadcast_in_dim3A_488 {strides = array<i32>} : memref<5x128xf32, #tpu.memory_space<vmem>>, vector<16xf32>,
    %broadcast_in_dim3A_493 = arith.constant 0.000000e+00 : f32
    %broadcast_in_dim3A_494 = vector.broadcast %broadcast_in_dim3A_493 : f32 to vector<16xf32>
    %swap3A_495 = arith.constant 4 : i32
    %swap3A_496 = arith.index_cast %swap3A_495 : i32 to index
    %swap3A_497 = arith.constant 48 : index
    %swap3A_498 = tpu.vector_load %arg9[%swap3A_496, %swap3A_497] {strides = array<i32>} : memref<5x128xf32, #tpu.memory_space<vmem>>, vector<16xf32>,
    tpu.vector_store %arg9[%swap3A_496, %swap3A_497], %broadcast_in_dim3A_494 {strides = array<i32>} : memref<5x128xf32, #tpu.memory_space<vmem>>, vector<16xf32>,
    %broadcast_in_dim3A_499 = arith.constant 0.000000e+00 : f32
    %broadcast_in_dim3A_500 = vector.broadcast %broadcast_in_dim3A_499 : f32 to vector<16xf32>
    %swap3A_501 = arith.constant 4 : i32
    %swap3A_502 = arith.index_cast %swap3A_501 : i32 to index
    %swap3A_503 = arith.constant 64 : index
    %swap3A_504 = tpu.vector_load %arg9[%swap3A_502, %swap3A_503] {strides = array<i32>} : memref<5x128xf32, #tpu.memory_space<vmem>>, vector<16xf32>,
    tpu.vector_store %arg9[%swap3A_502, %swap3A_503], %broadcast_in_dim3A_500 {strides = array<i32>} : memref<5x128xf32, #tpu.memory_space<vmem>>, vector<16xf32>,
    %broadcast_in_dim3A_505 = arith.constant 0.000000e+00 : f32
    %broadcast_in_dim3A_506 = vector.broadcast %broadcast_in_dim3A_505 : f32 to vector<16xf32>
    %swap3A_507 = arith.constant 4 : i32
    %swap3A_508 = arith.index_cast %swap3A_507 : i32 to index
    %swap3A_509 = arith.constant 80 : index
    %swap3A_510 = tpu.vector_load %arg9[%swap3A_508, %swap3A_509] {strides = array<i32>} : memref<5x128xf32, #tpu.memory_space<vmem>>, vector<16xf32>,
    tpu.vector_store %arg9[%swap3A_508, %swap3A_509], %broadcast_in_dim3A_506 {strides = array<i32>} : memref<5x128xf32, #tpu.memory_space<vmem>>, vector<16xf32>,
    %broadcast_in_dim3A_511 = arith.constant 0.000000e+00 : f32
    %broadcast_in_dim3A_512 = vector.broadcast %broadcast_in_dim3A_511 : f32 to vector<16xf32>
    %swap3A_513 = arith.constant 4 : i32
    %swap3A_514 = arith.index_cast %swap3A_513 : i32 to index
    %swap3A_515 = arith.constant 96 : index
    %swap3A_516 = tpu.vector_load %arg9[%swap3A_514, %swap3A_515] {strides = array<i32>} : memref<5x128xf32, #tpu.memory_space<vmem>>, vector<16xf32>,
    tpu.vector_store %arg9[%swap3A_514, %swap3A_515], %broadcast_in_dim3A_512 {strides = array<i32>} : memref<5x128xf32, #tpu.memory_space<vmem>>, vector<16xf32>,
    %broadcast_in_dim3A_517 = arith.constant 0.000000e+00 : f32
    %broadcast_in_dim3A_518 = vector.broadcast %broadcast_in_dim3A_517 : f32 to vector<16xf32>
    %swap3A_519 = arith.constant 4 : i32
    %swap3A_520 = arith.index_cast %swap3A_519 : i32 to index
    %swap3A_521 = arith.constant 112 : index
    %swap3A_522 = tpu.vector_load %arg9[%swap3A_520, %swap3A_521] {strides = array<i32>} : memref<5x128xf32, #tpu.memory_space<vmem>>, vector<16xf32>,
    tpu.vector_store %arg9[%swap3A_520, %swap3A_521], %broadcast_in_dim3A_518 {strides = array<i32>} : memref<5x128xf32, #tpu.memory_space<vmem>>, vector<16xf32>,
    %scan3A_523 = arith.constant 0 : i32
    %scan3A_524 = arith.constant 0 : i32
    %scan3A_525 = arith.constant 16 : i32
    %scan3A_526 = arith.addi %scan3A_524, %scan3A_525 : i32
    %scan3A_527 = arith.constant 1 : i32
    %scan3A_528 = scf.for %scan3A_805 = %scan3A_524 to %scan3A_526 step %scan3A_527 iter_args(%scan3A_806 = %scan3A_523) -> (i32)  : i32 {
      "tpu.region"() ({
        %run_scoped3A = tpu.sem_alloc : memref<!tpu.dma_semaphore, #tpu.memory_space<semaphore_mem>>
        %dma_start3A_1327 = arith.constant 0 : i32
        %dma_start3A_1328 = tpu.memref_slice %arg12[%scan3A_805, %mul3A_1, %dma_start3A_1327] : memref<16x80x128xf32, #tpu.memory_space<vmem_shared>> -> memref<1x5x128xf32, #tpu.memory_space<vmem_shared>>
        %dma_start3A_1329 = tpu.memref_squeeze %dma_start3A_1328 : memref<1x5x128xf32, #tpu.memory_space<vmem_shared>> -> memref<5x128xf32, #tpu.memory_space<vmem_shared>>
        %dma_start3A_1330 = arith.constant 0 : i32
        %dma_start3A_1331 = tpu.memref_slice %arg12[%scan3A_805, %mul3A_1, %dma_start3A_1330] : memref<16x80x128xf32, #tpu.memory_space<vmem_shared>> -> memref<1x5x128xf32, #tpu.memory_space<vmem_shared>>
        %dma_start3A_1332 = tpu.memref_squeeze %dma_start3A_1331 : memref<1x5x128xf32, #tpu.memory_space<vmem_shared>> -> memref<5x128xf32, #tpu.memory_space<vmem_shared>>
        tpu.enqueue_dma source(%dma_start3A_1332 : memref<5x128xf32, #tpu.memory_space<vmem_shared>>) target(%arg10 : memref<5x128xf32, #tpu.memory_space<vmem>>) target_semaphore(%run_scoped3A : memref<!tpu.dma_semaphore, #tpu.memory_space<semaphore_mem>>)
        %dma_wait3A_1333 = arith.constant 0 : i32
        %dma_wait3A_1334 = tpu.memref_slice %arg12[%scan3A_805, %mul3A_1, %dma_wait3A_1333] : memref<16x80x128xf32, #tpu.memory_space<vmem_shared>> -> memref<1x5x128xf32, #tpu.memory_space<vmem_shared>>
        %dma_wait3A_1335 = tpu.memref_squeeze %dma_wait3A_1334 : memref<1x5x128xf32, #tpu.memory_space<vmem_shared>> -> memref<5x128xf32, #tpu.memory_space<vmem_shared>>
        %dma_wait3A_1336 = arith.constant 0 : i32
        %dma_wait3A_1337 = tpu.memref_slice %arg12[%scan3A_805, %mul3A_1, %dma_wait3A_1336] : memref<16x80x128xf32, #tpu.memory_space<vmem_shared>> -> memref<1x5x128xf32, #tpu.memory_space<vmem_shared>>
        %dma_wait3A_1338 = tpu.memref_squeeze %dma_wait3A_1337 : memref<1x5x128xf32, #tpu.memory_space<vmem_shared>> -> memref<5x128xf32, #tpu.memory_space<vmem_shared>>
        tpu.wait_dma2 semaphore(%run_scoped3A : memref<!tpu.dma_semaphore, #tpu.memory_space<semaphore_mem>>) src(%dma_wait3A_1338 : memref<5x128xf32, #tpu.memory_space<vmem_shared>>) dst(%arg10 : memref<5x128xf32, #tpu.memory_space<vmem>>)
        tpu.yield
      }) : () -> ()
      %get3A = arith.constant 0 : i32
      %get3A_807 = arith.index_cast %get3A : i32 to index
      %get3A_808 = arith.constant 0 : index
      %get3A_809 = tpu.vector_load %arg9[%get3A_807, %get3A_808] {strides = array<i32>} : memref<5x128xf32, #tpu.memory_space<vmem>>, vector<16xf32>,
      %get3A_810 = arith.constant 0 : i32
      %get3A_811 = arith.index_cast %get3A_810 : i32 to index
      %get3A_812 = arith.constant 0 : index
      %get3A_813 = tpu.vector_load %arg10[%get3A_811, %get3A_812] {strides = array<i32>} : memref<5x128xf32, #tpu.memory_space<vmem>>, vector<16xf32>,
      %add3A_814 = arith.addf %get3A_809, %get3A_813 : vector<16xf32>
      %swap3A_815 = arith.constant 0 : i32
      %swap3A_816 = arith.index_cast %swap3A_815 : i32 to index
      %swap3A_817 = arith.constant 0 : index
      %swap3A_818 = tpu.vector_load %arg9[%swap3A_816, %swap3A_817] {strides = array<i32>} : memref<5x128xf32, #tpu.memory_space<vmem>>, vector<16xf32>,
      tpu.vector_store %arg9[%swap3A_816, %swap3A_817], %add3A_814 {strides = array<i32>} : memref<5x128xf32, #tpu.memory_space<vmem>>, vector<16xf32>,
      %get3A_819 = arith.constant 0 : i32
      %get3A_820 = arith.index_cast %get3A_819 : i32 to index
      %get3A_821 = arith.constant 16 : index
      %get3A_822 = tpu.vector_load %arg9[%get3A_820, %get3A_821] {strides = array<i32>} : memref<5x128xf32, #tpu.memory_space<vmem>>, vector<16xf32>,
      %get3A_823 = arith.constant 0 : i32
      %get3A_824 = arith.index_cast %get3A_823 : i32 to index
      %get3A_825 = arith.constant 16 : index
      %get3A_826 = tpu.vector_load %arg10[%get3A_824, %get3A_825] {strides = array<i32>} : memref<5x128xf32, #tpu.memory_space<vmem>>, vector<16xf32>,
      %add3A_827 = arith.addf %get3A_822, %get3A_826 : vector<16xf32>
      %swap3A_828 = arith.constant 0 : i32
      %swap3A_829 = arith.index_cast %swap3A_828 : i32 to index
      %swap3A_830 = arith.constant 16 : index
      %swap3A_831 = tpu.vector_load %arg9[%swap3A_829, %swap3A_830] {strides = array<i32>} : memref<5x128xf32, #tpu.memory_space<vmem>>, vector<16xf32>,
      tpu.vector_store %arg9[%swap3A_829, %swap3A_830], %add3A_827 {strides = array<i32>} : memref<5x128xf32, #tpu.memory_space<vmem>>, vector<16xf32>,
      %get3A_832 = arith.constant 0 : i32
      %get3A_833 = arith.index_cast %get3A_832 : i32 to index
      %get3A_834 = arith.constant 32 : index
      %get3A_835 = tpu.vector_load %arg9[%get3A_833, %get3A_834] {strides = array<i32>} : memref<5x128xf32, #tpu.memory_space<vmem>>, vector<16xf32>,
      %get3A_836 = arith.constant 0 : i32
      %get3A_837 = arith.index_cast %get3A_836 : i32 to index
      %get3A_838 = arith.constant 32 : index
      %get3A_839 = tpu.vector_load %arg10[%get3A_837, %get3A_838] {strides = array<i32>} : memref<5x128xf32, #tpu.memory_space<vmem>>, vector<16xf32>,
      %add3A_840 = arith.addf %get3A_835, %get3A_839 : vector<16xf32>
      %swap3A_841 = arith.constant 0 : i32
      %swap3A_842 = arith.index_cast %swap3A_841 : i32 to index
      %swap3A_843 = arith.constant 32 : index
      %swap3A_844 = tpu.vector_load %arg9[%swap3A_842, %swap3A_843] {strides = array<i32>} : memref<5x128xf32, #tpu.memory_space<vmem>>, vector<16xf32>,
      tpu.vector_store %arg9[%swap3A_842, %swap3A_843], %add3A_840 {strides = array<i32>} : memref<5x128xf32, #tpu.memory_space<vmem>>, vector<16xf32>,
      %get3A_845 = arith.constant 0 : i32
      %get3A_846 = arith.index_cast %get3A_845 : i32 to index
      %get3A_847 = arith.constant 48 : index
      %get3A_848 = tpu.vector_load %arg9[%get3A_846, %get3A_847] {strides = array<i32>} : memref<5x128xf32, #tpu.memory_space<vmem>>, vector<16xf32>,
      %get3A_849 = arith.constant 0 : i32
      %get3A_850 = arith.index_cast %get3A_849 : i32 to index
      %get3A_851 = arith.constant 48 : index
      %get3A_852 = tpu.vector_load %arg10[%get3A_850, %get3A_851] {strides = array<i32>} : memref<5x128xf32, #tpu.memory_space<vmem>>, vector<16xf32>,
      %add3A_853 = arith.addf %get3A_848, %get3A_852 : vector<16xf32>
      %swap3A_854 = arith.constant 0 : i32
      %swap3A_855 = arith.index_cast %swap3A_854 : i32 to index
      %swap3A_856 = arith.constant 48 : index
      %swap3A_857 = tpu.vector_load %arg9[%swap3A_855, %swap3A_856] {strides = array<i32>} : memref<5x128xf32, #tpu.memory_space<vmem>>, vector<16xf32>,
      tpu.vector_store %arg9[%swap3A_855, %swap3A_856], %add3A_853 {strides = array<i32>} : memref<5x128xf32, #tpu.memory_space<vmem>>, vector<16xf32>,
      %get3A_858 = arith.constant 0 : i32
      %get3A_859 = arith.index_cast %get3A_858 : i32 to index
      %get3A_860 = arith.constant 64 : index
      %get3A_861 = tpu.vector_load %arg9[%get3A_859, %get3A_860] {strides = array<i32>} : memref<5x128xf32, #tpu.memory_space<vmem>>, vector<16xf32>,
      %get3A_862 = arith.constant 0 : i32
      %get3A_863 = arith.index_cast %get3A_862 : i32 to index
      %get3A_864 = arith.constant 64 : index
      %get3A_865 = tpu.vector_load %arg10[%get3A_863, %get3A_864] {strides = array<i32>} : memref<5x128xf32, #tpu.memory_space<vmem>>, vector<16xf32>,
      %add3A_866 = arith.addf %get3A_861, %get3A_865 : vector<16xf32>
      %swap3A_867 = arith.constant 0 : i32
      %swap3A_868 = arith.index_cast %swap3A_867 : i32 to index
      %swap3A_869 = arith.constant 64 : index
      %swap3A_870 = tpu.vector_load %arg9[%swap3A_868, %swap3A_869] {strides = array<i32>} : memref<5x128xf32, #tpu.memory_space<vmem>>, vector<16xf32>,
      tpu.vector_store %arg9[%swap3A_868, %swap3A_869], %add3A_866 {strides = array<i32>} : memref<5x128xf32, #tpu.memory_space<vmem>>, vector<16xf32>,
      %get3A_871 = arith.constant 0 : i32
      %get3A_872 = arith.index_cast %get3A_871 : i32 to index
      %get3A_873 = arith.constant 80 : index
      %get3A_874 = tpu.vector_load %arg9[%get3A_872, %get3A_873] {strides = array<i32>} : memref<5x128xf32, #tpu.memory_space<vmem>>, vector<16xf32>,
      %get3A_875 = arith.constant 0 : i32
      %get3A_876 = arith.index_cast %get3A_875 : i32 to index
      %get3A_877 = arith.constant 80 : index
      %get3A_878 = tpu.vector_load %arg10[%get3A_876, %get3A_877] {strides = array<i32>} : memref<5x128xf32, #tpu.memory_space<vmem>>, vector<16xf32>,
      %add3A_879 = arith.addf %get3A_874, %get3A_878 : vector<16xf32>
      %swap3A_880 = arith.constant 0 : i32
      %swap3A_881 = arith.index_cast %swap3A_880 : i32 to index
      %swap3A_882 = arith.constant 80 : index
      %swap3A_883 = tpu.vector_load %arg9[%swap3A_881, %swap3A_882] {strides = array<i32>} : memref<5x128xf32, #tpu.memory_space<vmem>>, vector<16xf32>,
      tpu.vector_store %arg9[%swap3A_881, %swap3A_882], %add3A_879 {strides = array<i32>} : memref<5x128xf32, #tpu.memory_space<vmem>>, vector<16xf32>,
      %get3A_884 = arith.constant 0 : i32
      %get3A_885 = arith.index_cast %get3A_884 : i32 to index
      %get3A_886 = arith.constant 96 : index
      %get3A_887 = tpu.vector_load %arg9[%get3A_885, %get3A_886] {strides = array<i32>} : memref<5x128xf32, #tpu.memory_space<vmem>>, vector<16xf32>,
      %get3A_888 = arith.constant 0 : i32
      %get3A_889 = arith.index_cast %get3A_888 : i32 to index
      %get3A_890 = arith.constant 96 : index
      %get3A_891 = tpu.vector_load %arg10[%get3A_889, %get3A_890] {strides = array<i32>} : memref<5x128xf32, #tpu.memory_space<vmem>>, vector<16xf32>,
      %add3A_892 = arith.addf %get3A_887, %get3A_891 : vector<16xf32>
      %swap3A_893 = arith.constant 0 : i32
      %swap3A_894 = arith.index_cast %swap3A_893 : i32 to index
      %swap3A_895 = arith.constant 96 : index
      %swap3A_896 = tpu.vector_load %arg9[%swap3A_894, %swap3A_895] {strides = array<i32>} : memref<5x128xf32, #tpu.memory_space<vmem>>, vector<16xf32>,
      tpu.vector_store %arg9[%swap3A_894, %swap3A_895], %add3A_892 {strides = array<i32>} : memref<5x128xf32, #tpu.memory_space<vmem>>, vector<16xf32>,
      %get3A_897 = arith.constant 0 : i32
      %get3A_898 = arith.index_cast %get3A_897 : i32 to index
      %get3A_899 = arith.constant 112 : index
      %get3A_900 = tpu.vector_load %arg9[%get3A_898, %get3A_899] {strides = array<i32>} : memref<5x128xf32, #tpu.memory_space<vmem>>, vector<16xf32>,
      %get3A_901 = arith.constant 0 : i32
      %get3A_902 = arith.index_cast %get3A_901 : i32 to index
      %get3A_903 = arith.constant 112 : index
      %get3A_904 = tpu.vector_load %arg10[%get3A_902, %get3A_903] {strides = array<i32>} : memref<5x128xf32, #tpu.memory_space<vmem>>, vector<16xf32>,
      %add3A_905 = arith.addf %get3A_900, %get3A_904 : vector<16xf32>
      %swap3A_906 = arith.constant 0 : i32
      %swap3A_907 = arith.index_cast %swap3A_906 : i32 to index
      %swap3A_908 = arith.constant 112 : index
      %swap3A_909 = tpu.vector_load %arg9[%swap3A_907, %swap3A_908] {strides = array<i32>} : memref<5x128xf32, #tpu.memory_space<vmem>>, vector<16xf32>,
      tpu.vector_store %arg9[%swap3A_907, %swap3A_908], %add3A_905 {strides = array<i32>} : memref<5x128xf32, #tpu.memory_space<vmem>>, vector<16xf32>,
      %get3A_910 = arith.constant 1 : i32
      %get3A_911 = arith.index_cast %get3A_910 : i32 to index
      %get3A_912 = arith.constant 0 : index
      %get3A_913 = tpu.vector_load %arg9[%get3A_911, %get3A_912] {strides = array<i32>} : memref<5x128xf32, #tpu.memory_space<vmem>>, vector<16xf32>,
      %get3A_914 = arith.constant 1 : i32
      %get3A_915 = arith.index_cast %get3A_914 : i32 to index
      %get3A_916 = arith.constant 0 : index
      %get3A_917 = tpu.vector_load %arg10[%get3A_915, %get3A_916] {strides = array<i32>} : memref<5x128xf32, #tpu.memory_space<vmem>>, vector<16xf32>,
      %add3A_918 = arith.addf %get3A_913, %get3A_917 : vector<16xf32>
      %swap3A_919 = arith.constant 1 : i32
      %swap3A_920 = arith.index_cast %swap3A_919 : i32 to index
      %swap3A_921 = arith.constant 0 : index
      %swap3A_922 = tpu.vector_load %arg9[%swap3A_920, %swap3A_921] {strides = array<i32>} : memref<5x128xf32, #tpu.memory_space<vmem>>, vector<16xf32>,
      tpu.vector_store %arg9[%swap3A_920, %swap3A_921], %add3A_918 {strides = array<i32>} : memref<5x128xf32, #tpu.memory_space<vmem>>, vector<16xf32>,
      %get3A_923 = arith.constant 1 : i32
      %get3A_924 = arith.index_cast %get3A_923 : i32 to index
      %get3A_925 = arith.constant 16 : index
      %get3A_926 = tpu.vector_load %arg9[%get3A_924, %get3A_925] {strides = array<i32>} : memref<5x128xf32, #tpu.memory_space<vmem>>, vector<16xf32>,
      %get3A_927 = arith.constant 1 : i32
      %get3A_928 = arith.index_cast %get3A_927 : i32 to index
      %get3A_929 = arith.constant 16 : index
      %get3A_930 = tpu.vector_load %arg10[%get3A_928, %get3A_929] {strides = array<i32>} : memref<5x128xf32, #tpu.memory_space<vmem>>, vector<16xf32>,
      %add3A_931 = arith.addf %get3A_926, %get3A_930 : vector<16xf32>
      %swap3A_932 = arith.constant 1 : i32
      %swap3A_933 = arith.index_cast %swap3A_932 : i32 to index
      %swap3A_934 = arith.constant 16 : index
      %swap3A_935 = tpu.vector_load %arg9[%swap3A_933, %swap3A_934] {strides = array<i32>} : memref<5x128xf32, #tpu.memory_space<vmem>>, vector<16xf32>,
      tpu.vector_store %arg9[%swap3A_933, %swap3A_934], %add3A_931 {strides = array<i32>} : memref<5x128xf32, #tpu.memory_space<vmem>>, vector<16xf32>,
      %get3A_936 = arith.constant 1 : i32
      %get3A_937 = arith.index_cast %get3A_936 : i32 to index
      %get3A_938 = arith.constant 32 : index
      %get3A_939 = tpu.vector_load %arg9[%get3A_937, %get3A_938] {strides = array<i32>} : memref<5x128xf32, #tpu.memory_space<vmem>>, vector<16xf32>,
      %get3A_940 = arith.constant 1 : i32
      %get3A_941 = arith.index_cast %get3A_940 : i32 to index
      %get3A_942 = arith.constant 32 : index
      %get3A_943 = tpu.vector_load %arg10[%get3A_941, %get3A_942] {strides = array<i32>} : memref<5x128xf32, #tpu.memory_space<vmem>>, vector<16xf32>,
      %add3A_944 = arith.addf %get3A_939, %get3A_943 : vector<16xf32>
      %swap3A_945 = arith.constant 1 : i32
      %swap3A_946 = arith.index_cast %swap3A_945 : i32 to index
      %swap3A_947 = arith.constant 32 : index
      %swap3A_948 = tpu.vector_load %arg9[%swap3A_946, %swap3A_947] {strides = array<i32>} : memref<5x128xf32, #tpu.memory_space<vmem>>, vector<16xf32>,
      tpu.vector_store %arg9[%swap3A_946, %swap3A_947], %add3A_944 {strides = array<i32>} : memref<5x128xf32, #tpu.memory_space<vmem>>, vector<16xf32>,
      %get3A_949 = arith.constant 1 : i32
      %get3A_950 = arith.index_cast %get3A_949 : i32 to index
      %get3A_951 = arith.constant 48 : index
      %get3A_952 = tpu.vector_load %arg9[%get3A_950, %get3A_951] {strides = array<i32>} : memref<5x128xf32, #tpu.memory_space<vmem>>, vector<16xf32>,
      %get3A_953 = arith.constant 1 : i32
      %get3A_954 = arith.index_cast %get3A_953 : i32 to index
      %get3A_955 = arith.constant 48 : index
      %get3A_956 = tpu.vector_load %arg10[%get3A_954, %get3A_955] {strides = array<i32>} : memref<5x128xf32, #tpu.memory_space<vmem>>, vector<16xf32>,
      %add3A_957 = arith.addf %get3A_952, %get3A_956 : vector<16xf32>
      %swap3A_958 = arith.constant 1 : i32
      %swap3A_959 = arith.index_cast %swap3A_958 : i32 to index
      %swap3A_960 = arith.constant 48 : index
      %swap3A_961 = tpu.vector_load %arg9[%swap3A_959, %swap3A_960] {strides = array<i32>} : memref<5x128xf32, #tpu.memory_space<vmem>>, vector<16xf32>,
      tpu.vector_store %arg9[%swap3A_959, %swap3A_960], %add3A_957 {strides = array<i32>} : memref<5x128xf32, #tpu.memory_space<vmem>>, vector<16xf32>,
      %get3A_962 = arith.constant 1 : i32
      %get3A_963 = arith.index_cast %get3A_962 : i32 to index
      %get3A_964 = arith.constant 64 : index
      %get3A_965 = tpu.vector_load %arg9[%get3A_963, %get3A_964] {strides = array<i32>} : memref<5x128xf32, #tpu.memory_space<vmem>>, vector<16xf32>,
      %get3A_966 = arith.constant 1 : i32
      %get3A_967 = arith.index_cast %get3A_966 : i32 to index
      %get3A_968 = arith.constant 64 : index
      %get3A_969 = tpu.vector_load %arg10[%get3A_967, %get3A_968] {strides = array<i32>} : memref<5x128xf32, #tpu.memory_space<vmem>>, vector<16xf32>,
      %add3A_970 = arith.addf %get3A_965, %get3A_969 : vector<16xf32>
      %swap3A_971 = arith.constant 1 : i32
      %swap3A_972 = arith.index_cast %swap3A_971 : i32 to index
      %swap3A_973 = arith.constant 64 : index
      %swap3A_974 = tpu.vector_load %arg9[%swap3A_972, %swap3A_973] {strides = array<i32>} : memref<5x128xf32, #tpu.memory_space<vmem>>, vector<16xf32>,
      tpu.vector_store %arg9[%swap3A_972, %swap3A_973], %add3A_970 {strides = array<i32>} : memref<5x128xf32, #tpu.memory_space<vmem>>, vector<16xf32>,
      %get3A_975 = arith.constant 1 : i32
      %get3A_976 = arith.index_cast %get3A_975 : i32 to index
      %get3A_977 = arith.constant 80 : index
      %get3A_978 = tpu.vector_load %arg9[%get3A_976, %get3A_977] {strides = array<i32>} : memref<5x128xf32, #tpu.memory_space<vmem>>, vector<16xf32>,
      %get3A_979 = arith.constant 1 : i32
      %get3A_980 = arith.index_cast %get3A_979 : i32 to index
      %get3A_981 = arith.constant 80 : index
      %get3A_982 = tpu.vector_load %arg10[%get3A_980, %get3A_981] {strides = array<i32>} : memref<5x128xf32, #tpu.memory_space<vmem>>, vector<16xf32>,
      %add3A_983 = arith.addf %get3A_978, %get3A_982 : vector<16xf32>
      %swap3A_984 = arith.constant 1 : i32
      %swap3A_985 = arith.index_cast %swap3A_984 : i32 to index
      %swap3A_986 = arith.constant 80 : index
      %swap3A_987 = tpu.vector_load %arg9[%swap3A_985, %swap3A_986] {strides = array<i32>} : memref<5x128xf32, #tpu.memory_space<vmem>>, vector<16xf32>,
      tpu.vector_store %arg9[%swap3A_985, %swap3A_986], %add3A_983 {strides = array<i32>} : memref<5x128xf32, #tpu.memory_space<vmem>>, vector<16xf32>,
      %get3A_988 = arith.constant 1 : i32
      %get3A_989 = arith.index_cast %get3A_988 : i32 to index
      %get3A_990 = arith.constant 96 : index
      %get3A_991 = tpu.vector_load %arg9[%get3A_989, %get3A_990] {strides = array<i32>} : memref<5x128xf32, #tpu.memory_space<vmem>>, vector<16xf32>,
      %get3A_992 = arith.constant 1 : i32
      %get3A_993 = arith.index_cast %get3A_992 : i32 to index
      %get3A_994 = arith.constant 96 : index
      %get3A_995 = tpu.vector_load %arg10[%get3A_993, %get3A_994] {strides = array<i32>} : memref<5x128xf32, #tpu.memory_space<vmem>>, vector<16xf32>,
      %add3A_996 = arith.addf %get3A_991, %get3A_995 : vector<16xf32>
      %swap3A_997 = arith.constant 1 : i32
      %swap3A_998 = arith.index_cast %swap3A_997 : i32 to index
      %swap3A_999 = arith.constant 96 : index
      %swap3A_1000 = tpu.vector_load %arg9[%swap3A_998, %swap3A_999] {strides = array<i32>} : memref<5x128xf32, #tpu.memory_space<vmem>>, vector<16xf32>,
      tpu.vector_store %arg9[%swap3A_998, %swap3A_999], %add3A_996 {strides = array<i32>} : memref<5x128xf32, #tpu.memory_space<vmem>>, vector<16xf32>,
      %get3A_1001 = arith.constant 1 : i32
      %get3A_1002 = arith.index_cast %get3A_1001 : i32 to index
      %get3A_1003 = arith.constant 112 : index
      %get3A_1004 = tpu.vector_load %arg9[%get3A_1002, %get3A_1003] {strides = array<i32>} : memref<5x128xf32, #tpu.memory_space<vmem>>, vector<16xf32>,
      %get3A_1005 = arith.constant 1 : i32
      %get3A_1006 = arith.index_cast %get3A_1005 : i32 to index
      %get3A_1007 = arith.constant 112 : index
      %get3A_1008 = tpu.vector_load %arg10[%get3A_1006, %get3A_1007] {strides = array<i32>} : memref<5x128xf32, #tpu.memory_space<vmem>>, vector<16xf32>,
      %add3A_1009 = arith.addf %get3A_1004, %get3A_1008 : vector<16xf32>
      %swap3A_1010 = arith.constant 1 : i32
      %swap3A_1011 = arith.index_cast %swap3A_1010 : i32 to index
      %swap3A_1012 = arith.constant 112 : index
      %swap3A_1013 = tpu.vector_load %arg9[%swap3A_1011, %swap3A_1012] {strides = array<i32>} : memref<5x128xf32, #tpu.memory_space<vmem>>, vector<16xf32>,
      tpu.vector_store %arg9[%swap3A_1011, %swap3A_1012], %add3A_1009 {strides = array<i32>} : memref<5x128xf32, #tpu.memory_space<vmem>>, vector<16xf32>,
      %get3A_1014 = arith.constant 2 : i32
      %get3A_1015 = arith.index_cast %get3A_1014 : i32 to index
      %get3A_1016 = arith.constant 0 : index
      %get3A_1017 = tpu.vector_load %arg9[%get3A_1015, %get3A_1016] {strides = array<i32>} : memref<5x128xf32, #tpu.memory_space<vmem>>, vector<16xf32>,
      %get3A_1018 = arith.constant 2 : i32
      %get3A_1019 = arith.index_cast %get3A_1018 : i32 to index
      %get3A_1020 = arith.constant 0 : index
      %get3A_1021 = tpu.vector_load %arg10[%get3A_1019, %get3A_1020] {strides = array<i32>} : memref<5x128xf32, #tpu.memory_space<vmem>>, vector<16xf32>,
      %add3A_1022 = arith.addf %get3A_1017, %get3A_1021 : vector<16xf32>
      %swap3A_1023 = arith.constant 2 : i32
      %swap3A_1024 = arith.index_cast %swap3A_1023 : i32 to index
      %swap3A_1025 = arith.constant 0 : index
      %swap3A_1026 = tpu.vector_load %arg9[%swap3A_1024, %swap3A_1025] {strides = array<i32>} : memref<5x128xf32, #tpu.memory_space<vmem>>, vector<16xf32>,
      tpu.vector_store %arg9[%swap3A_1024, %swap3A_1025], %add3A_1022 {strides = array<i32>} : memref<5x128xf32, #tpu.memory_space<vmem>>, vector<16xf32>,
      %get3A_1027 = arith.constant 2 : i32
      %get3A_1028 = arith.index_cast %get3A_1027 : i32 to index
      %get3A_1029 = arith.constant 16 : index
      %get3A_1030 = tpu.vector_load %arg9[%get3A_1028, %get3A_1029] {strides = array<i32>} : memref<5x128xf32, #tpu.memory_space<vmem>>, vector<16xf32>,
      %get3A_1031 = arith.constant 2 : i32
      %get3A_1032 = arith.index_cast %get3A_1031 : i32 to index
      %get3A_1033 = arith.constant 16 : index
      %get3A_1034 = tpu.vector_load %arg10[%get3A_1032, %get3A_1033] {strides = array<i32>} : memref<5x128xf32, #tpu.memory_space<vmem>>, vector<16xf32>,
      %add3A_1035 = arith.addf %get3A_1030, %get3A_1034 : vector<16xf32>
      %swap3A_1036 = arith.constant 2 : i32
      %swap3A_1037 = arith.index_cast %swap3A_1036 : i32 to index
      %swap3A_1038 = arith.constant 16 : index
      %swap3A_1039 = tpu.vector_load %arg9[%swap3A_1037, %swap3A_1038] {strides = array<i32>} : memref<5x128xf32, #tpu.memory_space<vmem>>, vector<16xf32>,
      tpu.vector_store %arg9[%swap3A_1037, %swap3A_1038], %add3A_1035 {strides = array<i32>} : memref<5x128xf32, #tpu.memory_space<vmem>>, vector<16xf32>,
      %get3A_1040 = arith.constant 2 : i32
      %get3A_1041 = arith.index_cast %get3A_1040 : i32 to index
      %get3A_1042 = arith.constant 32 : index
      %get3A_1043 = tpu.vector_load %arg9[%get3A_1041, %get3A_1042] {strides = array<i32>} : memref<5x128xf32, #tpu.memory_space<vmem>>, vector<16xf32>,
      %get3A_1044 = arith.constant 2 : i32
      %get3A_1045 = arith.index_cast %get3A_1044 : i32 to index
      %get3A_1046 = arith.constant 32 : index
      %get3A_1047 = tpu.vector_load %arg10[%get3A_1045, %get3A_1046] {strides = array<i32>} : memref<5x128xf32, #tpu.memory_space<vmem>>, vector<16xf32>,
      %add3A_1048 = arith.addf %get3A_1043, %get3A_1047 : vector<16xf32>
      %swap3A_1049 = arith.constant 2 : i32
      %swap3A_1050 = arith.index_cast %swap3A_1049 : i32 to index
      %swap3A_1051 = arith.constant 32 : index
      %swap3A_1052 = tpu.vector_load %arg9[%swap3A_1050, %swap3A_1051] {strides = array<i32>} : memref<5x128xf32, #tpu.memory_space<vmem>>, vector<16xf32>,
      tpu.vector_store %arg9[%swap3A_1050, %swap3A_1051], %add3A_1048 {strides = array<i32>} : memref<5x128xf32, #tpu.memory_space<vmem>>, vector<16xf32>,
      %get3A_1053 = arith.constant 2 : i32
      %get3A_1054 = arith.index_cast %get3A_1053 : i32 to index
      %get3A_1055 = arith.constant 48 : index
      %get3A_1056 = tpu.vector_load %arg9[%get3A_1054, %get3A_1055] {strides = array<i32>} : memref<5x128xf32, #tpu.memory_space<vmem>>, vector<16xf32>,
      %get3A_1057 = arith.constant 2 : i32
      %get3A_1058 = arith.index_cast %get3A_1057 : i32 to index
      %get3A_1059 = arith.constant 48 : index
      %get3A_1060 = tpu.vector_load %arg10[%get3A_1058, %get3A_1059] {strides = array<i32>} : memref<5x128xf32, #tpu.memory_space<vmem>>, vector<16xf32>,
      %add3A_1061 = arith.addf %get3A_1056, %get3A_1060 : vector<16xf32>
      %swap3A_1062 = arith.constant 2 : i32
      %swap3A_1063 = arith.index_cast %swap3A_1062 : i32 to index
      %swap3A_1064 = arith.constant 48 : index
      %swap3A_1065 = tpu.vector_load %arg9[%swap3A_1063, %swap3A_1064] {strides = array<i32>} : memref<5x128xf32, #tpu.memory_space<vmem>>, vector<16xf32>,
      tpu.vector_store %arg9[%swap3A_1063, %swap3A_1064], %add3A_1061 {strides = array<i32>} : memref<5x128xf32, #tpu.memory_space<vmem>>, vector<16xf32>,
      %get3A_1066 = arith.constant 2 : i32
      %get3A_1067 = arith.index_cast %get3A_1066 : i32 to index
      %get3A_1068 = arith.constant 64 : index
      %get3A_1069 = tpu.vector_load %arg9[%get3A_1067, %get3A_1068] {strides = array<i32>} : memref<5x128xf32, #tpu.memory_space<vmem>>, vector<16xf32>,
      %get3A_1070 = arith.constant 2 : i32
      %get3A_1071 = arith.index_cast %get3A_1070 : i32 to index
      %get3A_1072 = arith.constant 64 : index
      %get3A_1073 = tpu.vector_load %arg10[%get3A_1071, %get3A_1072] {strides = array<i32>} : memref<5x128xf32, #tpu.memory_space<vmem>>, vector<16xf32>,
      %add3A_1074 = arith.addf %get3A_1069, %get3A_1073 : vector<16xf32>
      %swap3A_1075 = arith.constant 2 : i32
      %swap3A_1076 = arith.index_cast %swap3A_1075 : i32 to index
      %swap3A_1077 = arith.constant 64 : index
      %swap3A_1078 = tpu.vector_load %arg9[%swap3A_1076, %swap3A_1077] {strides = array<i32>} : memref<5x128xf32, #tpu.memory_space<vmem>>, vector<16xf32>,
      tpu.vector_store %arg9[%swap3A_1076, %swap3A_1077], %add3A_1074 {strides = array<i32>} : memref<5x128xf32, #tpu.memory_space<vmem>>, vector<16xf32>,
      %get3A_1079 = arith.constant 2 : i32
      %get3A_1080 = arith.index_cast %get3A_1079 : i32 to index
      %get3A_1081 = arith.constant 80 : index
      %get3A_1082 = tpu.vector_load %arg9[%get3A_1080, %get3A_1081] {strides = array<i32>} : memref<5x128xf32, #tpu.memory_space<vmem>>, vector<16xf32>,
      %get3A_1083 = arith.constant 2 : i32
      %get3A_1084 = arith.index_cast %get3A_1083 : i32 to index
      %get3A_1085 = arith.constant 80 : index
      %get3A_1086 = tpu.vector_load %arg10[%get3A_1084, %get3A_1085] {strides = array<i32>} : memref<5x128xf32, #tpu.memory_space<vmem>>, vector<16xf32>,
      %add3A_1087 = arith.addf %get3A_1082, %get3A_1086 : vector<16xf32>
      %swap3A_1088 = arith.constant 2 : i32
      %swap3A_1089 = arith.index_cast %swap3A_1088 : i32 to index
      %swap3A_1090 = arith.constant 80 : index
      %swap3A_1091 = tpu.vector_load %arg9[%swap3A_1089, %swap3A_1090] {strides = array<i32>} : memref<5x128xf32, #tpu.memory_space<vmem>>, vector<16xf32>,
      tpu.vector_store %arg9[%swap3A_1089, %swap3A_1090], %add3A_1087 {strides = array<i32>} : memref<5x128xf32, #tpu.memory_space<vmem>>, vector<16xf32>,
      %get3A_1092 = arith.constant 2 : i32
      %get3A_1093 = arith.index_cast %get3A_1092 : i32 to index
      %get3A_1094 = arith.constant 96 : index
      %get3A_1095 = tpu.vector_load %arg9[%get3A_1093, %get3A_1094] {strides = array<i32>} : memref<5x128xf32, #tpu.memory_space<vmem>>, vector<16xf32>,
      %get3A_1096 = arith.constant 2 : i32
      %get3A_1097 = arith.index_cast %get3A_1096 : i32 to index
      %get3A_1098 = arith.constant 96 : index
      %get3A_1099 = tpu.vector_load %arg10[%get3A_1097, %get3A_1098] {strides = array<i32>} : memref<5x128xf32, #tpu.memory_space<vmem>>, vector<16xf32>,
      %add3A_1100 = arith.addf %get3A_1095, %get3A_1099 : vector<16xf32>
      %swap3A_1101 = arith.constant 2 : i32
      %swap3A_1102 = arith.index_cast %swap3A_1101 : i32 to index
      %swap3A_1103 = arith.constant 96 : index
      %swap3A_1104 = tpu.vector_load %arg9[%swap3A_1102, %swap3A_1103] {strides = array<i32>} : memref<5x128xf32, #tpu.memory_space<vmem>>, vector<16xf32>,
      tpu.vector_store %arg9[%swap3A_1102, %swap3A_1103], %add3A_1100 {strides = array<i32>} : memref<5x128xf32, #tpu.memory_space<vmem>>, vector<16xf32>,
      %get3A_1105 = arith.constant 2 : i32
      %get3A_1106 = arith.index_cast %get3A_1105 : i32 to index
      %get3A_1107 = arith.constant 112 : index
      %get3A_1108 = tpu.vector_load %arg9[%get3A_1106, %get3A_1107] {strides = array<i32>} : memref<5x128xf32, #tpu.memory_space<vmem>>, vector<16xf32>,
      %get3A_1109 = arith.constant 2 : i32
      %get3A_1110 = arith.index_cast %get3A_1109 : i32 to index
      %get3A_1111 = arith.constant 112 : index
      %get3A_1112 = tpu.vector_load %arg10[%get3A_1110, %get3A_1111] {strides = array<i32>} : memref<5x128xf32, #tpu.memory_space<vmem>>, vector<16xf32>,
      %add3A_1113 = arith.addf %get3A_1108, %get3A_1112 : vector<16xf32>
      %swap3A_1114 = arith.constant 2 : i32
      %swap3A_1115 = arith.index_cast %swap3A_1114 : i32 to index
      %swap3A_1116 = arith.constant 112 : index
      %swap3A_1117 = tpu.vector_load %arg9[%swap3A_1115, %swap3A_1116] {strides = array<i32>} : memref<5x128xf32, #tpu.memory_space<vmem>>, vector<16xf32>,
      tpu.vector_store %arg9[%swap3A_1115, %swap3A_1116], %add3A_1113 {strides = array<i32>} : memref<5x128xf32, #tpu.memory_space<vmem>>, vector<16xf32>,
      %get3A_1118 = arith.constant 3 : i32
      %get3A_1119 = arith.index_cast %get3A_1118 : i32 to index
      %get3A_1120 = arith.constant 0 : index
      %get3A_1121 = tpu.vector_load %arg9[%get3A_1119, %get3A_1120] {strides = array<i32>} : memref<5x128xf32, #tpu.memory_space<vmem>>, vector<16xf32>,
      %get3A_1122 = arith.constant 3 : i32
      %get3A_1123 = arith.index_cast %get3A_1122 : i32 to index
      %get3A_1124 = arith.constant 0 : index
      %get3A_1125 = tpu.vector_load %arg10[%get3A_1123, %get3A_1124] {strides = array<i32>} : memref<5x128xf32, #tpu.memory_space<vmem>>, vector<16xf32>,
      %add3A_1126 = arith.addf %get3A_1121, %get3A_1125 : vector<16xf32>
      %swap3A_1127 = arith.constant 3 : i32
      %swap3A_1128 = arith.index_cast %swap3A_1127 : i32 to index
      %swap3A_1129 = arith.constant 0 : index
      %swap3A_1130 = tpu.vector_load %arg9[%swap3A_1128, %swap3A_1129] {strides = array<i32>} : memref<5x128xf32, #tpu.memory_space<vmem>>, vector<16xf32>,
      tpu.vector_store %arg9[%swap3A_1128, %swap3A_1129], %add3A_1126 {strides = array<i32>} : memref<5x128xf32, #tpu.memory_space<vmem>>, vector<16xf32>,
      %get3A_1131 = arith.constant 3 : i32
      %get3A_1132 = arith.index_cast %get3A_1131 : i32 to index
      %get3A_1133 = arith.constant 16 : index
      %get3A_1134 = tpu.vector_load %arg9[%get3A_1132, %get3A_1133] {strides = array<i32>} : memref<5x128xf32, #tpu.memory_space<vmem>>, vector<16xf32>,
      %get3A_1135 = arith.constant 3 : i32
      %get3A_1136 = arith.index_cast %get3A_1135 : i32 to index
      %get3A_1137 = arith.constant 16 : index
      %get3A_1138 = tpu.vector_load %arg10[%get3A_1136, %get3A_1137] {strides = array<i32>} : memref<5x128xf32, #tpu.memory_space<vmem>>, vector<16xf32>,
      %add3A_1139 = arith.addf %get3A_1134, %get3A_1138 : vector<16xf32>
      %swap3A_1140 = arith.constant 3 : i32
      %swap3A_1141 = arith.index_cast %swap3A_1140 : i32 to index
      %swap3A_1142 = arith.constant 16 : index
      %swap3A_1143 = tpu.vector_load %arg9[%swap3A_1141, %swap3A_1142] {strides = array<i32>} : memref<5x128xf32, #tpu.memory_space<vmem>>, vector<16xf32>,
      tpu.vector_store %arg9[%swap3A_1141, %swap3A_1142], %add3A_1139 {strides = array<i32>} : memref<5x128xf32, #tpu.memory_space<vmem>>, vector<16xf32>,
      %get3A_1144 = arith.constant 3 : i32
      %get3A_1145 = arith.index_cast %get3A_1144 : i32 to index
      %get3A_1146 = arith.constant 32 : index
      %get3A_1147 = tpu.vector_load %arg9[%get3A_1145, %get3A_1146] {strides = array<i32>} : memref<5x128xf32, #tpu.memory_space<vmem>>, vector<16xf32>,
      %get3A_1148 = arith.constant 3 : i32
      %get3A_1149 = arith.index_cast %get3A_1148 : i32 to index
      %get3A_1150 = arith.constant 32 : index
      %get3A_1151 = tpu.vector_load %arg10[%get3A_1149, %get3A_1150] {strides = array<i32>} : memref<5x128xf32, #tpu.memory_space<vmem>>, vector<16xf32>,
      %add3A_1152 = arith.addf %get3A_1147, %get3A_1151 : vector<16xf32>
      %swap3A_1153 = arith.constant 3 : i32
      %swap3A_1154 = arith.index_cast %swap3A_1153 : i32 to index
      %swap3A_1155 = arith.constant 32 : index
      %swap3A_1156 = tpu.vector_load %arg9[%swap3A_1154, %swap3A_1155] {strides = array<i32>} : memref<5x128xf32, #tpu.memory_space<vmem>>, vector<16xf32>,
      tpu.vector_store %arg9[%swap3A_1154, %swap3A_1155], %add3A_1152 {strides = array<i32>} : memref<5x128xf32, #tpu.memory_space<vmem>>, vector<16xf32>,
      %get3A_1157 = arith.constant 3 : i32
      %get3A_1158 = arith.index_cast %get3A_1157 : i32 to index
      %get3A_1159 = arith.constant 48 : index
      %get3A_1160 = tpu.vector_load %arg9[%get3A_1158, %get3A_1159] {strides = array<i32>} : memref<5x128xf32, #tpu.memory_space<vmem>>, vector<16xf32>,
      %get3A_1161 = arith.constant 3 : i32
      %get3A_1162 = arith.index_cast %get3A_1161 : i32 to index
      %get3A_1163 = arith.constant 48 : index
      %get3A_1164 = tpu.vector_load %arg10[%get3A_1162, %get3A_1163] {strides = array<i32>} : memref<5x128xf32, #tpu.memory_space<vmem>>, vector<16xf32>,
      %add3A_1165 = arith.addf %get3A_1160, %get3A_1164 : vector<16xf32>
      %swap3A_1166 = arith.constant 3 : i32
      %swap3A_1167 = arith.index_cast %swap3A_1166 : i32 to index
      %swap3A_1168 = arith.constant 48 : index
      %swap3A_1169 = tpu.vector_load %arg9[%swap3A_1167, %swap3A_1168] {strides = array<i32>} : memref<5x128xf32, #tpu.memory_space<vmem>>, vector<16xf32>,
      tpu.vector_store %arg9[%swap3A_1167, %swap3A_1168], %add3A_1165 {strides = array<i32>} : memref<5x128xf32, #tpu.memory_space<vmem>>, vector<16xf32>,
      %get3A_1170 = arith.constant 3 : i32
      %get3A_1171 = arith.index_cast %get3A_1170 : i32 to index
      %get3A_1172 = arith.constant 64 : index
      %get3A_1173 = tpu.vector_load %arg9[%get3A_1171, %get3A_1172] {strides = array<i32>} : memref<5x128xf32, #tpu.memory_space<vmem>>, vector<16xf32>,
      %get3A_1174 = arith.constant 3 : i32
      %get3A_1175 = arith.index_cast %get3A_1174 : i32 to index
      %get3A_1176 = arith.constant 64 : index
      %get3A_1177 = tpu.vector_load %arg10[%get3A_1175, %get3A_1176] {strides = array<i32>} : memref<5x128xf32, #tpu.memory_space<vmem>>, vector<16xf32>,
      %add3A_1178 = arith.addf %get3A_1173, %get3A_1177 : vector<16xf32>
      %swap3A_1179 = arith.constant 3 : i32
      %swap3A_1180 = arith.index_cast %swap3A_1179 : i32 to index
      %swap3A_1181 = arith.constant 64 : index
      %swap3A_1182 = tpu.vector_load %arg9[%swap3A_1180, %swap3A_1181] {strides = array<i32>} : memref<5x128xf32, #tpu.memory_space<vmem>>, vector<16xf32>,
      tpu.vector_store %arg9[%swap3A_1180, %swap3A_1181], %add3A_1178 {strides = array<i32>} : memref<5x128xf32, #tpu.memory_space<vmem>>, vector<16xf32>,
      %get3A_1183 = arith.constant 3 : i32
      %get3A_1184 = arith.index_cast %get3A_1183 : i32 to index
      %get3A_1185 = arith.constant 80 : index
      %get3A_1186 = tpu.vector_load %arg9[%get3A_1184, %get3A_1185] {strides = array<i32>} : memref<5x128xf32, #tpu.memory_space<vmem>>, vector<16xf32>,
      %get3A_1187 = arith.constant 3 : i32
      %get3A_1188 = arith.index_cast %get3A_1187 : i32 to index
      %get3A_1189 = arith.constant 80 : index
      %get3A_1190 = tpu.vector_load %arg10[%get3A_1188, %get3A_1189] {strides = array<i32>} : memref<5x128xf32, #tpu.memory_space<vmem>>, vector<16xf32>,
      %add3A_1191 = arith.addf %get3A_1186, %get3A_1190 : vector<16xf32>
      %swap3A_1192 = arith.constant 3 : i32
      %swap3A_1193 = arith.index_cast %swap3A_1192 : i32 to index
      %swap3A_1194 = arith.constant 80 : index
      %swap3A_1195 = tpu.vector_load %arg9[%swap3A_1193, %swap3A_1194] {strides = array<i32>} : memref<5x128xf32, #tpu.memory_space<vmem>>, vector<16xf32>,
      tpu.vector_store %arg9[%swap3A_1193, %swap3A_1194], %add3A_1191 {strides = array<i32>} : memref<5x128xf32, #tpu.memory_space<vmem>>, vector<16xf32>,
      %get3A_1196 = arith.constant 3 : i32
      %get3A_1197 = arith.index_cast %get3A_1196 : i32 to index
      %get3A_1198 = arith.constant 96 : index
      %get3A_1199 = tpu.vector_load %arg9[%get3A_1197, %get3A_1198] {strides = array<i32>} : memref<5x128xf32, #tpu.memory_space<vmem>>, vector<16xf32>,
      %get3A_1200 = arith.constant 3 : i32
      %get3A_1201 = arith.index_cast %get3A_1200 : i32 to index
      %get3A_1202 = arith.constant 96 : index
      %get3A_1203 = tpu.vector_load %arg10[%get3A_1201, %get3A_1202] {strides = array<i32>} : memref<5x128xf32, #tpu.memory_space<vmem>>, vector<16xf32>,
      %add3A_1204 = arith.addf %get3A_1199, %get3A_1203 : vector<16xf32>
      %swap3A_1205 = arith.constant 3 : i32
      %swap3A_1206 = arith.index_cast %swap3A_1205 : i32 to index
      %swap3A_1207 = arith.constant 96 : index
      %swap3A_1208 = tpu.vector_load %arg9[%swap3A_1206, %swap3A_1207] {strides = array<i32>} : memref<5x128xf32, #tpu.memory_space<vmem>>, vector<16xf32>,
      tpu.vector_store %arg9[%swap3A_1206, %swap3A_1207], %add3A_1204 {strides = array<i32>} : memref<5x128xf32, #tpu.memory_space<vmem>>, vector<16xf32>,
      %get3A_1209 = arith.constant 3 : i32
      %get3A_1210 = arith.index_cast %get3A_1209 : i32 to index
      %get3A_1211 = arith.constant 112 : index
      %get3A_1212 = tpu.vector_load %arg9[%get3A_1210, %get3A_1211] {strides = array<i32>} : memref<5x128xf32, #tpu.memory_space<vmem>>, vector<16xf32>,
      %get3A_1213 = arith.constant 3 : i32
      %get3A_1214 = arith.index_cast %get3A_1213 : i32 to index
      %get3A_1215 = arith.constant 112 : index
      %get3A_1216 = tpu.vector_load %arg10[%get3A_1214, %get3A_1215] {strides = array<i32>} : memref<5x128xf32, #tpu.memory_space<vmem>>, vector<16xf32>,
      %add3A_1217 = arith.addf %get3A_1212, %get3A_1216 : vector<16xf32>
      %swap3A_1218 = arith.constant 3 : i32
      %swap3A_1219 = arith.index_cast %swap3A_1218 : i32 to index
      %swap3A_1220 = arith.constant 112 : index
      %swap3A_1221 = tpu.vector_load %arg9[%swap3A_1219, %swap3A_1220] {strides = array<i32>} : memref<5x128xf32, #tpu.memory_space<vmem>>, vector<16xf32>,
      tpu.vector_store %arg9[%swap3A_1219, %swap3A_1220], %add3A_1217 {strides = array<i32>} : memref<5x128xf32, #tpu.memory_space<vmem>>, vector<16xf32>,
      %get3A_1222 = arith.constant 4 : i32
      %get3A_1223 = arith.index_cast %get3A_1222 : i32 to index
      %get3A_1224 = arith.constant 0 : index
      %get3A_1225 = tpu.vector_load %arg9[%get3A_1223, %get3A_1224] {strides = array<i32>} : memref<5x128xf32, #tpu.memory_space<vmem>>, vector<16xf32>,
      %get3A_1226 = arith.constant 4 : i32
      %get3A_1227 = arith.index_cast %get3A_1226 : i32 to index
      %get3A_1228 = arith.constant 0 : index
      %get3A_1229 = tpu.vector_load %arg10[%get3A_1227, %get3A_1228] {strides = array<i32>} : memref<5x128xf32, #tpu.memory_space<vmem>>, vector<16xf32>,
      %add3A_1230 = arith.addf %get3A_1225, %get3A_1229 : vector<16xf32>
      %swap3A_1231 = arith.constant 4 : i32
      %swap3A_1232 = arith.index_cast %swap3A_1231 : i32 to index
      %swap3A_1233 = arith.constant 0 : index
      %swap3A_1234 = tpu.vector_load %arg9[%swap3A_1232, %swap3A_1233] {strides = array<i32>} : memref<5x128xf32, #tpu.memory_space<vmem>>, vector<16xf32>,
      tpu.vector_store %arg9[%swap3A_1232, %swap3A_1233], %add3A_1230 {strides = array<i32>} : memref<5x128xf32, #tpu.memory_space<vmem>>, vector<16xf32>,
      %get3A_1235 = arith.constant 4 : i32
      %get3A_1236 = arith.index_cast %get3A_1235 : i32 to index
      %get3A_1237 = arith.constant 16 : index
      %get3A_1238 = tpu.vector_load %arg9[%get3A_1236, %get3A_1237] {strides = array<i32>} : memref<5x128xf32, #tpu.memory_space<vmem>>, vector<16xf32>,
      %get3A_1239 = arith.constant 4 : i32
      %get3A_1240 = arith.index_cast %get3A_1239 : i32 to index
      %get3A_1241 = arith.constant 16 : index
      %get3A_1242 = tpu.vector_load %arg10[%get3A_1240, %get3A_1241] {strides = array<i32>} : memref<5x128xf32, #tpu.memory_space<vmem>>, vector<16xf32>,
      %add3A_1243 = arith.addf %get3A_1238, %get3A_1242 : vector<16xf32>
      %swap3A_1244 = arith.constant 4 : i32
      %swap3A_1245 = arith.index_cast %swap3A_1244 : i32 to index
      %swap3A_1246 = arith.constant 16 : index
      %swap3A_1247 = tpu.vector_load %arg9[%swap3A_1245, %swap3A_1246] {strides = array<i32>} : memref<5x128xf32, #tpu.memory_space<vmem>>, vector<16xf32>,
      tpu.vector_store %arg9[%swap3A_1245, %swap3A_1246], %add3A_1243 {strides = array<i32>} : memref<5x128xf32, #tpu.memory_space<vmem>>, vector<16xf32>,
      %get3A_1248 = arith.constant 4 : i32
      %get3A_1249 = arith.index_cast %get3A_1248 : i32 to index
      %get3A_1250 = arith.constant 32 : index
      %get3A_1251 = tpu.vector_load %arg9[%get3A_1249, %get3A_1250] {strides = array<i32>} : memref<5x128xf32, #tpu.memory_space<vmem>>, vector<16xf32>,
      %get3A_1252 = arith.constant 4 : i32
      %get3A_1253 = arith.index_cast %get3A_1252 : i32 to index
      %get3A_1254 = arith.constant 32 : index
      %get3A_1255 = tpu.vector_load %arg10[%get3A_1253, %get3A_1254] {strides = array<i32>} : memref<5x128xf32, #tpu.memory_space<vmem>>, vector<16xf32>,
      %add3A_1256 = arith.addf %get3A_1251, %get3A_1255 : vector<16xf32>
      %swap3A_1257 = arith.constant 4 : i32
      %swap3A_1258 = arith.index_cast %swap3A_1257 : i32 to index
      %swap3A_1259 = arith.constant 32 : index
      %swap3A_1260 = tpu.vector_load %arg9[%swap3A_1258, %swap3A_1259] {strides = array<i32>} : memref<5x128xf32, #tpu.memory_space<vmem>>, vector<16xf32>,
      tpu.vector_store %arg9[%swap3A_1258, %swap3A_1259], %add3A_1256 {strides = array<i32>} : memref<5x128xf32, #tpu.memory_space<vmem>>, vector<16xf32>,
      %get3A_1261 = arith.constant 4 : i32
      %get3A_1262 = arith.index_cast %get3A_1261 : i32 to index
      %get3A_1263 = arith.constant 48 : index
      %get3A_1264 = tpu.vector_load %arg9[%get3A_1262, %get3A_1263] {strides = array<i32>} : memref<5x128xf32, #tpu.memory_space<vmem>>, vector<16xf32>,
      %get3A_1265 = arith.constant 4 : i32
      %get3A_1266 = arith.index_cast %get3A_1265 : i32 to index
      %get3A_1267 = arith.constant 48 : index
      %get3A_1268 = tpu.vector_load %arg10[%get3A_1266, %get3A_1267] {strides = array<i32>} : memref<5x128xf32, #tpu.memory_space<vmem>>, vector<16xf32>,
      %add3A_1269 = arith.addf %get3A_1264, %get3A_1268 : vector<16xf32>
      %swap3A_1270 = arith.constant 4 : i32
      %swap3A_1271 = arith.index_cast %swap3A_1270 : i32 to index
      %swap3A_1272 = arith.constant 48 : index
      %swap3A_1273 = tpu.vector_load %arg9[%swap3A_1271, %swap3A_1272] {strides = array<i32>} : memref<5x128xf32, #tpu.memory_space<vmem>>, vector<16xf32>,
      tpu.vector_store %arg9[%swap3A_1271, %swap3A_1272], %add3A_1269 {strides = array<i32>} : memref<5x128xf32, #tpu.memory_space<vmem>>, vector<16xf32>,
      %get3A_1274 = arith.constant 4 : i32
      %get3A_1275 = arith.index_cast %get3A_1274 : i32 to index
      %get3A_1276 = arith.constant 64 : index
      %get3A_1277 = tpu.vector_load %arg9[%get3A_1275, %get3A_1276] {strides = array<i32>} : memref<5x128xf32, #tpu.memory_space<vmem>>, vector<16xf32>,
      %get3A_1278 = arith.constant 4 : i32
      %get3A_1279 = arith.index_cast %get3A_1278 : i32 to index
      %get3A_1280 = arith.constant 64 : index
      %get3A_1281 = tpu.vector_load %arg10[%get3A_1279, %get3A_1280] {strides = array<i32>} : memref<5x128xf32, #tpu.memory_space<vmem>>, vector<16xf32>,
      %add3A_1282 = arith.addf %get3A_1277, %get3A_1281 : vector<16xf32>
      %swap3A_1283 = arith.constant 4 : i32
      %swap3A_1284 = arith.index_cast %swap3A_1283 : i32 to index
      %swap3A_1285 = arith.constant 64 : index
      %swap3A_1286 = tpu.vector_load %arg9[%swap3A_1284, %swap3A_1285] {strides = array<i32>} : memref<5x128xf32, #tpu.memory_space<vmem>>, vector<16xf32>,
      tpu.vector_store %arg9[%swap3A_1284, %swap3A_1285], %add3A_1282 {strides = array<i32>} : memref<5x128xf32, #tpu.memory_space<vmem>>, vector<16xf32>,
      %get3A_1287 = arith.constant 4 : i32
      %get3A_1288 = arith.index_cast %get3A_1287 : i32 to index
      %get3A_1289 = arith.constant 80 : index
      %get3A_1290 = tpu.vector_load %arg9[%get3A_1288, %get3A_1289] {strides = array<i32>} : memref<5x128xf32, #tpu.memory_space<vmem>>, vector<16xf32>,
      %get3A_1291 = arith.constant 4 : i32
      %get3A_1292 = arith.index_cast %get3A_1291 : i32 to index
      %get3A_1293 = arith.constant 80 : index
      %get3A_1294 = tpu.vector_load %arg10[%get3A_1292, %get3A_1293] {strides = array<i32>} : memref<5x128xf32, #tpu.memory_space<vmem>>, vector<16xf32>,
      %add3A_1295 = arith.addf %get3A_1290, %get3A_1294 : vector<16xf32>
      %swap3A_1296 = arith.constant 4 : i32
      %swap3A_1297 = arith.index_cast %swap3A_1296 : i32 to index
      %swap3A_1298 = arith.constant 80 : index
      %swap3A_1299 = tpu.vector_load %arg9[%swap3A_1297, %swap3A_1298] {strides = array<i32>} : memref<5x128xf32, #tpu.memory_space<vmem>>, vector<16xf32>,
      tpu.vector_store %arg9[%swap3A_1297, %swap3A_1298], %add3A_1295 {strides = array<i32>} : memref<5x128xf32, #tpu.memory_space<vmem>>, vector<16xf32>,
      %get3A_1300 = arith.constant 4 : i32
      %get3A_1301 = arith.index_cast %get3A_1300 : i32 to index
      %get3A_1302 = arith.constant 96 : index
      %get3A_1303 = tpu.vector_load %arg9[%get3A_1301, %get3A_1302] {strides = array<i32>} : memref<5x128xf32, #tpu.memory_space<vmem>>, vector<16xf32>,
      %get3A_1304 = arith.constant 4 : i32
      %get3A_1305 = arith.index_cast %get3A_1304 : i32 to index
      %get3A_1306 = arith.constant 96 : index
      %get3A_1307 = tpu.vector_load %arg10[%get3A_1305, %get3A_1306] {strides = array<i32>} : memref<5x128xf32, #tpu.memory_space<vmem>>, vector<16xf32>,
      %add3A_1308 = arith.addf %get3A_1303, %get3A_1307 : vector<16xf32>
      %swap3A_1309 = arith.constant 4 : i32
      %swap3A_1310 = arith.index_cast %swap3A_1309 : i32 to index
      %swap3A_1311 = arith.constant 96 : index
      %swap3A_1312 = tpu.vector_load %arg9[%swap3A_1310, %swap3A_1311] {strides = array<i32>} : memref<5x128xf32, #tpu.memory_space<vmem>>, vector<16xf32>,
      tpu.vector_store %arg9[%swap3A_1310, %swap3A_1311], %add3A_1308 {strides = array<i32>} : memref<5x128xf32, #tpu.memory_space<vmem>>, vector<16xf32>,
      %get3A_1313 = arith.constant 4 : i32
      %get3A_1314 = arith.index_cast %get3A_1313 : i32 to index
      %get3A_1315 = arith.constant 112 : index
      %get3A_1316 = tpu.vector_load %arg9[%get3A_1314, %get3A_1315] {strides = array<i32>} : memref<5x128xf32, #tpu.memory_space<vmem>>, vector<16xf32>,
      %get3A_1317 = arith.constant 4 : i32
      %get3A_1318 = arith.index_cast %get3A_1317 : i32 to index
      %get3A_1319 = arith.constant 112 : index
      %get3A_1320 = tpu.vector_load %arg10[%get3A_1318, %get3A_1319] {strides = array<i32>} : memref<5x128xf32, #tpu.memory_space<vmem>>, vector<16xf32>,
      %add3A_1321 = arith.addf %get3A_1316, %get3A_1320 : vector<16xf32>
      %swap3A_1322 = arith.constant 4 : i32
      %swap3A_1323 = arith.index_cast %swap3A_1322 : i32 to index
      %swap3A_1324 = arith.constant 112 : index
      %swap3A_1325 = tpu.vector_load %arg9[%swap3A_1323, %swap3A_1324] {strides = array<i32>} : memref<5x128xf32, #tpu.memory_space<vmem>>, vector<16xf32>,
      tpu.vector_store %arg9[%swap3A_1323, %swap3A_1324], %add3A_1321 {strides = array<i32>} : memref<5x128xf32, #tpu.memory_space<vmem>>, vector<16xf32>,
      %scan3A_1326 = arith.constant 0 : i32
      scf.yield %scan3A_1326 : i32
    }
    %scan3A_529 = arith.constant 16 : i32
    "tpu.region"() ({
      %run_scoped3A = tpu.sem_alloc : memref<!tpu.dma_semaphore, #tpu.memory_space<semaphore_mem>>
      %dma_start3A_805 = arith.constant 0 : i32
      %dma_start3A_806 = tpu.memref_slice %arg13[%mul3A_1, %dma_start3A_805] : memref<80x128xf32, #tpu.memory_space<vmem_shared>> -> memref<5x128xf32, #tpu.memory_space<vmem_shared>>
      %dma_start3A_807 = arith.constant 0 : i32
      %dma_start3A_808 = tpu.memref_slice %arg13[%mul3A_1, %dma_start3A_807] : memref<80x128xf32, #tpu.memory_space<vmem_shared>> -> memref<5x128xf32, #tpu.memory_space<vmem_shared>>
      tpu.enqueue_dma source(%arg9 : memref<5x128xf32, #tpu.memory_space<vmem>>) target(%dma_start3A_808 : memref<5x128xf32, #tpu.memory_space<vmem_shared>>) target_semaphore(%run_scoped3A : memref<!tpu.dma_semaphore, #tpu.memory_space<semaphore_mem>>)
      %dma_wait3A_809 = arith.constant 0 : i32
      %dma_wait3A_810 = tpu.memref_slice %arg13[%mul3A_1, %dma_wait3A_809] : memref<80x128xf32, #tpu.memory_space<vmem_shared>> -> memref<5x128xf32, #tpu.memory_space<vmem_shared>>
      %dma_wait3A_811 = arith.constant 0 : i32
      %dma_wait3A_812 = tpu.memref_slice %arg13[%mul3A_1, %dma_wait3A_811] : memref<80x128xf32, #tpu.memory_space<vmem_shared>> -> memref<5x128xf32, #tpu.memory_space<vmem_shared>>
      tpu.wait_dma2 semaphore(%run_scoped3A : memref<!tpu.dma_semaphore, #tpu.memory_space<semaphore_mem>>) src(%arg9 : memref<5x128xf32, #tpu.memory_space<vmem>>) dst(%dma_wait3A_812 : memref<5x128xf32, #tpu.memory_space<vmem_shared>>)
      tpu.yield
    }) : () -> ()
    %barrier3A_530 = arith.constant 0 : index
    tpu.barrier barrier_id(%barrier3A_530)
    "tpu.region"() ({
      %run_scoped3A = tpu.sem_alloc : memref<!tpu.dma_semaphore, #tpu.memory_space<semaphore_mem>>
      tpu.enqueue_dma source(%arg13 : memref<80x128xf32, #tpu.memory_space<vmem_shared>>) target(%arg8 : memref<80x128xf32, #tpu.memory_space<vmem>>) target_semaphore(%run_scoped3A : memref<!tpu.dma_semaphore, #tpu.memory_space<semaphore_mem>>)
      tpu.wait_dma2 semaphore(%run_scoped3A : memref<!tpu.dma_semaphore, #tpu.memory_space<semaphore_mem>>) src(%arg13 : memref<80x128xf32, #tpu.memory_space<vmem_shared>>) dst(%arg8 : memref<80x128xf32, #tpu.memory_space<vmem>>)
      tpu.yield
    }) : () -> ()
    %convert_element_type3A_531 = arith.extui %eq3A_0 : i1 to i32
    %cond3A_532 = arith.constant 0 : i32
    %cond3A_533 = arith.cmpi ne, %convert_element_type3A_531, %cond3A_532 : i32
    scf.if %cond3A_533 {
      %run_scoped3A = arith.constant 1 : i32
      "tpu.region"() ({
        %run_scoped3A_805 = tpu.sem_alloc : memref<!tpu.dma_semaphore, #tpu.memory_space<semaphore_mem>>
        %dma_start3A_806 = arith.constant 0 : i32
        %dma_start3A_807 = arith.constant 0 : i32
        %dma_start3A_808 = tpu.memref_slice %arg3[%run_scoped3A, %dma_start3A_806, %dma_start3A_807] : memref<8x80x128xf32, #tpu.memory_space<hbm>> -> memref<1x80x128xf32, #tpu.memory_space<hbm>>
        %dma_start3A_809 = tpu.memref_squeeze %dma_start3A_808 : memref<1x80x128xf32, #tpu.memory_space<hbm>> -> memref<80x128xf32, #tpu.memory_space<hbm>>
        tpu.enqueue_dma source(%arg13 : memref<80x128xf32, #tpu.memory_space<vmem_shared>>) target(%dma_start3A_809 : memref<80x128xf32, #tpu.memory_space<hbm>>) target_semaphore(%run_scoped3A_805 : memref<!tpu.dma_semaphore, #tpu.memory_space<semaphore_mem>>)
        %dma_wait3A_810 = arith.constant 0 : i32
        %dma_wait3A_811 = arith.constant 0 : i32
        %dma_wait3A_812 = tpu.memref_slice %arg3[%run_scoped3A, %dma_wait3A_810, %dma_wait3A_811] : memref<8x80x128xf32, #tpu.memory_space<hbm>> -> memref<1x80x128xf32, #tpu.memory_space<hbm>>
        %dma_wait3A_813 = tpu.memref_squeeze %dma_wait3A_812 : memref<1x80x128xf32, #tpu.memory_space<hbm>> -> memref<80x128xf32, #tpu.memory_space<hbm>>
        tpu.wait_dma2 semaphore(%run_scoped3A_805 : memref<!tpu.dma_semaphore, #tpu.memory_space<semaphore_mem>>) src(%arg13 : memref<80x128xf32, #tpu.memory_space<vmem_shared>>) dst(%dma_wait3A_813 : memref<80x128xf32, #tpu.memory_space<hbm>>)
        tpu.yield
      }) : () -> ()
    } else {
    }
    %barrier3A_534 = arith.constant 0 : index
    tpu.barrier barrier_id(%barrier3A_534)
    %scan3A_535 = arith.constant 0 : i32
    %scan3A_536 = arith.constant 0 : i32
    %scan3A_537 = arith.constant 80 : i32
    %scan3A_538 = arith.addi %scan3A_536, %scan3A_537 : i32
    %scan3A_539 = arith.constant 1 : i32
    %scan3A_540 = scf.for %scan3A_805 = %scan3A_536 to %scan3A_538 step %scan3A_539 iter_args(%scan3A_806 = %scan3A_535) -> (i32)  : i32 {
      %get3A = arith.index_cast %scan3A_805 : i32 to index
      %get3A_807 = arith.constant 0 : index
      %get3A_808 = tpu.vector_load %arg8[%get3A, %get3A_807] {strides = array<i32>} : memref<80x128xf32, #tpu.memory_space<vmem>>, vector<16xf32>,
      %get3A_809 = arith.index_cast %scan3A_805 : i32 to index
      %get3A_810 = arith.constant 0 : index
      %get3A_811 = tpu.vector_load %arg7[%get3A_809, %get3A_810] {strides = array<i32>} : memref<80x128xf32, #tpu.memory_space<vmem>>, vector<16xf32>,
      %mul3A_812 = arith.mulf %get3A_808, %get3A_811 : vector<16xf32>
      %swap3A_813 = arith.index_cast %scan3A_805 : i32 to index
      %swap3A_814 = arith.constant 0 : index
      %swap3A_815 = tpu.vector_load %arg8[%swap3A_813, %swap3A_814] {strides = array<i32>} : memref<80x128xf32, #tpu.memory_space<vmem>>, vector<16xf32>,
      tpu.vector_store %arg8[%swap3A_813, %swap3A_814], %mul3A_812 {strides = array<i32>} : memref<80x128xf32, #tpu.memory_space<vmem>>, vector<16xf32>,
      %get3A_816 = arith.index_cast %scan3A_805 : i32 to index
      %get3A_817 = arith.constant 16 : index
      %get3A_818 = tpu.vector_load %arg8[%get3A_816, %get3A_817] {strides = array<i32>} : memref<80x128xf32, #tpu.memory_space<vmem>>, vector<16xf32>,
      %get3A_819 = arith.index_cast %scan3A_805 : i32 to index
      %get3A_820 = arith.constant 16 : index
      %get3A_821 = tpu.vector_load %arg7[%get3A_819, %get3A_820] {strides = array<i32>} : memref<80x128xf32, #tpu.memory_space<vmem>>, vector<16xf32>,
      %mul3A_822 = arith.mulf %get3A_818, %get3A_821 : vector<16xf32>
      %swap3A_823 = arith.index_cast %scan3A_805 : i32 to index
      %swap3A_824 = arith.constant 16 : index
      %swap3A_825 = tpu.vector_load %arg8[%swap3A_823, %swap3A_824] {strides = array<i32>} : memref<80x128xf32, #tpu.memory_space<vmem>>, vector<16xf32>,
      tpu.vector_store %arg8[%swap3A_823, %swap3A_824], %mul3A_822 {strides = array<i32>} : memref<80x128xf32, #tpu.memory_space<vmem>>, vector<16xf32>,
      %get3A_826 = arith.index_cast %scan3A_805 : i32 to index
      %get3A_827 = arith.constant 32 : index
      %get3A_828 = tpu.vector_load %arg8[%get3A_826, %get3A_827] {strides = array<i32>} : memref<80x128xf32, #tpu.memory_space<vmem>>, vector<16xf32>,
      %get3A_829 = arith.index_cast %scan3A_805 : i32 to index
      %get3A_830 = arith.constant 32 : index
      %get3A_831 = tpu.vector_load %arg7[%get3A_829, %get3A_830] {strides = array<i32>} : memref<80x128xf32, #tpu.memory_space<vmem>>, vector<16xf32>,
      %mul3A_832 = arith.mulf %get3A_828, %get3A_831 : vector<16xf32>
      %swap3A_833 = arith.index_cast %scan3A_805 : i32 to index
      %swap3A_834 = arith.constant 32 : index
      %swap3A_835 = tpu.vector_load %arg8[%swap3A_833, %swap3A_834] {strides = array<i32>} : memref<80x128xf32, #tpu.memory_space<vmem>>, vector<16xf32>,
      tpu.vector_store %arg8[%swap3A_833, %swap3A_834], %mul3A_832 {strides = array<i32>} : memref<80x128xf32, #tpu.memory_space<vmem>>, vector<16xf32>,
      %get3A_836 = arith.index_cast %scan3A_805 : i32 to index
      %get3A_837 = arith.constant 48 : index
      %get3A_838 = tpu.vector_load %arg8[%get3A_836, %get3A_837] {strides = array<i32>} : memref<80x128xf32, #tpu.memory_space<vmem>>, vector<16xf32>,
      %get3A_839 = arith.index_cast %scan3A_805 : i32 to index
      %get3A_840 = arith.constant 48 : index
      %get3A_841 = tpu.vector_load %arg7[%get3A_839, %get3A_840] {strides = array<i32>} : memref<80x128xf32, #tpu.memory_space<vmem>>, vector<16xf32>,
      %mul3A_842 = arith.mulf %get3A_838, %get3A_841 : vector<16xf32>
      %swap3A_843 = arith.index_cast %scan3A_805 : i32 to index
      %swap3A_844 = arith.constant 48 : index
      %swap3A_845 = tpu.vector_load %arg8[%swap3A_843, %swap3A_844] {strides = array<i32>} : memref<80x128xf32, #tpu.memory_space<vmem>>, vector<16xf32>,
      tpu.vector_store %arg8[%swap3A_843, %swap3A_844], %mul3A_842 {strides = array<i32>} : memref<80x128xf32, #tpu.memory_space<vmem>>, vector<16xf32>,
      %get3A_846 = arith.index_cast %scan3A_805 : i32 to index
      %get3A_847 = arith.constant 64 : index
      %get3A_848 = tpu.vector_load %arg8[%get3A_846, %get3A_847] {strides = array<i32>} : memref<80x128xf32, #tpu.memory_space<vmem>>, vector<16xf32>,
      %get3A_849 = arith.index_cast %scan3A_805 : i32 to index
      %get3A_850 = arith.constant 64 : index
      %get3A_851 = tpu.vector_load %arg7[%get3A_849, %get3A_850] {strides = array<i32>} : memref<80x128xf32, #tpu.memory_space<vmem>>, vector<16xf32>,
      %mul3A_852 = arith.mulf %get3A_848, %get3A_851 : vector<16xf32>
      %swap3A_853 = arith.index_cast %scan3A_805 : i32 to index
      %swap3A_854 = arith.constant 64 : index
      %swap3A_855 = tpu.vector_load %arg8[%swap3A_853, %swap3A_854] {strides = array<i32>} : memref<80x128xf32, #tpu.memory_space<vmem>>, vector<16xf32>,
      tpu.vector_store %arg8[%swap3A_853, %swap3A_854], %mul3A_852 {strides = array<i32>} : memref<80x128xf32, #tpu.memory_space<vmem>>, vector<16xf32>,
      %get3A_856 = arith.index_cast %scan3A_805 : i32 to index
      %get3A_857 = arith.constant 80 : index
      %get3A_858 = tpu.vector_load %arg8[%get3A_856, %get3A_857] {strides = array<i32>} : memref<80x128xf32, #tpu.memory_space<vmem>>, vector<16xf32>,
      %get3A_859 = arith.index_cast %scan3A_805 : i32 to index
      %get3A_860 = arith.constant 80 : index
      %get3A_861 = tpu.vector_load %arg7[%get3A_859, %get3A_860] {strides = array<i32>} : memref<80x128xf32, #tpu.memory_space<vmem>>, vector<16xf32>,
      %mul3A_862 = arith.mulf %get3A_858, %get3A_861 : vector<16xf32>
      %swap3A_863 = arith.index_cast %scan3A_805 : i32 to index
      %swap3A_864 = arith.constant 80 : index
      %swap3A_865 = tpu.vector_load %arg8[%swap3A_863, %swap3A_864] {strides = array<i32>} : memref<80x128xf32, #tpu.memory_space<vmem>>, vector<16xf32>,
      tpu.vector_store %arg8[%swap3A_863, %swap3A_864], %mul3A_862 {strides = array<i32>} : memref<80x128xf32, #tpu.memory_space<vmem>>, vector<16xf32>,
      %get3A_866 = arith.index_cast %scan3A_805 : i32 to index
      %get3A_867 = arith.constant 96 : index
      %get3A_868 = tpu.vector_load %arg8[%get3A_866, %get3A_867] {strides = array<i32>} : memref<80x128xf32, #tpu.memory_space<vmem>>, vector<16xf32>,
      %get3A_869 = arith.index_cast %scan3A_805 : i32 to index
      %get3A_870 = arith.constant 96 : index
      %get3A_871 = tpu.vector_load %arg7[%get3A_869, %get3A_870] {strides = array<i32>} : memref<80x128xf32, #tpu.memory_space<vmem>>, vector<16xf32>,
      %mul3A_872 = arith.mulf %get3A_868, %get3A_871 : vector<16xf32>
      %swap3A_873 = arith.index_cast %scan3A_805 : i32 to index
      %swap3A_874 = arith.constant 96 : index
      %swap3A_875 = tpu.vector_load %arg8[%swap3A_873, %swap3A_874] {strides = array<i32>} : memref<80x128xf32, #tpu.memory_space<vmem>>, vector<16xf32>,
      tpu.vector_store %arg8[%swap3A_873, %swap3A_874], %mul3A_872 {strides = array<i32>} : memref<80x128xf32, #tpu.memory_space<vmem>>, vector<16xf32>,
      %get3A_876 = arith.index_cast %scan3A_805 : i32 to index
      %get3A_877 = arith.constant 112 : index
      %get3A_878 = tpu.vector_load %arg8[%get3A_876, %get3A_877] {strides = array<i32>} : memref<80x128xf32, #tpu.memory_space<vmem>>, vector<16xf32>,
      %get3A_879 = arith.index_cast %scan3A_805 : i32 to index
      %get3A_880 = arith.constant 112 : index
      %get3A_881 = tpu.vector_load %arg7[%get3A_879, %get3A_880] {strides = array<i32>} : memref<80x128xf32, #tpu.memory_space<vmem>>, vector<16xf32>,
      %mul3A_882 = arith.mulf %get3A_878, %get3A_881 : vector<16xf32>
      %swap3A_883 = arith.index_cast %scan3A_805 : i32 to index
      %swap3A_884 = arith.constant 112 : index
      %swap3A_885 = tpu.vector_load %arg8[%swap3A_883, %swap3A_884] {strides = array<i32>} : memref<80x128xf32, #tpu.memory_space<vmem>>, vector<16xf32>,
      tpu.vector_store %arg8[%swap3A_883, %swap3A_884], %mul3A_882 {strides = array<i32>} : memref<80x128xf32, #tpu.memory_space<vmem>>, vector<16xf32>,
      %scan3A_886 = arith.constant 0 : i32
      scf.yield %scan3A_886 : i32
    }
    %scan3A_541 = arith.constant 80 : i32
    %scan3A_542 = arith.constant 0 : i32
    %scan3A_543 = arith.constant 0 : i32
    %scan3A_544 = arith.constant 80 : i32
    %scan3A_545 = arith.addi %scan3A_543, %scan3A_544 : i32
    %scan3A_546 = arith.constant 1 : i32
    %scan3A_547 = scf.for %scan3A_805 = %scan3A_543 to %scan3A_545 step %scan3A_546 iter_args(%scan3A_806 = %scan3A_542) -> (i32)  : i32 {
      %get3A = arith.index_cast %scan3A_805 : i32 to index
      %get3A_807 = arith.constant 0 : index
      %get3A_808 = tpu.vector_load %arg6[%get3A, %get3A_807] {strides = array<i32>} : memref<80x128xf32, #tpu.memory_space<vmem>>, vector<16xf32>,
      %broadcast_in_dim3A_809 = arith.constant 0.000000e+00 : f32
      %broadcast_in_dim3A_810 = vector.broadcast %broadcast_in_dim3A_809 : f32 to vector<16xf32>
      %swap3A_811 = arith.index_cast %scan3A_805 : i32 to index
      %swap3A_812 = arith.constant 0 : index
      %swap3A_813 = tpu.vector_load %arg6[%swap3A_811, %swap3A_812] {strides = array<i32>} : memref<80x128xf32, #tpu.memory_space<vmem>>, vector<16xf32>,
      tpu.vector_store %arg6[%swap3A_811, %swap3A_812], %broadcast_in_dim3A_810 {strides = array<i32>} : memref<80x128xf32, #tpu.memory_space<vmem>>, vector<16xf32>,
      %get3A_814 = arith.index_cast %scan3A_805 : i32 to index
      %get3A_815 = arith.constant 16 : index
      %get3A_816 = tpu.vector_load %arg6[%get3A_814, %get3A_815] {strides = array<i32>} : memref<80x128xf32, #tpu.memory_space<vmem>>, vector<16xf32>,
      %broadcast_in_dim3A_817 = arith.constant 0.000000e+00 : f32
      %broadcast_in_dim3A_818 = vector.broadcast %broadcast_in_dim3A_817 : f32 to vector<16xf32>
      %swap3A_819 = arith.index_cast %scan3A_805 : i32 to index
      %swap3A_820 = arith.constant 16 : index
      %swap3A_821 = tpu.vector_load %arg6[%swap3A_819, %swap3A_820] {strides = array<i32>} : memref<80x128xf32, #tpu.memory_space<vmem>>, vector<16xf32>,
      tpu.vector_store %arg6[%swap3A_819, %swap3A_820], %broadcast_in_dim3A_818 {strides = array<i32>} : memref<80x128xf32, #tpu.memory_space<vmem>>, vector<16xf32>,
      %get3A_822 = arith.index_cast %scan3A_805 : i32 to index
      %get3A_823 = arith.constant 32 : index
      %get3A_824 = tpu.vector_load %arg6[%get3A_822, %get3A_823] {strides = array<i32>} : memref<80x128xf32, #tpu.memory_space<vmem>>, vector<16xf32>,
      %broadcast_in_dim3A_825 = arith.constant 0.000000e+00 : f32
      %broadcast_in_dim3A_826 = vector.broadcast %broadcast_in_dim3A_825 : f32 to vector<16xf32>
      %swap3A_827 = arith.index_cast %scan3A_805 : i32 to index
      %swap3A_828 = arith.constant 32 : index
      %swap3A_829 = tpu.vector_load %arg6[%swap3A_827, %swap3A_828] {strides = array<i32>} : memref<80x128xf32, #tpu.memory_space<vmem>>, vector<16xf32>,
      tpu.vector_store %arg6[%swap3A_827, %swap3A_828], %broadcast_in_dim3A_826 {strides = array<i32>} : memref<80x128xf32, #tpu.memory_space<vmem>>, vector<16xf32>,
      %get3A_830 = arith.index_cast %scan3A_805 : i32 to index
      %get3A_831 = arith.constant 48 : index
      %get3A_832 = tpu.vector_load %arg6[%get3A_830, %get3A_831] {strides = array<i32>} : memref<80x128xf32, #tpu.memory_space<vmem>>, vector<16xf32>,
      %broadcast_in_dim3A_833 = arith.constant 0.000000e+00 : f32
      %broadcast_in_dim3A_834 = vector.broadcast %broadcast_in_dim3A_833 : f32 to vector<16xf32>
      %swap3A_835 = arith.index_cast %scan3A_805 : i32 to index
      %swap3A_836 = arith.constant 48 : index
      %swap3A_837 = tpu.vector_load %arg6[%swap3A_835, %swap3A_836] {strides = array<i32>} : memref<80x128xf32, #tpu.memory_space<vmem>>, vector<16xf32>,
      tpu.vector_store %arg6[%swap3A_835, %swap3A_836], %broadcast_in_dim3A_834 {strides = array<i32>} : memref<80x128xf32, #tpu.memory_space<vmem>>, vector<16xf32>,
      %get3A_838 = arith.index_cast %scan3A_805 : i32 to index
      %get3A_839 = arith.constant 64 : index
      %get3A_840 = tpu.vector_load %arg6[%get3A_838, %get3A_839] {strides = array<i32>} : memref<80x128xf32, #tpu.memory_space<vmem>>, vector<16xf32>,
      %broadcast_in_dim3A_841 = arith.constant 0.000000e+00 : f32
      %broadcast_in_dim3A_842 = vector.broadcast %broadcast_in_dim3A_841 : f32 to vector<16xf32>
      %swap3A_843 = arith.index_cast %scan3A_805 : i32 to index
      %swap3A_844 = arith.constant 64 : index
      %swap3A_845 = tpu.vector_load %arg6[%swap3A_843, %swap3A_844] {strides = array<i32>} : memref<80x128xf32, #tpu.memory_space<vmem>>, vector<16xf32>,
      tpu.vector_store %arg6[%swap3A_843, %swap3A_844], %broadcast_in_dim3A_842 {strides = array<i32>} : memref<80x128xf32, #tpu.memory_space<vmem>>, vector<16xf32>,
      %get3A_846 = arith.index_cast %scan3A_805 : i32 to index
      %get3A_847 = arith.constant 80 : index
      %get3A_848 = tpu.vector_load %arg6[%get3A_846, %get3A_847] {strides = array<i32>} : memref<80x128xf32, #tpu.memory_space<vmem>>, vector<16xf32>,
      %broadcast_in_dim3A_849 = arith.constant 0.000000e+00 : f32
      %broadcast_in_dim3A_850 = vector.broadcast %broadcast_in_dim3A_849 : f32 to vector<16xf32>
      %swap3A_851 = arith.index_cast %scan3A_805 : i32 to index
      %swap3A_852 = arith.constant 80 : index
      %swap3A_853 = tpu.vector_load %arg6[%swap3A_851, %swap3A_852] {strides = array<i32>} : memref<80x128xf32, #tpu.memory_space<vmem>>, vector<16xf32>,
      tpu.vector_store %arg6[%swap3A_851, %swap3A_852], %broadcast_in_dim3A_850 {strides = array<i32>} : memref<80x128xf32, #tpu.memory_space<vmem>>, vector<16xf32>,
      %get3A_854 = arith.index_cast %scan3A_805 : i32 to index
      %get3A_855 = arith.constant 96 : index
      %get3A_856 = tpu.vector_load %arg6[%get3A_854, %get3A_855] {strides = array<i32>} : memref<80x128xf32, #tpu.memory_space<vmem>>, vector<16xf32>,
      %broadcast_in_dim3A_857 = arith.constant 0.000000e+00 : f32
      %broadcast_in_dim3A_858 = vector.broadcast %broadcast_in_dim3A_857 : f32 to vector<16xf32>
      %swap3A_859 = arith.index_cast %scan3A_805 : i32 to index
      %swap3A_860 = arith.constant 96 : index
      %swap3A_861 = tpu.vector_load %arg6[%swap3A_859, %swap3A_860] {strides = array<i32>} : memref<80x128xf32, #tpu.memory_space<vmem>>, vector<16xf32>,
      tpu.vector_store %arg6[%swap3A_859, %swap3A_860], %broadcast_in_dim3A_858 {strides = array<i32>} : memref<80x128xf32, #tpu.memory_space<vmem>>, vector<16xf32>,
      %get3A_862 = arith.index_cast %scan3A_805 : i32 to index
      %get3A_863 = arith.constant 112 : index
      %get3A_864 = tpu.vector_load %arg6[%get3A_862, %get3A_863] {strides = array<i32>} : memref<80x128xf32, #tpu.memory_space<vmem>>, vector<16xf32>,
      %broadcast_in_dim3A_865 = arith.constant 0.000000e+00 : f32
      %broadcast_in_dim3A_866 = vector.broadcast %broadcast_in_dim3A_865 : f32 to vector<16xf32>
      %swap3A_867 = arith.index_cast %scan3A_805 : i32 to index
      %swap3A_868 = arith.constant 112 : index
      %swap3A_869 = tpu.vector_load %arg6[%swap3A_867, %swap3A_868] {strides = array<i32>} : memref<80x128xf32, #tpu.memory_space<vmem>>, vector<16xf32>,
      tpu.vector_store %arg6[%swap3A_867, %swap3A_868], %broadcast_in_dim3A_866 {strides = array<i32>} : memref<80x128xf32, #tpu.memory_space<vmem>>, vector<16xf32>,
      %scan3A_870 = arith.constant 0 : i32
      scf.yield %scan3A_870 : i32
    }
    %scan3A_548 = arith.constant 80 : i32
    %parallel_loop3A_549 = arith.constant 0 : i32
    %parallel_loop3A_550 = arith.constant 1250 : i32
    %parallel_loop3A_551 = arith.constant 1 : i32
    scf.for %parallel_loop3A_805 = %parallel_loop3A_549 to %parallel_loop3A_550 step %parallel_loop3A_551  : i32 {
      %parallel_loop3A_806 = arith.constant 16 : i32
      %parallel_loop3A_807 = arith.muli %parallel_loop3A_805, %parallel_loop3A_806 : i32
      %parallel_loop3A_808 = arith.index_cast %parallel_loop3A_807 : i32 to index
      %parallel_loop3A_809 = tpu.vector_load %arg5[%parallel_loop3A_808] {strides = array<i32>} : memref<20000xi32, #tpu.memory_space<vmem>>, vector<16xi32>,
      %parallel_loop3A_810 = arith.constant 16 : i32
      %parallel_loop3A_811 = arith.muli %parallel_loop3A_805, %parallel_loop3A_810 : i32
      %parallel_loop3A_812 = arith.index_cast %parallel_loop3A_811 : i32 to index
      %parallel_loop3A_813 = tpu.vector_load %arg4[%parallel_loop3A_812] {strides = array<i32>} : memref<20000xi32, #tpu.memory_space<vmem>>, vector<16xi32>,
      %parallel_loop3A_814 = arith.constant 7 : i32
      %parallel_loop3A_815 = vector.broadcast %parallel_loop3A_814 : i32 to vector<16xi32>
      %parallel_loop3A_816 = arith.shrui %parallel_loop3A_809, %parallel_loop3A_815 : vector<16xi32>
      %parallel_loop3A_817 = arith.constant 127 : i32
      %parallel_loop3A_818 = vector.broadcast %parallel_loop3A_817 : i32 to vector<16xi32>
      %parallel_loop3A_819 = arith.andi %parallel_loop3A_809, %parallel_loop3A_818 : vector<16xi32>
      %parallel_loop3A_820 = tpu.vector_load_idx %arg8[%parallel_loop3A_816, %parallel_loop3A_819] : memref<80x128xf32, #tpu.memory_space<vmem>>[vector<16xi32>, vector<16xi32>], vector<16xf32>,
      %parallel_loop3A_821 = arith.constant 7 : i32
      %parallel_loop3A_822 = vector.broadcast %parallel_loop3A_821 : i32 to vector<16xi32>
      %parallel_loop3A_823 = arith.shrui %parallel_loop3A_813, %parallel_loop3A_822 : vector<16xi32>
      %parallel_loop3A_824 = arith.constant 127 : i32
      %parallel_loop3A_825 = vector.broadcast %parallel_loop3A_824 : i32 to vector<16xi32>
      %parallel_loop3A_826 = arith.andi %parallel_loop3A_813, %parallel_loop3A_825 : vector<16xi32>
      tpu.vector_store_idx %arg6[%parallel_loop3A_823, %parallel_loop3A_826], %parallel_loop3A_820 {add = true} : memref<80x128xf32, #tpu.memory_space<vmem>>[vector<16xi32>, vector<16xi32>], vector<16xf32>,
    } {sc.loop_unroll_factor = 4 : i64, sc.parallel_access}
    "tpu.region"() ({
      %run_scoped3A = tpu.sem_alloc : memref<!tpu.dma_semaphore, #tpu.memory_space<semaphore_mem>>
      %dma_start3A_805 = arith.constant 0 : i32
      %dma_start3A_806 = arith.constant 0 : i32
      %dma_start3A_807 = tpu.memref_slice %arg12[%arg1, %dma_start3A_805, %dma_start3A_806] : memref<16x80x128xf32, #tpu.memory_space<vmem_shared>> -> memref<1x80x128xf32, #tpu.memory_space<vmem_shared>>
      %dma_start3A_808 = tpu.memref_squeeze %dma_start3A_807 : memref<1x80x128xf32, #tpu.memory_space<vmem_shared>> -> memref<80x128xf32, #tpu.memory_space<vmem_shared>>
      %dma_start3A_809 = arith.constant 0 : i32
      %dma_start3A_810 = arith.constant 0 : i32
      %dma_start3A_811 = tpu.memref_slice %arg12[%arg1, %dma_start3A_809, %dma_start3A_810] : memref<16x80x128xf32, #tpu.memory_space<vmem_shared>> -> memref<1x80x128xf32, #tpu.memory_space<vmem_shared>>
      %dma_start3A_812 = tpu.memref_squeeze %dma_start3A_811 : memref<1x80x128xf32, #tpu.memory_space<vmem_shared>> -> memref<80x128xf32, #tpu.memory_space<vmem_shared>>
      tpu.enqueue_dma source(%arg6 : memref<80x128xf32, #tpu.memory_space<vmem>>) target(%dma_start3A_812 : memref<80x128xf32, #tpu.memory_space<vmem_shared>>) target_semaphore(%run_scoped3A : memref<!tpu.dma_semaphore, #tpu.memory_space<semaphore_mem>>)
      %dma_wait3A_813 = arith.constant 0 : i32
      %dma_wait3A_814 = arith.constant 0 : i32
      %dma_wait3A_815 = tpu.memref_slice %arg12[%arg1, %dma_wait3A_813, %dma_wait3A_814] : memref<16x80x128xf32, #tpu.memory_space<vmem_shared>> -> memref<1x80x128xf32, #tpu.memory_space<vmem_shared>>
      %dma_wait3A_816 = tpu.memref_squeeze %dma_wait3A_815 : memref<1x80x128xf32, #tpu.memory_space<vmem_shared>> -> memref<80x128xf32, #tpu.memory_space<vmem_shared>>
      %dma_wait3A_817 = arith.constant 0 : i32
      %dma_wait3A_818 = arith.constant 0 : i32
      %dma_wait3A_819 = tpu.memref_slice %arg12[%arg1, %dma_wait3A_817, %dma_wait3A_818] : memref<16x80x128xf32, #tpu.memory_space<vmem_shared>> -> memref<1x80x128xf32, #tpu.memory_space<vmem_shared>>
      %dma_wait3A_820 = tpu.memref_squeeze %dma_wait3A_819 : memref<1x80x128xf32, #tpu.memory_space<vmem_shared>> -> memref<80x128xf32, #tpu.memory_space<vmem_shared>>
      tpu.wait_dma2 semaphore(%run_scoped3A : memref<!tpu.dma_semaphore, #tpu.memory_space<semaphore_mem>>) src(%arg6 : memref<80x128xf32, #tpu.memory_space<vmem>>) dst(%dma_wait3A_820 : memref<80x128xf32, #tpu.memory_space<vmem_shared>>)
      tpu.yield
    }) : () -> ()
    %barrier3A_552 = arith.constant 0 : index
    tpu.barrier barrier_id(%barrier3A_552)
    %broadcast_in_dim3A_553 = arith.constant 0.000000e+00 : f32
    %broadcast_in_dim3A_554 = vector.broadcast %broadcast_in_dim3A_553 : f32 to vector<16xf32>
    %swap3A_555 = arith.constant 0 : i32
    %swap3A_556 = arith.index_cast %swap3A_555 : i32 to index
    %swap3A_557 = arith.constant 0 : index
    %swap3A_558 = tpu.vector_load %arg9[%swap3A_556, %swap3A_557] {strides = array<i32>} : memref<5x128xf32, #tpu.memory_space<vmem>>, vector<16xf32>,
    tpu.vector_store %arg9[%swap3A_556, %swap3A_557], %broadcast_in_dim3A_554 {strides = array<i32>} : memref<5x128xf32, #tpu.memory_space<vmem>>, vector<16xf32>,
    %broadcast_in_dim3A_559 = arith.constant 0.000000e+00 : f32
    %broadcast_in_dim3A_560 = vector.broadcast %broadcast_in_dim3A_559 : f32 to vector<16xf32>
    %swap3A_561 = arith.constant 0 : i32
    %swap3A_562 = arith.index_cast %swap3A_561 : i32 to index
    %swap3A_563 = arith.constant 16 : index
    %swap3A_564 = tpu.vector_load %arg9[%swap3A_562, %swap3A_563] {strides = array<i32>} : memref<5x128xf32, #tpu.memory_space<vmem>>, vector<16xf32>,
    tpu.vector_store %arg9[%swap3A_562, %swap3A_563], %broadcast_in_dim3A_560 {strides = array<i32>} : memref<5x128xf32, #tpu.memory_space<vmem>>, vector<16xf32>,
    %broadcast_in_dim3A_565 = arith.constant 0.000000e+00 : f32
    %broadcast_in_dim3A_566 = vector.broadcast %broadcast_in_dim3A_565 : f32 to vector<16xf32>
    %swap3A_567 = arith.constant 0 : i32
    %swap3A_568 = arith.index_cast %swap3A_567 : i32 to index
    %swap3A_569 = arith.constant 32 : index
    %swap3A_570 = tpu.vector_load %arg9[%swap3A_568, %swap3A_569] {strides = array<i32>} : memref<5x128xf32, #tpu.memory_space<vmem>>, vector<16xf32>,
    tpu.vector_store %arg9[%swap3A_568, %swap3A_569], %broadcast_in_dim3A_566 {strides = array<i32>} : memref<5x128xf32, #tpu.memory_space<vmem>>, vector<16xf32>,
    %broadcast_in_dim3A_571 = arith.constant 0.000000e+00 : f32
    %broadcast_in_dim3A_572 = vector.broadcast %broadcast_in_dim3A_571 : f32 to vector<16xf32>
    %swap3A_573 = arith.constant 0 : i32
    %swap3A_574 = arith.index_cast %swap3A_573 : i32 to index
    %swap3A_575 = arith.constant 48 : index
    %swap3A_576 = tpu.vector_load %arg9[%swap3A_574, %swap3A_575] {strides = array<i32>} : memref<5x128xf32, #tpu.memory_space<vmem>>, vector<16xf32>,
    tpu.vector_store %arg9[%swap3A_574, %swap3A_575], %broadcast_in_dim3A_572 {strides = array<i32>} : memref<5x128xf32, #tpu.memory_space<vmem>>, vector<16xf32>,
    %broadcast_in_dim3A_577 = arith.constant 0.000000e+00 : f32
    %broadcast_in_dim3A_578 = vector.broadcast %broadcast_in_dim3A_577 : f32 to vector<16xf32>
    %swap3A_579 = arith.constant 0 : i32
    %swap3A_580 = arith.index_cast %swap3A_579 : i32 to index
    %swap3A_581 = arith.constant 64 : index
    %swap3A_582 = tpu.vector_load %arg9[%swap3A_580, %swap3A_581] {strides = array<i32>} : memref<5x128xf32, #tpu.memory_space<vmem>>, vector<16xf32>,
    tpu.vector_store %arg9[%swap3A_580, %swap3A_581], %broadcast_in_dim3A_578 {strides = array<i32>} : memref<5x128xf32, #tpu.memory_space<vmem>>, vector<16xf32>,
    %broadcast_in_dim3A_583 = arith.constant 0.000000e+00 : f32
    %broadcast_in_dim3A_584 = vector.broadcast %broadcast_in_dim3A_583 : f32 to vector<16xf32>
    %swap3A_585 = arith.constant 0 : i32
    %swap3A_586 = arith.index_cast %swap3A_585 : i32 to index
    %swap3A_587 = arith.constant 80 : index
    %swap3A_588 = tpu.vector_load %arg9[%swap3A_586, %swap3A_587] {strides = array<i32>} : memref<5x128xf32, #tpu.memory_space<vmem>>, vector<16xf32>,
    tpu.vector_store %arg9[%swap3A_586, %swap3A_587], %broadcast_in_dim3A_584 {strides = array<i32>} : memref<5x128xf32, #tpu.memory_space<vmem>>, vector<16xf32>,
    %broadcast_in_dim3A_589 = arith.constant 0.000000e+00 : f32
    %broadcast_in_dim3A_590 = vector.broadcast %broadcast_in_dim3A_589 : f32 to vector<16xf32>
    %swap3A_591 = arith.constant 0 : i32
    %swap3A_592 = arith.index_cast %swap3A_591 : i32 to index
    %swap3A_593 = arith.constant 96 : index
    %swap3A_594 = tpu.vector_load %arg9[%swap3A_592, %swap3A_593] {strides = array<i32>} : memref<5x128xf32, #tpu.memory_space<vmem>>, vector<16xf32>,
    tpu.vector_store %arg9[%swap3A_592, %swap3A_593], %broadcast_in_dim3A_590 {strides = array<i32>} : memref<5x128xf32, #tpu.memory_space<vmem>>, vector<16xf32>,
    %broadcast_in_dim3A_595 = arith.constant 0.000000e+00 : f32
    %broadcast_in_dim3A_596 = vector.broadcast %broadcast_in_dim3A_595 : f32 to vector<16xf32>
    %swap3A_597 = arith.constant 0 : i32
    %swap3A_598 = arith.index_cast %swap3A_597 : i32 to index
    %swap3A_599 = arith.constant 112 : index
    %swap3A_600 = tpu.vector_load %arg9[%swap3A_598, %swap3A_599] {strides = array<i32>} : memref<5x128xf32, #tpu.memory_space<vmem>>, vector<16xf32>,
    tpu.vector_store %arg9[%swap3A_598, %swap3A_599], %broadcast_in_dim3A_596 {strides = array<i32>} : memref<5x128xf32, #tpu.memory_space<vmem>>, vector<16xf32>,
    %broadcast_in_dim3A_601 = arith.constant 0.000000e+00 : f32
    %broadcast_in_dim3A_602 = vector.broadcast %broadcast_in_dim3A_601 : f32 to vector<16xf32>
    %swap3A_603 = arith.constant 1 : i32
    %swap3A_604 = arith.index_cast %swap3A_603 : i32 to index
    %swap3A_605 = arith.constant 0 : index
    %swap3A_606 = tpu.vector_load %arg9[%swap3A_604, %swap3A_605] {strides = array<i32>} : memref<5x128xf32, #tpu.memory_space<vmem>>, vector<16xf32>,
    tpu.vector_store %arg9[%swap3A_604, %swap3A_605], %broadcast_in_dim3A_602 {strides = array<i32>} : memref<5x128xf32, #tpu.memory_space<vmem>>, vector<16xf32>,
    %broadcast_in_dim3A_607 = arith.constant 0.000000e+00 : f32
    %broadcast_in_dim3A_608 = vector.broadcast %broadcast_in_dim3A_607 : f32 to vector<16xf32>
    %swap3A_609 = arith.constant 1 : i32
    %swap3A_610 = arith.index_cast %swap3A_609 : i32 to index
    %swap3A_611 = arith.constant 16 : index
    %swap3A_612 = tpu.vector_load %arg9[%swap3A_610, %swap3A_611] {strides = array<i32>} : memref<5x128xf32, #tpu.memory_space<vmem>>, vector<16xf32>,
    tpu.vector_store %arg9[%swap3A_610, %swap3A_611], %broadcast_in_dim3A_608 {strides = array<i32>} : memref<5x128xf32, #tpu.memory_space<vmem>>, vector<16xf32>,
    %broadcast_in_dim3A_613 = arith.constant 0.000000e+00 : f32
    %broadcast_in_dim3A_614 = vector.broadcast %broadcast_in_dim3A_613 : f32 to vector<16xf32>
    %swap3A_615 = arith.constant 1 : i32
    %swap3A_616 = arith.index_cast %swap3A_615 : i32 to index
    %swap3A_617 = arith.constant 32 : index
    %swap3A_618 = tpu.vector_load %arg9[%swap3A_616, %swap3A_617] {strides = array<i32>} : memref<5x128xf32, #tpu.memory_space<vmem>>, vector<16xf32>,
    tpu.vector_store %arg9[%swap3A_616, %swap3A_617], %broadcast_in_dim3A_614 {strides = array<i32>} : memref<5x128xf32, #tpu.memory_space<vmem>>, vector<16xf32>,
    %broadcast_in_dim3A_619 = arith.constant 0.000000e+00 : f32
    %broadcast_in_dim3A_620 = vector.broadcast %broadcast_in_dim3A_619 : f32 to vector<16xf32>
    %swap3A_621 = arith.constant 1 : i32
    %swap3A_622 = arith.index_cast %swap3A_621 : i32 to index
    %swap3A_623 = arith.constant 48 : index
    %swap3A_624 = tpu.vector_load %arg9[%swap3A_622, %swap3A_623] {strides = array<i32>} : memref<5x128xf32, #tpu.memory_space<vmem>>, vector<16xf32>,
    tpu.vector_store %arg9[%swap3A_622, %swap3A_623], %broadcast_in_dim3A_620 {strides = array<i32>} : memref<5x128xf32, #tpu.memory_space<vmem>>, vector<16xf32>,
    %broadcast_in_dim3A_625 = arith.constant 0.000000e+00 : f32
    %broadcast_in_dim3A_626 = vector.broadcast %broadcast_in_dim3A_625 : f32 to vector<16xf32>
    %swap3A_627 = arith.constant 1 : i32
    %swap3A_628 = arith.index_cast %swap3A_627 : i32 to index
    %swap3A_629 = arith.constant 64 : index
    %swap3A_630 = tpu.vector_load %arg9[%swap3A_628, %swap3A_629] {strides = array<i32>} : memref<5x128xf32, #tpu.memory_space<vmem>>, vector<16xf32>,
    tpu.vector_store %arg9[%swap3A_628, %swap3A_629], %broadcast_in_dim3A_626 {strides = array<i32>} : memref<5x128xf32, #tpu.memory_space<vmem>>, vector<16xf32>,
    %broadcast_in_dim3A_631 = arith.constant 0.000000e+00 : f32
    %broadcast_in_dim3A_632 = vector.broadcast %broadcast_in_dim3A_631 : f32 to vector<16xf32>
    %swap3A_633 = arith.constant 1 : i32
    %swap3A_634 = arith.index_cast %swap3A_633 : i32 to index
    %swap3A_635 = arith.constant 80 : index
    %swap3A_636 = tpu.vector_load %arg9[%swap3A_634, %swap3A_635] {strides = array<i32>} : memref<5x128xf32, #tpu.memory_space<vmem>>, vector<16xf32>,
    tpu.vector_store %arg9[%swap3A_634, %swap3A_635], %broadcast_in_dim3A_632 {strides = array<i32>} : memref<5x128xf32, #tpu.memory_space<vmem>>, vector<16xf32>,
    %broadcast_in_dim3A_637 = arith.constant 0.000000e+00 : f32
    %broadcast_in_dim3A_638 = vector.broadcast %broadcast_in_dim3A_637 : f32 to vector<16xf32>
    %swap3A_639 = arith.constant 1 : i32
    %swap3A_640 = arith.index_cast %swap3A_639 : i32 to index
    %swap3A_641 = arith.constant 96 : index
    %swap3A_642 = tpu.vector_load %arg9[%swap3A_640, %swap3A_641] {strides = array<i32>} : memref<5x128xf32, #tpu.memory_space<vmem>>, vector<16xf32>,
    tpu.vector_store %arg9[%swap3A_640, %swap3A_641], %broadcast_in_dim3A_638 {strides = array<i32>} : memref<5x128xf32, #tpu.memory_space<vmem>>, vector<16xf32>,
    %broadcast_in_dim3A_643 = arith.constant 0.000000e+00 : f32
    %broadcast_in_dim3A_644 = vector.broadcast %broadcast_in_dim3A_643 : f32 to vector<16xf32>
    %swap3A_645 = arith.constant 1 : i32
    %swap3A_646 = arith.index_cast %swap3A_645 : i32 to index
    %swap3A_647 = arith.constant 112 : index
    %swap3A_648 = tpu.vector_load %arg9[%swap3A_646, %swap3A_647] {strides = array<i32>} : memref<5x128xf32, #tpu.memory_space<vmem>>, vector<16xf32>,
    tpu.vector_store %arg9[%swap3A_646, %swap3A_647], %broadcast_in_dim3A_644 {strides = array<i32>} : memref<5x128xf32, #tpu.memory_space<vmem>>, vector<16xf32>,
    %broadcast_in_dim3A_649 = arith.constant 0.000000e+00 : f32
    %broadcast_in_dim3A_650 = vector.broadcast %broadcast_in_dim3A_649 : f32 to vector<16xf32>
    %swap3A_651 = arith.constant 2 : i32
    %swap3A_652 = arith.index_cast %swap3A_651 : i32 to index
    %swap3A_653 = arith.constant 0 : index
    %swap3A_654 = tpu.vector_load %arg9[%swap3A_652, %swap3A_653] {strides = array<i32>} : memref<5x128xf32, #tpu.memory_space<vmem>>, vector<16xf32>,
    tpu.vector_store %arg9[%swap3A_652, %swap3A_653], %broadcast_in_dim3A_650 {strides = array<i32>} : memref<5x128xf32, #tpu.memory_space<vmem>>, vector<16xf32>,
    %broadcast_in_dim3A_655 = arith.constant 0.000000e+00 : f32
    %broadcast_in_dim3A_656 = vector.broadcast %broadcast_in_dim3A_655 : f32 to vector<16xf32>
    %swap3A_657 = arith.constant 2 : i32
    %swap3A_658 = arith.index_cast %swap3A_657 : i32 to index
    %swap3A_659 = arith.constant 16 : index
    %swap3A_660 = tpu.vector_load %arg9[%swap3A_658, %swap3A_659] {strides = array<i32>} : memref<5x128xf32, #tpu.memory_space<vmem>>, vector<16xf32>,
    tpu.vector_store %arg9[%swap3A_658, %swap3A_659], %broadcast_in_dim3A_656 {strides = array<i32>} : memref<5x128xf32, #tpu.memory_space<vmem>>, vector<16xf32>,
    %broadcast_in_dim3A_661 = arith.constant 0.000000e+00 : f32
    %broadcast_in_dim3A_662 = vector.broadcast %broadcast_in_dim3A_661 : f32 to vector<16xf32>
    %swap3A_663 = arith.constant 2 : i32
    %swap3A_664 = arith.index_cast %swap3A_663 : i32 to index
    %swap3A_665 = arith.constant 32 : index
    %swap3A_666 = tpu.vector_load %arg9[%swap3A_664, %swap3A_665] {strides = array<i32>} : memref<5x128xf32, #tpu.memory_space<vmem>>, vector<16xf32>,
    tpu.vector_store %arg9[%swap3A_664, %swap3A_665], %broadcast_in_dim3A_662 {strides = array<i32>} : memref<5x128xf32, #tpu.memory_space<vmem>>, vector<16xf32>,
    %broadcast_in_dim3A_667 = arith.constant 0.000000e+00 : f32
    %broadcast_in_dim3A_668 = vector.broadcast %broadcast_in_dim3A_667 : f32 to vector<16xf32>
    %swap3A_669 = arith.constant 2 : i32
    %swap3A_670 = arith.index_cast %swap3A_669 : i32 to index
    %swap3A_671 = arith.constant 48 : index
    %swap3A_672 = tpu.vector_load %arg9[%swap3A_670, %swap3A_671] {strides = array<i32>} : memref<5x128xf32, #tpu.memory_space<vmem>>, vector<16xf32>,
    tpu.vector_store %arg9[%swap3A_670, %swap3A_671], %broadcast_in_dim3A_668 {strides = array<i32>} : memref<5x128xf32, #tpu.memory_space<vmem>>, vector<16xf32>,
    %broadcast_in_dim3A_673 = arith.constant 0.000000e+00 : f32
    %broadcast_in_dim3A_674 = vector.broadcast %broadcast_in_dim3A_673 : f32 to vector<16xf32>
    %swap3A_675 = arith.constant 2 : i32
    %swap3A_676 = arith.index_cast %swap3A_675 : i32 to index
    %swap3A_677 = arith.constant 64 : index
    %swap3A_678 = tpu.vector_load %arg9[%swap3A_676, %swap3A_677] {strides = array<i32>} : memref<5x128xf32, #tpu.memory_space<vmem>>, vector<16xf32>,
    tpu.vector_store %arg9[%swap3A_676, %swap3A_677], %broadcast_in_dim3A_674 {strides = array<i32>} : memref<5x128xf32, #tpu.memory_space<vmem>>, vector<16xf32>,
    %broadcast_in_dim3A_679 = arith.constant 0.000000e+00 : f32
    %broadcast_in_dim3A_680 = vector.broadcast %broadcast_in_dim3A_679 : f32 to vector<16xf32>
    %swap3A_681 = arith.constant 2 : i32
    %swap3A_682 = arith.index_cast %swap3A_681 : i32 to index
    %swap3A_683 = arith.constant 80 : index
    %swap3A_684 = tpu.vector_load %arg9[%swap3A_682, %swap3A_683] {strides = array<i32>} : memref<5x128xf32, #tpu.memory_space<vmem>>, vector<16xf32>,
    tpu.vector_store %arg9[%swap3A_682, %swap3A_683], %broadcast_in_dim3A_680 {strides = array<i32>} : memref<5x128xf32, #tpu.memory_space<vmem>>, vector<16xf32>,
    %broadcast_in_dim3A_685 = arith.constant 0.000000e+00 : f32
    %broadcast_in_dim3A_686 = vector.broadcast %broadcast_in_dim3A_685 : f32 to vector<16xf32>
    %swap3A_687 = arith.constant 2 : i32
    %swap3A_688 = arith.index_cast %swap3A_687 : i32 to index
    %swap3A_689 = arith.constant 96 : index
    %swap3A_690 = tpu.vector_load %arg9[%swap3A_688, %swap3A_689] {strides = array<i32>} : memref<5x128xf32, #tpu.memory_space<vmem>>, vector<16xf32>,
    tpu.vector_store %arg9[%swap3A_688, %swap3A_689], %broadcast_in_dim3A_686 {strides = array<i32>} : memref<5x128xf32, #tpu.memory_space<vmem>>, vector<16xf32>,
    %broadcast_in_dim3A_691 = arith.constant 0.000000e+00 : f32
    %broadcast_in_dim3A_692 = vector.broadcast %broadcast_in_dim3A_691 : f32 to vector<16xf32>
    %swap3A_693 = arith.constant 2 : i32
    %swap3A_694 = arith.index_cast %swap3A_693 : i32 to index
    %swap3A_695 = arith.constant 112 : index
    %swap3A_696 = tpu.vector_load %arg9[%swap3A_694, %swap3A_695] {strides = array<i32>} : memref<5x128xf32, #tpu.memory_space<vmem>>, vector<16xf32>,
    tpu.vector_store %arg9[%swap3A_694, %swap3A_695], %broadcast_in_dim3A_692 {strides = array<i32>} : memref<5x128xf32, #tpu.memory_space<vmem>>, vector<16xf32>,
    %broadcast_in_dim3A_697 = arith.constant 0.000000e+00 : f32
    %broadcast_in_dim3A_698 = vector.broadcast %broadcast_in_dim3A_697 : f32 to vector<16xf32>
    %swap3A_699 = arith.constant 3 : i32
    %swap3A_700 = arith.index_cast %swap3A_699 : i32 to index
    %swap3A_701 = arith.constant 0 : index
    %swap3A_702 = tpu.vector_load %arg9[%swap3A_700, %swap3A_701] {strides = array<i32>} : memref<5x128xf32, #tpu.memory_space<vmem>>, vector<16xf32>,
    tpu.vector_store %arg9[%swap3A_700, %swap3A_701], %broadcast_in_dim3A_698 {strides = array<i32>} : memref<5x128xf32, #tpu.memory_space<vmem>>, vector<16xf32>,
    %broadcast_in_dim3A_703 = arith.constant 0.000000e+00 : f32
    %broadcast_in_dim3A_704 = vector.broadcast %broadcast_in_dim3A_703 : f32 to vector<16xf32>
    %swap3A_705 = arith.constant 3 : i32
    %swap3A_706 = arith.index_cast %swap3A_705 : i32 to index
    %swap3A_707 = arith.constant 16 : index
    %swap3A_708 = tpu.vector_load %arg9[%swap3A_706, %swap3A_707] {strides = array<i32>} : memref<5x128xf32, #tpu.memory_space<vmem>>, vector<16xf32>,
    tpu.vector_store %arg9[%swap3A_706, %swap3A_707], %broadcast_in_dim3A_704 {strides = array<i32>} : memref<5x128xf32, #tpu.memory_space<vmem>>, vector<16xf32>,
    %broadcast_in_dim3A_709 = arith.constant 0.000000e+00 : f32
    %broadcast_in_dim3A_710 = vector.broadcast %broadcast_in_dim3A_709 : f32 to vector<16xf32>
    %swap3A_711 = arith.constant 3 : i32
    %swap3A_712 = arith.index_cast %swap3A_711 : i32 to index
    %swap3A_713 = arith.constant 32 : index
    %swap3A_714 = tpu.vector_load %arg9[%swap3A_712, %swap3A_713] {strides = array<i32>} : memref<5x128xf32, #tpu.memory_space<vmem>>, vector<16xf32>,
    tpu.vector_store %arg9[%swap3A_712, %swap3A_713], %broadcast_in_dim3A_710 {strides = array<i32>} : memref<5x128xf32, #tpu.memory_space<vmem>>, vector<16xf32>,
    %broadcast_in_dim3A_715 = arith.constant 0.000000e+00 : f32
    %broadcast_in_dim3A_716 = vector.broadcast %broadcast_in_dim3A_715 : f32 to vector<16xf32>
    %swap3A_717 = arith.constant 3 : i32
    %swap3A_718 = arith.index_cast %swap3A_717 : i32 to index
    %swap3A_719 = arith.constant 48 : index
    %swap3A_720 = tpu.vector_load %arg9[%swap3A_718, %swap3A_719] {strides = array<i32>} : memref<5x128xf32, #tpu.memory_space<vmem>>, vector<16xf32>,
    tpu.vector_store %arg9[%swap3A_718, %swap3A_719], %broadcast_in_dim3A_716 {strides = array<i32>} : memref<5x128xf32, #tpu.memory_space<vmem>>, vector<16xf32>,
    %broadcast_in_dim3A_721 = arith.constant 0.000000e+00 : f32
    %broadcast_in_dim3A_722 = vector.broadcast %broadcast_in_dim3A_721 : f32 to vector<16xf32>
    %swap3A_723 = arith.constant 3 : i32
    %swap3A_724 = arith.index_cast %swap3A_723 : i32 to index
    %swap3A_725 = arith.constant 64 : index
    %swap3A_726 = tpu.vector_load %arg9[%swap3A_724, %swap3A_725] {strides = array<i32>} : memref<5x128xf32, #tpu.memory_space<vmem>>, vector<16xf32>,
    tpu.vector_store %arg9[%swap3A_724, %swap3A_725], %broadcast_in_dim3A_722 {strides = array<i32>} : memref<5x128xf32, #tpu.memory_space<vmem>>, vector<16xf32>,
    %broadcast_in_dim3A_727 = arith.constant 0.000000e+00 : f32
    %broadcast_in_dim3A_728 = vector.broadcast %broadcast_in_dim3A_727 : f32 to vector<16xf32>
    %swap3A_729 = arith.constant 3 : i32
    %swap3A_730 = arith.index_cast %swap3A_729 : i32 to index
    %swap3A_731 = arith.constant 80 : index
    %swap3A_732 = tpu.vector_load %arg9[%swap3A_730, %swap3A_731] {strides = array<i32>} : memref<5x128xf32, #tpu.memory_space<vmem>>, vector<16xf32>,
    tpu.vector_store %arg9[%swap3A_730, %swap3A_731], %broadcast_in_dim3A_728 {strides = array<i32>} : memref<5x128xf32, #tpu.memory_space<vmem>>, vector<16xf32>,
    %broadcast_in_dim3A_733 = arith.constant 0.000000e+00 : f32
    %broadcast_in_dim3A_734 = vector.broadcast %broadcast_in_dim3A_733 : f32 to vector<16xf32>
    %swap3A_735 = arith.constant 3 : i32
    %swap3A_736 = arith.index_cast %swap3A_735 : i32 to index
    %swap3A_737 = arith.constant 96 : index
    %swap3A_738 = tpu.vector_load %arg9[%swap3A_736, %swap3A_737] {strides = array<i32>} : memref<5x128xf32, #tpu.memory_space<vmem>>, vector<16xf32>,
    tpu.vector_store %arg9[%swap3A_736, %swap3A_737], %broadcast_in_dim3A_734 {strides = array<i32>} : memref<5x128xf32, #tpu.memory_space<vmem>>, vector<16xf32>,
    %broadcast_in_dim3A_739 = arith.constant 0.000000e+00 : f32
    %broadcast_in_dim3A_740 = vector.broadcast %broadcast_in_dim3A_739 : f32 to vector<16xf32>
    %swap3A_741 = arith.constant 3 : i32
    %swap3A_742 = arith.index_cast %swap3A_741 : i32 to index
    %swap3A_743 = arith.constant 112 : index
    %swap3A_744 = tpu.vector_load %arg9[%swap3A_742, %swap3A_743] {strides = array<i32>} : memref<5x128xf32, #tpu.memory_space<vmem>>, vector<16xf32>,
    tpu.vector_store %arg9[%swap3A_742, %swap3A_743], %broadcast_in_dim3A_740 {strides = array<i32>} : memref<5x128xf32, #tpu.memory_space<vmem>>, vector<16xf32>,
    %broadcast_in_dim3A_745 = arith.constant 0.000000e+00 : f32
    %broadcast_in_dim3A_746 = vector.broadcast %broadcast_in_dim3A_745 : f32 to vector<16xf32>
    %swap3A_747 = arith.constant 4 : i32
    %swap3A_748 = arith.index_cast %swap3A_747 : i32 to index
    %swap3A_749 = arith.constant 0 : index
    %swap3A_750 = tpu.vector_load %arg9[%swap3A_748, %swap3A_749] {strides = array<i32>} : memref<5x128xf32, #tpu.memory_space<vmem>>, vector<16xf32>,
    tpu.vector_store %arg9[%swap3A_748, %swap3A_749], %broadcast_in_dim3A_746 {strides = array<i32>} : memref<5x128xf32, #tpu.memory_space<vmem>>, vector<16xf32>,
    %broadcast_in_dim3A_751 = arith.constant 0.000000e+00 : f32
    %broadcast_in_dim3A_752 = vector.broadcast %broadcast_in_dim3A_751 : f32 to vector<16xf32>
    %swap3A_753 = arith.constant 4 : i32
    %swap3A_754 = arith.index_cast %swap3A_753 : i32 to index
    %swap3A_755 = arith.constant 16 : index
    %swap3A_756 = tpu.vector_load %arg9[%swap3A_754, %swap3A_755] {strides = array<i32>} : memref<5x128xf32, #tpu.memory_space<vmem>>, vector<16xf32>,
    tpu.vector_store %arg9[%swap3A_754, %swap3A_755], %broadcast_in_dim3A_752 {strides = array<i32>} : memref<5x128xf32, #tpu.memory_space<vmem>>, vector<16xf32>,
    %broadcast_in_dim3A_757 = arith.constant 0.000000e+00 : f32
    %broadcast_in_dim3A_758 = vector.broadcast %broadcast_in_dim3A_757 : f32 to vector<16xf32>
    %swap3A_759 = arith.constant 4 : i32
    %swap3A_760 = arith.index_cast %swap3A_759 : i32 to index
    %swap3A_761 = arith.constant 32 : index
    %swap3A_762 = tpu.vector_load %arg9[%swap3A_760, %swap3A_761] {strides = array<i32>} : memref<5x128xf32, #tpu.memory_space<vmem>>, vector<16xf32>,
    tpu.vector_store %arg9[%swap3A_760, %swap3A_761], %broadcast_in_dim3A_758 {strides = array<i32>} : memref<5x128xf32, #tpu.memory_space<vmem>>, vector<16xf32>,
    %broadcast_in_dim3A_763 = arith.constant 0.000000e+00 : f32
    %broadcast_in_dim3A_764 = vector.broadcast %broadcast_in_dim3A_763 : f32 to vector<16xf32>
    %swap3A_765 = arith.constant 4 : i32
    %swap3A_766 = arith.index_cast %swap3A_765 : i32 to index
    %swap3A_767 = arith.constant 48 : index
    %swap3A_768 = tpu.vector_load %arg9[%swap3A_766, %swap3A_767] {strides = array<i32>} : memref<5x128xf32, #tpu.memory_space<vmem>>, vector<16xf32>,
    tpu.vector_store %arg9[%swap3A_766, %swap3A_767], %broadcast_in_dim3A_764 {strides = array<i32>} : memref<5x128xf32, #tpu.memory_space<vmem>>, vector<16xf32>,
    %broadcast_in_dim3A_769 = arith.constant 0.000000e+00 : f32
    %broadcast_in_dim3A_770 = vector.broadcast %broadcast_in_dim3A_769 : f32 to vector<16xf32>
    %swap3A_771 = arith.constant 4 : i32
    %swap3A_772 = arith.index_cast %swap3A_771 : i32 to index
    %swap3A_773 = arith.constant 64 : index
    %swap3A_774 = tpu.vector_load %arg9[%swap3A_772, %swap3A_773] {strides = array<i32>} : memref<5x128xf32, #tpu.memory_space<vmem>>, vector<16xf32>,
    tpu.vector_store %arg9[%swap3A_772, %swap3A_773], %broadcast_in_dim3A_770 {strides = array<i32>} : memref<5x128xf32, #tpu.memory_space<vmem>>, vector<16xf32>,
    %broadcast_in_dim3A_775 = arith.constant 0.000000e+00 : f32
    %broadcast_in_dim3A_776 = vector.broadcast %broadcast_in_dim3A_775 : f32 to vector<16xf32>
    %swap3A_777 = arith.constant 4 : i32
    %swap3A_778 = arith.index_cast %swap3A_777 : i32 to index
    %swap3A_779 = arith.constant 80 : index
    %swap3A_780 = tpu.vector_load %arg9[%swap3A_778, %swap3A_779] {strides = array<i32>} : memref<5x128xf32, #tpu.memory_space<vmem>>, vector<16xf32>,
    tpu.vector_store %arg9[%swap3A_778, %swap3A_779], %broadcast_in_dim3A_776 {strides = array<i32>} : memref<5x128xf32, #tpu.memory_space<vmem>>, vector<16xf32>,
    %broadcast_in_dim3A_781 = arith.constant 0.000000e+00 : f32
    %broadcast_in_dim3A_782 = vector.broadcast %broadcast_in_dim3A_781 : f32 to vector<16xf32>
    %swap3A_783 = arith.constant 4 : i32
    %swap3A_784 = arith.index_cast %swap3A_783 : i32 to index
    %swap3A_785 = arith.constant 96 : index
    %swap3A_786 = tpu.vector_load %arg9[%swap3A_784, %swap3A_785] {strides = array<i32>} : memref<5x128xf32, #tpu.memory_space<vmem>>, vector<16xf32>,
    tpu.vector_store %arg9[%swap3A_784, %swap3A_785], %broadcast_in_dim3A_782 {strides = array<i32>} : memref<5x128xf32, #tpu.memory_space<vmem>>, vector<16xf32>,
    %broadcast_in_dim3A_787 = arith.constant 0.000000e+00 : f32
    %broadcast_in_dim3A_788 = vector.broadcast %broadcast_in_dim3A_787 : f32 to vector<16xf32>
    %swap3A_789 = arith.constant 4 : i32
    %swap3A_790 = arith.index_cast %swap3A_789 : i32 to index
    %swap3A_791 = arith.constant 112 : index
    %swap3A_792 = tpu.vector_load %arg9[%swap3A_790, %swap3A_791] {strides = array<i32>} : memref<5x128xf32, #tpu.memory_space<vmem>>, vector<16xf32>,
    tpu.vector_store %arg9[%swap3A_790, %swap3A_791], %broadcast_in_dim3A_788 {strides = array<i32>} : memref<5x128xf32, #tpu.memory_space<vmem>>, vector<16xf32>,
    %scan3A_793 = arith.constant 0 : i32
    %scan3A_794 = arith.constant 0 : i32
    %scan3A_795 = arith.constant 16 : i32
    %scan3A_796 = arith.addi %scan3A_794, %scan3A_795 : i32
    %scan3A_797 = arith.constant 1 : i32
    %scan3A_798 = scf.for %scan3A_805 = %scan3A_794 to %scan3A_796 step %scan3A_797 iter_args(%scan3A_806 = %scan3A_793) -> (i32)  : i32 {
      "tpu.region"() ({
        %run_scoped3A = tpu.sem_alloc : memref<!tpu.dma_semaphore, #tpu.memory_space<semaphore_mem>>
        %dma_start3A_1327 = arith.constant 0 : i32
        %dma_start3A_1328 = tpu.memref_slice %arg12[%scan3A_805, %mul3A_1, %dma_start3A_1327] : memref<16x80x128xf32, #tpu.memory_space<vmem_shared>> -> memref<1x5x128xf32, #tpu.memory_space<vmem_shared>>
        %dma_start3A_1329 = tpu.memref_squeeze %dma_start3A_1328 : memref<1x5x128xf32, #tpu.memory_space<vmem_shared>> -> memref<5x128xf32, #tpu.memory_space<vmem_shared>>
        %dma_start3A_1330 = arith.constant 0 : i32
        %dma_start3A_1331 = tpu.memref_slice %arg12[%scan3A_805, %mul3A_1, %dma_start3A_1330] : memref<16x80x128xf32, #tpu.memory_space<vmem_shared>> -> memref<1x5x128xf32, #tpu.memory_space<vmem_shared>>
        %dma_start3A_1332 = tpu.memref_squeeze %dma_start3A_1331 : memref<1x5x128xf32, #tpu.memory_space<vmem_shared>> -> memref<5x128xf32, #tpu.memory_space<vmem_shared>>
        tpu.enqueue_dma source(%dma_start3A_1332 : memref<5x128xf32, #tpu.memory_space<vmem_shared>>) target(%arg10 : memref<5x128xf32, #tpu.memory_space<vmem>>) target_semaphore(%run_scoped3A : memref<!tpu.dma_semaphore, #tpu.memory_space<semaphore_mem>>)
        %dma_wait3A_1333 = arith.constant 0 : i32
        %dma_wait3A_1334 = tpu.memref_slice %arg12[%scan3A_805, %mul3A_1, %dma_wait3A_1333] : memref<16x80x128xf32, #tpu.memory_space<vmem_shared>> -> memref<1x5x128xf32, #tpu.memory_space<vmem_shared>>
        %dma_wait3A_1335 = tpu.memref_squeeze %dma_wait3A_1334 : memref<1x5x128xf32, #tpu.memory_space<vmem_shared>> -> memref<5x128xf32, #tpu.memory_space<vmem_shared>>
        %dma_wait3A_1336 = arith.constant 0 : i32
        %dma_wait3A_1337 = tpu.memref_slice %arg12[%scan3A_805, %mul3A_1, %dma_wait3A_1336] : memref<16x80x128xf32, #tpu.memory_space<vmem_shared>> -> memref<1x5x128xf32, #tpu.memory_space<vmem_shared>>
        %dma_wait3A_1338 = tpu.memref_squeeze %dma_wait3A_1337 : memref<1x5x128xf32, #tpu.memory_space<vmem_shared>> -> memref<5x128xf32, #tpu.memory_space<vmem_shared>>
        tpu.wait_dma2 semaphore(%run_scoped3A : memref<!tpu.dma_semaphore, #tpu.memory_space<semaphore_mem>>) src(%dma_wait3A_1338 : memref<5x128xf32, #tpu.memory_space<vmem_shared>>) dst(%arg10 : memref<5x128xf32, #tpu.memory_space<vmem>>)
        tpu.yield
      }) : () -> ()
      %get3A = arith.constant 0 : i32
      %get3A_807 = arith.index_cast %get3A : i32 to index
      %get3A_808 = arith.constant 0 : index
      %get3A_809 = tpu.vector_load %arg9[%get3A_807, %get3A_808] {strides = array<i32>} : memref<5x128xf32, #tpu.memory_space<vmem>>, vector<16xf32>,
      %get3A_810 = arith.constant 0 : i32
      %get3A_811 = arith.index_cast %get3A_810 : i32 to index
      %get3A_812 = arith.constant 0 : index
      %get3A_813 = tpu.vector_load %arg10[%get3A_811, %get3A_812] {strides = array<i32>} : memref<5x128xf32, #tpu.memory_space<vmem>>, vector<16xf32>,
      %add3A_814 = arith.addf %get3A_809, %get3A_813 : vector<16xf32>
      %swap3A_815 = arith.constant 0 : i32
      %swap3A_816 = arith.index_cast %swap3A_815 : i32 to index
      %swap3A_817 = arith.constant 0 : index
      %swap3A_818 = tpu.vector_load %arg9[%swap3A_816, %swap3A_817] {strides = array<i32>} : memref<5x128xf32, #tpu.memory_space<vmem>>, vector<16xf32>,
      tpu.vector_store %arg9[%swap3A_816, %swap3A_817], %add3A_814 {strides = array<i32>} : memref<5x128xf32, #tpu.memory_space<vmem>>, vector<16xf32>,
      %get3A_819 = arith.constant 0 : i32
      %get3A_820 = arith.index_cast %get3A_819 : i32 to index
      %get3A_821 = arith.constant 16 : index
      %get3A_822 = tpu.vector_load %arg9[%get3A_820, %get3A_821] {strides = array<i32>} : memref<5x128xf32, #tpu.memory_space<vmem>>, vector<16xf32>,
      %get3A_823 = arith.constant 0 : i32
      %get3A_824 = arith.index_cast %get3A_823 : i32 to index
      %get3A_825 = arith.constant 16 : index
      %get3A_826 = tpu.vector_load %arg10[%get3A_824, %get3A_825] {strides = array<i32>} : memref<5x128xf32, #tpu.memory_space<vmem>>, vector<16xf32>,
      %add3A_827 = arith.addf %get3A_822, %get3A_826 : vector<16xf32>
      %swap3A_828 = arith.constant 0 : i32
      %swap3A_829 = arith.index_cast %swap3A_828 : i32 to index
      %swap3A_830 = arith.constant 16 : index
      %swap3A_831 = tpu.vector_load %arg9[%swap3A_829, %swap3A_830] {strides = array<i32>} : memref<5x128xf32, #tpu.memory_space<vmem>>, vector<16xf32>,
      tpu.vector_store %arg9[%swap3A_829, %swap3A_830], %add3A_827 {strides = array<i32>} : memref<5x128xf32, #tpu.memory_space<vmem>>, vector<16xf32>,
      %get3A_832 = arith.constant 0 : i32
      %get3A_833 = arith.index_cast %get3A_832 : i32 to index
      %get3A_834 = arith.constant 32 : index
      %get3A_835 = tpu.vector_load %arg9[%get3A_833, %get3A_834] {strides = array<i32>} : memref<5x128xf32, #tpu.memory_space<vmem>>, vector<16xf32>,
      %get3A_836 = arith.constant 0 : i32
      %get3A_837 = arith.index_cast %get3A_836 : i32 to index
      %get3A_838 = arith.constant 32 : index
      %get3A_839 = tpu.vector_load %arg10[%get3A_837, %get3A_838] {strides = array<i32>} : memref<5x128xf32, #tpu.memory_space<vmem>>, vector<16xf32>,
      %add3A_840 = arith.addf %get3A_835, %get3A_839 : vector<16xf32>
      %swap3A_841 = arith.constant 0 : i32
      %swap3A_842 = arith.index_cast %swap3A_841 : i32 to index
      %swap3A_843 = arith.constant 32 : index
      %swap3A_844 = tpu.vector_load %arg9[%swap3A_842, %swap3A_843] {strides = array<i32>} : memref<5x128xf32, #tpu.memory_space<vmem>>, vector<16xf32>,
      tpu.vector_store %arg9[%swap3A_842, %swap3A_843], %add3A_840 {strides = array<i32>} : memref<5x128xf32, #tpu.memory_space<vmem>>, vector<16xf32>,
      %get3A_845 = arith.constant 0 : i32
      %get3A_846 = arith.index_cast %get3A_845 : i32 to index
      %get3A_847 = arith.constant 48 : index
      %get3A_848 = tpu.vector_load %arg9[%get3A_846, %get3A_847] {strides = array<i32>} : memref<5x128xf32, #tpu.memory_space<vmem>>, vector<16xf32>,
      %get3A_849 = arith.constant 0 : i32
      %get3A_850 = arith.index_cast %get3A_849 : i32 to index
      %get3A_851 = arith.constant 48 : index
      %get3A_852 = tpu.vector_load %arg10[%get3A_850, %get3A_851] {strides = array<i32>} : memref<5x128xf32, #tpu.memory_space<vmem>>, vector<16xf32>,
      %add3A_853 = arith.addf %get3A_848, %get3A_852 : vector<16xf32>
      %swap3A_854 = arith.constant 0 : i32
      %swap3A_855 = arith.index_cast %swap3A_854 : i32 to index
      %swap3A_856 = arith.constant 48 : index
      %swap3A_857 = tpu.vector_load %arg9[%swap3A_855, %swap3A_856] {strides = array<i32>} : memref<5x128xf32, #tpu.memory_space<vmem>>, vector<16xf32>,
      tpu.vector_store %arg9[%swap3A_855, %swap3A_856], %add3A_853 {strides = array<i32>} : memref<5x128xf32, #tpu.memory_space<vmem>>, vector<16xf32>,
      %get3A_858 = arith.constant 0 : i32
      %get3A_859 = arith.index_cast %get3A_858 : i32 to index
      %get3A_860 = arith.constant 64 : index
      %get3A_861 = tpu.vector_load %arg9[%get3A_859, %get3A_860] {strides = array<i32>} : memref<5x128xf32, #tpu.memory_space<vmem>>, vector<16xf32>,
      %get3A_862 = arith.constant 0 : i32
      %get3A_863 = arith.index_cast %get3A_862 : i32 to index
      %get3A_864 = arith.constant 64 : index
      %get3A_865 = tpu.vector_load %arg10[%get3A_863, %get3A_864] {strides = array<i32>} : memref<5x128xf32, #tpu.memory_space<vmem>>, vector<16xf32>,
      %add3A_866 = arith.addf %get3A_861, %get3A_865 : vector<16xf32>
      %swap3A_867 = arith.constant 0 : i32
      %swap3A_868 = arith.index_cast %swap3A_867 : i32 to index
      %swap3A_869 = arith.constant 64 : index
      %swap3A_870 = tpu.vector_load %arg9[%swap3A_868, %swap3A_869] {strides = array<i32>} : memref<5x128xf32, #tpu.memory_space<vmem>>, vector<16xf32>,
      tpu.vector_store %arg9[%swap3A_868, %swap3A_869], %add3A_866 {strides = array<i32>} : memref<5x128xf32, #tpu.memory_space<vmem>>, vector<16xf32>,
      %get3A_871 = arith.constant 0 : i32
      %get3A_872 = arith.index_cast %get3A_871 : i32 to index
      %get3A_873 = arith.constant 80 : index
      %get3A_874 = tpu.vector_load %arg9[%get3A_872, %get3A_873] {strides = array<i32>} : memref<5x128xf32, #tpu.memory_space<vmem>>, vector<16xf32>,
      %get3A_875 = arith.constant 0 : i32
      %get3A_876 = arith.index_cast %get3A_875 : i32 to index
      %get3A_877 = arith.constant 80 : index
      %get3A_878 = tpu.vector_load %arg10[%get3A_876, %get3A_877] {strides = array<i32>} : memref<5x128xf32, #tpu.memory_space<vmem>>, vector<16xf32>,
      %add3A_879 = arith.addf %get3A_874, %get3A_878 : vector<16xf32>
      %swap3A_880 = arith.constant 0 : i32
      %swap3A_881 = arith.index_cast %swap3A_880 : i32 to index
      %swap3A_882 = arith.constant 80 : index
      %swap3A_883 = tpu.vector_load %arg9[%swap3A_881, %swap3A_882] {strides = array<i32>} : memref<5x128xf32, #tpu.memory_space<vmem>>, vector<16xf32>,
      tpu.vector_store %arg9[%swap3A_881, %swap3A_882], %add3A_879 {strides = array<i32>} : memref<5x128xf32, #tpu.memory_space<vmem>>, vector<16xf32>,
      %get3A_884 = arith.constant 0 : i32
      %get3A_885 = arith.index_cast %get3A_884 : i32 to index
      %get3A_886 = arith.constant 96 : index
      %get3A_887 = tpu.vector_load %arg9[%get3A_885, %get3A_886] {strides = array<i32>} : memref<5x128xf32, #tpu.memory_space<vmem>>, vector<16xf32>,
      %get3A_888 = arith.constant 0 : i32
      %get3A_889 = arith.index_cast %get3A_888 : i32 to index
      %get3A_890 = arith.constant 96 : index
      %get3A_891 = tpu.vector_load %arg10[%get3A_889, %get3A_890] {strides = array<i32>} : memref<5x128xf32, #tpu.memory_space<vmem>>, vector<16xf32>,
      %add3A_892 = arith.addf %get3A_887, %get3A_891 : vector<16xf32>
      %swap3A_893 = arith.constant 0 : i32
      %swap3A_894 = arith.index_cast %swap3A_893 : i32 to index
      %swap3A_895 = arith.constant 96 : index
      %swap3A_896 = tpu.vector_load %arg9[%swap3A_894, %swap3A_895] {strides = array<i32>} : memref<5x128xf32, #tpu.memory_space<vmem>>, vector<16xf32>,
      tpu.vector_store %arg9[%swap3A_894, %swap3A_895], %add3A_892 {strides = array<i32>} : memref<5x128xf32, #tpu.memory_space<vmem>>, vector<16xf32>,
      %get3A_897 = arith.constant 0 : i32
      %get3A_898 = arith.index_cast %get3A_897 : i32 to index
      %get3A_899 = arith.constant 112 : index
      %get3A_900 = tpu.vector_load %arg9[%get3A_898, %get3A_899] {strides = array<i32>} : memref<5x128xf32, #tpu.memory_space<vmem>>, vector<16xf32>,
      %get3A_901 = arith.constant 0 : i32
      %get3A_902 = arith.index_cast %get3A_901 : i32 to index
      %get3A_903 = arith.constant 112 : index
      %get3A_904 = tpu.vector_load %arg10[%get3A_902, %get3A_903] {strides = array<i32>} : memref<5x128xf32, #tpu.memory_space<vmem>>, vector<16xf32>,
      %add3A_905 = arith.addf %get3A_900, %get3A_904 : vector<16xf32>
      %swap3A_906 = arith.constant 0 : i32
      %swap3A_907 = arith.index_cast %swap3A_906 : i32 to index
      %swap3A_908 = arith.constant 112 : index
      %swap3A_909 = tpu.vector_load %arg9[%swap3A_907, %swap3A_908] {strides = array<i32>} : memref<5x128xf32, #tpu.memory_space<vmem>>, vector<16xf32>,
      tpu.vector_store %arg9[%swap3A_907, %swap3A_908], %add3A_905 {strides = array<i32>} : memref<5x128xf32, #tpu.memory_space<vmem>>, vector<16xf32>,
      %get3A_910 = arith.constant 1 : i32
      %get3A_911 = arith.index_cast %get3A_910 : i32 to index
      %get3A_912 = arith.constant 0 : index
      %get3A_913 = tpu.vector_load %arg9[%get3A_911, %get3A_912] {strides = array<i32>} : memref<5x128xf32, #tpu.memory_space<vmem>>, vector<16xf32>,
      %get3A_914 = arith.constant 1 : i32
      %get3A_915 = arith.index_cast %get3A_914 : i32 to index
      %get3A_916 = arith.constant 0 : index
      %get3A_917 = tpu.vector_load %arg10[%get3A_915, %get3A_916] {strides = array<i32>} : memref<5x128xf32, #tpu.memory_space<vmem>>, vector<16xf32>,
      %add3A_918 = arith.addf %get3A_913, %get3A_917 : vector<16xf32>
      %swap3A_919 = arith.constant 1 : i32
      %swap3A_920 = arith.index_cast %swap3A_919 : i32 to index
      %swap3A_921 = arith.constant 0 : index
      %swap3A_922 = tpu.vector_load %arg9[%swap3A_920, %swap3A_921] {strides = array<i32>} : memref<5x128xf32, #tpu.memory_space<vmem>>, vector<16xf32>,
      tpu.vector_store %arg9[%swap3A_920, %swap3A_921], %add3A_918 {strides = array<i32>} : memref<5x128xf32, #tpu.memory_space<vmem>>, vector<16xf32>,
      %get3A_923 = arith.constant 1 : i32
      %get3A_924 = arith.index_cast %get3A_923 : i32 to index
      %get3A_925 = arith.constant 16 : index
      %get3A_926 = tpu.vector_load %arg9[%get3A_924, %get3A_925] {strides = array<i32>} : memref<5x128xf32, #tpu.memory_space<vmem>>, vector<16xf32>,
      %get3A_927 = arith.constant 1 : i32
      %get3A_928 = arith.index_cast %get3A_927 : i32 to index
      %get3A_929 = arith.constant 16 : index
      %get3A_930 = tpu.vector_load %arg10[%get3A_928, %get3A_929] {strides = array<i32>} : memref<5x128xf32, #tpu.memory_space<vmem>>, vector<16xf32>,
      %add3A_931 = arith.addf %get3A_926, %get3A_930 : vector<16xf32>
      %swap3A_932 = arith.constant 1 : i32
      %swap3A_933 = arith.index_cast %swap3A_932 : i32 to index
      %swap3A_934 = arith.constant 16 : index
      %swap3A_935 = tpu.vector_load %arg9[%swap3A_933, %swap3A_934] {strides = array<i32>} : memref<5x128xf32, #tpu.memory_space<vmem>>, vector<16xf32>,
      tpu.vector_store %arg9[%swap3A_933, %swap3A_934], %add3A_931 {strides = array<i32>} : memref<5x128xf32, #tpu.memory_space<vmem>>, vector<16xf32>,
      %get3A_936 = arith.constant 1 : i32
      %get3A_937 = arith.index_cast %get3A_936 : i32 to index
      %get3A_938 = arith.constant 32 : index
      %get3A_939 = tpu.vector_load %arg9[%get3A_937, %get3A_938] {strides = array<i32>} : memref<5x128xf32, #tpu.memory_space<vmem>>, vector<16xf32>,
      %get3A_940 = arith.constant 1 : i32
      %get3A_941 = arith.index_cast %get3A_940 : i32 to index
      %get3A_942 = arith.constant 32 : index
      %get3A_943 = tpu.vector_load %arg10[%get3A_941, %get3A_942] {strides = array<i32>} : memref<5x128xf32, #tpu.memory_space<vmem>>, vector<16xf32>,
      %add3A_944 = arith.addf %get3A_939, %get3A_943 : vector<16xf32>
      %swap3A_945 = arith.constant 1 : i32
      %swap3A_946 = arith.index_cast %swap3A_945 : i32 to index
      %swap3A_947 = arith.constant 32 : index
      %swap3A_948 = tpu.vector_load %arg9[%swap3A_946, %swap3A_947] {strides = array<i32>} : memref<5x128xf32, #tpu.memory_space<vmem>>, vector<16xf32>,
      tpu.vector_store %arg9[%swap3A_946, %swap3A_947], %add3A_944 {strides = array<i32>} : memref<5x128xf32, #tpu.memory_space<vmem>>, vector<16xf32>,
      %get3A_949 = arith.constant 1 : i32
      %get3A_950 = arith.index_cast %get3A_949 : i32 to index
      %get3A_951 = arith.constant 48 : index
      %get3A_952 = tpu.vector_load %arg9[%get3A_950, %get3A_951] {strides = array<i32>} : memref<5x128xf32, #tpu.memory_space<vmem>>, vector<16xf32>,
      %get3A_953 = arith.constant 1 : i32
      %get3A_954 = arith.index_cast %get3A_953 : i32 to index
      %get3A_955 = arith.constant 48 : index
      %get3A_956 = tpu.vector_load %arg10[%get3A_954, %get3A_955] {strides = array<i32>} : memref<5x128xf32, #tpu.memory_space<vmem>>, vector<16xf32>,
      %add3A_957 = arith.addf %get3A_952, %get3A_956 : vector<16xf32>
      %swap3A_958 = arith.constant 1 : i32
      %swap3A_959 = arith.index_cast %swap3A_958 : i32 to index
      %swap3A_960 = arith.constant 48 : index
      %swap3A_961 = tpu.vector_load %arg9[%swap3A_959, %swap3A_960] {strides = array<i32>} : memref<5x128xf32, #tpu.memory_space<vmem>>, vector<16xf32>,
      tpu.vector_store %arg9[%swap3A_959, %swap3A_960], %add3A_957 {strides = array<i32>} : memref<5x128xf32, #tpu.memory_space<vmem>>, vector<16xf32>,
      %get3A_962 = arith.constant 1 : i32
      %get3A_963 = arith.index_cast %get3A_962 : i32 to index
      %get3A_964 = arith.constant 64 : index
      %get3A_965 = tpu.vector_load %arg9[%get3A_963, %get3A_964] {strides = array<i32>} : memref<5x128xf32, #tpu.memory_space<vmem>>, vector<16xf32>,
      %get3A_966 = arith.constant 1 : i32
      %get3A_967 = arith.index_cast %get3A_966 : i32 to index
      %get3A_968 = arith.constant 64 : index
      %get3A_969 = tpu.vector_load %arg10[%get3A_967, %get3A_968] {strides = array<i32>} : memref<5x128xf32, #tpu.memory_space<vmem>>, vector<16xf32>,
      %add3A_970 = arith.addf %get3A_965, %get3A_969 : vector<16xf32>
      %swap3A_971 = arith.constant 1 : i32
      %swap3A_972 = arith.index_cast %swap3A_971 : i32 to index
      %swap3A_973 = arith.constant 64 : index
      %swap3A_974 = tpu.vector_load %arg9[%swap3A_972, %swap3A_973] {strides = array<i32>} : memref<5x128xf32, #tpu.memory_space<vmem>>, vector<16xf32>,
      tpu.vector_store %arg9[%swap3A_972, %swap3A_973], %add3A_970 {strides = array<i32>} : memref<5x128xf32, #tpu.memory_space<vmem>>, vector<16xf32>,
      %get3A_975 = arith.constant 1 : i32
      %get3A_976 = arith.index_cast %get3A_975 : i32 to index
      %get3A_977 = arith.constant 80 : index
      %get3A_978 = tpu.vector_load %arg9[%get3A_976, %get3A_977] {strides = array<i32>} : memref<5x128xf32, #tpu.memory_space<vmem>>, vector<16xf32>,
      %get3A_979 = arith.constant 1 : i32
      %get3A_980 = arith.index_cast %get3A_979 : i32 to index
      %get3A_981 = arith.constant 80 : index
      %get3A_982 = tpu.vector_load %arg10[%get3A_980, %get3A_981] {strides = array<i32>} : memref<5x128xf32, #tpu.memory_space<vmem>>, vector<16xf32>,
      %add3A_983 = arith.addf %get3A_978, %get3A_982 : vector<16xf32>
      %swap3A_984 = arith.constant 1 : i32
      %swap3A_985 = arith.index_cast %swap3A_984 : i32 to index
      %swap3A_986 = arith.constant 80 : index
      %swap3A_987 = tpu.vector_load %arg9[%swap3A_985, %swap3A_986] {strides = array<i32>} : memref<5x128xf32, #tpu.memory_space<vmem>>, vector<16xf32>,
      tpu.vector_store %arg9[%swap3A_985, %swap3A_986], %add3A_983 {strides = array<i32>} : memref<5x128xf32, #tpu.memory_space<vmem>>, vector<16xf32>,
      %get3A_988 = arith.constant 1 : i32
      %get3A_989 = arith.index_cast %get3A_988 : i32 to index
      %get3A_990 = arith.constant 96 : index
      %get3A_991 = tpu.vector_load %arg9[%get3A_989, %get3A_990] {strides = array<i32>} : memref<5x128xf32, #tpu.memory_space<vmem>>, vector<16xf32>,
      %get3A_992 = arith.constant 1 : i32
      %get3A_993 = arith.index_cast %get3A_992 : i32 to index
      %get3A_994 = arith.constant 96 : index
      %get3A_995 = tpu.vector_load %arg10[%get3A_993, %get3A_994] {strides = array<i32>} : memref<5x128xf32, #tpu.memory_space<vmem>>, vector<16xf32>,
      %add3A_996 = arith.addf %get3A_991, %get3A_995 : vector<16xf32>
      %swap3A_997 = arith.constant 1 : i32
      %swap3A_998 = arith.index_cast %swap3A_997 : i32 to index
      %swap3A_999 = arith.constant 96 : index
      %swap3A_1000 = tpu.vector_load %arg9[%swap3A_998, %swap3A_999] {strides = array<i32>} : memref<5x128xf32, #tpu.memory_space<vmem>>, vector<16xf32>,
      tpu.vector_store %arg9[%swap3A_998, %swap3A_999], %add3A_996 {strides = array<i32>} : memref<5x128xf32, #tpu.memory_space<vmem>>, vector<16xf32>,
      %get3A_1001 = arith.constant 1 : i32
      %get3A_1002 = arith.index_cast %get3A_1001 : i32 to index
      %get3A_1003 = arith.constant 112 : index
      %get3A_1004 = tpu.vector_load %arg9[%get3A_1002, %get3A_1003] {strides = array<i32>} : memref<5x128xf32, #tpu.memory_space<vmem>>, vector<16xf32>,
      %get3A_1005 = arith.constant 1 : i32
      %get3A_1006 = arith.index_cast %get3A_1005 : i32 to index
      %get3A_1007 = arith.constant 112 : index
      %get3A_1008 = tpu.vector_load %arg10[%get3A_1006, %get3A_1007] {strides = array<i32>} : memref<5x128xf32, #tpu.memory_space<vmem>>, vector<16xf32>,
      %add3A_1009 = arith.addf %get3A_1004, %get3A_1008 : vector<16xf32>
      %swap3A_1010 = arith.constant 1 : i32
      %swap3A_1011 = arith.index_cast %swap3A_1010 : i32 to index
      %swap3A_1012 = arith.constant 112 : index
      %swap3A_1013 = tpu.vector_load %arg9[%swap3A_1011, %swap3A_1012] {strides = array<i32>} : memref<5x128xf32, #tpu.memory_space<vmem>>, vector<16xf32>,
      tpu.vector_store %arg9[%swap3A_1011, %swap3A_1012], %add3A_1009 {strides = array<i32>} : memref<5x128xf32, #tpu.memory_space<vmem>>, vector<16xf32>,
      %get3A_1014 = arith.constant 2 : i32
      %get3A_1015 = arith.index_cast %get3A_1014 : i32 to index
      %get3A_1016 = arith.constant 0 : index
      %get3A_1017 = tpu.vector_load %arg9[%get3A_1015, %get3A_1016] {strides = array<i32>} : memref<5x128xf32, #tpu.memory_space<vmem>>, vector<16xf32>,
      %get3A_1018 = arith.constant 2 : i32
      %get3A_1019 = arith.index_cast %get3A_1018 : i32 to index
      %get3A_1020 = arith.constant 0 : index
      %get3A_1021 = tpu.vector_load %arg10[%get3A_1019, %get3A_1020] {strides = array<i32>} : memref<5x128xf32, #tpu.memory_space<vmem>>, vector<16xf32>,
      %add3A_1022 = arith.addf %get3A_1017, %get3A_1021 : vector<16xf32>
      %swap3A_1023 = arith.constant 2 : i32
      %swap3A_1024 = arith.index_cast %swap3A_1023 : i32 to index
      %swap3A_1025 = arith.constant 0 : index
      %swap3A_1026 = tpu.vector_load %arg9[%swap3A_1024, %swap3A_1025] {strides = array<i32>} : memref<5x128xf32, #tpu.memory_space<vmem>>, vector<16xf32>,
      tpu.vector_store %arg9[%swap3A_1024, %swap3A_1025], %add3A_1022 {strides = array<i32>} : memref<5x128xf32, #tpu.memory_space<vmem>>, vector<16xf32>,
      %get3A_1027 = arith.constant 2 : i32
      %get3A_1028 = arith.index_cast %get3A_1027 : i32 to index
      %get3A_1029 = arith.constant 16 : index
      %get3A_1030 = tpu.vector_load %arg9[%get3A_1028, %get3A_1029] {strides = array<i32>} : memref<5x128xf32, #tpu.memory_space<vmem>>, vector<16xf32>,
      %get3A_1031 = arith.constant 2 : i32
      %get3A_1032 = arith.index_cast %get3A_1031 : i32 to index
      %get3A_1033 = arith.constant 16 : index
      %get3A_1034 = tpu.vector_load %arg10[%get3A_1032, %get3A_1033] {strides = array<i32>} : memref<5x128xf32, #tpu.memory_space<vmem>>, vector<16xf32>,
      %add3A_1035 = arith.addf %get3A_1030, %get3A_1034 : vector<16xf32>
      %swap3A_1036 = arith.constant 2 : i32
      %swap3A_1037 = arith.index_cast %swap3A_1036 : i32 to index
      %swap3A_1038 = arith.constant 16 : index
      %swap3A_1039 = tpu.vector_load %arg9[%swap3A_1037, %swap3A_1038] {strides = array<i32>} : memref<5x128xf32, #tpu.memory_space<vmem>>, vector<16xf32>,
      tpu.vector_store %arg9[%swap3A_1037, %swap3A_1038], %add3A_1035 {strides = array<i32>} : memref<5x128xf32, #tpu.memory_space<vmem>>, vector<16xf32>,
      %get3A_1040 = arith.constant 2 : i32
      %get3A_1041 = arith.index_cast %get3A_1040 : i32 to index
      %get3A_1042 = arith.constant 32 : index
      %get3A_1043 = tpu.vector_load %arg9[%get3A_1041, %get3A_1042] {strides = array<i32>} : memref<5x128xf32, #tpu.memory_space<vmem>>, vector<16xf32>,
      %get3A_1044 = arith.constant 2 : i32
      %get3A_1045 = arith.index_cast %get3A_1044 : i32 to index
      %get3A_1046 = arith.constant 32 : index
      %get3A_1047 = tpu.vector_load %arg10[%get3A_1045, %get3A_1046] {strides = array<i32>} : memref<5x128xf32, #tpu.memory_space<vmem>>, vector<16xf32>,
      %add3A_1048 = arith.addf %get3A_1043, %get3A_1047 : vector<16xf32>
      %swap3A_1049 = arith.constant 2 : i32
      %swap3A_1050 = arith.index_cast %swap3A_1049 : i32 to index
      %swap3A_1051 = arith.constant 32 : index
      %swap3A_1052 = tpu.vector_load %arg9[%swap3A_1050, %swap3A_1051] {strides = array<i32>} : memref<5x128xf32, #tpu.memory_space<vmem>>, vector<16xf32>,
      tpu.vector_store %arg9[%swap3A_1050, %swap3A_1051], %add3A_1048 {strides = array<i32>} : memref<5x128xf32, #tpu.memory_space<vmem>>, vector<16xf32>,
      %get3A_1053 = arith.constant 2 : i32
      %get3A_1054 = arith.index_cast %get3A_1053 : i32 to index
      %get3A_1055 = arith.constant 48 : index
      %get3A_1056 = tpu.vector_load %arg9[%get3A_1054, %get3A_1055] {strides = array<i32>} : memref<5x128xf32, #tpu.memory_space<vmem>>, vector<16xf32>,
      %get3A_1057 = arith.constant 2 : i32
      %get3A_1058 = arith.index_cast %get3A_1057 : i32 to index
      %get3A_1059 = arith.constant 48 : index
      %get3A_1060 = tpu.vector_load %arg10[%get3A_1058, %get3A_1059] {strides = array<i32>} : memref<5x128xf32, #tpu.memory_space<vmem>>, vector<16xf32>,
      %add3A_1061 = arith.addf %get3A_1056, %get3A_1060 : vector<16xf32>
      %swap3A_1062 = arith.constant 2 : i32
      %swap3A_1063 = arith.index_cast %swap3A_1062 : i32 to index
      %swap3A_1064 = arith.constant 48 : index
      %swap3A_1065 = tpu.vector_load %arg9[%swap3A_1063, %swap3A_1064] {strides = array<i32>} : memref<5x128xf32, #tpu.memory_space<vmem>>, vector<16xf32>,
      tpu.vector_store %arg9[%swap3A_1063, %swap3A_1064], %add3A_1061 {strides = array<i32>} : memref<5x128xf32, #tpu.memory_space<vmem>>, vector<16xf32>,
      %get3A_1066 = arith.constant 2 : i32
      %get3A_1067 = arith.index_cast %get3A_1066 : i32 to index
      %get3A_1068 = arith.constant 64 : index
      %get3A_1069 = tpu.vector_load %arg9[%get3A_1067, %get3A_1068] {strides = array<i32>} : memref<5x128xf32, #tpu.memory_space<vmem>>, vector<16xf32>,
      %get3A_1070 = arith.constant 2 : i32
      %get3A_1071 = arith.index_cast %get3A_1070 : i32 to index
      %get3A_1072 = arith.constant 64 : index
      %get3A_1073 = tpu.vector_load %arg10[%get3A_1071, %get3A_1072] {strides = array<i32>} : memref<5x128xf32, #tpu.memory_space<vmem>>, vector<16xf32>,
      %add3A_1074 = arith.addf %get3A_1069, %get3A_1073 : vector<16xf32>
      %swap3A_1075 = arith.constant 2 : i32
      %swap3A_1076 = arith.index_cast %swap3A_1075 : i32 to index
      %swap3A_1077 = arith.constant 64 : index
      %swap3A_1078 = tpu.vector_load %arg9[%swap3A_1076, %swap3A_1077] {strides = array<i32>} : memref<5x128xf32, #tpu.memory_space<vmem>>, vector<16xf32>,
      tpu.vector_store %arg9[%swap3A_1076, %swap3A_1077], %add3A_1074 {strides = array<i32>} : memref<5x128xf32, #tpu.memory_space<vmem>>, vector<16xf32>,
      %get3A_1079 = arith.constant 2 : i32
      %get3A_1080 = arith.index_cast %get3A_1079 : i32 to index
      %get3A_1081 = arith.constant 80 : index
      %get3A_1082 = tpu.vector_load %arg9[%get3A_1080, %get3A_1081] {strides = array<i32>} : memref<5x128xf32, #tpu.memory_space<vmem>>, vector<16xf32>,
      %get3A_1083 = arith.constant 2 : i32
      %get3A_1084 = arith.index_cast %get3A_1083 : i32 to index
      %get3A_1085 = arith.constant 80 : index
      %get3A_1086 = tpu.vector_load %arg10[%get3A_1084, %get3A_1085] {strides = array<i32>} : memref<5x128xf32, #tpu.memory_space<vmem>>, vector<16xf32>,
      %add3A_1087 = arith.addf %get3A_1082, %get3A_1086 : vector<16xf32>
      %swap3A_1088 = arith.constant 2 : i32
      %swap3A_1089 = arith.index_cast %swap3A_1088 : i32 to index
      %swap3A_1090 = arith.constant 80 : index
      %swap3A_1091 = tpu.vector_load %arg9[%swap3A_1089, %swap3A_1090] {strides = array<i32>} : memref<5x128xf32, #tpu.memory_space<vmem>>, vector<16xf32>,
      tpu.vector_store %arg9[%swap3A_1089, %swap3A_1090], %add3A_1087 {strides = array<i32>} : memref<5x128xf32, #tpu.memory_space<vmem>>, vector<16xf32>,
      %get3A_1092 = arith.constant 2 : i32
      %get3A_1093 = arith.index_cast %get3A_1092 : i32 to index
      %get3A_1094 = arith.constant 96 : index
      %get3A_1095 = tpu.vector_load %arg9[%get3A_1093, %get3A_1094] {strides = array<i32>} : memref<5x128xf32, #tpu.memory_space<vmem>>, vector<16xf32>,
      %get3A_1096 = arith.constant 2 : i32
      %get3A_1097 = arith.index_cast %get3A_1096 : i32 to index
      %get3A_1098 = arith.constant 96 : index
      %get3A_1099 = tpu.vector_load %arg10[%get3A_1097, %get3A_1098] {strides = array<i32>} : memref<5x128xf32, #tpu.memory_space<vmem>>, vector<16xf32>,
      %add3A_1100 = arith.addf %get3A_1095, %get3A_1099 : vector<16xf32>
      %swap3A_1101 = arith.constant 2 : i32
      %swap3A_1102 = arith.index_cast %swap3A_1101 : i32 to index
      %swap3A_1103 = arith.constant 96 : index
      %swap3A_1104 = tpu.vector_load %arg9[%swap3A_1102, %swap3A_1103] {strides = array<i32>} : memref<5x128xf32, #tpu.memory_space<vmem>>, vector<16xf32>,
      tpu.vector_store %arg9[%swap3A_1102, %swap3A_1103], %add3A_1100 {strides = array<i32>} : memref<5x128xf32, #tpu.memory_space<vmem>>, vector<16xf32>,
      %get3A_1105 = arith.constant 2 : i32
      %get3A_1106 = arith.index_cast %get3A_1105 : i32 to index
      %get3A_1107 = arith.constant 112 : index
      %get3A_1108 = tpu.vector_load %arg9[%get3A_1106, %get3A_1107] {strides = array<i32>} : memref<5x128xf32, #tpu.memory_space<vmem>>, vector<16xf32>,
      %get3A_1109 = arith.constant 2 : i32
      %get3A_1110 = arith.index_cast %get3A_1109 : i32 to index
      %get3A_1111 = arith.constant 112 : index
      %get3A_1112 = tpu.vector_load %arg10[%get3A_1110, %get3A_1111] {strides = array<i32>} : memref<5x128xf32, #tpu.memory_space<vmem>>, vector<16xf32>,
      %add3A_1113 = arith.addf %get3A_1108, %get3A_1112 : vector<16xf32>
      %swap3A_1114 = arith.constant 2 : i32
      %swap3A_1115 = arith.index_cast %swap3A_1114 : i32 to index
      %swap3A_1116 = arith.constant 112 : index
      %swap3A_1117 = tpu.vector_load %arg9[%swap3A_1115, %swap3A_1116] {strides = array<i32>} : memref<5x128xf32, #tpu.memory_space<vmem>>, vector<16xf32>,
      tpu.vector_store %arg9[%swap3A_1115, %swap3A_1116], %add3A_1113 {strides = array<i32>} : memref<5x128xf32, #tpu.memory_space<vmem>>, vector<16xf32>,
      %get3A_1118 = arith.constant 3 : i32
      %get3A_1119 = arith.index_cast %get3A_1118 : i32 to index
      %get3A_1120 = arith.constant 0 : index
      %get3A_1121 = tpu.vector_load %arg9[%get3A_1119, %get3A_1120] {strides = array<i32>} : memref<5x128xf32, #tpu.memory_space<vmem>>, vector<16xf32>,
      %get3A_1122 = arith.constant 3 : i32
      %get3A_1123 = arith.index_cast %get3A_1122 : i32 to index
      %get3A_1124 = arith.constant 0 : index
      %get3A_1125 = tpu.vector_load %arg10[%get3A_1123, %get3A_1124] {strides = array<i32>} : memref<5x128xf32, #tpu.memory_space<vmem>>, vector<16xf32>,
      %add3A_1126 = arith.addf %get3A_1121, %get3A_1125 : vector<16xf32>
      %swap3A_1127 = arith.constant 3 : i32
      %swap3A_1128 = arith.index_cast %swap3A_1127 : i32 to index
      %swap3A_1129 = arith.constant 0 : index
      %swap3A_1130 = tpu.vector_load %arg9[%swap3A_1128, %swap3A_1129] {strides = array<i32>} : memref<5x128xf32, #tpu.memory_space<vmem>>, vector<16xf32>,
      tpu.vector_store %arg9[%swap3A_1128, %swap3A_1129], %add3A_1126 {strides = array<i32>} : memref<5x128xf32, #tpu.memory_space<vmem>>, vector<16xf32>,
      %get3A_1131 = arith.constant 3 : i32
      %get3A_1132 = arith.index_cast %get3A_1131 : i32 to index
      %get3A_1133 = arith.constant 16 : index
      %get3A_1134 = tpu.vector_load %arg9[%get3A_1132, %get3A_1133] {strides = array<i32>} : memref<5x128xf32, #tpu.memory_space<vmem>>, vector<16xf32>,
      %get3A_1135 = arith.constant 3 : i32
      %get3A_1136 = arith.index_cast %get3A_1135 : i32 to index
      %get3A_1137 = arith.constant 16 : index
      %get3A_1138 = tpu.vector_load %arg10[%get3A_1136, %get3A_1137] {strides = array<i32>} : memref<5x128xf32, #tpu.memory_space<vmem>>, vector<16xf32>,
      %add3A_1139 = arith.addf %get3A_1134, %get3A_1138 : vector<16xf32>
      %swap3A_1140 = arith.constant 3 : i32
      %swap3A_1141 = arith.index_cast %swap3A_1140 : i32 to index
      %swap3A_1142 = arith.constant 16 : index
      %swap3A_1143 = tpu.vector_load %arg9[%swap3A_1141, %swap3A_1142] {strides = array<i32>} : memref<5x128xf32, #tpu.memory_space<vmem>>, vector<16xf32>,
      tpu.vector_store %arg9[%swap3A_1141, %swap3A_1142], %add3A_1139 {strides = array<i32>} : memref<5x128xf32, #tpu.memory_space<vmem>>, vector<16xf32>,
      %get3A_1144 = arith.constant 3 : i32
      %get3A_1145 = arith.index_cast %get3A_1144 : i32 to index
      %get3A_1146 = arith.constant 32 : index
      %get3A_1147 = tpu.vector_load %arg9[%get3A_1145, %get3A_1146] {strides = array<i32>} : memref<5x128xf32, #tpu.memory_space<vmem>>, vector<16xf32>,
      %get3A_1148 = arith.constant 3 : i32
      %get3A_1149 = arith.index_cast %get3A_1148 : i32 to index
      %get3A_1150 = arith.constant 32 : index
      %get3A_1151 = tpu.vector_load %arg10[%get3A_1149, %get3A_1150] {strides = array<i32>} : memref<5x128xf32, #tpu.memory_space<vmem>>, vector<16xf32>,
      %add3A_1152 = arith.addf %get3A_1147, %get3A_1151 : vector<16xf32>
      %swap3A_1153 = arith.constant 3 : i32
      %swap3A_1154 = arith.index_cast %swap3A_1153 : i32 to index
      %swap3A_1155 = arith.constant 32 : index
      %swap3A_1156 = tpu.vector_load %arg9[%swap3A_1154, %swap3A_1155] {strides = array<i32>} : memref<5x128xf32, #tpu.memory_space<vmem>>, vector<16xf32>,
      tpu.vector_store %arg9[%swap3A_1154, %swap3A_1155], %add3A_1152 {strides = array<i32>} : memref<5x128xf32, #tpu.memory_space<vmem>>, vector<16xf32>,
      %get3A_1157 = arith.constant 3 : i32
      %get3A_1158 = arith.index_cast %get3A_1157 : i32 to index
      %get3A_1159 = arith.constant 48 : index
      %get3A_1160 = tpu.vector_load %arg9[%get3A_1158, %get3A_1159] {strides = array<i32>} : memref<5x128xf32, #tpu.memory_space<vmem>>, vector<16xf32>,
      %get3A_1161 = arith.constant 3 : i32
      %get3A_1162 = arith.index_cast %get3A_1161 : i32 to index
      %get3A_1163 = arith.constant 48 : index
      %get3A_1164 = tpu.vector_load %arg10[%get3A_1162, %get3A_1163] {strides = array<i32>} : memref<5x128xf32, #tpu.memory_space<vmem>>, vector<16xf32>,
      %add3A_1165 = arith.addf %get3A_1160, %get3A_1164 : vector<16xf32>
      %swap3A_1166 = arith.constant 3 : i32
      %swap3A_1167 = arith.index_cast %swap3A_1166 : i32 to index
      %swap3A_1168 = arith.constant 48 : index
      %swap3A_1169 = tpu.vector_load %arg9[%swap3A_1167, %swap3A_1168] {strides = array<i32>} : memref<5x128xf32, #tpu.memory_space<vmem>>, vector<16xf32>,
      tpu.vector_store %arg9[%swap3A_1167, %swap3A_1168], %add3A_1165 {strides = array<i32>} : memref<5x128xf32, #tpu.memory_space<vmem>>, vector<16xf32>,
      %get3A_1170 = arith.constant 3 : i32
      %get3A_1171 = arith.index_cast %get3A_1170 : i32 to index
      %get3A_1172 = arith.constant 64 : index
      %get3A_1173 = tpu.vector_load %arg9[%get3A_1171, %get3A_1172] {strides = array<i32>} : memref<5x128xf32, #tpu.memory_space<vmem>>, vector<16xf32>,
      %get3A_1174 = arith.constant 3 : i32
      %get3A_1175 = arith.index_cast %get3A_1174 : i32 to index
      %get3A_1176 = arith.constant 64 : index
      %get3A_1177 = tpu.vector_load %arg10[%get3A_1175, %get3A_1176] {strides = array<i32>} : memref<5x128xf32, #tpu.memory_space<vmem>>, vector<16xf32>,
      %add3A_1178 = arith.addf %get3A_1173, %get3A_1177 : vector<16xf32>
      %swap3A_1179 = arith.constant 3 : i32
      %swap3A_1180 = arith.index_cast %swap3A_1179 : i32 to index
      %swap3A_1181 = arith.constant 64 : index
      %swap3A_1182 = tpu.vector_load %arg9[%swap3A_1180, %swap3A_1181] {strides = array<i32>} : memref<5x128xf32, #tpu.memory_space<vmem>>, vector<16xf32>,
      tpu.vector_store %arg9[%swap3A_1180, %swap3A_1181], %add3A_1178 {strides = array<i32>} : memref<5x128xf32, #tpu.memory_space<vmem>>, vector<16xf32>,
      %get3A_1183 = arith.constant 3 : i32
      %get3A_1184 = arith.index_cast %get3A_1183 : i32 to index
      %get3A_1185 = arith.constant 80 : index
      %get3A_1186 = tpu.vector_load %arg9[%get3A_1184, %get3A_1185] {strides = array<i32>} : memref<5x128xf32, #tpu.memory_space<vmem>>, vector<16xf32>,
      %get3A_1187 = arith.constant 3 : i32
      %get3A_1188 = arith.index_cast %get3A_1187 : i32 to index
      %get3A_1189 = arith.constant 80 : index
      %get3A_1190 = tpu.vector_load %arg10[%get3A_1188, %get3A_1189] {strides = array<i32>} : memref<5x128xf32, #tpu.memory_space<vmem>>, vector<16xf32>,
      %add3A_1191 = arith.addf %get3A_1186, %get3A_1190 : vector<16xf32>
      %swap3A_1192 = arith.constant 3 : i32
      %swap3A_1193 = arith.index_cast %swap3A_1192 : i32 to index
      %swap3A_1194 = arith.constant 80 : index
      %swap3A_1195 = tpu.vector_load %arg9[%swap3A_1193, %swap3A_1194] {strides = array<i32>} : memref<5x128xf32, #tpu.memory_space<vmem>>, vector<16xf32>,
      tpu.vector_store %arg9[%swap3A_1193, %swap3A_1194], %add3A_1191 {strides = array<i32>} : memref<5x128xf32, #tpu.memory_space<vmem>>, vector<16xf32>,
      %get3A_1196 = arith.constant 3 : i32
      %get3A_1197 = arith.index_cast %get3A_1196 : i32 to index
      %get3A_1198 = arith.constant 96 : index
      %get3A_1199 = tpu.vector_load %arg9[%get3A_1197, %get3A_1198] {strides = array<i32>} : memref<5x128xf32, #tpu.memory_space<vmem>>, vector<16xf32>,
      %get3A_1200 = arith.constant 3 : i32
      %get3A_1201 = arith.index_cast %get3A_1200 : i32 to index
      %get3A_1202 = arith.constant 96 : index
      %get3A_1203 = tpu.vector_load %arg10[%get3A_1201, %get3A_1202] {strides = array<i32>} : memref<5x128xf32, #tpu.memory_space<vmem>>, vector<16xf32>,
      %add3A_1204 = arith.addf %get3A_1199, %get3A_1203 : vector<16xf32>
      %swap3A_1205 = arith.constant 3 : i32
      %swap3A_1206 = arith.index_cast %swap3A_1205 : i32 to index
      %swap3A_1207 = arith.constant 96 : index
      %swap3A_1208 = tpu.vector_load %arg9[%swap3A_1206, %swap3A_1207] {strides = array<i32>} : memref<5x128xf32, #tpu.memory_space<vmem>>, vector<16xf32>,
      tpu.vector_store %arg9[%swap3A_1206, %swap3A_1207], %add3A_1204 {strides = array<i32>} : memref<5x128xf32, #tpu.memory_space<vmem>>, vector<16xf32>,
      %get3A_1209 = arith.constant 3 : i32
      %get3A_1210 = arith.index_cast %get3A_1209 : i32 to index
      %get3A_1211 = arith.constant 112 : index
      %get3A_1212 = tpu.vector_load %arg9[%get3A_1210, %get3A_1211] {strides = array<i32>} : memref<5x128xf32, #tpu.memory_space<vmem>>, vector<16xf32>,
      %get3A_1213 = arith.constant 3 : i32
      %get3A_1214 = arith.index_cast %get3A_1213 : i32 to index
      %get3A_1215 = arith.constant 112 : index
      %get3A_1216 = tpu.vector_load %arg10[%get3A_1214, %get3A_1215] {strides = array<i32>} : memref<5x128xf32, #tpu.memory_space<vmem>>, vector<16xf32>,
      %add3A_1217 = arith.addf %get3A_1212, %get3A_1216 : vector<16xf32>
      %swap3A_1218 = arith.constant 3 : i32
      %swap3A_1219 = arith.index_cast %swap3A_1218 : i32 to index
      %swap3A_1220 = arith.constant 112 : index
      %swap3A_1221 = tpu.vector_load %arg9[%swap3A_1219, %swap3A_1220] {strides = array<i32>} : memref<5x128xf32, #tpu.memory_space<vmem>>, vector<16xf32>,
      tpu.vector_store %arg9[%swap3A_1219, %swap3A_1220], %add3A_1217 {strides = array<i32>} : memref<5x128xf32, #tpu.memory_space<vmem>>, vector<16xf32>,
      %get3A_1222 = arith.constant 4 : i32
      %get3A_1223 = arith.index_cast %get3A_1222 : i32 to index
      %get3A_1224 = arith.constant 0 : index
      %get3A_1225 = tpu.vector_load %arg9[%get3A_1223, %get3A_1224] {strides = array<i32>} : memref<5x128xf32, #tpu.memory_space<vmem>>, vector<16xf32>,
      %get3A_1226 = arith.constant 4 : i32
      %get3A_1227 = arith.index_cast %get3A_1226 : i32 to index
      %get3A_1228 = arith.constant 0 : index
      %get3A_1229 = tpu.vector_load %arg10[%get3A_1227, %get3A_1228] {strides = array<i32>} : memref<5x128xf32, #tpu.memory_space<vmem>>, vector<16xf32>,
      %add3A_1230 = arith.addf %get3A_1225, %get3A_1229 : vector<16xf32>
      %swap3A_1231 = arith.constant 4 : i32
      %swap3A_1232 = arith.index_cast %swap3A_1231 : i32 to index
      %swap3A_1233 = arith.constant 0 : index
      %swap3A_1234 = tpu.vector_load %arg9[%swap3A_1232, %swap3A_1233] {strides = array<i32>} : memref<5x128xf32, #tpu.memory_space<vmem>>, vector<16xf32>,
      tpu.vector_store %arg9[%swap3A_1232, %swap3A_1233], %add3A_1230 {strides = array<i32>} : memref<5x128xf32, #tpu.memory_space<vmem>>, vector<16xf32>,
      %get3A_1235 = arith.constant 4 : i32
      %get3A_1236 = arith.index_cast %get3A_1235 : i32 to index
      %get3A_1237 = arith.constant 16 : index
      %get3A_1238 = tpu.vector_load %arg9[%get3A_1236, %get3A_1237] {strides = array<i32>} : memref<5x128xf32, #tpu.memory_space<vmem>>, vector<16xf32>,
      %get3A_1239 = arith.constant 4 : i32
      %get3A_1240 = arith.index_cast %get3A_1239 : i32 to index
      %get3A_1241 = arith.constant 16 : index
      %get3A_1242 = tpu.vector_load %arg10[%get3A_1240, %get3A_1241] {strides = array<i32>} : memref<5x128xf32, #tpu.memory_space<vmem>>, vector<16xf32>,
      %add3A_1243 = arith.addf %get3A_1238, %get3A_1242 : vector<16xf32>
      %swap3A_1244 = arith.constant 4 : i32
      %swap3A_1245 = arith.index_cast %swap3A_1244 : i32 to index
      %swap3A_1246 = arith.constant 16 : index
      %swap3A_1247 = tpu.vector_load %arg9[%swap3A_1245, %swap3A_1246] {strides = array<i32>} : memref<5x128xf32, #tpu.memory_space<vmem>>, vector<16xf32>,
      tpu.vector_store %arg9[%swap3A_1245, %swap3A_1246], %add3A_1243 {strides = array<i32>} : memref<5x128xf32, #tpu.memory_space<vmem>>, vector<16xf32>,
      %get3A_1248 = arith.constant 4 : i32
      %get3A_1249 = arith.index_cast %get3A_1248 : i32 to index
      %get3A_1250 = arith.constant 32 : index
      %get3A_1251 = tpu.vector_load %arg9[%get3A_1249, %get3A_1250] {strides = array<i32>} : memref<5x128xf32, #tpu.memory_space<vmem>>, vector<16xf32>,
      %get3A_1252 = arith.constant 4 : i32
      %get3A_1253 = arith.index_cast %get3A_1252 : i32 to index
      %get3A_1254 = arith.constant 32 : index
      %get3A_1255 = tpu.vector_load %arg10[%get3A_1253, %get3A_1254] {strides = array<i32>} : memref<5x128xf32, #tpu.memory_space<vmem>>, vector<16xf32>,
      %add3A_1256 = arith.addf %get3A_1251, %get3A_1255 : vector<16xf32>
      %swap3A_1257 = arith.constant 4 : i32
      %swap3A_1258 = arith.index_cast %swap3A_1257 : i32 to index
      %swap3A_1259 = arith.constant 32 : index
      %swap3A_1260 = tpu.vector_load %arg9[%swap3A_1258, %swap3A_1259] {strides = array<i32>} : memref<5x128xf32, #tpu.memory_space<vmem>>, vector<16xf32>,
      tpu.vector_store %arg9[%swap3A_1258, %swap3A_1259], %add3A_1256 {strides = array<i32>} : memref<5x128xf32, #tpu.memory_space<vmem>>, vector<16xf32>,
      %get3A_1261 = arith.constant 4 : i32
      %get3A_1262 = arith.index_cast %get3A_1261 : i32 to index
      %get3A_1263 = arith.constant 48 : index
      %get3A_1264 = tpu.vector_load %arg9[%get3A_1262, %get3A_1263] {strides = array<i32>} : memref<5x128xf32, #tpu.memory_space<vmem>>, vector<16xf32>,
      %get3A_1265 = arith.constant 4 : i32
      %get3A_1266 = arith.index_cast %get3A_1265 : i32 to index
      %get3A_1267 = arith.constant 48 : index
      %get3A_1268 = tpu.vector_load %arg10[%get3A_1266, %get3A_1267] {strides = array<i32>} : memref<5x128xf32, #tpu.memory_space<vmem>>, vector<16xf32>,
      %add3A_1269 = arith.addf %get3A_1264, %get3A_1268 : vector<16xf32>
      %swap3A_1270 = arith.constant 4 : i32
      %swap3A_1271 = arith.index_cast %swap3A_1270 : i32 to index
      %swap3A_1272 = arith.constant 48 : index
      %swap3A_1273 = tpu.vector_load %arg9[%swap3A_1271, %swap3A_1272] {strides = array<i32>} : memref<5x128xf32, #tpu.memory_space<vmem>>, vector<16xf32>,
      tpu.vector_store %arg9[%swap3A_1271, %swap3A_1272], %add3A_1269 {strides = array<i32>} : memref<5x128xf32, #tpu.memory_space<vmem>>, vector<16xf32>,
      %get3A_1274 = arith.constant 4 : i32
      %get3A_1275 = arith.index_cast %get3A_1274 : i32 to index
      %get3A_1276 = arith.constant 64 : index
      %get3A_1277 = tpu.vector_load %arg9[%get3A_1275, %get3A_1276] {strides = array<i32>} : memref<5x128xf32, #tpu.memory_space<vmem>>, vector<16xf32>,
      %get3A_1278 = arith.constant 4 : i32
      %get3A_1279 = arith.index_cast %get3A_1278 : i32 to index
      %get3A_1280 = arith.constant 64 : index
      %get3A_1281 = tpu.vector_load %arg10[%get3A_1279, %get3A_1280] {strides = array<i32>} : memref<5x128xf32, #tpu.memory_space<vmem>>, vector<16xf32>,
      %add3A_1282 = arith.addf %get3A_1277, %get3A_1281 : vector<16xf32>
      %swap3A_1283 = arith.constant 4 : i32
      %swap3A_1284 = arith.index_cast %swap3A_1283 : i32 to index
      %swap3A_1285 = arith.constant 64 : index
      %swap3A_1286 = tpu.vector_load %arg9[%swap3A_1284, %swap3A_1285] {strides = array<i32>} : memref<5x128xf32, #tpu.memory_space<vmem>>, vector<16xf32>,
      tpu.vector_store %arg9[%swap3A_1284, %swap3A_1285], %add3A_1282 {strides = array<i32>} : memref<5x128xf32, #tpu.memory_space<vmem>>, vector<16xf32>,
      %get3A_1287 = arith.constant 4 : i32
      %get3A_1288 = arith.index_cast %get3A_1287 : i32 to index
      %get3A_1289 = arith.constant 80 : index
      %get3A_1290 = tpu.vector_load %arg9[%get3A_1288, %get3A_1289] {strides = array<i32>} : memref<5x128xf32, #tpu.memory_space<vmem>>, vector<16xf32>,
      %get3A_1291 = arith.constant 4 : i32
      %get3A_1292 = arith.index_cast %get3A_1291 : i32 to index
      %get3A_1293 = arith.constant 80 : index
      %get3A_1294 = tpu.vector_load %arg10[%get3A_1292, %get3A_1293] {strides = array<i32>} : memref<5x128xf32, #tpu.memory_space<vmem>>, vector<16xf32>,
      %add3A_1295 = arith.addf %get3A_1290, %get3A_1294 : vector<16xf32>
      %swap3A_1296 = arith.constant 4 : i32
      %swap3A_1297 = arith.index_cast %swap3A_1296 : i32 to index
      %swap3A_1298 = arith.constant 80 : index
      %swap3A_1299 = tpu.vector_load %arg9[%swap3A_1297, %swap3A_1298] {strides = array<i32>} : memref<5x128xf32, #tpu.memory_space<vmem>>, vector<16xf32>,
      tpu.vector_store %arg9[%swap3A_1297, %swap3A_1298], %add3A_1295 {strides = array<i32>} : memref<5x128xf32, #tpu.memory_space<vmem>>, vector<16xf32>,
      %get3A_1300 = arith.constant 4 : i32
      %get3A_1301 = arith.index_cast %get3A_1300 : i32 to index
      %get3A_1302 = arith.constant 96 : index
      %get3A_1303 = tpu.vector_load %arg9[%get3A_1301, %get3A_1302] {strides = array<i32>} : memref<5x128xf32, #tpu.memory_space<vmem>>, vector<16xf32>,
      %get3A_1304 = arith.constant 4 : i32
      %get3A_1305 = arith.index_cast %get3A_1304 : i32 to index
      %get3A_1306 = arith.constant 96 : index
      %get3A_1307 = tpu.vector_load %arg10[%get3A_1305, %get3A_1306] {strides = array<i32>} : memref<5x128xf32, #tpu.memory_space<vmem>>, vector<16xf32>,
      %add3A_1308 = arith.addf %get3A_1303, %get3A_1307 : vector<16xf32>
      %swap3A_1309 = arith.constant 4 : i32
      %swap3A_1310 = arith.index_cast %swap3A_1309 : i32 to index
      %swap3A_1311 = arith.constant 96 : index
      %swap3A_1312 = tpu.vector_load %arg9[%swap3A_1310, %swap3A_1311] {strides = array<i32>} : memref<5x128xf32, #tpu.memory_space<vmem>>, vector<16xf32>,
      tpu.vector_store %arg9[%swap3A_1310, %swap3A_1311], %add3A_1308 {strides = array<i32>} : memref<5x128xf32, #tpu.memory_space<vmem>>, vector<16xf32>,
      %get3A_1313 = arith.constant 4 : i32
      %get3A_1314 = arith.index_cast %get3A_1313 : i32 to index
      %get3A_1315 = arith.constant 112 : index
      %get3A_1316 = tpu.vector_load %arg9[%get3A_1314, %get3A_1315] {strides = array<i32>} : memref<5x128xf32, #tpu.memory_space<vmem>>, vector<16xf32>,
      %get3A_1317 = arith.constant 4 : i32
      %get3A_1318 = arith.index_cast %get3A_1317 : i32 to index
      %get3A_1319 = arith.constant 112 : index
      %get3A_1320 = tpu.vector_load %arg10[%get3A_1318, %get3A_1319] {strides = array<i32>} : memref<5x128xf32, #tpu.memory_space<vmem>>, vector<16xf32>,
      %add3A_1321 = arith.addf %get3A_1316, %get3A_1320 : vector<16xf32>
      %swap3A_1322 = arith.constant 4 : i32
      %swap3A_1323 = arith.index_cast %swap3A_1322 : i32 to index
      %swap3A_1324 = arith.constant 112 : index
      %swap3A_1325 = tpu.vector_load %arg9[%swap3A_1323, %swap3A_1324] {strides = array<i32>} : memref<5x128xf32, #tpu.memory_space<vmem>>, vector<16xf32>,
      tpu.vector_store %arg9[%swap3A_1323, %swap3A_1324], %add3A_1321 {strides = array<i32>} : memref<5x128xf32, #tpu.memory_space<vmem>>, vector<16xf32>,
      %scan3A_1326 = arith.constant 0 : i32
      scf.yield %scan3A_1326 : i32
    }
    %scan3A_799 = arith.constant 16 : i32
    "tpu.region"() ({
      %run_scoped3A = tpu.sem_alloc : memref<!tpu.dma_semaphore, #tpu.memory_space<semaphore_mem>>
      %dma_start3A_805 = arith.constant 0 : i32
      %dma_start3A_806 = tpu.memref_slice %arg13[%mul3A_1, %dma_start3A_805] : memref<80x128xf32, #tpu.memory_space<vmem_shared>> -> memref<5x128xf32, #tpu.memory_space<vmem_shared>>
      %dma_start3A_807 = arith.constant 0 : i32
      %dma_start3A_808 = tpu.memref_slice %arg13[%mul3A_1, %dma_start3A_807] : memref<80x128xf32, #tpu.memory_space<vmem_shared>> -> memref<5x128xf32, #tpu.memory_space<vmem_shared>>
      tpu.enqueue_dma source(%arg9 : memref<5x128xf32, #tpu.memory_space<vmem>>) target(%dma_start3A_808 : memref<5x128xf32, #tpu.memory_space<vmem_shared>>) target_semaphore(%run_scoped3A : memref<!tpu.dma_semaphore, #tpu.memory_space<semaphore_mem>>)
      %dma_wait3A_809 = arith.constant 0 : i32
      %dma_wait3A_810 = tpu.memref_slice %arg13[%mul3A_1, %dma_wait3A_809] : memref<80x128xf32, #tpu.memory_space<vmem_shared>> -> memref<5x128xf32, #tpu.memory_space<vmem_shared>>
      %dma_wait3A_811 = arith.constant 0 : i32
      %dma_wait3A_812 = tpu.memref_slice %arg13[%mul3A_1, %dma_wait3A_811] : memref<80x128xf32, #tpu.memory_space<vmem_shared>> -> memref<5x128xf32, #tpu.memory_space<vmem_shared>>
      tpu.wait_dma2 semaphore(%run_scoped3A : memref<!tpu.dma_semaphore, #tpu.memory_space<semaphore_mem>>) src(%arg9 : memref<5x128xf32, #tpu.memory_space<vmem>>) dst(%dma_wait3A_812 : memref<5x128xf32, #tpu.memory_space<vmem_shared>>)
      tpu.yield
    }) : () -> ()
    %barrier3A_800 = arith.constant 0 : index
    tpu.barrier barrier_id(%barrier3A_800)
    %convert_element_type3A_801 = arith.extui %eq3A_0 : i1 to i32
    %cond3A_802 = arith.constant 0 : i32
    %cond3A_803 = arith.cmpi ne, %convert_element_type3A_801, %cond3A_802 : i32
    scf.if %cond3A_803 {
      %run_scoped3A = arith.constant 2 : i32
      "tpu.region"() ({
        %run_scoped3A_805 = tpu.sem_alloc : memref<!tpu.dma_semaphore, #tpu.memory_space<semaphore_mem>>
        %dma_start3A_806 = arith.constant 0 : i32
        %dma_start3A_807 = arith.constant 0 : i32
        %dma_start3A_808 = tpu.memref_slice %arg3[%run_scoped3A, %dma_start3A_806, %dma_start3A_807] : memref<8x80x128xf32, #tpu.memory_space<hbm>> -> memref<1x80x128xf32, #tpu.memory_space<hbm>>
        %dma_start3A_809 = tpu.memref_squeeze %dma_start3A_808 : memref<1x80x128xf32, #tpu.memory_space<hbm>> -> memref<80x128xf32, #tpu.memory_space<hbm>>
        tpu.enqueue_dma source(%arg13 : memref<80x128xf32, #tpu.memory_space<vmem_shared>>) target(%dma_start3A_809 : memref<80x128xf32, #tpu.memory_space<hbm>>) target_semaphore(%run_scoped3A_805 : memref<!tpu.dma_semaphore, #tpu.memory_space<semaphore_mem>>)
        %dma_wait3A_810 = arith.constant 0 : i32
        %dma_wait3A_811 = arith.constant 0 : i32
        %dma_wait3A_812 = tpu.memref_slice %arg3[%run_scoped3A, %dma_wait3A_810, %dma_wait3A_811] : memref<8x80x128xf32, #tpu.memory_space<hbm>> -> memref<1x80x128xf32, #tpu.memory_space<hbm>>
        %dma_wait3A_813 = tpu.memref_squeeze %dma_wait3A_812 : memref<1x80x128xf32, #tpu.memory_space<hbm>> -> memref<80x128xf32, #tpu.memory_space<hbm>>
        tpu.wait_dma2 semaphore(%run_scoped3A_805 : memref<!tpu.dma_semaphore, #tpu.memory_space<semaphore_mem>>) src(%arg13 : memref<80x128xf32, #tpu.memory_space<vmem_shared>>) dst(%dma_wait3A_813 : memref<80x128xf32, #tpu.memory_space<hbm>>)
        tpu.yield
      }) : () -> ()
    } else {
    }
    %barrier3A_804 = arith.constant 0 : index
    tpu.barrier barrier_id(%barrier3A_804)
    return
  }
}

module attributes {stable_mosaic.version = 14 : i64} {
  func.func @body(%arg0: memref<10000x128xf32, #tpu.memory_space<vmem>>, %arg1: memref<8x10000xf32, #tpu.memory_space<vmem>>, %arg2: memref<128x128xf32, #tpu.memory_space<vmem>>, %arg3: memref<1x128xf32, #tpu.memory_space<vmem>>, %arg4: memref<128x128xf32, #tpu.memory_space<vmem>>, %arg5: memref<128x128xf32, #tpu.memory_space<vmem>>, %arg6: memref<1x128xf32, #tpu.memory_space<vmem>>, %arg7: memref<128x128xf32, #tpu.memory_space<vmem>>, %arg8: memref<256x128xf32, #tpu.memory_space<vmem>>, %arg9: memref<1x256xf32, #tpu.memory_space<vmem>>, %arg10: memref<128x256xf32, #tpu.memory_space<vmem>>, %arg11: memref<1x128xf32, #tpu.memory_space<vmem>>, %arg12: memref<8x128xf32, #tpu.memory_space<vmem>>) attributes {dimension_semantics = [], scalar_prefetch = 0 : i64, scratch_operands = 0 : i64, tpu.core_type = #tpu.core_type<tc>} {
    %get3A = arith.constant 0 : index
    %get3A_0 = arith.constant 0 : index
    %get3A_1 = vector.load %arg1[%get3A, %get3A_0] : memref<8x10000xf32, #tpu.memory_space<vmem>>, vector<8x10000xf32>
    %get3A_2 = arith.constant 0 : index
    %get3A_3 = arith.constant 0 : index
    %get3A_4 = vector.load %arg0[%get3A_2, %get3A_3] : memref<10000x128xf32, #tpu.memory_space<vmem>>, vector<10000x128xf32>
    %dot_general3A = arith.constant dense<0.000000e+00> : vector<8x128xf32>
    %dot_general3A_5 = tpu.matmul %get3A_1, %get3A_4, %dot_general3A {dimension_numbers = #tpu.dot_dimension_numbers<[1], [0], [0], [1], [0, 0, 1, 1], [], []>, transpose_lhs_hint = false} : vector<8x10000xf32>, vector<10000x128xf32>, vector<8x128xf32> -> vector<8x128xf32>
    %slice3A = vector.extract_strided_slice %dot_general3A_5 {offsets = [0, 0], sizes = [1, 128], strides = [1, 1]} : vector<8x128xf32> to vector<1x128xf32>
    %slice3A_6 = vector.extract_strided_slice %dot_general3A_5 {offsets = [1, 0], sizes = [1, 128], strides = [1, 1]} : vector<8x128xf32> to vector<1x128xf32>
    %slice3A_7 = vector.extract_strided_slice %dot_general3A_5 {offsets = [2, 0], sizes = [1, 128], strides = [1, 1]} : vector<8x128xf32> to vector<1x128xf32>
    %get3A_8 = arith.constant 1 : index
    %get3A_9 = arith.constant 0 : index
    %get3A_10 = vector.load %arg1[%get3A_8, %get3A_9] : memref<8x10000xf32, #tpu.memory_space<vmem>>, vector<1x10000xf32>
    %get3A_11 = vector.shape_cast %get3A_10 : vector<1x10000xf32> to vector<10000xf32>
    %reduce_sum3A = vector.shape_cast %get3A_11 : vector<10000xf32> to vector<1x10000xf32>
    %reduce_sum3A_12 = arith.constant dense<0.000000e+00> : vector<1xf32>
    %reduce_sum3A_13 = vector.multi_reduction <add>, %reduce_sum3A, %reduce_sum3A_12 [1] : vector<1x10000xf32> to vector<1xf32>
    %reduce_sum3A_14 = vector.shape_cast %reduce_sum3A_13 : vector<1xf32> to vector<1x1xf32>
    %reduce_sum3A_15 = vector.extract %reduce_sum3A_14[0, 0] : f32 from vector<1x1xf32>
    %get3A_16 = arith.constant 0 : index
    %get3A_17 = arith.constant 0 : index
    %get3A_18 = vector.load %arg2[%get3A_16, %get3A_17] : memref<128x128xf32, #tpu.memory_space<vmem>>, vector<128x128xf32>
    %dot_general3A_19 = arith.constant dense<0.000000e+00> : vector<1x128xf32>
    %dot_general3A_20 = tpu.matmul %slice3A_6, %get3A_18, %dot_general3A_19 {dimension_numbers = #tpu.dot_dimension_numbers<[1], [1], [0], [0], [0, 0, 1, 0], [], []>, transpose_lhs_hint = false} : vector<1x128xf32>, vector<128x128xf32>, vector<1x128xf32> -> vector<1x128xf32>
    %get3A_21 = arith.constant 0 : index
    %get3A_22 = arith.constant 0 : index
    %get3A_23 = vector.load %arg3[%get3A_21, %get3A_22] : memref<1x128xf32, #tpu.memory_space<vmem>>, vector<1x128xf32>
    %mul3A = arith.constant 1.000000e+04 : f32
    %mul3A_24 = vector.broadcast %mul3A : f32 to vector<1x128xf32>
    %mul3A_25 = arith.mulf %mul3A_24, %get3A_23 : vector<1x128xf32>
    %add3A = arith.addf %dot_general3A_20, %mul3A_25 : vector<1x128xf32>
    %get3A_26 = arith.constant 0 : index
    %get3A_27 = arith.constant 0 : index
    %get3A_28 = vector.load %arg4[%get3A_26, %get3A_27] : memref<128x128xf32, #tpu.memory_space<vmem>>, vector<128x128xf32>
    %dot_general3A_29 = arith.constant dense<0.000000e+00> : vector<1x128xf32>
    %dot_general3A_30 = tpu.matmul %slice3A, %get3A_28, %dot_general3A_29 {dimension_numbers = #tpu.dot_dimension_numbers<[1], [1], [0], [0], [0, 0, 1, 0], [], []>, transpose_lhs_hint = false} : vector<1x128xf32>, vector<128x128xf32>, vector<1x128xf32> -> vector<1x128xf32>
    %add3A_31 = arith.addf %add3A, %dot_general3A_30 : vector<1x128xf32>
    %get3A_32 = arith.constant 0 : index
    %get3A_33 = arith.constant 0 : index
    %get3A_34 = vector.load %arg2[%get3A_32, %get3A_33] : memref<128x128xf32, #tpu.memory_space<vmem>>, vector<128x128xf32>
    %dot_general3A_35 = arith.constant dense<0.000000e+00> : vector<1x128xf32>
    %dot_general3A_36 = tpu.matmul %slice3A_7, %get3A_34, %dot_general3A_35 {dimension_numbers = #tpu.dot_dimension_numbers<[1], [1], [0], [0], [0, 0, 1, 0], [], []>, transpose_lhs_hint = false} : vector<1x128xf32>, vector<128x128xf32>, vector<1x128xf32> -> vector<1x128xf32>
    %get3A_37 = arith.constant 0 : index
    %get3A_38 = arith.constant 0 : index
    %get3A_39 = vector.load %arg3[%get3A_37, %get3A_38] : memref<1x128xf32, #tpu.memory_space<vmem>>, vector<1x128xf32>
    %mul3A_40 = vector.broadcast %reduce_sum3A_15 : f32 to vector<1x128xf32>
    %mul3A_41 = arith.mulf %mul3A_40, %get3A_39 : vector<1x128xf32>
    %add3A_42 = arith.addf %dot_general3A_36, %mul3A_41 : vector<1x128xf32>
    %get3A_43 = arith.constant 0 : index
    %get3A_44 = arith.constant 0 : index
    %get3A_45 = vector.load %arg4[%get3A_43, %get3A_44] : memref<128x128xf32, #tpu.memory_space<vmem>>, vector<128x128xf32>
    %dot_general3A_46 = arith.constant dense<0.000000e+00> : vector<1x128xf32>
    %dot_general3A_47 = tpu.matmul %slice3A_6, %get3A_45, %dot_general3A_46 {dimension_numbers = #tpu.dot_dimension_numbers<[1], [1], [0], [0], [0, 0, 1, 0], [], []>, transpose_lhs_hint = false} : vector<1x128xf32>, vector<128x128xf32>, vector<1x128xf32> -> vector<1x128xf32>
    %add3A_48 = arith.addf %add3A_42, %dot_general3A_47 : vector<1x128xf32>
    %get3A_49 = arith.constant 0 : index
    %get3A_50 = arith.constant 0 : index
    %get3A_51 = vector.load %arg5[%get3A_49, %get3A_50] : memref<128x128xf32, #tpu.memory_space<vmem>>, vector<128x128xf32>
    %dot_general3A_52 = arith.constant dense<0.000000e+00> : vector<1x128xf32>
    %dot_general3A_53 = tpu.matmul %add3A_48, %get3A_51, %dot_general3A_52 {dimension_numbers = #tpu.dot_dimension_numbers<[1], [1], [0], [0], [0, 0, 1, 0], [], []>, transpose_lhs_hint = false} : vector<1x128xf32>, vector<128x128xf32>, vector<1x128xf32> -> vector<1x128xf32>
    %get3A_54 = arith.constant 0 : index
    %get3A_55 = arith.constant 0 : index
    %get3A_56 = vector.load %arg6[%get3A_54, %get3A_55] : memref<1x128xf32, #tpu.memory_space<vmem>>, vector<1x128xf32>
    %mul3A_57 = arith.constant 1.000000e+04 : f32
    %mul3A_58 = vector.broadcast %mul3A_57 : f32 to vector<1x128xf32>
    %mul3A_59 = arith.mulf %mul3A_58, %get3A_56 : vector<1x128xf32>
    %add3A_60 = arith.addf %dot_general3A_53, %mul3A_59 : vector<1x128xf32>
    %get3A_61 = arith.constant 0 : index
    %get3A_62 = arith.constant 0 : index
    %get3A_63 = vector.load %arg7[%get3A_61, %get3A_62] : memref<128x128xf32, #tpu.memory_space<vmem>>, vector<128x128xf32>
    %dot_general3A_64 = arith.constant dense<0.000000e+00> : vector<1x128xf32>
    %dot_general3A_65 = tpu.matmul %add3A_31, %get3A_63, %dot_general3A_64 {dimension_numbers = #tpu.dot_dimension_numbers<[1], [1], [0], [0], [0, 0, 1, 0], [], []>, transpose_lhs_hint = false} : vector<1x128xf32>, vector<128x128xf32>, vector<1x128xf32> -> vector<1x128xf32>
    %add3A_66 = arith.addf %add3A_60, %dot_general3A_65 : vector<1x128xf32>
    %div3A = arith.constant 1.000000e+00 : f32
    %div3A_67 = arith.constant 1.000000e+04 : f32
    %div3A_68 = arith.divf %div3A, %div3A_67 : f32
    %mul3A_69 = vector.broadcast %div3A_68 : f32 to vector<1x128xf32>
    %mul3A_70 = arith.mulf %add3A_66, %mul3A_69 : vector<1x128xf32>
    %get3A_71 = arith.constant 0 : index
    %get3A_72 = arith.constant 0 : index
    %get3A_73 = vector.load %arg8[%get3A_71, %get3A_72] : memref<256x128xf32, #tpu.memory_space<vmem>>, vector<256x128xf32>
    %dot_general3A_74 = arith.constant dense<0.000000e+00> : vector<1x256xf32>
    %dot_general3A_75 = tpu.matmul %mul3A_70, %get3A_73, %dot_general3A_74 {dimension_numbers = #tpu.dot_dimension_numbers<[1], [1], [0], [0], [0, 0, 1, 0], [], []>, transpose_lhs_hint = false} : vector<1x128xf32>, vector<256x128xf32>, vector<1x256xf32> -> vector<1x256xf32>
    %get3A_76 = arith.constant 0 : index
    %get3A_77 = arith.constant 0 : index
    %get3A_78 = vector.load %arg9[%get3A_76, %get3A_77] : memref<1x256xf32, #tpu.memory_space<vmem>>, vector<1x256xf32>
    %add3A_79 = arith.addf %dot_general3A_75, %get3A_78 : vector<1x256xf32>
    %max3A = arith.constant 0.000000e+00 : f32
    %max3A_80 = vector.broadcast %max3A : f32 to vector<1x256xf32>
    %max3A_81 = arith.maximumf %add3A_79, %max3A_80 : vector<1x256xf32>
    %get3A_82 = arith.constant 0 : index
    %get3A_83 = arith.constant 0 : index
    %get3A_84 = vector.load %arg10[%get3A_82, %get3A_83] : memref<128x256xf32, #tpu.memory_space<vmem>>, vector<128x256xf32>
    %dot_general3A_85 = arith.constant dense<0.000000e+00> : vector<1x128xf32>
    %dot_general3A_86 = tpu.matmul %max3A_81, %get3A_84, %dot_general3A_85 {dimension_numbers = #tpu.dot_dimension_numbers<[1], [1], [0], [0], [0, 0, 1, 0], [], []>, transpose_lhs_hint = false} : vector<1x256xf32>, vector<128x256xf32>, vector<1x128xf32> -> vector<1x128xf32>
    %get3A_87 = arith.constant 0 : index
    %get3A_88 = arith.constant 0 : index
    %get3A_89 = vector.load %arg11[%get3A_87, %get3A_88] : memref<1x128xf32, #tpu.memory_space<vmem>>, vector<1x128xf32>
    %add3A_90 = arith.addf %dot_general3A_86, %get3A_89 : vector<1x128xf32>
    %broadcast_in_dim3A = vector.shape_cast %add3A_90 : vector<1x128xf32> to vector<1x128xf32>
    %broadcast_in_dim3A_91 = vector.broadcast %broadcast_in_dim3A : vector<1x128xf32> to vector<8x128xf32>
    %swap3A = arith.constant 0 : index
    %swap3A_92 = arith.constant 0 : index
    %swap3A_93 = vector.load %arg12[%swap3A, %swap3A_92] : memref<8x128xf32, #tpu.memory_space<vmem>>, vector<8x128xf32>
    tpu.vector_store %arg12[%swap3A, %swap3A_92], %broadcast_in_dim3A_91 {strides = array<i32>} : memref<8x128xf32, #tpu.memory_space<vmem>>, vector<8x128xf32>,
    return
  }
}

</mosaic_0001>

<sc_bundles>
// kernel: kernel.4.cloned.1.call-start
scs
__scs_entry_jumppad:
0x0: {  	(pc) =	sbr.rel $0x88, $3  }
0x1: {  	(tag) =	ssettag $0x0;
	lr =	simm.s32 $0x1  }
0x2: {  	[smem:$0x3F95] =	sst lr;
	_ =	strace $0xD0000000  }
0x3: {  	_ = 	snop  }
0x4: {  	_ = 	snop  }
0x5: {  	_ = 	snop  }
0x6: {  	_ = 	snop  }
0x7: {  	_ = 	snop  }
__scs_overlays_trampoline_lowered:
0x8: {  	[smem:$0x3FA4] =	sst s0  }
0x9: {  	[smem:$0x3FA5] =	sst s1  }
0xa: {  	[smem:$0x3FA6] =	sst s2  }
0xb: {  	[smem:$0x3FA7] =	sst s3  }
0xc: {  	[smem:$0x3FA8] =	sst s4  }
0xd: {  	[smem:$0x3FA9] =	sst s5  }
0xe: {  	[smem:$0x3FAA] =	sst s6  }
0xf: {  	[smem:$0x3FAB] =	sst s7  }
0x10: {  	[smem:$0x3FAC] =	sst s8  }
0x11: {  	[smem:$0x3FAD] =	sst s9;
	s0 =	simm.s32 @!p0 $0x0  }
0x12: {  	s1 =	sld [smem:$0x3F93];
	s0 =	simm.s32 @p0 $0x1  }
0x13: {  	[smem:$0x3FAE] =	sst s0;
	s0 =	simm.s32 @!p1 $0x0  }
0x14: {  	s2 =	sld [smem:$0x3F92];
	s0 =	simm.s32 @p1 $0x1  }
0x15: {  	[smem:$0x3FAF] =	sst s0;
	s0 =	simm.s32 @!p2 $0x0  }
0x16: {  	s3 =	sld [smem:$0x3FDB];
	s0 =	simm.s32 @p2 $0x1  }
0x17: {  	s4 =	simm.s32 $0x1BF5;
	[smem:$0x3FB1] =	sst s0  }
0x18: {  	s0 =	sld [smem:$0x3F94];
	_ =	swait.ge [sflag:s4], $0x0  }
0x19: {  	s7 =	sld [smem:$0x3F95]  }
0x1a: {  	s8 =	sadd.s32 $0xFFFFE003, lr  }
0x1b: {  	s9 =	sadd.s32 $0xFFFFFEF7, lr;
	s5 =	simm.s32 $0xFFFFFFFF;
	p2 =	slt.u32 s8, $0xFFFFF086  }
0x1c: {  	p1 =	slt.u32 s9, $0xF7A;
	s5 =	simm.s32 @!p2 $0x0  }
0x1d: {  	s5 =	simm.s32 @p1 $0x1;
	p0 =	seq.s32 s7, s2  }
0x1e: {  	s7 =	smul.u32 @!p0 $0xF7A, s2;
	p2 =	seq.s32 @!p0 s5, $0x0  }
0x1f: {  	s9 =	smul.u32 $0xF7A, s1;
	s8 =	simm.s32 @!p0 $0x1BF5;
	p2 =	por !p2, p0  }
0x20: {  	[sflag:s8] =	ssyncset.s32 @!p0 $0xFFFFF086;
	s6 =	sadd.s32 @!p0 s3, s7;
	s7 =	simm.s32 @!p0 $0x108  }
0x21: {  	s3 =	sadd.s32 s3, s9;
	s6 =	sadd.s32 @!p0 $0x88, s6;
	s7 =	simm.s32 @p2 $0x1082  }
0x22: {  	[simem:s7], [sflag:s8] =	dma.local @!p0 [hbm:s6], $0xF7A  }
0x23: {  	s9 =	sor.u32 $0xD0000000, s2;
	s6 =	simm.s32 $0x108;
	_ =	swait.ge @!p0 [sflag:s8], $0x0  }
0x24: {  	s3 =	sadd.s32 $0x88, s3;
	s6 =	simm.s32 @!p1 $0x1082;
	[sflag:s4] =	ssyncset.s32 $0xFFFFF086  }
0x25: {  	[simem:s6], [sflag:s4] =	dma.local [hbm:s3], $0xF7A  }
0x26: {  	[smem:$0x3F95] =	sst s1;
	(tag) =	ssettag s2;
	_ =	strace s9  }
0x27: {  	s1 =	sld [smem:$0x3FA5]  }
0x28: {  	s2 =	sld [smem:$0x3FA6]  }
0x29: {  	s4 =	sld [smem:$0x3FA8]  }
0x2a: {  	p0 =	seq.s32 s5, $0x0;
	s5 =	sld [smem:$0x3FA9]  }
0x2b: {  	s6 =	sld [smem:$0x3FAA]  }
0x2c: {  	s7 =	sld [smem:$0x3FAB]  }
0x2d: {  	s3 =	simm.s32 $0x108;
	s8 =	sld [smem:$0x3FAC]  }
0x2e: {  	s3 =	simm.s32 @!p0 $0x1082;
	s9 =	sld [smem:$0x3FAD]  }
0x2f: {  	lr =	sadd.s32 s0, s3;
	s0 =	sld [smem:$0x3FA4]  }
0x30: {  	s3 =	sld [smem:$0x3FA7]  }
0x31: {  	[smem:$0x3FB0] =	sst s10  }
0x32: {  	s10 =	sld [smem:$0x3FAE];
	_ =	sdelay $0x3  }
0x33: {  	p0 =	seq.s32 s10, $0x1;
	s10 =	sld [smem:$0x3FB0];
	_ =	sdelay $0x3  }
0x34: {  	[smem:$0x3FB0] =	sst s10  }
0x35: {  	s10 =	sld [smem:$0x3FAF];
	_ =	sdelay $0x3  }
0x36: {  	p1 =	seq.s32 s10, $0x1;
	s10 =	sld [smem:$0x3FB0];
	_ =	sdelay $0x3  }
0x37: {  	[smem:$0x3FB0] =	sst s10  }
0x38: {  	s10 =	sld [smem:$0x3FB1]  }
0x39: {  	_ = 	snop;
	(pc) =	sbr.ind lr, $3  }
0x3a: {  	_ = 	snop  }
0x3b: {  	_ = 	snop  }
0x3c: {  	p2 =	seq.s32 s10, $0x1;
	s10 =	sld [smem:$0x3FB0]  }
0x3d: {  	_ =	shalt  }
0x3e: {  	_ =	shalt  }
0x3f: {  	_ =	shalt  }
0x40: {  	_ =	shalt  }
0x41: {  	_ =	shalt  }
0x42: {  	_ =	shalt  }
0x43: {  	_ =	shalt  }
0x44: {  	_ =	shalt  }
0x45: {  	_ =	shalt  }
0x46: {  	_ =	shalt  }
0x47: {  	_ =	shalt  }
0x48: {  	_ =	shalt  }
0x49: {  	_ =	shalt  }
0x4a: {  	_ =	shalt  }
0x4b: {  	_ =	shalt  }
0x4c: {  	_ =	shalt  }
0x4d: {  	_ =	shalt  }
0x4e: {  	_ =	shalt  }
0x4f: {  	_ =	shalt  }
0x50: {  	_ =	shalt  }
0x51: {  	_ =	shalt  }
0x52: {  	_ =	shalt  }
0x53: {  	_ =	shalt  }
0x54: {  	_ =	shalt  }
0x55: {  	_ =	shalt  }
0x56: {  	_ =	shalt  }
0x57: {  	_ =	shalt  }
0x58: {  	_ =	shalt  }
0x59: {  	_ =	shalt  }
0x5a: {  	_ =	shalt  }
0x5b: {  	_ =	shalt  }
0x5c: {  	_ =	shalt  }
0x5d: {  	_ =	shalt  }
0x5e: {  	_ =	shalt  }
0x5f: {  	_ =	shalt  }
0x60: {  	_ =	shalt  }
0x61: {  	_ =	shalt  }
0x62: {  	_ =	shalt  }
0x63: {  	_ =	shalt  }
0x64: {  	_ =	shalt  }
0x65: {  	_ =	shalt  }
0x66: {  	_ =	shalt  }
0x67: {  	_ =	shalt  }
0x68: {  	_ =	shalt  }
0x69: {  	_ =	shalt  }
0x6a: {  	_ =	shalt  }
0x6b: {  	_ =	shalt  }
0x6c: {  	_ =	shalt  }
0x6d: {  	_ =	shalt  }
0x6e: {  	_ =	shalt  }
0x6f: {  	_ =	shalt  }
0x70: {  	_ =	shalt  }
0x71: {  	_ =	shalt  }
0x72: {  	_ =	shalt  }
0x73: {  	_ =	shalt  }
0x74: {  	_ =	shalt  }
0x75: {  	_ =	shalt  }
0x76: {  	_ =	shalt  }
0x77: {  	_ =	shalt  }
0x78: {  	_ =	shalt  }
0x79: {  	_ =	shalt  }
0x7a: {  	_ =	shalt  }
0x7b: {  	_ =	shalt  }
0x7c: {  	_ =	shalt  }
0x7d: {  	_ =	shalt  }
0x7e: {  	_ =	shalt  }
0x7f: {  	_ =	shalt  }
0x80: {  	_ =	shalt  }
0x81: {  	_ =	shalt  }
0x82: {  	_ =	shalt  }
0x83: {  	_ =	shalt  }
0x84: {  	_ =	shalt  }
0x85: {  	_ =	shalt  }
0x86: {  	_ =	shalt  }
0x87: {  	_ =	shalt  }
.Lfunc_end0:
.L_simem_size_0:
called_computation_lowered:
.L_overlay_start_0:
0x88: {  	s0 =	sld [smem:$0x3FD9]  }
0x89: {  	s1 =	sld [smem:$0x3FFE];
	_ =	sdelay $0x3  }
0x8a: {  	s0 =	sadd.s32 s1, s0  }
0x8b: {  	[smem:$0x3FBC] =	sst s0  }
0x8c: {  	_ = 	snop  }
0x8d: {  	(tm) =	ssettm $0x1  }
0x8e: {  	s15 =	sld [smem:$0x3FFB];
	_ =	sdelay $0x3  }
0x8f: {  	_ =	strace s15  }
0x90: {  	s0 =	sld [smem:$0x3FFC];
	_ =	sdelay $0x3  }
0x91: {  	_ =	strace s0  }
0x92: {  	s0 =	sld [smem:$0x3FFD];
	_ =	sdelay $0x3  }
0x93: {  	_ =	strace s0  }
0x94: {  	_ =	strace $0x8FFFFFFF  }
0x95: {  	s16 =	sld [smem:$0x3FDB];
	_ =	sdelay $0x1  }
0x96: {  	s17 =	simm.s32 $_scs_section_size  }
0x97: {  	s2 =	simm.s32 $_size__tile_overlayer_lowered;
	s3 =	simm.s32 $_tile_overlayer_lowered  }
0x98: {  	s20 =	simm.s32 $0x1BFF;
	s19 =	sshll.u32 s3, $0x1;
	s0 =	sadd.s32 s17, s16  }
0x99: {  	s4 =	simm.s32 $0x0;
	s18 =	sshll.u32 s2, $0x1;
	s2 =	sadd.s32 s19, s0  }
0x9a: {  	[timem:s4], [sflag:s20] =	dma.local [hbm:s2], s18  }
0x9b: {  	_ =	swait.ge [sflag:s20], s18  }
0x9c: {  	s1 =	ssub.s32 $0x0, s18;
	[sflag:s20] =	ssyncset.done $0x0  }
0x9d: {  	[sflag:s20] =	ssyncadd.s32 s1;
	_ =	sdelay $0x1  }
0x9e: {  	s21 =	simm.s32 $0x1B8B  }
0x9f: {  	_ =	swait.ge [sflag:s21], $0x1  }
0xa0: {  	[sflag:s21] =	ssyncset.done $0x0  }
0xa1: {  	s23 =	simm.s32 $0x1B8E;
	s22 =	sld [smem:$0x3FFE];
	[sflag:s21] =	ssyncadd.s32 $0xFFFFFFFF  }
0xa2: {  	s24 =	simm.s32 $execute0_lowered;
	[smem:$0x3FD2] =	sst s23  }
0xa3: {  	s2 =	sshll.u32 s24, $0x1;
	_ =	strace $0x80000046;
	[dreg:$0x1] =	wrdreg $0xFFFFFFFF  }
0xa4: {  	s25 =	simm.s32 $_size_execute0_lowered;
	s0 =	sadd.s32 s0, s2;
	[dreg:$0x0] =	wrdreg $0x0  }
0xa5: {  	s2 =	sshll.u32 s25, $0x1;
	[dreg:$0x2] =	wrdreg s0  }
0xa6: {  	[dreg:$0x3] =	wrdreg s2  }
0xa7: {  	[dreg:$0x4] =	wrdreg $0xC0  }
0xa8: {  	_ =	task [dreg:s4], $0x5FFFF  }
0xa9: {  	[dreg:$0x1] =	wrdreg $0xFFFFFFFF  }
0xaa: {  	[dreg:$0x0] =	wrdreg $0x60  }
0xab: {  	[dreg:$0x2] =	wrdreg s22  }
0xac: {  	[dreg:$0x3] =	wrdreg $0x11D000  }
0xad: {  	[dreg:$0x4] =	wrdreg $0x145000  }
0xae: {  	[dreg:$0x5] =	wrdreg $0x9  }
0xaf: {  	_ =	task.clear_ibuf [dreg:s4], $0x6FFFF;
	_ =	strace $0x90000046  }
0xb0: {  	s26 =	simm.s32 $0x9;
	_ =	strace $0x80000048  }
0xb1: {  	_ =	swait.ge [sflag:s26], $0x1  }
0xb2: {  	[sflag:s26] =	ssyncadd.s32 $0xFFFFFFFF  }
0xb3: {  	_ =	strace $0x90000048  }
0xb4: {  	_ =	sfence  }
0xb5: {  	s28 =	sld [smem:$0x0];
	_ =	sdelay $0x1  }
0xb6: {  	s29 =	srdreg.scid  }
0xb7: {  	s30 =	sshll.u32 s29, $0xD;
	s31 =	sshrl.u32 s29, $0x2  }
0xb8: {  	s1 =	sand.u32 $0x1, s29;
	s2 =	sand.u32 $0x4000, s30;
	s0 =	sadd.s32 s31, s28  }
0xb9: {  	s1 =	sor.u32 s2, s1;
	s0 =	sshll.u32 s0, $0x11  }
0xba: {  	s0 =	sor.u32 s0, s1  }
0xbb: {  	s0 =	sadd.s32 $0x8F2B, s0  }
0xbc: {  	[sflag:s0] =	ssyncadd.remote.s32 $0x1  }
0xbd: {  	_ =	sfence.sel $0xFFFF  }
0xbe: {  	[dreg:$0x0] =	wrdreg $0xFFFFFFFF;
	(pc) =	sbr.abs _section_cstart, $3  }
0xbf: {  	[dreg:$0x1] =	wrdreg $0xFFFFFFFF  }
0xc0: {  	_ =	task.clear_ibuf [dreg:s4], $0x2FFFF;
	_ =	strace $0x9FFFFFFF  }
0xc1: {  	(tm) =	ssettm $0x7FFFFFFF  }
tec
execute0_lowered:
.L_overlay_start_1:
0x0: {  	(tag) =	ssettag $0x1  }
0x1: {  	s3 =	stileid.u32  }
0x2: {  	s2 =	rddreg [dreg:$0x0];
	s4 =	smul.u32 $0x4E20, s3  }
0x3: {  	s1 =	rddreg [dreg:$0x1]  }
0x4: {  	s5 =	rddreg [dreg:$0x2];
	s6 =	simm.s32 $0x0;
	s4 =	sshrl.u32 s4, $0x3  }
0x5: {  	[smem:$0x7FF] =	sst s6;
	s4 =	sadd.s32 s4, s2  }
0x6: {  	s0 =	rddreg [dreg:$0x3];
	_ =	strace $0x80000047;
	s7 =	sadd.s32 $0x2000, s4  }
0x7: {  	[tilespmem:s6], [sflag:$0x1] =	stream.linear.gather [hbm4b:s7+s6], $0x4E20, $0x38;
	[tilespmem:$0x14780] =	vst v63  }
0x8: {  	s30 =	simm.s32 $0x4E80;
	s31 =	simm.s32 $0x2;
	s4 =	sadd.s32 $0xBC40, s4  }
0x9: {  	[tilespmem:s30], [sflag:$0x2] =	stream.linear.gather [hbm4b:s4+s6], $0x4E20, $0x38;
	[tilespmem:$0x14780] =	vst v63  }
0xa: {  	_ =	swait.ge [sflag:s31], $0x4E20  }
0xb: {  	s7 =	sadd.s32 $0x15A00, s2;
	[sflag:s31] =	ssyncset.done $0x0  }
0xc: {  	v0 =	vimm.f32 $0.0e+00;
	s2 =	simm.s32 $0x0;
	s4 =	simm.s32 $0x200;
	[sflag:s31] =	ssyncadd.s32 $0xFFFFB1E0  }
.LBB2_1:
0xd: {  	p0 =	sne.s32 s4, $0x9E00;
	[tilespmem:s2+$0x9D70] =	vst v0  }
0xe: {  	[tilespmem:s2+$0x9D00] =	vst v0  }
0xf: {  	[tilespmem:s2+$0x9D10] =	vst v0  }
.Ltmp0:
0x10: {  	[tilespmem:s2+$0x9D20] =	vst v0;
	(pc) =	sbr.rel @p0 .LBB2_1-.Ltmp0, $4  }
0x11: {  	[tilespmem:s2+$0x9D30] =	vst v0  }
0x12: {  	[tilespmem:s2+$0x9D40] =	vst v0  }
0x13: {  	[tilespmem:s2+$0x9D50] =	vst v0  }
0x14: {  	[tilespmem:s2+$0x9D60] =	vst v0;
	s2 =	sshra.s32 s4, $0x2;
	s4 =	sadd.s32 $0x200, s4  }
0x15: {  	[tilespmem:s2+$0x9D70] =	vst v0  }
0x16: {  	[tilespmem:s2+$0x9D00] =	vst v0  }
0x17: {  	[tilespmem:s2+$0x9D10] =	vst v0;
	p0 =	sne.s32 s3, $0x0  }
.Ltmp1:
0x18: {  	[tilespmem:s2+$0x9D20] =	vst v0;
	(pc) =	sbr.rel @p0 .LBB2_6-.Ltmp1, $4  }
0x19: {  	[tilespmem:s2+$0x9D30] =	vst v0  }
0x1a: {  	[tilespmem:s2+$0x9D40] =	vst v0;
	s4 =	smul.u32 $0xA000, s3  }
0x1b: {  	[tilespmem:s2+$0x9D50] =	vst v0  }
0x1c: {  	[tilespmem:s2+$0x9D60] =	vst v0;
	s3 =	smul.u32 $0x280, s3;
	s2 =	sshrl.u32 s4, $0x2  }
0x1d: {  	v0 =	vimm.f32 $1.000000000e+00;
	p1 =	por $0x1, $0x1  }
0x1e: {  	s11 =	simm.s32 $0xED40;
	p2 =	por $0x1, $0x1;
	v1 =	vpsel !p1, $0x0, v0  }
0x1f: {  	v2 =	vpsel !p2, $0x0, v0;
	p2 =	por $0x1, $0x1;
	[tilespmem:s11+$0x20] =	vst v1  }
0x20: {  	p3 =	por $0x1, $0x1;
	[tilespmem:s11+$0xFFFFFFC0] =	vst v2;
	v1 =	vpsel !p2, $0x0, v0  }
0x21: {  	s10 =	sadd.s32 $0xF00, s7;
	s8 =	sadd.s32 $0x1400, s7;
	p4 =	por $0x1, $0x1;
	[tilespmem:s11+$0xFFFFFFD0] =	vst v1;
	v1 =	vpsel !p3, $0x0, v0  }
0x22: {  	s9 =	sadd.s32 $0x1900, s7;
	s4 =	sadd.s32 $0x1E00, s7;
	p5 =	por $0x1, $0x1;
	[tilespmem:s11+$0xFFFFFFE0] =	vst v1;
	v1 =	vpsel !p4, $0x0, v0  }
0x23: {  	s6 =	sadd.s32 $0x2300, s7;
	s12 =	simm.s32 $0xF0;
	p6 =	por $0x1, $0x1;
	[tilespmem:s11+$0xFFFFFFF0] =	vst v1;
	v1 =	vpsel !p5, $0x0, v0  }
0x24: {  	s14 =	simm.s32 $0xE0;
	s13 =	simm.s32 $0x170;
	p2 =	por $0x1, $0x1;
	[tilespmem:s11+$0x0] =	vst v1;
	v1 =	vpsel !p6, $0x0, v0  }
.LBB2_4:
0x25: {  	p1 =	sne.s32 s13, $0x27F0;
	s15 =	sadd.s32 $0xFFFFFF90, s12;
	p3 =	slt.u32 s14, $0x2710;
	[tilespmem:s11+$0x10] =	vst v1;
	v1 =	vpsel !p2, $0x0, v0  }
0x26: {  	s14 =	sadd.s32 $0xFFFFFFA0, s12;
	p2 =	slt.u32 s15, $0x2710;
	v2 =	vpsel !p3, $0x0, v0;
	[tilespmem:s11+$0x30] =	vst v1;
	s11 =	sadd.s32 $0x80, s11  }
0x27: {  	s15 =	smov.u32 s12;
	v1 =	vpsel !p2, $0x0, v0;
	p2 =	slt.u32 s14, $0x2710;
	s14 =	sadd.s32 $0xFFFFFFB0, s12;
	[tilespmem:s11+$0x20] =	vst v2  }
.Ltmp2:
0x28: {  	s12 =	sadd.s32 $0xFFFFFFC0, s15;
	[tilespmem:s11+$0xFFFFFFC0] =	vst v1;
	v1 =	vpsel !p2, $0x0, v0;
	p2 =	slt.u32 s14, $0x2710;
	(pc) =	sbr.rel @p1 .LBB2_4-.Ltmp2, $4  }
0x29: {  	s14 =	sadd.s32 $0xFFFFFFD0, s15;
	[tilespmem:s11+$0xFFFFFFD0] =	vst v1;
	v1 =	vpsel !p2, $0x0, v0;
	p2 =	slt.u32 s12, $0x2710;
	s12 =	smov.u32 s13  }
0x2a: {  	[tilespmem:s11+$0xFFFFFFE0] =	vst v1;
	v1 =	vpsel !p2, $0x0, v0;
	p2 =	slt.u32 s14, $0x2710;
	s14 =	sadd.s32 $0xFFFFFFE0, s15  }
0x2b: {  	[tilespmem:s11+$0xFFFFFFF0] =	vst v1;
	v1 =	vpsel !p2, $0x0, v0;
	p2 =	slt.u32 s14, $0x2710  }
0x2c: {  	s13 =	sadd.s32 $0x80, s13;
	s14 =	sadd.s32 $0xFFFFFFF0, s12;
	[tilespmem:s11+$0x0] =	vst v1;
	v1 =	vpsel !p2, $0x0, v0;
	p2 =	slt.u32 s15, $0x2710  }
0x2d: {  	s13 =	sadd.s32 $0xFFFFFF90, s12;
	p1 =	slt.u32 s14, $0x2710;
	[tilespmem:s11+$0x10] =	vst v1;
	v56 =	vpsel !p2, $0x0, v0  }
0x2e: {  	s21 =	sadd.s32 $0xFFFFFFA0, s12;
	s22 =	sadd.s32 $0x80, s11;
	p5 =	slt.u32 s13, $0x2710;
	v2 =	vpsel !p1, $0x0, v0;
	[tilespmem:s11+$0x30] =	vst v56  }
0x2f: {  	s23 =	sadd.s32 $0xFFFFFFB0, s12;
	p6 =	slt.u32 s21, $0x2710;
	v57 =	vpsel !p5, $0x0, v0;
	[tilespmem:s22+$0x20] =	vst v2  }
0x30: {  	s24 =	sadd.s32 $0xFFFFFFC0, s12;
	p2 =	slt.u32 s23, $0x2710;
	v58 =	vpsel !p6, $0x0, v0;
	[tilespmem:s22+$0xFFFFFFC0] =	vst v57  }
0x31: {  	s25 =	sadd.s32 $0xFFFFFFD0, s12;
	p3 =	slt.u32 s24, $0x2710;
	v59 =	vpsel !p2, $0x0, v0;
	[tilespmem:s22+$0xFFFFFFD0] =	vst v58  }
0x32: {  	s26 =	sadd.s32 $0xFFFFFFE0, s12;
	p4 =	slt.u32 s25, $0x2710;
	v60 =	vpsel !p3, $0x0, v0;
	[tilespmem:s22+$0xFFFFFFE0] =	vst v59  }
0x33: {  	v61 =	vpsel !p4, $0x0, v0;
	p5 =	slt.u32 s26, $0x2710;
	[tilespmem:s22+$0xFFFFFFF0] =	vst v60  }
0x34: {  	p6 =	slt.u32 s12, $0x2710;
	[tilespmem:s22+$0x0] =	vst v61;
	v62 =	vpsel !p5, $0x0, v0  }
0x35: {  	v63 =	vpsel !p6, $0x0, v0;
	[tilespmem:s22+$0x10] =	vst v62  }
0x36: {  	s28 =	simm.s32 $0x0;
	s29 =	simm.s32 $0xED00;
	s30 =	simm.s32 $0x2;
	[tilespmem:s22+$0x30] =	vst v63  }
0x37: {  	[hbm4b:s7+s28] =	stream.linear.scatter [tilespmem:s29], [sflag:$0x2], $0x2800, $0x38;
	[tilespmem:$0x14780] =	vst v63  }
0x38: {  	_ =	swait.ge [sflag:s30], $0x2800  }
0x39: {  	[sflag:s30] =	ssyncset.done $0x0  }
0x3a: {  	s31 =	simm.s32 $0x9D00;
	[sflag:s30] =	ssyncadd.s32 $0xFFFFD800  }
0x3b: {  	[hbm4b:s10+s28] =	stream.linear.scatter [tilespmem:s31], [sflag:$0x2], $0x2800, $0x38;
	[tilespmem:$0x14780] =	vst v63  }
0x3c: {  	_ =	swait.ge [sflag:s30], $0x2800  }
0x3d: {  	[sflag:s30] =	ssyncset.done $0x0  }
0x3e: {  	[sflag:s30] =	ssyncadd.s32 $0xFFFFD800  }
0x3f: {  	[hbm4b:s8+s28] =	stream.linear.scatter [tilespmem:s31], [sflag:$0x2], $0x2800, $0x38;
	[tilespmem:$0x14780] =	vst v63  }
0x40: {  	_ =	swait.ge [sflag:s30], $0x2800  }
0x41: {  	[sflag:s30] =	ssyncset.done $0x0  }
0x42: {  	[sflag:s30] =	ssyncadd.s32 $0xFFFFD800  }
0x43: {  	[hbm4b:s9+s28] =	stream.linear.scatter [tilespmem:s31], [sflag:$0x2], $0x2800, $0x38;
	[tilespmem:$0x14780] =	vst v63  }
0x44: {  	_ =	swait.ge [sflag:s30], $0x2800  }
0x45: {  	[sflag:s30] =	ssyncset.done $0x0  }
0x46: {  	[sflag:s30] =	ssyncadd.s32 $0xFFFFD800  }
0x47: {  	[hbm4b:s4+s28] =	stream.linear.scatter [tilespmem:s31], [sflag:$0x2], $0x2800, $0x38;
	[tilespmem:$0x14780] =	vst v63  }
0x48: {  	_ =	swait.ge [sflag:s30], $0x2800  }
0x49: {  	[sflag:s30] =	ssyncset.done $0x0  }
0x4a: {  	[sflag:s30] =	ssyncadd.s32 $0xFFFFD800  }
0x4b: {  	[hbm4b:s6+s28] =	stream.linear.scatter [tilespmem:s31], [sflag:$0x2], $0x2800, $0x38;
	[tilespmem:$0x14780] =	vst v63  }
0x4c: {  	_ =	swait.ge [sflag:s30], $0x2800  }
0x4d: {  	[sflag:s30] =	ssyncset.done $0x0  }
0x4e: {  	[sflag:s30] =	ssyncadd.s32 $0xFFFFD800  }
.LBB2_6:
0x4f: {  	s9 =	simm.s32 $0x4EA0  }
0x50: {  	v4 =	vld [tilespmem:s9+$0x10];
	_ =	sdelay $0x4  }
0x51: {  	v3 =	vld [tilespmem:s9+$0xFFFFFFE0]  }
0x52: {  	s4 =	sadd.s32 s2, s1;
	s6 =	sadd.s32 $0x500, s7;
	v0 =	vld [tilespmem:s9+$0xFFFFFFF0]  }
0x53: {  	v2 =	vimm.f32 $1.000000000e+00;
	s8 =	simm.s32 $0x9D00;
	s2 =	sadd.s32 s3, s5;
	v1 =	vld [tilespmem:s9+$0x0];
	s3 =	sadd.s32 s3, s1  }
0x54: {  	s1 =	sadd.s32 $0xA00, s7;
	s7 =	simm.s32 $0x0;
	s9 =	simm.s32 $0x4EE0;
	[tilespmem:v4+s8+$0x0] =	vst.idx.add.f32.msk $0xffff, v2  }
.LBB2_7:
0x55: {  	v4 =	vld [tilespmem:s9+$0x10];
	s7 =	sadd.s32 $0x4, s7  }
0x56: {  	v5 =	vld [tilespmem:s9+$0xFFFFFFF0];
	p1 =	slt.u32 s7, $0x4DC  }
0x57: {  	v6 =	vld [tilespmem:s9+$0x0]  }
0x58: {  	v7 =	vld [tilespmem:s9+$0xFFFFFFE0]  }
.Ltmp3:
0x59: {  	[tilespmem:v3+s8+$0x0] =	vst.idx.add.f32.msk $0xffff, v2;
	(pc) =	sbr.rel @p1 .LBB2_7-.Ltmp3, $4  }
0x5a: {  	[tilespmem:v0+s8+$0x0] =	vst.idx.add.f32.msk $0xffff, v2  }
0x5b: {  	[tilespmem:v1+s8+$0x0] =	vst.idx.add.f32.msk $0xffff, v2;
	v0 =	vmov v5  }
0x5c: {  	v1 =	vmov v6  }
0x5d: {  	s9 =	sadd.s32 $0x40, s9;
	[tilespmem:v4+s8+$0x0] =	vst.idx.add.f32.msk $0xffff, v2;
	v3 =	vmov v7  }
0x5e: {  	_ =	sdelay $0x3  }
0x5f: {  	[tilespmem:v3+s8+$0x0] =	vst.idx.add.f32.msk $0xffff, v2  }
0x60: {  	[tilespmem:v0+s8+$0x0] =	vst.idx.add.f32.msk $0xffff, v2  }
0x61: {  	[tilespmem:v1+s8+$0x0] =	vst.idx.add.f32.msk $0xffff, v2;
	s7 =	simm.s32 $0x0;
	v0 =	vimm.f32 $1.000000000e+00;
	s8 =	simm.s32 $0x9D00  }
.LBB2_9:
0x62: {  	s9 =	sshra.s32 s7, $0x2  }
0x63: {  	v1 =	vld [tilespmem:s9+$0x9C80];
	_ =	sdelay $0x2  }
0x64: {  	p1 =	sne.s32 s7, $0x40  }
.Ltmp4:
0x65: {  	_ = 	snop;
	(pc) =	sbr.rel @p1 .LBB2_9-.Ltmp4, $2  }
0x66: {  	_ =	sdelay $0x2  }
0x67: {  	s7 =	sadd.s32 $0x40, s7;
	[tilespmem:v1+s8+$0x0] =	vst.idx.add.f32.msk $0xffff, v0  }
0x68: {  	s7 =	simm.s32 $0x9D00  }
0x69: {  	[spmem:s4] =	stream.linear.scatter [tilespmem:s7], [sflag:$0x2], $0x2800, $0x38;
	[tilespmem:$0x14780] =	vst v63  }
0x6a: {  	s7 =	simm.s32 $0x2  }
0x6b: {  	_ =	swait.ge [sflag:s7], $0x2800  }
0x6c: {  	[sflag:s7] =	ssyncset.done $0x0  }
0x6d: {  	[sflag:s7] =	ssyncadd.s32 $0xFFFFD800  }
0x6e: {  	v0 =	vimm.f32 $0.0e+00;
	[bflag:$0x0] =	sbarrier.arrive $0xFFFF  }
0x6f: {  	[tilespmem:$0x11500] =	vst v0  }
0x70: {  	[tilespmem:$0x11510] =	vst v0  }
0x71: {  	[tilespmem:$0x11520] =	vst v0  }
0x72: {  	[tilespmem:$0x11530] =	vst v0  }
0x73: {  	[tilespmem:$0x11540] =	vst v0  }
0x74: {  	[tilespmem:$0x11550] =	vst v0  }
0x75: {  	[tilespmem:$0x11560] =	vst v0  }
0x76: {  	[tilespmem:$0x11570] =	vst v0  }
0x77: {  	[tilespmem:$0x11580] =	vst v0  }
0x78: {  	[tilespmem:$0x11590] =	vst v0  }
0x79: {  	[tilespmem:$0x115A0] =	vst v0  }
0x7a: {  	[tilespmem:$0x115B0] =	vst v0  }
0x7b: {  	[tilespmem:$0x115C0] =	vst v0  }
0x7c: {  	[tilespmem:$0x115D0] =	vst v0  }
0x7d: {  	[tilespmem:$0x115E0] =	vst v0  }
0x7e: {  	[tilespmem:$0x115F0] =	vst v0  }
0x7f: {  	[tilespmem:$0x11600] =	vst v0  }
0x80: {  	[tilespmem:$0x11610] =	vst v0  }
0x81: {  	[tilespmem:$0x11620] =	vst v0  }
0x82: {  	[tilespmem:$0x11630] =	vst v0  }
0x83: {  	[tilespmem:$0x11640] =	vst v0  }
0x84: {  	[tilespmem:$0x11650] =	vst v0  }
0x85: {  	[tilespmem:$0x11660] =	vst v0  }
0x86: {  	[tilespmem:$0x11670] =	vst v0  }
0x87: {  	[tilespmem:$0x11680] =	vst v0  }
0x88: {  	[tilespmem:$0x11690] =	vst v0  }
0x89: {  	[tilespmem:$0x116A0] =	vst v0  }
0x8a: {  	[tilespmem:$0x116B0] =	vst v0  }
0x8b: {  	[tilespmem:$0x116C0] =	vst v0  }
0x8c: {  	[tilespmem:$0x116D0] =	vst v0  }
0x8d: {  	[tilespmem:$0x116E0] =	vst v0  }
0x8e: {  	[tilespmem:$0x116F0] =	vst v0  }
0x8f: {  	[tilespmem:$0x11700] =	vst v0  }
0x90: {  	[tilespmem:$0x11710] =	vst v0  }
0x91: {  	[tilespmem:$0x11720] =	vst v0  }
0x92: {  	[tilespmem:$0x11730] =	vst v0  }
0x93: {  	[tilespmem:$0x11740] =	vst v0  }
0x94: {  	[tilespmem:$0x11750] =	vst v0  }
0x95: {  	[tilespmem:$0x11760] =	vst v0  }
0x96: {  	s8 =	simm.s32 $0x0;
	s9 =	simm.s32 $0x11900;
	[tilespmem:$0x11770] =	vst v0  }
.LBB2_11:
0x97: {  	s10 =	sshra.s32 s8, $0x2  }
0x98: {  	s10 =	sadd.s32 s10, s3  }
0x99: {  	[tilespmem:s9], [sflag:$0x2] =	stream.linear.gather [spmem:s10], $0x280, $0x38;
	[tilespmem:$0x14780] =	vst v63  }
0x9a: {  	_ =	swait.ge [sflag:s7], $0x280  }
0x9b: {  	[sflag:s7] =	ssyncset.done $0x0  }
0x9c: {  	[sflag:s7] =	ssyncadd.s32 $0xFFFFFD80  }
0x9d: {  	v0 =	vld [tilespmem:$0x11500]  }
0x9e: {  	v1 =	vld [tilespmem:$0x11900]  }
0x9f: {  	v2 =	vld [tilespmem:$0x11510]  }
0xa0: {  	v3 =	vld [tilespmem:$0x11910]  }
0xa1: {  	v4 =	vld [tilespmem:$0x11520]  }
0xa2: {  	v5 =	vld [tilespmem:$0x11920]  }
0xa3: {  	v6 =	vld [tilespmem:$0x11530]  }
0xa4: {  	v7 =	vld [tilespmem:$0x11930]  }
0xa5: {  	v8 =	vld [tilespmem:$0x11540]  }
0xa6: {  	v9 =	vld [tilespmem:$0x11940]  }
0xa7: {  	v10 =	vld [tilespmem:$0x11550]  }
0xa8: {  	v11 =	vld [tilespmem:$0x11950]  }
0xa9: {  	v12 =	vld [tilespmem:$0x11560]  }
0xaa: {  	v13 =	vld [tilespmem:$0x11960]  }
0xab: {  	v14 =	vld [tilespmem:$0x11570]  }
0xac: {  	v15 =	vld [tilespmem:$0x11970]  }
0xad: {  	v16 =	vld [tilespmem:$0x11580]  }
0xae: {  	v17 =	vld [tilespmem:$0x11980]  }
0xaf: {  	v18 =	vld [tilespmem:$0x11590]  }
0xb0: {  	v19 =	vld [tilespmem:$0x11990]  }
0xb1: {  	v20 =	vld [tilespmem:$0x115A0]  }
0xb2: {  	v21 =	vld [tilespmem:$0x119A0]  }
0xb3: {  	v22 =	vld [tilespmem:$0x115B0]  }
0xb4: {  	v23 =	vld [tilespmem:$0x119B0]  }
0xb5: {  	v24 =	vld [tilespmem:$0x115C0]  }
0xb6: {  	v25 =	vld [tilespmem:$0x119C0]  }
0xb7: {  	v26 =	vld [tilespmem:$0x115D0]  }
0xb8: {  	v27 =	vld [tilespmem:$0x119D0]  }
0xb9: {  	v28 =	vld [tilespmem:$0x115E0]  }
0xba: {  	v29 =	vld [tilespmem:$0x119E0]  }
0xbb: {  	v30 =	vld [tilespmem:$0x115F0]  }
0xbc: {  	v31 =	vld [tilespmem:$0x119F0]  }
0xbd: {  	v32 =	vld [tilespmem:$0x11600]  }
0xbe: {  	v33 =	vld [tilespmem:$0x11A00]  }
0xbf: {  	v34 =	vld [tilespmem:$0x11610]  }
0xc0: {  	v35 =	vld [tilespmem:$0x11A10]  }
0xc1: {  	v36 =	vld [tilespmem:$0x11620]  }
0xc2: {  	v37 =	vld [tilespmem:$0x11A20]  }
0xc3: {  	v38 =	vld [tilespmem:$0x11630]  }
0xc4: {  	v39 =	vld [tilespmem:$0x11A30]  }
0xc5: {  	v40 =	vld [tilespmem:$0x11640]  }
0xc6: {  	v41 =	vld [tilespmem:$0x11A40]  }
0xc7: {  	v42 =	vld [tilespmem:$0x11650]  }
0xc8: {  	v43 =	vld [tilespmem:$0x11A50]  }
0xc9: {  	v44 =	vld [tilespmem:$0x11660]  }
0xca: {  	v45 =	vld [tilespmem:$0x116A0];
	v0 =	vadd.f32 v1, v0  }
0xcb: {  	v47 =	vld [tilespmem:$0x11AA0];
	v2 =	vadd.f32 v3, v2  }
0xcc: {  	v49 =	vld [tilespmem:$0x116B0];
	v60 =	vadd.f32 v5, v4;
	[tilespmem:$0x11500] =	vst v0  }
0xcd: {  	v51 =	vld [tilespmem:$0x11AB0];
	v61 =	vadd.f32 v7, v6;
	[tilespmem:$0x11510] =	vst v2  }
0xce: {  	v53 =	vld [tilespmem:$0x116C0];
	v62 =	vadd.f32 v9, v8;
	[tilespmem:$0x11520] =	vst v60  }
0xcf: {  	v55 =	vld [tilespmem:$0x11AC0];
	v63 =	vadd.f32 v11, v10;
	[tilespmem:$0x11530] =	vst v61  }
0xd0: {  	v57 =	vld [tilespmem:$0x116D0];
	v13 =	vadd.f32 v13, v12;
	[tilespmem:$0x11540] =	vst v62  }
0xd1: {  	v59 =	vld [tilespmem:$0x11AD0];
	v15 =	vadd.f32 v15, v14;
	[tilespmem:$0x11550] =	vst v63  }
0xd2: {  	v1 =	vld [tilespmem:$0x11A60];
	v46 =	vadd.f32 v17, v16;
	[tilespmem:$0x11560] =	vst v13  }
0xd3: {  	v3 =	vld [tilespmem:$0x11670];
	v48 =	vadd.f32 v19, v18;
	[tilespmem:$0x11570] =	vst v15  }
0xd4: {  	v4 =	vld [tilespmem:$0x11A70];
	v50 =	vadd.f32 v21, v20;
	[tilespmem:$0x11580] =	vst v46  }
0xd5: {  	v5 =	vld [tilespmem:$0x11680];
	v52 =	vadd.f32 v23, v22;
	[tilespmem:$0x11590] =	vst v48  }
0xd6: {  	v6 =	vld [tilespmem:$0x11A80];
	v54 =	vadd.f32 v25, v24;
	[tilespmem:$0x115A0] =	vst v50  }
0xd7: {  	v7 =	vld [tilespmem:$0x11690];
	v56 =	vadd.f32 v27, v26;
	[tilespmem:$0x115B0] =	vst v52  }
0xd8: {  	v8 =	vld [tilespmem:$0x11A90];
	v58 =	vadd.f32 v29, v28;
	[tilespmem:$0x115C0] =	vst v54  }
0xd9: {  	v24 =	vadd.f32 v35, v34;
	v25 =	vld [tilespmem:$0x116F0];
	[tilespmem:$0x115D0] =	vst v56  }
0xda: {  	v26 =	vadd.f32 v37, v36;
	v27 =	vld [tilespmem:$0x11AF0];
	[tilespmem:$0x115E0] =	vst v58  }
0xdb: {  	v28 =	vadd.f32 v39, v38;
	v29 =	vld [tilespmem:$0x11700];
	[tilespmem:$0x11610] =	vst v24  }
0xdc: {  	v35 =	vld [tilespmem:$0x11B10];
	v60 =	vadd.f32 v31, v30;
	[tilespmem:$0x11620] =	vst v26  }
0xdd: {  	v37 =	vld [tilespmem:$0x11720];
	v62 =	vadd.f32 v33, v32;
	[tilespmem:$0x11630] =	vst v28  }
0xde: {  	v39 =	vld [tilespmem:$0x11B20];
	v30 =	vadd.f32 v41, v40;
	[tilespmem:$0x115F0] =	vst v60  }
0xdf: {  	v61 =	vld [tilespmem:$0x116E0];
	v32 =	vadd.f32 v43, v42;
	[tilespmem:$0x11600] =	vst v62  }
0xe0: {  	v63 =	vld [tilespmem:$0x11AE0];
	v42 =	vadd.f32 v47, v45;
	[tilespmem:$0x11640] =	vst v30  }
0xe1: {  	v31 =	vld [tilespmem:$0x11B00];
	v46 =	vadd.f32 v55, v53;
	[tilespmem:$0x11650] =	vst v32  }
0xe2: {  	v33 =	vld [tilespmem:$0x11710];
	v48 =	vadd.f32 v59, v57;
	[tilespmem:$0x116A0] =	vst v42  }
0xe3: {  	v41 =	vld [tilespmem:$0x11730];
	[tilespmem:$0x116C0] =	vst v46;
	v34 =	vadd.f32 v1, v44  }
0xe4: {  	v43 =	vld [tilespmem:$0x11B30];
	[tilespmem:$0x116D0] =	vst v48;
	v36 =	vadd.f32 v4, v3  }
0xe5: {  	v45 =	vld [tilespmem:$0x11740];
	v38 =	vadd.f32 v6, v5;
	[tilespmem:$0x11660] =	vst v34  }
0xe6: {  	v47 =	vld [tilespmem:$0x11B40];
	v40 =	vadd.f32 v8, v7;
	[tilespmem:$0x11670] =	vst v36  }
0xe7: {  	v53 =	vld [tilespmem:$0x11760];
	v44 =	vadd.f32 v51, v49;
	[tilespmem:$0x11680] =	vst v38  }
0xe8: {  	v55 =	vld [tilespmem:$0x11B60];
	v52 =	vadd.f32 v27, v25;
	[tilespmem:$0x11690] =	vst v40  }
0xe9: {  	v56 =	vld [tilespmem:$0x11770];
	v57 =	vadd.f32 v39, v37;
	[tilespmem:$0x116B0] =	vst v44  }
0xea: {  	v58 =	vld [tilespmem:$0x11B70];
	v50 =	vadd.f32 v63, v61;
	[tilespmem:$0x116F0] =	vst v52  }
0xeb: {  	v49 =	vld [tilespmem:$0x11750];
	v54 =	vadd.f32 v31, v29;
	[tilespmem:$0x11720] =	vst v57  }
0xec: {  	v51 =	vld [tilespmem:$0x11B50];
	v1 =	vadd.f32 v35, v33;
	[tilespmem:$0x116E0] =	vst v50  }
0xed: {  	v59 =	vadd.f32 v43, v41;
	[tilespmem:$0x11700] =	vst v54  }
0xee: {  	p1 =	sne.s32 s8, $0x96000;
	v60 =	vadd.f32 v47, v45;
	[tilespmem:$0x11710] =	vst v1  }
.Ltmp5:
0xef: {  	v62 =	vadd.f32 v55, v53;
	[tilespmem:$0x11730] =	vst v59;
	(pc) =	sbr.rel @p1 .LBB2_11-.Ltmp5, $4  }
0xf0: {  	v63 =	vadd.f32 v58, v56;
	[tilespmem:$0x11740] =	vst v60  }
0xf1: {  	[tilespmem:$0x11760] =	vst v62;
	v61 =	vadd.f32 v51, v49  }
0xf2: {  	[tilespmem:$0x11770] =	vst v63  }
0xf3: {  	s8 =	sadd.s32 $0xA000, s8;
	[tilespmem:$0x11750] =	vst v61  }
0xf4: {  	s7 =	simm.s32 $0x11500;
	s31 =	simm.s32 $0x2  }
0xf5: {  	[spmem:s2] =	stream.linear.scatter [tilespmem:s7], [sflag:$0x2], $0x280, $0x38;
	[tilespmem:$0x14780] =	vst v63  }
0xf6: {  	_ =	swait.ge [sflag:s31], $0x280  }
0xf7: {  	[sflag:s31] =	ssyncset.done $0x0  }
0xf8: {  	[sflag:s31] =	ssyncadd.s32 $0xFFFFFD80  }
0xf9: {  	s8 =	simm.s32 $0xC500;
	[bflag:$0x0] =	sbarrier.arrive $0xFFFF  }
0xfa: {  	[tilespmem:s8], [sflag:$0x2] =	stream.linear.gather [spmem:s5], $0x2800, $0x38;
	[tilespmem:$0x14780] =	vst v63  }
0xfb: {  	_ =	swait.ge [sflag:s31], $0x2800  }
0xfc: {  	[sflag:s31] =	ssyncset.done $0x0  }
0xfd: {  	[sflag:s31] =	ssyncadd.s32 $0xFFFFD800  }
0xfe: {  	s7 =	simm.s32 $0x0;
	[bflag:$0x0] =	sbarrier.arrive $0xFFFF  }
0xff: {  	v3 =	vld [tilespmem:s7+$0xC500]  }
0x100: {  	v4 =	vld [tilespmem:s7+$0xC510]  }
0x101: {  	v2 =	vld [tilespmem:s7+$0xC520]  }
0x102: {  	v0 =	vld [tilespmem:s7+$0xC530]  }
0x103: {  	v1 =	vld [tilespmem:s7+$0xC540]  }
0x104: {  	v6 =	vmax.f32 v3, $1.000000000e+00;
	v3 =	vld [tilespmem:s7+$0xC550]  }
0x105: {  	s8 =	simm.s32 $0x200;
	v5 =	vmax.f32 v4, $1.000000000e+00;
	v4 =	vld [tilespmem:s7+$0xC560];
	(erf) = vrcp.f32 v6  }
.LBB2_13:
0x106: {  	p1 =	sne.s32 s8, $0x9E00;
	v2 =	vmax.f32 v2, $1.000000000e+00;
	v6 =	vld [tilespmem:s7+$0xC570];
	(erf) = vrcp.f32 v5  }
0x107: {  	v0 =	vmax.f32 v0, $1.000000000e+00;
	(erf) = vrcp.f32 v2  }
0x108: {  	v1 =	vmax.f32 v1, $1.000000000e+00;
	(erf) = vrcp.f32 v0  }
0x109: {  	v0 =	vmax.f32 v3, $1.000000000e+00;
	(erf) = vrcp.f32 v1  }
0x10a: {  	v1 =	vmax.f32 v4, $1.000000000e+00;
	(erf) = vrcp.f32 v0  }
0x10b: {  	v0 =	vmax.f32 v6, $1.000000000e+00;
	(erf) = vrcp.f32 v1  }
0x10c: {  	(erf) = vrcp.f32 v0;
	_ =	sdelay $0x1  }
0x10d: {  	v0 =	vpop (erf)  }
0x10e: {  	s9 =	sshra.s32 s8, $0x2;
	[tilespmem:s7+$0xC500] =	vst v0;
	v0 =	vpop (erf)  }
0x10f: {  	v3 =	vld [tilespmem:s9+$0xC500];
	[tilespmem:s7+$0xC510] =	vst v0;
	v0 =	vpop (erf)  }
0x110: {  	v4 =	vld [tilespmem:s9+$0xC510];
	[tilespmem:s7+$0xC520] =	vst v0;
	v0 =	vpop (erf)  }
.Ltmp6:
0x111: {  	v2 =	vld [tilespmem:s9+$0xC520];
	[tilespmem:s7+$0xC530] =	vst v0;
	v1 =	vpop (erf);
	(pc) =	sbr.rel @p1 .LBB2_13-.Ltmp6, $4  }
0x112: {  	v0 =	vld [tilespmem:s9+$0xC530];
	[tilespmem:s7+$0xC540] =	vst v1;
	v5 =	vpop (erf)  }
0x113: {  	v1 =	vld [tilespmem:s9+$0xC540];
	[tilespmem:s7+$0xC550] =	vst v5;
	v5 =	vpop (erf)  }
0x114: {  	v6 =	vmax.f32 v3, $1.000000000e+00;
	v3 =	vld [tilespmem:s9+$0xC550];
	[tilespmem:s7+$0xC560] =	vst v5;
	v7 =	vpop (erf)  }
0x115: {  	s8 =	sadd.s32 $0x200, s8;
	v5 =	vmax.f32 v4, $1.000000000e+00;
	v4 =	vld [tilespmem:s9+$0xC560];
	(erf) = vrcp.f32 v6;
	[tilespmem:s7+$0xC570] =	vst v7;
	s7 =	smov.u32 s9  }
0x116: {  	v2 =	vmax.f32 v2, $1.000000000e+00;
	v6 =	vld [tilespmem:s7+$0xC570];
	(erf) = vrcp.f32 v5  }
0x117: {  	v0 =	vmax.f32 v0, $1.000000000e+00;
	(erf) = vrcp.f32 v2  }
0x118: {  	v1 =	vmax.f32 v1, $1.000000000e+00;
	(erf) = vrcp.f32 v0  }
0x119: {  	v0 =	vmax.f32 v3, $1.000000000e+00;
	(erf) = vrcp.f32 v1  }
0x11a: {  	v1 =	vmax.f32 v4, $1.000000000e+00;
	(erf) = vrcp.f32 v0  }
0x11b: {  	v0 =	vmax.f32 v6, $1.000000000e+00;
	(erf) = vrcp.f32 v1  }
0x11c: {  	(erf) = vrcp.f32 v0;
	_ =	sdelay $0x1  }
0x11d: {  	v0 =	vpop (erf)  }
0x11e: {  	[tilespmem:s7+$0xC500] =	vst v0;
	v0 =	vpop (erf)  }
0x11f: {  	[tilespmem:s7+$0xC510] =	vst v0;
	v0 =	vpop (erf)  }
0x120: {  	[tilespmem:s7+$0xC520] =	vst v0;
	v0 =	vpop (erf)  }
0x121: {  	[tilespmem:s7+$0xC530] =	vst v0;
	v0 =	vpop (erf)  }
0x122: {  	[tilespmem:s7+$0xC540] =	vst v0;
	v0 =	vpop (erf)  }
0x123: {  	[tilespmem:s7+$0xC550] =	vst v0;
	v0 =	vpop (erf)  }
0x124: {  	[tilespmem:s7+$0xC560] =	vst v0;
	v0 =	vpop (erf)  }
0x125: {  	s8 =	simm.s32 $0x200;
	[tilespmem:s7+$0xC570] =	vst v0;
	v0 =	vimm.f32 $0.0e+00;
	s7 =	simm.s32 $0x0  }
.LBB2_15:
0x126: {  	p1 =	sne.s32 s8, $0x9E00;
	[tilespmem:s7+$0x9D70] =	vst v0  }
0x127: {  	[tilespmem:s7+$0x9D00] =	vst v0  }
0x128: {  	[tilespmem:s7+$0x9D10] =	vst v0  }
.Ltmp7:
0x129: {  	[tilespmem:s7+$0x9D20] =	vst v0;
	(pc) =	sbr.rel @p1 .LBB2_15-.Ltmp7, $4  }
0x12a: {  	[tilespmem:s7+$0x9D30] =	vst v0  }
0x12b: {  	[tilespmem:s7+$0x9D40] =	vst v0  }
0x12c: {  	[tilespmem:s7+$0x9D50] =	vst v0  }
0x12d: {  	[tilespmem:s7+$0x9D60] =	vst v0;
	s7 =	sshra.s32 s8, $0x2;
	s8 =	sadd.s32 $0x200, s8  }
0x12e: {  	[tilespmem:s7+$0x9D70] =	vst v0  }
0x12f: {  	[tilespmem:s7+$0x9D00] =	vst v0  }
0x130: {  	[tilespmem:s7+$0x9D10] =	vst v0  }
0x131: {  	[tilespmem:s7+$0x9D20] =	vst v0  }
0x132: {  	[tilespmem:s7+$0x9D30] =	vst v0  }
0x133: {  	[tilespmem:s7+$0x9D40] =	vst v0  }
0x134: {  	[tilespmem:s7+$0x9D50] =	vst v0  }
0x135: {  	[tilespmem:s7+$0x9D60] =	vst v0;
	s30 =	simm.s32 $0x1  }
0x136: {  	_ =	swait.ge [sflag:s30], $0x4E20  }
0x137: {  	[sflag:s30] =	ssyncset.done $0x0  }
0x138: {  	s31 =	simm.s32 $0x4EA0;
	[sflag:s30] =	ssyncadd.s32 $0xFFFFB1E0  }
0x139: {  	v1 =	vld [tilespmem:s31+$0x10]  }
0x13a: {  	v2 =	vld [tilespmem:s31+$0xFFFFFFF0]  }
0x13b: {  	v3 =	vld [tilespmem:s31+$0x0]  }
0x13c: {  	v5 =	vld [tilespmem:s31+$0xFFFFFFE0];
	_ =	sdelay $0x1  }
0x13d: {  	s7 =	simm.s32 $0x20  }
0x13e: {  	v6 =	vld [tilespmem:s7+$0x10]  }
0x13f: {  	s8 =	simm.s32 $0xC500;
	v0 =	vld [tilespmem:s7+$0xFFFFFFE0]  }
0x140: {  	v7 =	vld.idx.msk [tilespmem:v1+s8+$0x0], $0xffff  }
0x141: {  	v1 =	vld.idx.msk [tilespmem:v2+s8+$0x0], $0xffff  }
0x142: {  	v4 =	vld.idx.msk [tilespmem:v3+s8+$0x0], $0xffff  }
0x143: {  	v2 =	vld.idx.msk [tilespmem:v5+s8+$0x0], $0xffff  }
0x144: {  	v3 =	vld [tilespmem:s7+$0xFFFFFFF0]  }
0x145: {  	v5 =	vld [tilespmem:s7+$0x0]  }
0x146: {  	s9 =	simm.s32 $0x9D00  }
0x147: {  	s10 =	simm.s32 $0x0;
	s11 =	simm.s32 $0x4EE0;
	[tilespmem:v6+s9+$0x0] =	vst.idx.add.f32.msk $0xffff, v7  }
.LBB2_17:
0x148: {  	v6 =	vld [tilespmem:s11+$0x10];
	s10 =	sadd.s32 $0x4, s10;
	v7 =	vmov v4  }
0x149: {  	v4 =	vld [tilespmem:s11+$0xFFFFFFF0];
	p1 =	slt.u32 s10, $0x4DC  }
0x14a: {  	v8 =	vld [tilespmem:s11+$0x0];
	v9 =	vmov v5  }
0x14b: {  	v5 =	vld [tilespmem:s11+$0xFFFFFFE0]  }
0x14c: {  	[tilespmem:v0+s9+$0x0] =	vst.idx.add.f32.msk $0xffff, v2  }
0x14d: {  	s7 =	sadd.s32 $0x40, s7;
	[tilespmem:v3+s9+$0x0] =	vst.idx.add.f32.msk $0xffff, v1  }
0x14e: {  	v10 =	vld [tilespmem:s7+$0x10]  }
0x14f: {  	v0 =	vld [tilespmem:s7+$0xFFFFFFE0]  }
0x150: {  	v6 =	vld.idx.msk [tilespmem:v6+s8+$0x0], $0xffff  }
0x151: {  	v1 =	vld.idx.msk [tilespmem:v4+s8+$0x0], $0xffff  }
0x152: {  	v4 =	vld.idx.msk [tilespmem:v8+s8+$0x0], $0xffff  }
.Ltmp8:
0x153: {  	v2 =	vld.idx.msk [tilespmem:v5+s8+$0x0], $0xffff;
	(pc) =	sbr.rel @p1 .LBB2_17-.Ltmp8, $4  }
0x154: {  	v3 =	vld [tilespmem:s7+$0xFFFFFFF0]  }
0x155: {  	v5 =	vld [tilespmem:s7+$0x0]  }
0x156: {  	[tilespmem:v10+s9+$0x0] =	vst.idx.add.f32.msk $0xffff, v6  }
0x157: {  	s11 =	sadd.s32 $0x40, s11;
	[tilespmem:v9+s9+$0x0] =	vst.idx.add.f32.msk $0xffff, v7  }
0x158: {  	_ =	sdelay $0x3  }
0x159: {  	[tilespmem:v0+s9+$0x0] =	vst.idx.add.f32.msk $0xffff, v2  }
0x15a: {  	[tilespmem:v3+s9+$0x0] =	vst.idx.add.f32.msk $0xffff, v1  }
0x15b: {  	s7 =	simm.s32 $0x0;
	s8 =	simm.s32 $0xC500;
	[tilespmem:v5+s9+$0x0] =	vst.idx.add.f32.msk $0xffff, v4;
	s9 =	simm.s32 $0x9D00  }
.LBB2_19:
0x15c: {  	s10 =	sshra.s32 s7, $0x2  }
0x15d: {  	v0 =	vld [tilespmem:s10+$0x9C80];
	_ =	sdelay $0x4  }
0x15e: {  	v1 =	vld [tilespmem:s10+$0x4E00];
	_ =	sdelay $0x2  }
0x15f: {  	p1 =	sne.s32 s7, $0x40;
	v0 =	vld.idx.msk [tilespmem:v0+s8+$0x0], $0xffff  }
.Ltmp9:
0x160: {  	_ = 	snop;
	(pc) =	sbr.rel @p1 .LBB2_19-.Ltmp9, $2  }
0x161: {  	_ =	sdelay $0x2  }
0x162: {  	s7 =	sadd.s32 $0x40, s7;
	[tilespmem:v1+s9+$0x0] =	vst.idx.add.f32.msk $0xffff, v0  }
0x163: {  	s7 =	simm.s32 $0x9D00  }
0x164: {  	[spmem:s4] =	stream.linear.scatter [tilespmem:s7], [sflag:$0x2], $0x2800, $0x38;
	[tilespmem:$0x14780] =	vst v63  }
0x165: {  	s7 =	simm.s32 $0x2  }
0x166: {  	_ =	swait.ge [sflag:s7], $0x2800  }
0x167: {  	[sflag:s7] =	ssyncset.done $0x0  }
0x168: {  	[sflag:s7] =	ssyncadd.s32 $0xFFFFD800  }
0x169: {  	v0 =	vimm.f32 $0.0e+00;
	[bflag:$0x0] =	sbarrier.arrive $0xFFFF  }
0x16a: {  	[tilespmem:$0x11500] =	vst v0  }
0x16b: {  	[tilespmem:$0x11510] =	vst v0  }
0x16c: {  	[tilespmem:$0x11520] =	vst v0  }
0x16d: {  	[tilespmem:$0x11530] =	vst v0  }
0x16e: {  	[tilespmem:$0x11540] =	vst v0  }
0x16f: {  	[tilespmem:$0x11550] =	vst v0  }
0x170: {  	[tilespmem:$0x11560] =	vst v0  }
0x171: {  	[tilespmem:$0x11570] =	vst v0  }
0x172: {  	[tilespmem:$0x11580] =	vst v0  }
0x173: {  	[tilespmem:$0x11590] =	vst v0  }
0x174: {  	[tilespmem:$0x115A0] =	vst v0  }
0x175: {  	[tilespmem:$0x115B0] =	vst v0  }
0x176: {  	[tilespmem:$0x115C0] =	vst v0  }
0x177: {  	[tilespmem:$0x115D0] =	vst v0  }
0x178: {  	[tilespmem:$0x115E0] =	vst v0  }
0x179: {  	[tilespmem:$0x115F0] =	vst v0  }
0x17a: {  	[tilespmem:$0x11600] =	vst v0  }
0x17b: {  	[tilespmem:$0x11610] =	vst v0  }
0x17c: {  	[tilespmem:$0x11620] =	vst v0  }
0x17d: {  	[tilespmem:$0x11630] =	vst v0  }
0x17e: {  	[tilespmem:$0x11640] =	vst v0  }
0x17f: {  	[tilespmem:$0x11650] =	vst v0  }
0x180: {  	[tilespmem:$0x11660] =	vst v0  }
0x181: {  	[tilespmem:$0x11670] =	vst v0  }
0x182: {  	[tilespmem:$0x11680] =	vst v0  }
0x183: {  	[tilespmem:$0x11690] =	vst v0  }
0x184: {  	[tilespmem:$0x116A0] =	vst v0  }
0x185: {  	[tilespmem:$0x116B0] =	vst v0  }
0x186: {  	[tilespmem:$0x116C0] =	vst v0  }
0x187: {  	[tilespmem:$0x116D0] =	vst v0  }
0x188: {  	[tilespmem:$0x116E0] =	vst v0  }
0x189: {  	[tilespmem:$0x116F0] =	vst v0  }
0x18a: {  	[tilespmem:$0x11700] =	vst v0  }
0x18b: {  	[tilespmem:$0x11710] =	vst v0  }
0x18c: {  	[tilespmem:$0x11720] =	vst v0  }
0x18d: {  	[tilespmem:$0x11730] =	vst v0  }
0x18e: {  	[tilespmem:$0x11740] =	vst v0  }
0x18f: {  	[tilespmem:$0x11750] =	vst v0  }
0x190: {  	[tilespmem:$0x11760] =	vst v0  }
0x191: {  	s8 =	simm.s32 $0x0;
	s9 =	simm.s32 $0x11900;
	[tilespmem:$0x11770] =	vst v0  }
.LBB2_21:
0x192: {  	s10 =	sshra.s32 s8, $0x2  }
0x193: {  	s10 =	sadd.s32 s10, s3  }
0x194: {  	[tilespmem:s9], [sflag:$0x2] =	stream.linear.gather [spmem:s10], $0x280, $0x38;
	[tilespmem:$0x14780] =	vst v63  }
0x195: {  	_ =	swait.ge [sflag:s7], $0x280  }
0x196: {  	[sflag:s7] =	ssyncset.done $0x0  }
0x197: {  	[sflag:s7] =	ssyncadd.s32 $0xFFFFFD80  }
0x198: {  	v0 =	vld [tilespmem:$0x11500]  }
0x199: {  	v1 =	vld [tilespmem:$0x11900]  }
0x19a: {  	v2 =	vld [tilespmem:$0x11510]  }
0x19b: {  	v3 =	vld [tilespmem:$0x11910]  }
0x19c: {  	v4 =	vld [tilespmem:$0x11520]  }
0x19d: {  	v5 =	vld [tilespmem:$0x11920]  }
0x19e: {  	v6 =	vld [tilespmem:$0x11530]  }
0x19f: {  	v7 =	vld [tilespmem:$0x11930]  }
0x1a0: {  	v8 =	vld [tilespmem:$0x11540]  }
0x1a1: {  	v9 =	vld [tilespmem:$0x11940]  }
0x1a2: {  	v10 =	vld [tilespmem:$0x11550]  }
0x1a3: {  	v11 =	vld [tilespmem:$0x11950]  }
0x1a4: {  	v12 =	vld [tilespmem:$0x11560]  }
0x1a5: {  	v13 =	vld [tilespmem:$0x11960]  }
0x1a6: {  	v14 =	vld [tilespmem:$0x11570]  }
0x1a7: {  	v15 =	vld [tilespmem:$0x11970]  }
0x1a8: {  	v16 =	vld [tilespmem:$0x11580]  }
0x1a9: {  	v17 =	vld [tilespmem:$0x11980]  }
0x1aa: {  	v18 =	vld [tilespmem:$0x11590]  }
0x1ab: {  	v19 =	vld [tilespmem:$0x11990]  }
0x1ac: {  	v20 =	vld [tilespmem:$0x115A0]  }
0x1ad: {  	v21 =	vld [tilespmem:$0x119A0]  }
0x1ae: {  	v22 =	vld [tilespmem:$0x115B0]  }
0x1af: {  	v23 =	vld [tilespmem:$0x119B0]  }
0x1b0: {  	v24 =	vld [tilespmem:$0x115C0]  }
0x1b1: {  	v25 =	vld [tilespmem:$0x119C0]  }
0x1b2: {  	v26 =	vld [tilespmem:$0x115D0]  }
0x1b3: {  	v27 =	vld [tilespmem:$0x119D0]  }
0x1b4: {  	v28 =	vld [tilespmem:$0x115E0]  }
0x1b5: {  	v29 =	vld [tilespmem:$0x119E0]  }
0x1b6: {  	v30 =	vld [tilespmem:$0x115F0]  }
0x1b7: {  	v31 =	vld [tilespmem:$0x119F0]  }
0x1b8: {  	v32 =	vld [tilespmem:$0x11600]  }
0x1b9: {  	v33 =	vld [tilespmem:$0x11A00]  }
0x1ba: {  	v34 =	vld [tilespmem:$0x11610]  }
0x1bb: {  	v35 =	vld [tilespmem:$0x11A10]  }
0x1bc: {  	v36 =	vld [tilespmem:$0x11620]  }
0x1bd: {  	v37 =	vld [tilespmem:$0x11A20]  }
0x1be: {  	v38 =	vld [tilespmem:$0x11630]  }
0x1bf: {  	v39 =	vld [tilespmem:$0x11A30]  }
0x1c0: {  	v40 =	vld [tilespmem:$0x11640]  }
0x1c1: {  	v41 =	vld [tilespmem:$0x11A40]  }
0x1c2: {  	v42 =	vld [tilespmem:$0x11650]  }
0x1c3: {  	v43 =	vld [tilespmem:$0x11A50]  }
0x1c4: {  	v44 =	vld [tilespmem:$0x11660]  }
0x1c5: {  	v45 =	vld [tilespmem:$0x116A0];
	v0 =	vadd.f32 v1, v0  }
0x1c6: {  	v47 =	vld [tilespmem:$0x11AA0];
	v2 =	vadd.f32 v3, v2  }
0x1c7: {  	v49 =	vld [tilespmem:$0x116B0];
	v60 =	vadd.f32 v5, v4;
	[tilespmem:$0x11500] =	vst v0  }
0x1c8: {  	v51 =	vld [tilespmem:$0x11AB0];
	v61 =	vadd.f32 v7, v6;
	[tilespmem:$0x11510] =	vst v2  }
0x1c9: {  	v53 =	vld [tilespmem:$0x116C0];
	v62 =	vadd.f32 v9, v8;
	[tilespmem:$0x11520] =	vst v60  }
0x1ca: {  	v55 =	vld [tilespmem:$0x11AC0];
	v63 =	vadd.f32 v11, v10;
	[tilespmem:$0x11530] =	vst v61  }
0x1cb: {  	v57 =	vld [tilespmem:$0x116D0];
	v13 =	vadd.f32 v13, v12;
	[tilespmem:$0x11540] =	vst v62  }
0x1cc: {  	v59 =	vld [tilespmem:$0x11AD0];
	v15 =	vadd.f32 v15, v14;
	[tilespmem:$0x11550] =	vst v63  }
0x1cd: {  	v1 =	vld [tilespmem:$0x11A60];
	v46 =	vadd.f32 v17, v16;
	[tilespmem:$0x11560] =	vst v13  }
0x1ce: {  	v3 =	vld [tilespmem:$0x11670];
	v48 =	vadd.f32 v19, v18;
	[tilespmem:$0x11570] =	vst v15  }
0x1cf: {  	v4 =	vld [tilespmem:$0x11A70];
	v50 =	vadd.f32 v21, v20;
	[tilespmem:$0x11580] =	vst v46  }
0x1d0: {  	v5 =	vld [tilespmem:$0x11680];
	v52 =	vadd.f32 v23, v22;
	[tilespmem:$0x11590] =	vst v48  }
0x1d1: {  	v6 =	vld [tilespmem:$0x11A80];
	v54 =	vadd.f32 v25, v24;
	[tilespmem:$0x115A0] =	vst v50  }
0x1d2: {  	v7 =	vld [tilespmem:$0x11690];
	v56 =	vadd.f32 v27, v26;
	[tilespmem:$0x115B0] =	vst v52  }
0x1d3: {  	v8 =	vld [tilespmem:$0x11A90];
	v58 =	vadd.f32 v29, v28;
	[tilespmem:$0x115C0] =	vst v54  }
0x1d4: {  	v24 =	vadd.f32 v35, v34;
	v25 =	vld [tilespmem:$0x116F0];
	[tilespmem:$0x115D0] =	vst v56  }
0x1d5: {  	v26 =	vadd.f32 v37, v36;
	v27 =	vld [tilespmem:$0x11AF0];
	[tilespmem:$0x115E0] =	vst v58  }
0x1d6: {  	v28 =	vadd.f32 v39, v38;
	v29 =	vld [tilespmem:$0x11700];
	[tilespmem:$0x11610] =	vst v24  }
0x1d7: {  	v35 =	vld [tilespmem:$0x11B10];
	v60 =	vadd.f32 v31, v30;
	[tilespmem:$0x11620] =	vst v26  }
0x1d8: {  	v37 =	vld [tilespmem:$0x11720];
	v62 =	vadd.f32 v33, v32;
	[tilespmem:$0x11630] =	vst v28  }
0x1d9: {  	v39 =	vld [tilespmem:$0x11B20];
	v30 =	vadd.f32 v41, v40;
	[tilespmem:$0x115F0] =	vst v60  }
0x1da: {  	v61 =	vld [tilespmem:$0x116E0];
	v32 =	vadd.f32 v43, v42;
	[tilespmem:$0x11600] =	vst v62  }
0x1db: {  	v63 =	vld [tilespmem:$0x11AE0];
	v42 =	vadd.f32 v47, v45;
	[tilespmem:$0x11640] =	vst v30  }
0x1dc: {  	v31 =	vld [tilespmem:$0x11B00];
	v46 =	vadd.f32 v55, v53;
	[tilespmem:$0x11650] =	vst v32  }
0x1dd: {  	v33 =	vld [tilespmem:$0x11710];
	v48 =	vadd.f32 v59, v57;
	[tilespmem:$0x116A0] =	vst v42  }
0x1de: {  	v41 =	vld [tilespmem:$0x11730];
	[tilespmem:$0x116C0] =	vst v46;
	v34 =	vadd.f32 v1, v44  }
0x1df: {  	v43 =	vld [tilespmem:$0x11B30];
	[tilespmem:$0x116D0] =	vst v48;
	v36 =	vadd.f32 v4, v3  }
0x1e0: {  	v45 =	vld [tilespmem:$0x11740];
	v38 =	vadd.f32 v6, v5;
	[tilespmem:$0x11660] =	vst v34  }
0x1e1: {  	v47 =	vld [tilespmem:$0x11B40];
	v40 =	vadd.f32 v8, v7;
	[tilespmem:$0x11670] =	vst v36  }
0x1e2: {  	v53 =	vld [tilespmem:$0x11760];
	v44 =	vadd.f32 v51, v49;
	[tilespmem:$0x11680] =	vst v38  }
0x1e3: {  	v55 =	vld [tilespmem:$0x11B60];
	v52 =	vadd.f32 v27, v25;
	[tilespmem:$0x11690] =	vst v40  }
0x1e4: {  	v56 =	vld [tilespmem:$0x11770];
	v57 =	vadd.f32 v39, v37;
	[tilespmem:$0x116B0] =	vst v44  }
0x1e5: {  	v58 =	vld [tilespmem:$0x11B70];
	v50 =	vadd.f32 v63, v61;
	[tilespmem:$0x116F0] =	vst v52  }
0x1e6: {  	v49 =	vld [tilespmem:$0x11750];
	v54 =	vadd.f32 v31, v29;
	[tilespmem:$0x11720] =	vst v57  }
0x1e7: {  	v51 =	vld [tilespmem:$0x11B50];
	v1 =	vadd.f32 v35, v33;
	[tilespmem:$0x116E0] =	vst v50  }
0x1e8: {  	v59 =	vadd.f32 v43, v41;
	[tilespmem:$0x11700] =	vst v54  }
0x1e9: {  	p1 =	sne.s32 s8, $0x96000;
	v60 =	vadd.f32 v47, v45;
	[tilespmem:$0x11710] =	vst v1  }
.Ltmp10:
0x1ea: {  	v62 =	vadd.f32 v55, v53;
	[tilespmem:$0x11730] =	vst v59;
	(pc) =	sbr.rel @p1 .LBB2_21-.Ltmp10, $4  }
0x1eb: {  	v63 =	vadd.f32 v58, v56;
	[tilespmem:$0x11740] =	vst v60  }
0x1ec: {  	[tilespmem:$0x11760] =	vst v62;
	v61 =	vadd.f32 v51, v49  }
0x1ed: {  	[tilespmem:$0x11770] =	vst v63  }
0x1ee: {  	s8 =	sadd.s32 $0xA000, s8;
	[tilespmem:$0x11750] =	vst v61  }
0x1ef: {  	s7 =	simm.s32 $0x11500;
	s31 =	simm.s32 $0x2  }
0x1f0: {  	[spmem:s2] =	stream.linear.scatter [tilespmem:s7], [sflag:$0x2], $0x280, $0x38;
	[tilespmem:$0x14780] =	vst v63  }
0x1f1: {  	_ =	swait.ge [sflag:s31], $0x280  }
0x1f2: {  	[sflag:s31] =	ssyncset.done $0x0  }
0x1f3: {  	[sflag:s31] =	ssyncadd.s32 $0xFFFFFD80  }
0x1f4: {  	s8 =	simm.s32 $0xED00;
	[bflag:$0x0] =	sbarrier.arrive $0xFFFF  }
0x1f5: {  	[tilespmem:s8], [sflag:$0x2] =	stream.linear.gather [spmem:s5], $0x2800, $0x38;
	[tilespmem:$0x14780] =	vst v63  }
0x1f6: {  	_ =	swait.ge [sflag:s31], $0x2800  }
0x1f7: {  	[sflag:s31] =	ssyncset.done $0x0  }
0x1f8: {  	s7 =	simm.s32 @!p0 $0x1C02;
	s5 =	sshrl.u32 @!p0 s5, $0x3;
	[sflag:s31] =	ssyncadd.s32 $0xFFFFD800  }
0x1f9: {  	[hbm:s6], [sflag:s7] =	dma.local @!p0 [spmem:s5], $0x500  }
0x1fa: {  	s6 =	simm.s32 @!p0 $0x2  }
0x1fb: {  	_ =	swait.ge @!p0 [sflag:s6], $0x500  }
0x1fc: {  	[sflag:s6] =	ssyncset.done @!p0 $0x0  }
0x1fd: {  	[sflag:s6] =	ssyncadd.s32 @!p0 $0xFFFFFB00  }
0x1fe: {  	s6 =	simm.s32 $0x0;
	[bflag:$0x0] =	sbarrier.arrive $0xFFFF  }
0x1ff: {  	v7 =	vld [tilespmem:s6+$0xC500]  }
0x200: {  	v11 =	vld [tilespmem:s6+$0xC510]  }
0x201: {  	v5 =	vld [tilespmem:s6+$0xC520]  }
0x202: {  	v4 =	vld [tilespmem:s6+$0xC530]  }
0x203: {  	v3 =	vld [tilespmem:s6+$0xC540]  }
0x204: {  	v2 =	vld [tilespmem:s6+$0xC550]  }
0x205: {  	v1 =	vld [tilespmem:s6+$0xC560]  }
0x206: {  	v0 =	vld [tilespmem:s6+$0xC570]  }
0x207: {  	v12 =	vld [tilespmem:s6+$0xED00]  }
0x208: {  	v13 =	vld [tilespmem:s6+$0xED10]  }
0x209: {  	v10 =	vld [tilespmem:s6+$0xED20]  }
0x20a: {  	v9 =	vld [tilespmem:s6+$0xED30]  }
0x20b: {  	v8 =	vld [tilespmem:s6+$0xED40]  }
0x20c: {  	v6 =	vld [tilespmem:s6+$0xED50];
	v12 =	vmul.f32 v7, v12  }
0x20d: {  	s7 =	simm.s32 $0x200;
	v11 =	vmul.f32 v11, v13;
	v7 =	vld [tilespmem:s6+$0xED60]  }
.LBB2_23:
0x20e: {  	s8 =	sshra.s32 s7, $0x2;
	p1 =	sne.s32 s7, $0x9E00;
	[tilespmem:s6+$0xED00] =	vst v12;
	v5 =	vmul.f32 v5, v10;
	v10 =	vld [tilespmem:s6+$0xED70]  }
0x20f: {  	v12 =	vld [tilespmem:s8+$0xC500];
	[tilespmem:s6+$0xED10] =	vst v11;
	v4 =	vmul.f32 v4, v9  }
0x210: {  	v11 =	vld [tilespmem:s8+$0xC510];
	[tilespmem:s6+$0xED20] =	vst v5;
	v3 =	vmul.f32 v3, v8  }
0x211: {  	v5 =	vld [tilespmem:s8+$0xC520];
	[tilespmem:s6+$0xED30] =	vst v4;
	v2 =	vmul.f32 v2, v6  }
0x212: {  	v4 =	vld [tilespmem:s8+$0xC530];
	[tilespmem:s6+$0xED40] =	vst v3;
	v1 =	vmul.f32 v1, v7  }
0x213: {  	v3 =	vld [tilespmem:s8+$0xC540];
	[tilespmem:s6+$0xED50] =	vst v2;
	v0 =	vmul.f32 v0, v10  }
0x214: {  	v2 =	vld [tilespmem:s8+$0xC550];
	[tilespmem:s6+$0xED60] =	vst v1  }
0x215: {  	v1 =	vld [tilespmem:s8+$0xC560];
	[tilespmem:s6+$0xED70] =	vst v0;
	s6 =	smov.u32 s8  }
0x216: {  	v0 =	vld [tilespmem:s6+$0xC570]  }
0x217: {  	v6 =	vld [tilespmem:s6+$0xED00]  }
0x218: {  	v7 =	vld [tilespmem:s6+$0xED10]  }
.Ltmp11:
0x219: {  	v10 =	vld [tilespmem:s6+$0xED20];
	(pc) =	sbr.rel @p1 .LBB2_23-.Ltmp11, $4  }
0x21a: {  	v9 =	vld [tilespmem:s6+$0xED30]  }
0x21b: {  	v8 =	vld [tilespmem:s6+$0xED40]  }
0x21c: {  	v12 =	vmul.f32 v12, v6;
	v6 =	vld [tilespmem:s6+$0xED50]  }
0x21d: {  	s7 =	sadd.s32 $0x200, s7;
	v11 =	vmul.f32 v11, v7;
	v7 =	vld [tilespmem:s6+$0xED60]  }
0x21e: {  	[tilespmem:s6+$0xED00] =	vst v12;
	v5 =	vmul.f32 v5, v10;
	v63 =	vld [tilespmem:s6+$0xED70]  }
0x21f: {  	[tilespmem:s6+$0xED10] =	vst v11;
	v4 =	vmul.f32 v4, v9  }
0x220: {  	[tilespmem:s6+$0xED20] =	vst v5;
	v3 =	vmul.f32 v3, v8  }
0x221: {  	[tilespmem:s6+$0xED30] =	vst v4;
	v2 =	vmul.f32 v2, v6  }
0x222: {  	[tilespmem:s6+$0xED40] =	vst v3;
	v1 =	vmul.f32 v1, v7  }
0x223: {  	[tilespmem:s6+$0xED50] =	vst v2;
	v0 =	vmul.f32 v0, v63  }
0x224: {  	[tilespmem:s6+$0xED60] =	vst v1  }
0x225: {  	s7 =	simm.s32 $0x200;
	[tilespmem:s6+$0xED70] =	vst v0;
	v0 =	vimm.f32 $0.0e+00;
	s6 =	simm.s32 $0x0  }
.LBB2_25:
0x226: {  	p1 =	sne.s32 s7, $0x9E00;
	[tilespmem:s6+$0x9D70] =	vst v0  }
0x227: {  	[tilespmem:s6+$0x9D00] =	vst v0  }
0x228: {  	[tilespmem:s6+$0x9D10] =	vst v0  }
.Ltmp12:
0x229: {  	[tilespmem:s6+$0x9D20] =	vst v0;
	(pc) =	sbr.rel @p1 .LBB2_25-.Ltmp12, $4  }
0x22a: {  	[tilespmem:s6+$0x9D30] =	vst v0  }
0x22b: {  	[tilespmem:s6+$0x9D40] =	vst v0  }
0x22c: {  	[tilespmem:s6+$0x9D50] =	vst v0  }
0x22d: {  	[tilespmem:s6+$0x9D60] =	vst v0;
	s6 =	sshra.s32 s7, $0x2;
	s7 =	sadd.s32 $0x200, s7  }
0x22e: {  	[tilespmem:s6+$0x9D70] =	vst v0  }
0x22f: {  	[tilespmem:s6+$0x9D00] =	vst v0  }
0x230: {  	[tilespmem:s6+$0x9D10] =	vst v0  }
0x231: {  	[tilespmem:s6+$0x9D20] =	vst v0  }
0x232: {  	[tilespmem:s6+$0x9D30] =	vst v0  }
0x233: {  	[tilespmem:s6+$0x9D40] =	vst v0  }
0x234: {  	[tilespmem:s6+$0x9D50] =	vst v0  }
0x235: {  	[tilespmem:s6+$0x9D60] =	vst v0;
	s31 =	simm.s32 $0x4EA0  }
0x236: {  	v1 =	vld [tilespmem:s31+$0x10]  }
0x237: {  	v2 =	vld [tilespmem:s31+$0xFFFFFFF0]  }
0x238: {  	v3 =	vld [tilespmem:s31+$0x0]  }
0x239: {  	v5 =	vld [tilespmem:s31+$0xFFFFFFE0];
	_ =	sdelay $0x1  }
0x23a: {  	s6 =	simm.s32 $0x20  }
0x23b: {  	v6 =	vld [tilespmem:s6+$0x10]  }
0x23c: {  	s7 =	simm.s32 $0xED00;
	v0 =	vld [tilespmem:s6+$0xFFFFFFE0]  }
0x23d: {  	v7 =	vld.idx.msk [tilespmem:v1+s7+$0x0], $0xffff  }
0x23e: {  	v1 =	vld.idx.msk [tilespmem:v2+s7+$0x0], $0xffff  }
0x23f: {  	v4 =	vld.idx.msk [tilespmem:v3+s7+$0x0], $0xffff  }
0x240: {  	v2 =	vld.idx.msk [tilespmem:v5+s7+$0x0], $0xffff  }
0x241: {  	v3 =	vld [tilespmem:s6+$0xFFFFFFF0]  }
0x242: {  	v5 =	vld [tilespmem:s6+$0x0]  }
0x243: {  	s8 =	simm.s32 $0x9D00  }
0x244: {  	s9 =	simm.s32 $0x0;
	s10 =	simm.s32 $0x4EE0;
	[tilespmem:v6+s8+$0x0] =	vst.idx.add.f32.msk $0xffff, v7  }
.LBB2_27:
0x245: {  	v6 =	vld [tilespmem:s10+$0x10];
	s9 =	sadd.s32 $0x4, s9;
	v7 =	vmov v4  }
0x246: {  	v4 =	vld [tilespmem:s10+$0xFFFFFFF0];
	p1 =	slt.u32 s9, $0x4DC  }
0x247: {  	v8 =	vld [tilespmem:s10+$0x0];
	v9 =	vmov v5  }
0x248: {  	v5 =	vld [tilespmem:s10+$0xFFFFFFE0]  }
0x249: {  	[tilespmem:v0+s8+$0x0] =	vst.idx.add.f32.msk $0xffff, v2  }
0x24a: {  	s6 =	sadd.s32 $0x40, s6;
	[tilespmem:v3+s8+$0x0] =	vst.idx.add.f32.msk $0xffff, v1  }
0x24b: {  	v10 =	vld [tilespmem:s6+$0x10]  }
0x24c: {  	v0 =	vld [tilespmem:s6+$0xFFFFFFE0]  }
0x24d: {  	v6 =	vld.idx.msk [tilespmem:v6+s7+$0x0], $0xffff  }
0x24e: {  	v1 =	vld.idx.msk [tilespmem:v4+s7+$0x0], $0xffff  }
0x24f: {  	v4 =	vld.idx.msk [tilespmem:v8+s7+$0x0], $0xffff  }
.Ltmp13:
0x250: {  	v2 =	vld.idx.msk [tilespmem:v5+s7+$0x0], $0xffff;
	(pc) =	sbr.rel @p1 .LBB2_27-.Ltmp13, $4  }
0x251: {  	v3 =	vld [tilespmem:s6+$0xFFFFFFF0]  }
0x252: {  	v5 =	vld [tilespmem:s6+$0x0]  }
0x253: {  	[tilespmem:v10+s8+$0x0] =	vst.idx.add.f32.msk $0xffff, v6  }
0x254: {  	s10 =	sadd.s32 $0x40, s10;
	[tilespmem:v9+s8+$0x0] =	vst.idx.add.f32.msk $0xffff, v7  }
0x255: {  	_ =	sdelay $0x3  }
0x256: {  	[tilespmem:v0+s8+$0x0] =	vst.idx.add.f32.msk $0xffff, v2  }
0x257: {  	[tilespmem:v3+s8+$0x0] =	vst.idx.add.f32.msk $0xffff, v1  }
0x258: {  	s6 =	simm.s32 $0x0;
	s7 =	simm.s32 $0xED00;
	[tilespmem:v5+s8+$0x0] =	vst.idx.add.f32.msk $0xffff, v4;
	s8 =	simm.s32 $0x9D00  }
.LBB2_29:
0x259: {  	s9 =	sshra.s32 s6, $0x2  }
0x25a: {  	v0 =	vld [tilespmem:s9+$0x9C80];
	_ =	sdelay $0x4  }
0x25b: {  	v1 =	vld [tilespmem:s9+$0x4E00];
	_ =	sdelay $0x2  }
0x25c: {  	p1 =	sne.s32 s6, $0x40;
	v0 =	vld.idx.msk [tilespmem:v0+s7+$0x0], $0xffff  }
.Ltmp14:
0x25d: {  	_ = 	snop;
	(pc) =	sbr.rel @p1 .LBB2_29-.Ltmp14, $2  }
0x25e: {  	_ =	sdelay $0x2  }
0x25f: {  	s6 =	sadd.s32 $0x40, s6;
	[tilespmem:v1+s8+$0x0] =	vst.idx.add.f32.msk $0xffff, v0  }
0x260: {  	s6 =	simm.s32 $0x9D00  }
0x261: {  	[spmem:s4] =	stream.linear.scatter [tilespmem:s6], [sflag:$0x2], $0x2800, $0x38;
	[tilespmem:$0x14780] =	vst v63  }
0x262: {  	s4 =	simm.s32 $0x2  }
0x263: {  	_ =	swait.ge [sflag:s4], $0x2800  }
0x264: {  	[sflag:s4] =	ssyncset.done $0x0  }
0x265: {  	[sflag:s4] =	ssyncadd.s32 $0xFFFFD800  }
0x266: {  	v0 =	vimm.f32 $0.0e+00;
	[bflag:$0x0] =	sbarrier.arrive $0xFFFF  }
0x267: {  	[tilespmem:$0x11500] =	vst v0  }
0x268: {  	[tilespmem:$0x11510] =	vst v0  }
0x269: {  	[tilespmem:$0x11520] =	vst v0  }
0x26a: {  	[tilespmem:$0x11530] =	vst v0  }
0x26b: {  	[tilespmem:$0x11540] =	vst v0  }
0x26c: {  	[tilespmem:$0x11550] =	vst v0  }
0x26d: {  	[tilespmem:$0x11560] =	vst v0  }
0x26e: {  	[tilespmem:$0x11570] =	vst v0  }
0x26f: {  	[tilespmem:$0x11580] =	vst v0  }
0x270: {  	[tilespmem:$0x11590] =	vst v0  }
0x271: {  	[tilespmem:$0x115A0] =	vst v0  }
0x272: {  	[tilespmem:$0x115B0] =	vst v0  }
0x273: {  	[tilespmem:$0x115C0] =	vst v0  }
0x274: {  	[tilespmem:$0x115D0] =	vst v0  }
0x275: {  	[tilespmem:$0x115E0] =	vst v0  }
0x276: {  	[tilespmem:$0x115F0] =	vst v0  }
0x277: {  	[tilespmem:$0x11600] =	vst v0  }
0x278: {  	[tilespmem:$0x11610] =	vst v0  }
0x279: {  	[tilespmem:$0x11620] =	vst v0  }
0x27a: {  	[tilespmem:$0x11630] =	vst v0  }
0x27b: {  	[tilespmem:$0x11640] =	vst v0  }
0x27c: {  	[tilespmem:$0x11650] =	vst v0  }
0x27d: {  	[tilespmem:$0x11660] =	vst v0  }
0x27e: {  	[tilespmem:$0x11670] =	vst v0  }
0x27f: {  	[tilespmem:$0x11680] =	vst v0  }
0x280: {  	[tilespmem:$0x11690] =	vst v0  }
0x281: {  	[tilespmem:$0x116A0] =	vst v0  }
0x282: {  	[tilespmem:$0x116B0] =	vst v0  }
0x283: {  	[tilespmem:$0x116C0] =	vst v0  }
0x284: {  	[tilespmem:$0x116D0] =	vst v0  }
0x285: {  	[tilespmem:$0x116E0] =	vst v0  }
0x286: {  	[tilespmem:$0x116F0] =	vst v0  }
0x287: {  	[tilespmem:$0x11700] =	vst v0  }
0x288: {  	[tilespmem:$0x11710] =	vst v0  }
0x289: {  	[tilespmem:$0x11720] =	vst v0  }
0x28a: {  	[tilespmem:$0x11730] =	vst v0  }
0x28b: {  	[tilespmem:$0x11740] =	vst v0  }
0x28c: {  	[tilespmem:$0x11750] =	vst v0  }
0x28d: {  	[tilespmem:$0x11760] =	vst v0  }
0x28e: {  	s7 =	simm.s32 $0x11900;
	s6 =	simm.s32 $0x0;
	[tilespmem:$0x11770] =	vst v0  }
.LBB2_31:
0x28f: {  	s8 =	sshra.s32 s6, $0x2  }
0x290: {  	s8 =	sadd.s32 s8, s3  }
0x291: {  	[tilespmem:s7], [sflag:$0x2] =	stream.linear.gather [spmem:s8], $0x280, $0x38;
	[tilespmem:$0x14780] =	vst v63  }
0x292: {  	_ =	swait.ge [sflag:s4], $0x280  }
0x293: {  	[sflag:s4] =	ssyncset.done $0x0  }
0x294: {  	[sflag:s4] =	ssyncadd.s32 $0xFFFFFD80  }
0x295: {  	v0 =	vld [tilespmem:$0x11500]  }
0x296: {  	v1 =	vld [tilespmem:$0x11900]  }
0x297: {  	v2 =	vld [tilespmem:$0x11510]  }
0x298: {  	v3 =	vld [tilespmem:$0x11910]  }
0x299: {  	v4 =	vld [tilespmem:$0x11520]  }
0x29a: {  	v5 =	vld [tilespmem:$0x11920]  }
0x29b: {  	v6 =	vld [tilespmem:$0x11530]  }
0x29c: {  	v7 =	vld [tilespmem:$0x11930]  }
0x29d: {  	v8 =	vld [tilespmem:$0x11540]  }
0x29e: {  	v9 =	vld [tilespmem:$0x11940]  }
0x29f: {  	v10 =	vld [tilespmem:$0x11550]  }
0x2a0: {  	v11 =	vld [tilespmem:$0x11950]  }
0x2a1: {  	v12 =	vld [tilespmem:$0x11560]  }
0x2a2: {  	v13 =	vld [tilespmem:$0x11960]  }
0x2a3: {  	v14 =	vld [tilespmem:$0x11570]  }
0x2a4: {  	v15 =	vld [tilespmem:$0x11970]  }
0x2a5: {  	v16 =	vld [tilespmem:$0x11580]  }
0x2a6: {  	v17 =	vld [tilespmem:$0x11980]  }
0x2a7: {  	v18 =	vld [tilespmem:$0x11590]  }
0x2a8: {  	v19 =	vld [tilespmem:$0x11990]  }
0x2a9: {  	v20 =	vld [tilespmem:$0x115A0]  }
0x2aa: {  	v21 =	vld [tilespmem:$0x119A0]  }
0x2ab: {  	v22 =	vld [tilespmem:$0x115B0]  }
0x2ac: {  	v23 =	vld [tilespmem:$0x119B0]  }
0x2ad: {  	v24 =	vld [tilespmem:$0x115C0]  }
0x2ae: {  	v25 =	vld [tilespmem:$0x119C0]  }
0x2af: {  	v26 =	vld [tilespmem:$0x115D0]  }
0x2b0: {  	v27 =	vld [tilespmem:$0x119D0]  }
0x2b1: {  	v28 =	vld [tilespmem:$0x115E0]  }
0x2b2: {  	v29 =	vld [tilespmem:$0x119E0]  }
0x2b3: {  	v30 =	vld [tilespmem:$0x115F0]  }
0x2b4: {  	v31 =	vld [tilespmem:$0x119F0]  }
0x2b5: {  	v32 =	vld [tilespmem:$0x11600]  }
0x2b6: {  	v33 =	vld [tilespmem:$0x11A00]  }
0x2b7: {  	v34 =	vld [tilespmem:$0x11610]  }
0x2b8: {  	v35 =	vld [tilespmem:$0x11A10]  }
0x2b9: {  	v36 =	vld [tilespmem:$0x11620]  }
0x2ba: {  	v37 =	vld [tilespmem:$0x11A20]  }
0x2bb: {  	v38 =	vld [tilespmem:$0x11630]  }
0x2bc: {  	v39 =	vld [tilespmem:$0x11A30]  }
0x2bd: {  	v40 =	vld [tilespmem:$0x11640]  }
0x2be: {  	v41 =	vld [tilespmem:$0x11A40]  }
0x2bf: {  	v42 =	vld [tilespmem:$0x11650]  }
0x2c0: {  	v43 =	vld [tilespmem:$0x11A50]  }
0x2c1: {  	v44 =	vld [tilespmem:$0x11660]  }
0x2c2: {  	v45 =	vld [tilespmem:$0x116A0];
	v0 =	vadd.f32 v1, v0  }
0x2c3: {  	v47 =	vld [tilespmem:$0x11AA0];
	v2 =	vadd.f32 v3, v2  }
0x2c4: {  	v49 =	vld [tilespmem:$0x116B0];
	v60 =	vadd.f32 v5, v4;
	[tilespmem:$0x11500] =	vst v0  }
0x2c5: {  	v51 =	vld [tilespmem:$0x11AB0];
	v61 =	vadd.f32 v7, v6;
	[tilespmem:$0x11510] =	vst v2  }
0x2c6: {  	v53 =	vld [tilespmem:$0x116C0];
	v62 =	vadd.f32 v9, v8;
	[tilespmem:$0x11520] =	vst v60  }
0x2c7: {  	v55 =	vld [tilespmem:$0x11AC0];
	v63 =	vadd.f32 v11, v10;
	[tilespmem:$0x11530] =	vst v61  }
0x2c8: {  	v57 =	vld [tilespmem:$0x116D0];
	v13 =	vadd.f32 v13, v12;
	[tilespmem:$0x11540] =	vst v62  }
0x2c9: {  	v59 =	vld [tilespmem:$0x11AD0];
	v15 =	vadd.f32 v15, v14;
	[tilespmem:$0x11550] =	vst v63  }
0x2ca: {  	v1 =	vld [tilespmem:$0x11A60];
	v46 =	vadd.f32 v17, v16;
	[tilespmem:$0x11560] =	vst v13  }
0x2cb: {  	v3 =	vld [tilespmem:$0x11670];
	v48 =	vadd.f32 v19, v18;
	[tilespmem:$0x11570] =	vst v15  }
0x2cc: {  	v4 =	vld [tilespmem:$0x11A70];
	v50 =	vadd.f32 v21, v20;
	[tilespmem:$0x11580] =	vst v46  }
0x2cd: {  	v5 =	vld [tilespmem:$0x11680];
	v52 =	vadd.f32 v23, v22;
	[tilespmem:$0x11590] =	vst v48  }
0x2ce: {  	v6 =	vld [tilespmem:$0x11A80];
	v54 =	vadd.f32 v25, v24;
	[tilespmem:$0x115A0] =	vst v50  }
0x2cf: {  	v7 =	vld [tilespmem:$0x11690];
	v56 =	vadd.f32 v27, v26;
	[tilespmem:$0x115B0] =	vst v52  }
0x2d0: {  	v8 =	vld [tilespmem:$0x11A90];
	v58 =	vadd.f32 v29, v28;
	[tilespmem:$0x115C0] =	vst v54  }
0x2d1: {  	v24 =	vadd.f32 v35, v34;
	v25 =	vld [tilespmem:$0x116F0];
	[tilespmem:$0x115D0] =	vst v56  }
0x2d2: {  	v26 =	vadd.f32 v37, v36;
	v27 =	vld [tilespmem:$0x11AF0];
	[tilespmem:$0x115E0] =	vst v58  }
0x2d3: {  	v28 =	vadd.f32 v39, v38;
	v29 =	vld [tilespmem:$0x11700];
	[tilespmem:$0x11610] =	vst v24  }
0x2d4: {  	v35 =	vld [tilespmem:$0x11B10];
	v60 =	vadd.f32 v31, v30;
	[tilespmem:$0x11620] =	vst v26  }
0x2d5: {  	v37 =	vld [tilespmem:$0x11720];
	v62 =	vadd.f32 v33, v32;
	[tilespmem:$0x11630] =	vst v28  }
0x2d6: {  	v39 =	vld [tilespmem:$0x11B20];
	v30 =	vadd.f32 v41, v40;
	[tilespmem:$0x115F0] =	vst v60  }
0x2d7: {  	v61 =	vld [tilespmem:$0x116E0];
	v32 =	vadd.f32 v43, v42;
	[tilespmem:$0x11600] =	vst v62  }
0x2d8: {  	v63 =	vld [tilespmem:$0x11AE0];
	v42 =	vadd.f32 v47, v45;
	[tilespmem:$0x11640] =	vst v30  }
0x2d9: {  	v31 =	vld [tilespmem:$0x11B00];
	v46 =	vadd.f32 v55, v53;
	[tilespmem:$0x11650] =	vst v32  }
0x2da: {  	v33 =	vld [tilespmem:$0x11710];
	v48 =	vadd.f32 v59, v57;
	[tilespmem:$0x116A0] =	vst v42  }
0x2db: {  	v41 =	vld [tilespmem:$0x11730];
	[tilespmem:$0x116C0] =	vst v46;
	v34 =	vadd.f32 v1, v44  }
0x2dc: {  	v43 =	vld [tilespmem:$0x11B30];
	[tilespmem:$0x116D0] =	vst v48;
	v36 =	vadd.f32 v4, v3  }
0x2dd: {  	v45 =	vld [tilespmem:$0x11740];
	v38 =	vadd.f32 v6, v5;
	[tilespmem:$0x11660] =	vst v34  }
0x2de: {  	v47 =	vld [tilespmem:$0x11B40];
	v40 =	vadd.f32 v8, v7;
	[tilespmem:$0x11670] =	vst v36  }
0x2df: {  	v53 =	vld [tilespmem:$0x11760];
	v44 =	vadd.f32 v51, v49;
	[tilespmem:$0x11680] =	vst v38  }
0x2e0: {  	v55 =	vld [tilespmem:$0x11B60];
	v52 =	vadd.f32 v27, v25;
	[tilespmem:$0x11690] =	vst v40  }
0x2e1: {  	v56 =	vld [tilespmem:$0x11770];
	v57 =	vadd.f32 v39, v37;
	[tilespmem:$0x116B0] =	vst v44  }
0x2e2: {  	v58 =	vld [tilespmem:$0x11B70];
	v50 =	vadd.f32 v63, v61;
	[tilespmem:$0x116F0] =	vst v52  }
0x2e3: {  	v49 =	vld [tilespmem:$0x11750];
	v54 =	vadd.f32 v31, v29;
	[tilespmem:$0x11720] =	vst v57  }
0x2e4: {  	v51 =	vld [tilespmem:$0x11B50];
	v1 =	vadd.f32 v35, v33;
	[tilespmem:$0x116E0] =	vst v50  }
0x2e5: {  	v59 =	vadd.f32 v43, v41;
	[tilespmem:$0x11700] =	vst v54  }
0x2e6: {  	p1 =	sne.s32 s6, $0x96000;
	v60 =	vadd.f32 v47, v45;
	[tilespmem:$0x11710] =	vst v1  }
.Ltmp15:
0x2e7: {  	v62 =	vadd.f32 v55, v53;
	[tilespmem:$0x11730] =	vst v59;
	(pc) =	sbr.rel @p1 .LBB2_31-.Ltmp15, $4  }
0x2e8: {  	v63 =	vadd.f32 v58, v56;
	[tilespmem:$0x11740] =	vst v60  }
0x2e9: {  	[tilespmem:$0x11760] =	vst v62;
	v61 =	vadd.f32 v51, v49  }
0x2ea: {  	[tilespmem:$0x11770] =	vst v63  }
0x2eb: {  	s6 =	sadd.s32 $0xA000, s6;
	[tilespmem:$0x11750] =	vst v61  }
0x2ec: {  	s3 =	simm.s32 $0x11500;
	s31 =	simm.s32 $0x2  }
0x2ed: {  	[spmem:s2] =	stream.linear.scatter [tilespmem:s3], [sflag:$0x2], $0x280, $0x38;
	[tilespmem:$0x14780] =	vst v63  }
0x2ee: {  	_ =	swait.ge [sflag:s31], $0x280  }
0x2ef: {  	[sflag:s31] =	ssyncset.done $0x0  }
0x2f0: {  	[sflag:s31] =	ssyncadd.s32 $0xFFFFFD80  }
0x2f1: {  	[bflag:$0x0] =	sbarrier.arrive $0xFFFF  }
0x2f2: {  	[bflag:$0x0] =	sbarrier.arrive @p0 $0xFFFF  }
0x2f3: {  	_ =	sfence.sel @p0 $0x180000  }
0x2f4: {  	[bflag:$0x0] =	sbarrier.arrive @p0 $0xFFFF  }
0x2f5: {  	_ =	strace @p0 $0x90000047  }
0x2f6: {  	s2 =	simm.s32 @!p0 $0x1C02;
	[bflag:$0x2] =	sbarrier.arrive @p0 $0xFFFF  }
0x2f7: {  	[hbm:s1], [sflag:s2] =	dma.local @!p0 [spmem:s5], $0x500  }
0x2f8: {  	s1 =	simm.s32 @!p0 $0x2  }
0x2f9: {  	_ =	swait.ge @!p0 [sflag:s1], $0x500  }
0x2fa: {  	[sflag:s1] =	ssyncset.done @!p0 $0x0  }
0x2fb: {  	[sflag:s1] =	ssyncadd.s32 @!p0 $0xFFFFFB00  }
0x2fc: {  	[bflag:$0x0] =	sbarrier.arrive @!p0 $0xFFFF  }
0x2fd: {  	_ =	sfence.sel @!p0 $0x180000  }
0x2fe: {  	[bflag:$0x0] =	sbarrier.arrive @!p0 $0xFFFF  }
0x2ff: {  	_ =	strace @!p0 $0x90000047  }
0x300: {  	s0 =	sadd.s32 @!p0 $0x100000, s0;
	[bflag:$0x2] =	sbarrier.arrive @!p0 $0xFFFF  }
0x301: {  	[sflag:s0] =	ssyncadd.tile.s32 @!p0 $0x1;
	_ =	shalt  }
.Lfunc_end2:
_tile_overlayer_lowered:
.L_overlay_start_2:
0x302: {  	(tag) =	ssettag $0x2  }
0x303: {  	s0 =	rddreg [dreg:$0x0];
	s2 =	stileid.u32  }
0x304: {  	s1 =	rddreg [dreg:$0x1];
	p0 =	sne.s32 s2, $0x0  }
0x305: {  	s3 =	rddreg [dreg:$0x2];
	[bflag:$0x3] =	sbarrier.arrive $0xFFFF;
	s2 =	simm.s32 @!p0 $0x1C02  }
0x306: {  	[timem:s3], [sflag:s2] =	dma.local @!p0 [hbm:s0], s1  }
0x307: {  	s0 =	simm.s32 @!p0 $0x2  }
0x308: {  	_ =	swait.ge @!p0 [sflag:s0], s1  }
0x309: {  	s1 =	ssub.s32 @!p0 $0x0, s1;
	[sflag:s0] =	ssyncset.done @!p0 $0x0  }
0x30a: {  	[sflag:s0] =	ssyncadd.s32 @!p0 s1  }
0x30b: {  	[bflag:$0x3] =	sbarrier.arrive $0xFFFF  }
0x30c: {  	_ =	shalt  }

</sc_bundles>
